<compile_context>
chip_gen: v7x
topology: tpu7x:2x2x1
jax: 0.10.2.dev20260603
libtpu: 0.0.44.dev20260713+nightly
codegen_flags: <defaults>
</compile_context>

<pallas_src>
import functools

import jax
import jax.numpy as jnp
from jax import lax
from jax.experimental import pallas as pl
from jax.experimental.pallas import tpu as pltpu
from jax.experimental.pallas import tpu_sc as plsc

N = 10000
E = 320000
D = 128
G = 8
NP = 10240
CH = 128
NTILES = 32
CHUNKS = 80
EPT = CHUNKS * CH
EP = EPT * NTILES
RPT = NP // 16
BR = 1280
GRID = NP // BR

_mesh = plsc.VectorSubcoreMesh(core_axis_name="c", subcore_axis_name="s")
_mesh1 = plsc.VectorSubcoreMesh(core_axis_name="c", subcore_axis_name="s",
                                num_cores=1)



@functools.partial(
    pl.kernel, mesh=_mesh,
    out_type=jax.ShapeDtypeStruct((2, NP, D), jnp.float32),
    scratch_types=[
        pltpu.VMEM_SHARED((NP, D), jnp.float32),
        pltpu.VMEM((CHUNKS, CH), jnp.int32),
        pltpu.VMEM((CH, D), jnp.float32),
        pltpu.SemaphoreType.DMA,
        pltpu.SemaphoreType.DMA,
        pltpu.SemaphoreType.DMA,
        pltpu.SemaphoreType.DMA,
    ],
)
def _sc_degree(dst_hbm, deg_hbm, accd, didx, ones_v, ss0, ss1, ss2, ss3):
    cid = lax.axis_index("c")
    sid = lax.axis_index("s")
    ss = (ss0, ss1, ss2, ss3)

    def fill0(i, carry):
        for j in range(D // 16):
            ones_v[i, pl.ds(j * 16, 16)] = jnp.zeros((16,), jnp.float32)
        return carry
    lax.fori_loop(0, CH, fill0, 0)
    for j in range(RPT // CH):
        pltpu.sync_copy(ones_v, accd.at[pl.ds(sid * RPT + j * CH, CH)])

    def fill1(i, carry):
        for j in range(D // 16):
            ones_v[i, pl.ds(j * 16, 16)] = jnp.ones((16,), jnp.float32)
        return carry
    lax.fori_loop(0, CH, fill1, 0)

    tb = (cid * 16 + sid) * CHUNKS
    pltpu.sync_copy(dst_hbm.at[pl.ds(tb, CHUNKS)], didx)
    plsc.subcore_barrier()

    for b in range(3):
        pltpu.async_copy(ones_v, accd.at[didx.at[b]], ss[b], add=True)

    def quad(g, carry):
        for b in range(4):
            idx = g * 4 + b

            @pl.when(idx + 3 < CHUNKS)
            def _():
                pltpu.async_copy(ones_v, accd.at[didx.at[idx + 3]],
                                 ss[(b + 3) % 4], add=True)
            pltpu.make_async_copy(ones_v, accd.at[didx.at[idx]],
                                  ss[b]).wait()
        return carry
    lax.fori_loop(0, CHUNKS // 4, quad, 0)
    plsc.subcore_barrier()

    pltpu.sync_copy(accd.at[pl.ds(sid * RPT, RPT)],
                    deg_hbm.at[cid, pl.ds(sid * RPT, RPT)])


HC = 40
C0 = 80


@functools.partial(
    pl.kernel, mesh=_mesh,
    out_type=jax.ShapeDtypeStruct((2, NP, D), jnp.float32),
    scratch_types=[
        pltpu.VMEM_SHARED((NP, D), jnp.float32),
        pltpu.VMEM((HC, CH), jnp.int32),
        pltpu.VMEM((HC, CH), jnp.int32),
        pltpu.VMEM((CH, D), jnp.float32),
        pltpu.VMEM((CH, D), jnp.float32),
        pltpu.SemaphoreType.DMA,
        pltpu.SemaphoreType.DMA,
        pltpu.SemaphoreType.DMA,
        pltpu.SemaphoreType.DMA,
    ],
)
def _sc_spmm(t_hbm, src_hbm, dst_hbm, y_hbm, acc, sidx, didx,
             rows0, rows1, sg0, sg1, ss0, ss1):
    cid = lax.axis_index("c")
    sid = lax.axis_index("s")
    rows = (rows0, rows1)
    sg = (sg0, sg1)
    ss = (ss0, ss1)

    def fill(i, carry):
        for j in range(D // 16):
            rows0[i, pl.ds(j * 16, 16)] = jnp.zeros((16,), jnp.float32)
        return carry
    lax.fori_loop(0, CH, fill, 0)
    for j in range(RPT // CH):
        pltpu.sync_copy(rows0, acc.at[pl.ds(sid * RPT + j * CH, CH)])
    plsc.subcore_barrier()

    def run_stretch(tb, carry):
        pltpu.sync_copy(src_hbm.at[pl.ds(tb, HC)], sidx)
        pltpu.sync_copy(dst_hbm.at[pl.ds(tb, HC)], didx)
        pltpu.async_copy(t_hbm.at[sidx.at[0]], rows0, sg0)

        def pair(g, carry):
            for b in (0, 1):
                idx = g * 2 + b
                pltpu.make_async_copy(t_hbm.at[sidx.at[idx]], rows[b],
                                      sg[b]).wait()

                @pl.when(jnp.logical_and(idx + 1 < HC, idx > 0))
                def _():
                    pltpu.make_async_copy(rows[1 - b],
                                          acc.at[didx.at[idx]],
                                          ss[1 - b]).wait()

                @pl.when(idx + 1 < HC)
                def _():
                    pltpu.async_copy(t_hbm.at[sidx.at[idx + 1]],
                                     rows[1 - b], sg[1 - b])

                pltpu.async_copy(rows[b], acc.at[didx.at[idx]], ss[b],
                                 add=True)
            return carry
        lax.fori_loop(0, HC // 2, pair, 0)
        pltpu.make_async_copy(rows[0], acc.at[didx.at[0]], ss[0]).wait()
        pltpu.make_async_copy(rows[1], acc.at[didx.at[0]], ss[1]).wait()
        return carry

    def body(h, carry):
        return run_stretch((cid * 16 + sid) * C0 + h * HC, carry)
    lax.fori_loop(0, C0 // HC, body, 0)
    plsc.subcore_barrier()

    pltpu.sync_copy(acc.at[pl.ds(sid * RPT, RPT)],
                    y_hbm.at[cid, pl.ds(sid * RPT, RPT)])



def _prelu(o):
    return jnp.where(o >= 0.0, o, 0.25 * o)


def _tc_prep_body(degp_ref, x_ref, w_ref, dis_ref, t_ref, acc_ref):
    dp = degp_ref[...]
    deg = dp[0, :, :1] + dp[1, :, :1]
    dis = jnp.where(deg > 0.0, lax.rsqrt(jnp.maximum(deg, 1e-12)), 0.0)
    dis_b = jnp.broadcast_to(dis, (BR, D))
    x = x_ref[...]
    dis_ref[...] = dis_b
    t_ref[...] = dis_b * x
    acc_ref[...] = jnp.dot(x, w_ref[...], preferred_element_type=jnp.float32)


_tc_prep = pl.pallas_call(
    _tc_prep_body,
    grid=(GRID,),
    in_specs=[
        pl.BlockSpec((2, BR, D), lambda i: (0, i, 0)),
        pl.BlockSpec((BR, D), lambda i: (i, 0)),
        pl.BlockSpec((D, D), lambda i: (0, 0)),
    ],
    out_specs=[
        pl.BlockSpec((BR, D), lambda i: (i, 0)),
        pl.BlockSpec((BR, D), lambda i: (i, 0)),
        pl.BlockSpec((BR, D), lambda i: (i, 0)),
    ],
    out_shape=[
        jax.ShapeDtypeStruct((NP, D), jnp.float32),
        jax.ShapeDtypeStruct((NP, D), jnp.float32),
        jax.ShapeDtypeStruct((NP, D), jnp.float32),
    ],
)


def _tc_hop_body(y_ref, dis_ref, acc_ref, w_ref, t_ref, accout_ref):
    dis = dis_ref[...]
    y = y_ref[...]
    xk = dis * (y[0] + y[1])
    accout_ref[...] = acc_ref[...] + jnp.dot(
        xk, w_ref[...], preferred_element_type=jnp.float32)
    t_ref[...] = dis * xk


_tc_hop = pl.pallas_call(
    _tc_hop_body,
    grid=(GRID,),
    in_specs=[
        pl.BlockSpec((2, BR, D), lambda i: (0, i, 0)),
        pl.BlockSpec((BR, D), lambda i: (i, 0)),
        pl.BlockSpec((BR, D), lambda i: (i, 0)),
        pl.BlockSpec((D, D), lambda i: (0, 0)),
    ],
    out_specs=[
        pl.BlockSpec((BR, D), lambda i: (i, 0)),
        pl.BlockSpec((BR, D), lambda i: (i, 0)),
    ],
    out_shape=[
        jax.ShapeDtypeStruct((NP, D), jnp.float32),
        jax.ShapeDtypeStruct((NP, D), jnp.float32),
    ],
)


def _tc_l1_end_body(y_ref, dis_ref, acc_ref, w_ref, b_ref, w20_ref,
                    t_ref, acc2_ref):
    dis = dis_ref[...]
    y = y_ref[...]
    xk = dis * (y[0] + y[1])
    o = acc_ref[...] + jnp.dot(
        xk, w_ref[...], preferred_element_type=jnp.float32) + b_ref[...]
    h = _prelu(o)
    t_ref[...] = dis * h
    acc2_ref[...] = jnp.dot(h, w20_ref[...], preferred_element_type=jnp.float32)


_tc_l1_end = pl.pallas_call(
    _tc_l1_end_body,
    grid=(GRID,),
    in_specs=[
        pl.BlockSpec((2, BR, D), lambda i: (0, i, 0)),
        pl.BlockSpec((BR, D), lambda i: (i, 0)),
        pl.BlockSpec((BR, D), lambda i: (i, 0)),
        pl.BlockSpec((D, D), lambda i: (0, 0)),
        pl.BlockSpec((1, D), lambda i: (0, 0)),
        pl.BlockSpec((D, D), lambda i: (0, 0)),
    ],
    out_specs=[
        pl.BlockSpec((BR, D), lambda i: (i, 0)),
        pl.BlockSpec((BR, D), lambda i: (i, 0)),
    ],
    out_shape=[
        jax.ShapeDtypeStruct((NP, D), jnp.float32),
        jax.ShapeDtypeStruct((NP, D), jnp.float32),
    ],
)


def _tc_l2_end_body(y_ref, dis_ref, acc_ref, w_ref, b_ref, batch_ref,
                    wout_ref, bout_ref, out_ref, pool_ref):
    i = pl.program_id(0)
    y = y_ref[...]
    xk = dis_ref[...] * (y[0] + y[1])
    o = acc_ref[...] + jnp.dot(
        xk, w_ref[...], preferred_element_type=jnp.float32) + b_ref[...]
    h2 = _prelu(o)
    b = batch_ref[0]
    gids = lax.broadcasted_iota(jnp.int32, (G, BR), 0)
    onehot = (gids == b).astype(jnp.float32)
    part = jnp.dot(onehot, h2, preferred_element_type=jnp.float32)

    @pl.when(i == 0)
    def _():
        pool_ref[...] = part

    @pl.when(i > 0)
    def _():
        pool_ref[...] = pool_ref[...] + part

    @pl.when(i == GRID - 1)
    def _():
        out_ref[...] = jnp.dot(
            pool_ref[...], wout_ref[...],
            preferred_element_type=jnp.float32) + bout_ref[...]


_tc_l2_end = pl.pallas_call(
    _tc_l2_end_body,
    grid=(GRID,),
    in_specs=[
        pl.BlockSpec((2, BR, D), lambda i: (0, i, 0)),
        pl.BlockSpec((BR, D), lambda i: (i, 0)),
        pl.BlockSpec((BR, D), lambda i: (i, 0)),
        pl.BlockSpec((D, D), lambda i: (0, 0)),
        pl.BlockSpec((1, D), lambda i: (0, 0)),
        pl.BlockSpec((1, 1, BR), lambda i: (i, 0, 0)),
        pl.BlockSpec((D, D), lambda i: (0, 0)),
        pl.BlockSpec((1, D), lambda i: (0, 0)),
    ],
    out_specs=pl.BlockSpec((G, D), lambda i: (0, 0)),
    out_shape=jax.ShapeDtypeStruct((G, D), jnp.float32),
    scratch_shapes=[pltpu.VMEM((G, D), jnp.float32)],
)



def kernel(x, edge_index, batch, W1, b1, W2, b2, Wout, bout):
    src = edge_index[0]
    dst = edge_index[1]
    pad_e = EP - E
    pad_src = jnp.arange(pad_e, dtype=jnp.int32) % N
    srcp = jnp.concatenate([src, pad_src])
    pad_dst = N + (jnp.arange(pad_e, dtype=jnp.int32) % (NP - N))
    dstp = jnp.concatenate([dst, pad_dst])
    src2 = srcp.reshape(NTILES * CHUNKS, CH)
    dst2 = dstp.reshape(NTILES * CHUNKS, CH)
    xp = jnp.pad(x, ((0, NP - N), (0, 0)))
    batchp = jnp.pad(batch, (0, NP - N), constant_values=G).reshape(GRID, 1, BR)
    b1r = b1.reshape(1, D)
    b2r = b2.reshape(1, D)
    woutp = jnp.pad(Wout, ((0, 0), (0, D - 1)))
    boutp = jnp.pad(bout, (0, D - 1)).reshape(1, D)

    degp = _sc_degree(dst2)
    dis_b, t, acc = _tc_prep(degp, xp, W1[0])
    for k in (1, 2):
        y = _sc_spmm(t, src2, dst2)
        t, acc = _tc_hop(y, dis_b, acc, W1[k])
    y = _sc_spmm(t, src2, dst2)
    t, acc = _tc_l1_end(y, dis_b, acc, W1[3], b1r, W2[0])
    for k in (1, 2):
        y = _sc_spmm(t, src2, dst2)
        t, acc = _tc_hop(y, dis_b, acc, W2[k])
    y = _sc_spmm(t, src2, dst2)
    out = _tc_l2_end(y, dis_b, acc, W2[3], b2r, batchp, woutp, boutp)
    return out[:, :1]

# --- scband reference (transcript-rebuilt; emitter-appended) ---
"""Pipeline reference for scband-discriminator-21680994910701 (READ-ONLY COPY).

The authoritative reference and input builder live on the scoring server;
editing this copy changes nothing except your own understanding.
"""

import jax, jax.numpy as jnp
import numpy as np

N = 10000
E = 320000
D = 128
H = 128
K = 3
G = 8


def setup_inputs(seed: int = 0) -> dict:
    key = jax.random.key(seed)
    ks = jax.random.split(key, 8)
    x = jax.random.normal(ks[0], (N, D), dtype=jnp.float32)
    edge_index = jax.random.randint(ks[1], (2, E), 0, N, dtype=jnp.int32)
    batch = jnp.sort(jax.random.randint(ks[2], (N,), 0, G, dtype=jnp.int32))
    W1 = jax.random.normal(ks[3], (K + 1, D, H), dtype=jnp.float32) * (1.0 / np.sqrt(D))
    b1 = jnp.zeros((H,), dtype=jnp.float32)
    W2 = jax.random.normal(ks[4], (K + 1, H, H), dtype=jnp.float32) * (1.0 / np.sqrt(H))
    b2 = jnp.zeros((H,), dtype=jnp.float32)
    Wout = jax.random.normal(ks[5], (H, 1), dtype=jnp.float32) * (1.0 / np.sqrt(H))
    bout = jnp.zeros((1,), dtype=jnp.float32)
    return {"x": x, "edge_index": edge_index, "batch": batch,
            "W1": W1, "b1": b1, "W2": W2, "b2": b2, "Wout": Wout, "bout": bout}


def _gcn_norm(edge_index, num_nodes):
    # TAGConv: D^{-1/2} A D^{-1/2}, no self loops
    src, dst = edge_index[0], edge_index[1]
    ones = jnp.ones((edge_index.shape[1],), dtype=jnp.float32)
    deg = jax.ops.segment_sum(ones, dst, num_segments=num_nodes)
    dis = jnp.where(deg > 0, jax.lax.rsqrt(jnp.maximum(deg, 1e-12)), 0.0)
    return dis[src] * dis[dst]


def _tagconv(h, src, dst, norm, W, b):
    # out = sum_k (A_norm^k h) @ W_k + b
    out = h @ W[0]
    xk = h
    for k in range(1, W.shape[0]):
        msg = xk[src] * norm[:, None]
        xk = jax.ops.segment_sum(msg, dst, num_segments=h.shape[0])
        out = out + xk @ W[k]
    return out + b


def _prelu(x):
    # nn.PReLU() created fresh each forward: a = 0.25
    return jnp.where(x >= 0, x, 0.25 * x)


def reference(x, edge_index, batch, W1, b1, W2, b2, Wout, bout):
    src, dst = edge_index[0], edge_index[1]
    norm = _gcn_norm(edge_index, x.shape[0])
    h = _tagconv(x, src, dst, norm, W1, b1)
    # Dropout(0.1) is identity in eval/reference mode
    h = _prelu(h)
    h = _tagconv(h, src, dst, norm, W2, b2)
    h = _prelu(h)
    pooled = jax.ops.segment_sum(h, batch, num_segments=G)  # global_add_pool
    return pooled @ Wout + bout

if __name__ == "__main__":
    import jax
    _d = setup_inputs()
    print(jax.jit(kernel)(*tuple(_d.values())))

</pallas_src>

<mosaic_0001>
#map = affine_map<(d0, d1) -> (0, 0)>
#map1 = affine_map<(d0, d1) -> (0, 0, 0)>
module attributes {stable_mosaic.version = 14 : i64} {
  func.func @_sc_spmm(%arg0: i32, %arg1: i32, %arg2: memref<10240x128xf32, #tpu.memory_space<hbm>>, %arg3: memref<2560x128xi32, #tpu.memory_space<hbm>>, %arg4: memref<2560x128xi32, #tpu.memory_space<hbm>>, %arg5: memref<2x10240x128xf32, #tpu.memory_space<hbm>>, %arg6: memref<10240x128xf32, #tpu.memory_space<vmem_shared>>, %arg7: memref<40x128xi32, #tpu.memory_space<vmem>>, %arg8: memref<40x128xi32, #tpu.memory_space<vmem>>, %arg9: memref<128x128xf32, #tpu.memory_space<vmem>>, %arg10: memref<128x128xf32, #tpu.memory_space<vmem>>, %arg11: memref<!tpu.dma_semaphore, #tpu.memory_space<semaphore_mem>>, %arg12: memref<!tpu.dma_semaphore, #tpu.memory_space<semaphore_mem>>, %arg13: memref<!tpu.dma_semaphore, #tpu.memory_space<semaphore_mem>>, %arg14: memref<!tpu.dma_semaphore, #tpu.memory_space<semaphore_mem>>) attributes {dimension_semantics = [#tpu.dimension_semantics<core_parallel>, #tpu.dimension_semantics<subcore_parallel>], iteration_bounds = array<i64: 2, 16>, scalar_prefetch = 0 : i64, scratch_operands = 9 : i64, tpu.core_type = #tpu.core_type<sc_vector_subcore>, window_params = [{transform_indices = #map}, {transform_indices = #map}, {transform_indices = #map}, {transform_indices = #map1}]} {
    %scan3A = arith.constant 0 : i32
    %scan3A_0 = arith.constant 0 : i32
    %scan3A_1 = arith.constant 128 : i32
    %scan3A_2 = arith.addi %scan3A_0, %scan3A_1 : i32
    %scan3A_3 = arith.constant 1 : i32
    scf.for %scan3A_34 = %scan3A_0 to %scan3A_2 step %scan3A_3  : i32 {
      %broadcast_in_dim3A = arith.constant 0.000000e+00 : f32
      %broadcast_in_dim3A_35 = vector.broadcast %broadcast_in_dim3A : f32 to vector<16xf32>
      %swap3A = arith.index_cast %scan3A_34 : i32 to index
      %swap3A_36 = arith.constant 0 : index
      %swap3A_37 = tpu.vector_load %arg9[%swap3A, %swap3A_36] {strides = array<i32>} : memref<128x128xf32, #tpu.memory_space<vmem>>, vector<1x16xf32>,
      %swap3A_38 = vector.shape_cast %swap3A_37 : vector<1x16xf32> to vector<16xf32>
      %swap3A_39 = vector.shape_cast %broadcast_in_dim3A_35 : vector<16xf32> to vector<1x16xf32>
      tpu.vector_store %arg9[%swap3A, %swap3A_36], %swap3A_39 {strides = array<i32>} : memref<128x128xf32, #tpu.memory_space<vmem>>, vector<1x16xf32>,
      %broadcast_in_dim3A_40 = arith.constant 0.000000e+00 : f32
      %broadcast_in_dim3A_41 = vector.broadcast %broadcast_in_dim3A_40 : f32 to vector<16xf32>
      %swap3A_42 = arith.index_cast %scan3A_34 : i32 to index
      %swap3A_43 = arith.constant 16 : index
      %swap3A_44 = tpu.vector_load %arg9[%swap3A_42, %swap3A_43] {strides = array<i32>} : memref<128x128xf32, #tpu.memory_space<vmem>>, vector<1x16xf32>,
      %swap3A_45 = vector.shape_cast %swap3A_44 : vector<1x16xf32> to vector<16xf32>
      %swap3A_46 = vector.shape_cast %broadcast_in_dim3A_41 : vector<16xf32> to vector<1x16xf32>
      tpu.vector_store %arg9[%swap3A_42, %swap3A_43], %swap3A_46 {strides = array<i32>} : memref<128x128xf32, #tpu.memory_space<vmem>>, vector<1x16xf32>,
      %broadcast_in_dim3A_47 = arith.constant 0.000000e+00 : f32
      %broadcast_in_dim3A_48 = vector.broadcast %broadcast_in_dim3A_47 : f32 to vector<16xf32>
      %swap3A_49 = arith.index_cast %scan3A_34 : i32 to index
      %swap3A_50 = arith.constant 32 : index
      %swap3A_51 = tpu.vector_load %arg9[%swap3A_49, %swap3A_50] {strides = array<i32>} : memref<128x128xf32, #tpu.memory_space<vmem>>, vector<1x16xf32>,
      %swap3A_52 = vector.shape_cast %swap3A_51 : vector<1x16xf32> to vector<16xf32>
      %swap3A_53 = vector.shape_cast %broadcast_in_dim3A_48 : vector<16xf32> to vector<1x16xf32>
      tpu.vector_store %arg9[%swap3A_49, %swap3A_50], %swap3A_53 {strides = array<i32>} : memref<128x128xf32, #tpu.memory_space<vmem>>, vector<1x16xf32>,
      %broadcast_in_dim3A_54 = arith.constant 0.000000e+00 : f32
      %broadcast_in_dim3A_55 = vector.broadcast %broadcast_in_dim3A_54 : f32 to vector<16xf32>
      %swap3A_56 = arith.index_cast %scan3A_34 : i32 to index
      %swap3A_57 = arith.constant 48 : index
      %swap3A_58 = tpu.vector_load %arg9[%swap3A_56, %swap3A_57] {strides = array<i32>} : memref<128x128xf32, #tpu.memory_space<vmem>>, vector<1x16xf32>,
      %swap3A_59 = vector.shape_cast %swap3A_58 : vector<1x16xf32> to vector<16xf32>
      %swap3A_60 = vector.shape_cast %broadcast_in_dim3A_55 : vector<16xf32> to vector<1x16xf32>
      tpu.vector_store %arg9[%swap3A_56, %swap3A_57], %swap3A_60 {strides = array<i32>} : memref<128x128xf32, #tpu.memory_space<vmem>>, vector<1x16xf32>,
      %broadcast_in_dim3A_61 = arith.constant 0.000000e+00 : f32
      %broadcast_in_dim3A_62 = vector.broadcast %broadcast_in_dim3A_61 : f32 to vector<16xf32>
      %swap3A_63 = arith.index_cast %scan3A_34 : i32 to index
      %swap3A_64 = arith.constant 64 : index
      %swap3A_65 = tpu.vector_load %arg9[%swap3A_63, %swap3A_64] {strides = array<i32>} : memref<128x128xf32, #tpu.memory_space<vmem>>, vector<1x16xf32>,
      %swap3A_66 = vector.shape_cast %swap3A_65 : vector<1x16xf32> to vector<16xf32>
      %swap3A_67 = vector.shape_cast %broadcast_in_dim3A_62 : vector<16xf32> to vector<1x16xf32>
      tpu.vector_store %arg9[%swap3A_63, %swap3A_64], %swap3A_67 {strides = array<i32>} : memref<128x128xf32, #tpu.memory_space<vmem>>, vector<1x16xf32>,
      %broadcast_in_dim3A_68 = arith.constant 0.000000e+00 : f32
      %broadcast_in_dim3A_69 = vector.broadcast %broadcast_in_dim3A_68 : f32 to vector<16xf32>
      %swap3A_70 = arith.index_cast %scan3A_34 : i32 to index
      %swap3A_71 = arith.constant 80 : index
      %swap3A_72 = tpu.vector_load %arg9[%swap3A_70, %swap3A_71] {strides = array<i32>} : memref<128x128xf32, #tpu.memory_space<vmem>>, vector<1x16xf32>,
      %swap3A_73 = vector.shape_cast %swap3A_72 : vector<1x16xf32> to vector<16xf32>
      %swap3A_74 = vector.shape_cast %broadcast_in_dim3A_69 : vector<16xf32> to vector<1x16xf32>
      tpu.vector_store %arg9[%swap3A_70, %swap3A_71], %swap3A_74 {strides = array<i32>} : memref<128x128xf32, #tpu.memory_space<vmem>>, vector<1x16xf32>,
      %broadcast_in_dim3A_75 = arith.constant 0.000000e+00 : f32
      %broadcast_in_dim3A_76 = vector.broadcast %broadcast_in_dim3A_75 : f32 to vector<16xf32>
      %swap3A_77 = arith.index_cast %scan3A_34 : i32 to index
      %swap3A_78 = arith.constant 96 : index
      %swap3A_79 = tpu.vector_load %arg9[%swap3A_77, %swap3A_78] {strides = array<i32>} : memref<128x128xf32, #tpu.memory_space<vmem>>, vector<1x16xf32>,
      %swap3A_80 = vector.shape_cast %swap3A_79 : vector<1x16xf32> to vector<16xf32>
      %swap3A_81 = vector.shape_cast %broadcast_in_dim3A_76 : vector<16xf32> to vector<1x16xf32>
      tpu.vector_store %arg9[%swap3A_77, %swap3A_78], %swap3A_81 {strides = array<i32>} : memref<128x128xf32, #tpu.memory_space<vmem>>, vector<1x16xf32>,
      %broadcast_in_dim3A_82 = arith.constant 0.000000e+00 : f32
      %broadcast_in_dim3A_83 = vector.broadcast %broadcast_in_dim3A_82 : f32 to vector<16xf32>
      %swap3A_84 = arith.index_cast %scan3A_34 : i32 to index
      %swap3A_85 = arith.constant 112 : index
      %swap3A_86 = tpu.vector_load %arg9[%swap3A_84, %swap3A_85] {strides = array<i32>} : memref<128x128xf32, #tpu.memory_space<vmem>>, vector<1x16xf32>,
      %swap3A_87 = vector.shape_cast %swap3A_86 : vector<1x16xf32> to vector<16xf32>
      %swap3A_88 = vector.shape_cast %broadcast_in_dim3A_83 : vector<16xf32> to vector<1x16xf32>
      tpu.vector_store %arg9[%swap3A_84, %swap3A_85], %swap3A_88 {strides = array<i32>} : memref<128x128xf32, #tpu.memory_space<vmem>>, vector<1x16xf32>,
    }
    %scan3A_4 = arith.constant 128 : i32
    %mul3A = arith.constant 640 : i32
    %mul3A_5 = arith.muli %arg1, %mul3A : i32
    %add3A = arith.constant 0 : i32
    %add3A_6 = arith.addi %mul3A_5, %add3A : i32
    "tpu.region"() ({
      %run_scoped3A = tpu.sem_alloc : memref<!tpu.dma_semaphore, #tpu.memory_space<semaphore_mem>>
      %dma_start3A = arith.constant 0 : i32
      %dma_start3A_34 = tpu.memref_slice %arg6[%add3A_6, %dma_start3A] : memref<10240x128xf32, #tpu.memory_space<vmem_shared>> -> memref<128x128xf32, #tpu.memory_space<vmem_shared>>
      %dma_start3A_35 = arith.constant 0 : i32
      %dma_start3A_36 = tpu.memref_slice %arg6[%add3A_6, %dma_start3A_35] : memref<10240x128xf32, #tpu.memory_space<vmem_shared>> -> memref<128x128xf32, #tpu.memory_space<vmem_shared>>
      tpu.enqueue_dma source(%arg9 : memref<128x128xf32, #tpu.memory_space<vmem>>) target(%dma_start3A_36 : memref<128x128xf32, #tpu.memory_space<vmem_shared>>) target_semaphore(%run_scoped3A : memref<!tpu.dma_semaphore, #tpu.memory_space<semaphore_mem>>)
      %dma_wait3A = arith.constant 0 : i32
      %dma_wait3A_37 = tpu.memref_slice %arg6[%add3A_6, %dma_wait3A] : memref<10240x128xf32, #tpu.memory_space<vmem_shared>> -> memref<128x128xf32, #tpu.memory_space<vmem_shared>>
      %dma_wait3A_38 = arith.constant 0 : i32
      %dma_wait3A_39 = tpu.memref_slice %arg6[%add3A_6, %dma_wait3A_38] : memref<10240x128xf32, #tpu.memory_space<vmem_shared>> -> memref<128x128xf32, #tpu.memory_space<vmem_shared>>
      tpu.wait_dma2 semaphore(%run_scoped3A : memref<!tpu.dma_semaphore, #tpu.memory_space<semaphore_mem>>) src(%arg9 : memref<128x128xf32, #tpu.memory_space<vmem>>) dst(%dma_wait3A_39 : memref<128x128xf32, #tpu.memory_space<vmem_shared>>)
      tpu.yield
    }) : () -> ()
    %mul3A_7 = arith.constant 640 : i32
    %mul3A_8 = arith.muli %arg1, %mul3A_7 : i32
    %add3A_9 = arith.constant 128 : i32
    %add3A_10 = arith.addi %mul3A_8, %add3A_9 : i32
    "tpu.region"() ({
      %run_scoped3A = tpu.sem_alloc : memref<!tpu.dma_semaphore, #tpu.memory_space<semaphore_mem>>
      %dma_start3A = arith.constant 0 : i32
      %dma_start3A_34 = tpu.memref_slice %arg6[%add3A_10, %dma_start3A] : memref<10240x128xf32, #tpu.memory_space<vmem_shared>> -> memref<128x128xf32, #tpu.memory_space<vmem_shared>>
      %dma_start3A_35 = arith.constant 0 : i32
      %dma_start3A_36 = tpu.memref_slice %arg6[%add3A_10, %dma_start3A_35] : memref<10240x128xf32, #tpu.memory_space<vmem_shared>> -> memref<128x128xf32, #tpu.memory_space<vmem_shared>>
      tpu.enqueue_dma source(%arg9 : memref<128x128xf32, #tpu.memory_space<vmem>>) target(%dma_start3A_36 : memref<128x128xf32, #tpu.memory_space<vmem_shared>>) target_semaphore(%run_scoped3A : memref<!tpu.dma_semaphore, #tpu.memory_space<semaphore_mem>>)
      %dma_wait3A = arith.constant 0 : i32
      %dma_wait3A_37 = tpu.memref_slice %arg6[%add3A_10, %dma_wait3A] : memref<10240x128xf32, #tpu.memory_space<vmem_shared>> -> memref<128x128xf32, #tpu.memory_space<vmem_shared>>
      %dma_wait3A_38 = arith.constant 0 : i32
      %dma_wait3A_39 = tpu.memref_slice %arg6[%add3A_10, %dma_wait3A_38] : memref<10240x128xf32, #tpu.memory_space<vmem_shared>> -> memref<128x128xf32, #tpu.memory_space<vmem_shared>>
      tpu.wait_dma2 semaphore(%run_scoped3A : memref<!tpu.dma_semaphore, #tpu.memory_space<semaphore_mem>>) src(%arg9 : memref<128x128xf32, #tpu.memory_space<vmem>>) dst(%dma_wait3A_39 : memref<128x128xf32, #tpu.memory_space<vmem_shared>>)
      tpu.yield
    }) : () -> ()
    %mul3A_11 = arith.constant 640 : i32
    %mul3A_12 = arith.muli %arg1, %mul3A_11 : i32
    %add3A_13 = arith.constant 256 : i32
    %add3A_14 = arith.addi %mul3A_12, %add3A_13 : i32
    "tpu.region"() ({
      %run_scoped3A = tpu.sem_alloc : memref<!tpu.dma_semaphore, #tpu.memory_space<semaphore_mem>>
      %dma_start3A = arith.constant 0 : i32
      %dma_start3A_34 = tpu.memref_slice %arg6[%add3A_14, %dma_start3A] : memref<10240x128xf32, #tpu.memory_space<vmem_shared>> -> memref<128x128xf32, #tpu.memory_space<vmem_shared>>
      %dma_start3A_35 = arith.constant 0 : i32
      %dma_start3A_36 = tpu.memref_slice %arg6[%add3A_14, %dma_start3A_35] : memref<10240x128xf32, #tpu.memory_space<vmem_shared>> -> memref<128x128xf32, #tpu.memory_space<vmem_shared>>
      tpu.enqueue_dma source(%arg9 : memref<128x128xf32, #tpu.memory_space<vmem>>) target(%dma_start3A_36 : memref<128x128xf32, #tpu.memory_space<vmem_shared>>) target_semaphore(%run_scoped3A : memref<!tpu.dma_semaphore, #tpu.memory_space<semaphore_mem>>)
      %dma_wait3A = arith.constant 0 : i32
      %dma_wait3A_37 = tpu.memref_slice %arg6[%add3A_14, %dma_wait3A] : memref<10240x128xf32, #tpu.memory_space<vmem_shared>> -> memref<128x128xf32, #tpu.memory_space<vmem_shared>>
      %dma_wait3A_38 = arith.constant 0 : i32
      %dma_wait3A_39 = tpu.memref_slice %arg6[%add3A_14, %dma_wait3A_38] : memref<10240x128xf32, #tpu.memory_space<vmem_shared>> -> memref<128x128xf32, #tpu.memory_space<vmem_shared>>
      tpu.wait_dma2 semaphore(%run_scoped3A : memref<!tpu.dma_semaphore, #tpu.memory_space<semaphore_mem>>) src(%arg9 : memref<128x128xf32, #tpu.memory_space<vmem>>) dst(%dma_wait3A_39 : memref<128x128xf32, #tpu.memory_space<vmem_shared>>)
      tpu.yield
    }) : () -> ()
    %mul3A_15 = arith.constant 640 : i32
    %mul3A_16 = arith.muli %arg1, %mul3A_15 : i32
    %add3A_17 = arith.constant 384 : i32
    %add3A_18 = arith.addi %mul3A_16, %add3A_17 : i32
    "tpu.region"() ({
      %run_scoped3A = tpu.sem_alloc : memref<!tpu.dma_semaphore, #tpu.memory_space<semaphore_mem>>
      %dma_start3A = arith.constant 0 : i32
      %dma_start3A_34 = tpu.memref_slice %arg6[%add3A_18, %dma_start3A] : memref<10240x128xf32, #tpu.memory_space<vmem_shared>> -> memref<128x128xf32, #tpu.memory_space<vmem_shared>>
      %dma_start3A_35 = arith.constant 0 : i32
      %dma_start3A_36 = tpu.memref_slice %arg6[%add3A_18, %dma_start3A_35] : memref<10240x128xf32, #tpu.memory_space<vmem_shared>> -> memref<128x128xf32, #tpu.memory_space<vmem_shared>>
      tpu.enqueue_dma source(%arg9 : memref<128x128xf32, #tpu.memory_space<vmem>>) target(%dma_start3A_36 : memref<128x128xf32, #tpu.memory_space<vmem_shared>>) target_semaphore(%run_scoped3A : memref<!tpu.dma_semaphore, #tpu.memory_space<semaphore_mem>>)
      %dma_wait3A = arith.constant 0 : i32
      %dma_wait3A_37 = tpu.memref_slice %arg6[%add3A_18, %dma_wait3A] : memref<10240x128xf32, #tpu.memory_space<vmem_shared>> -> memref<128x128xf32, #tpu.memory_space<vmem_shared>>
      %dma_wait3A_38 = arith.constant 0 : i32
      %dma_wait3A_39 = tpu.memref_slice %arg6[%add3A_18, %dma_wait3A_38] : memref<10240x128xf32, #tpu.memory_space<vmem_shared>> -> memref<128x128xf32, #tpu.memory_space<vmem_shared>>
      tpu.wait_dma2 semaphore(%run_scoped3A : memref<!tpu.dma_semaphore, #tpu.memory_space<semaphore_mem>>) src(%arg9 : memref<128x128xf32, #tpu.memory_space<vmem>>) dst(%dma_wait3A_39 : memref<128x128xf32, #tpu.memory_space<vmem_shared>>)
      tpu.yield
    }) : () -> ()
    %mul3A_19 = arith.constant 640 : i32
    %mul3A_20 = arith.muli %arg1, %mul3A_19 : i32
    %add3A_21 = arith.constant 512 : i32
    %add3A_22 = arith.addi %mul3A_20, %add3A_21 : i32
    "tpu.region"() ({
      %run_scoped3A = tpu.sem_alloc : memref<!tpu.dma_semaphore, #tpu.memory_space<semaphore_mem>>
      %dma_start3A = arith.constant 0 : i32
      %dma_start3A_34 = tpu.memref_slice %arg6[%add3A_22, %dma_start3A] : memref<10240x128xf32, #tpu.memory_space<vmem_shared>> -> memref<128x128xf32, #tpu.memory_space<vmem_shared>>
      %dma_start3A_35 = arith.constant 0 : i32
      %dma_start3A_36 = tpu.memref_slice %arg6[%add3A_22, %dma_start3A_35] : memref<10240x128xf32, #tpu.memory_space<vmem_shared>> -> memref<128x128xf32, #tpu.memory_space<vmem_shared>>
      tpu.enqueue_dma source(%arg9 : memref<128x128xf32, #tpu.memory_space<vmem>>) target(%dma_start3A_36 : memref<128x128xf32, #tpu.memory_space<vmem_shared>>) target_semaphore(%run_scoped3A : memref<!tpu.dma_semaphore, #tpu.memory_space<semaphore_mem>>)
      %dma_wait3A = arith.constant 0 : i32
      %dma_wait3A_37 = tpu.memref_slice %arg6[%add3A_22, %dma_wait3A] : memref<10240x128xf32, #tpu.memory_space<vmem_shared>> -> memref<128x128xf32, #tpu.memory_space<vmem_shared>>
      %dma_wait3A_38 = arith.constant 0 : i32
      %dma_wait3A_39 = tpu.memref_slice %arg6[%add3A_22, %dma_wait3A_38] : memref<10240x128xf32, #tpu.memory_space<vmem_shared>> -> memref<128x128xf32, #tpu.memory_space<vmem_shared>>
      tpu.wait_dma2 semaphore(%run_scoped3A : memref<!tpu.dma_semaphore, #tpu.memory_space<semaphore_mem>>) src(%arg9 : memref<128x128xf32, #tpu.memory_space<vmem>>) dst(%dma_wait3A_39 : memref<128x128xf32, #tpu.memory_space<vmem_shared>>)
      tpu.yield
    }) : () -> ()
    %barrier3A = arith.constant 0 : index
    tpu.barrier barrier_id(%barrier3A)
    %scan3A_23 = arith.constant 0 : i32
    %scan3A_24 = arith.constant 0 : i32
    %scan3A_25 = arith.constant 2 : i32
    %scan3A_26 = arith.addi %scan3A_24, %scan3A_25 : i32
    %scan3A_27 = arith.constant 1 : i32
    scf.for %scan3A_34 = %scan3A_24 to %scan3A_26 step %scan3A_27  : i32 {
      %mul3A_35 = arith.constant 16 : i32
      %mul3A_36 = arith.muli %arg0, %mul3A_35 : i32
      %add3A_37 = arith.addi %mul3A_36, %arg1 : i32
      %mul3A_38 = arith.constant 80 : i32
      %mul3A_39 = arith.muli %add3A_37, %mul3A_38 : i32
      %mul3A_40 = arith.constant 40 : i32
      %mul3A_41 = arith.muli %scan3A_34, %mul3A_40 : i32
      %add3A_42 = arith.addi %mul3A_39, %mul3A_41 : i32
      "tpu.region"() ({
        %run_scoped3A = tpu.sem_alloc : memref<!tpu.dma_semaphore, #tpu.memory_space<semaphore_mem>>
        %dma_start3A_68 = arith.constant 0 : i32
        %dma_start3A_69 = tpu.memref_slice %arg3[%add3A_42, %dma_start3A_68] : memref<2560x128xi32, #tpu.memory_space<hbm>> -> memref<40x128xi32, #tpu.memory_space<hbm>>
        %dma_start3A_70 = arith.constant 0 : i32
        %dma_start3A_71 = tpu.memref_slice %arg3[%add3A_42, %dma_start3A_70] : memref<2560x128xi32, #tpu.memory_space<hbm>> -> memref<40x128xi32, #tpu.memory_space<hbm>>
        tpu.enqueue_dma source(%dma_start3A_71 : memref<40x128xi32, #tpu.memory_space<hbm>>) target(%arg7 : memref<40x128xi32, #tpu.memory_space<vmem>>) target_semaphore(%run_scoped3A : memref<!tpu.dma_semaphore, #tpu.memory_space<semaphore_mem>>)
        %dma_wait3A_72 = arith.constant 0 : i32
        %dma_wait3A_73 = tpu.memref_slice %arg3[%add3A_42, %dma_wait3A_72] : memref<2560x128xi32, #tpu.memory_space<hbm>> -> memref<40x128xi32, #tpu.memory_space<hbm>>
        %dma_wait3A_74 = arith.constant 0 : i32
        %dma_wait3A_75 = tpu.memref_slice %arg3[%add3A_42, %dma_wait3A_74] : memref<2560x128xi32, #tpu.memory_space<hbm>> -> memref<40x128xi32, #tpu.memory_space<hbm>>
        tpu.wait_dma2 semaphore(%run_scoped3A : memref<!tpu.dma_semaphore, #tpu.memory_space<semaphore_mem>>) src(%dma_wait3A_75 : memref<40x128xi32, #tpu.memory_space<hbm>>) dst(%arg7 : memref<40x128xi32, #tpu.memory_space<vmem>>)
        tpu.yield
      }) : () -> ()
      "tpu.region"() ({
        %run_scoped3A = tpu.sem_alloc : memref<!tpu.dma_semaphore, #tpu.memory_space<semaphore_mem>>
        %dma_start3A_68 = arith.constant 0 : i32
        %dma_start3A_69 = tpu.memref_slice %arg4[%add3A_42, %dma_start3A_68] : memref<2560x128xi32, #tpu.memory_space<hbm>> -> memref<40x128xi32, #tpu.memory_space<hbm>>
        %dma_start3A_70 = arith.constant 0 : i32
        %dma_start3A_71 = tpu.memref_slice %arg4[%add3A_42, %dma_start3A_70] : memref<2560x128xi32, #tpu.memory_space<hbm>> -> memref<40x128xi32, #tpu.memory_space<hbm>>
        tpu.enqueue_dma source(%dma_start3A_71 : memref<40x128xi32, #tpu.memory_space<hbm>>) target(%arg8 : memref<40x128xi32, #tpu.memory_space<vmem>>) target_semaphore(%run_scoped3A : memref<!tpu.dma_semaphore, #tpu.memory_space<semaphore_mem>>)
        %dma_wait3A_72 = arith.constant 0 : i32
        %dma_wait3A_73 = tpu.memref_slice %arg4[%add3A_42, %dma_wait3A_72] : memref<2560x128xi32, #tpu.memory_space<hbm>> -> memref<40x128xi32, #tpu.memory_space<hbm>>
        %dma_wait3A_74 = arith.constant 0 : i32
        %dma_wait3A_75 = tpu.memref_slice %arg4[%add3A_42, %dma_wait3A_74] : memref<2560x128xi32, #tpu.memory_space<hbm>> -> memref<40x128xi32, #tpu.memory_space<hbm>>
        tpu.wait_dma2 semaphore(%run_scoped3A : memref<!tpu.dma_semaphore, #tpu.memory_space<semaphore_mem>>) src(%dma_wait3A_75 : memref<40x128xi32, #tpu.memory_space<hbm>>) dst(%arg8 : memref<40x128xi32, #tpu.memory_space<vmem>>)
        tpu.yield
      }) : () -> ()
      %dma_start3A = arith.constant 0 : i32
      %dma_start3A_43 = arith.constant 0 : i32
      %dma_start3A_44 = tpu.memref_slice %arg7[%dma_start3A, %dma_start3A_43] : memref<40x128xi32, #tpu.memory_space<vmem>> -> memref<1x128xi32, #tpu.memory_space<vmem>>
      %dma_start3A_45 = tpu.memref_squeeze %dma_start3A_44 : memref<1x128xi32, #tpu.memory_space<vmem>> -> memref<128xi32, #tpu.memory_space<vmem>>
      %dma_start3A_46 = arith.constant 0 : i32
      %dma_start3A_47 = arith.constant 0 : i32
      %dma_start3A_48 = tpu.memref_slice %arg2[%dma_start3A_46, %dma_start3A_47] : memref<10240x128xf32, #tpu.memory_space<hbm>> -> memref<10240x128xf32, #tpu.memory_space<hbm>>
      tpu.enqueue_indirect_dma source(%dma_start3A_48 : memref<10240x128xf32, #tpu.memory_space<hbm>>) target(%arg9 : memref<128x128xf32, #tpu.memory_space<vmem>>) offsets(%dma_start3A_45 : memref<128xi32, #tpu.memory_space<vmem>>) semaphore(%arg11 : memref<!tpu.dma_semaphore, #tpu.memory_space<semaphore_mem>>)
      %scan3A_49 = arith.constant 0 : i32
      %scan3A_50 = arith.constant 0 : i32
      %scan3A_51 = arith.constant 20 : i32
      %scan3A_52 = arith.addi %scan3A_50, %scan3A_51 : i32
      %scan3A_53 = arith.constant 1 : i32
      scf.for %scan3A_68 = %scan3A_50 to %scan3A_52 step %scan3A_53  : i32 {
        %mul3A_69 = arith.constant 2 : i32
        %mul3A_70 = arith.muli %scan3A_68, %mul3A_69 : i32
        %add3A_71 = arith.constant 0 : i32
        %add3A_72 = arith.addi %mul3A_70, %add3A_71 : i32
        %dma_wait3A_73 = arith.constant 0 : i32
        %dma_wait3A_74 = tpu.memref_slice %arg7[%add3A_72, %dma_wait3A_73] : memref<40x128xi32, #tpu.memory_space<vmem>> -> memref<1x128xi32, #tpu.memory_space<vmem>>
        %dma_wait3A_75 = tpu.memref_squeeze %dma_wait3A_74 : memref<1x128xi32, #tpu.memory_space<vmem>> -> memref<128xi32, #tpu.memory_space<vmem>>
        %dma_wait3A_76 = arith.constant 0 : i32
        %dma_wait3A_77 = arith.constant 0 : i32
        %dma_wait3A_78 = tpu.memref_slice %arg2[%dma_wait3A_76, %dma_wait3A_77] : memref<10240x128xf32, #tpu.memory_space<hbm>> -> memref<10240x128xf32, #tpu.memory_space<hbm>>
        tpu.wait_indirect_dma semaphore(%arg11 : memref<!tpu.dma_semaphore, #tpu.memory_space<semaphore_mem>>) src(%dma_wait3A_78 : memref<10240x128xf32, #tpu.memory_space<hbm>>) dst(%arg9 : memref<128x128xf32, #tpu.memory_space<vmem>>)
        %add3A_79 = arith.constant 1 : i32
        %add3A_80 = arith.addi %add3A_72, %add3A_79 : i32
        %lt3A = arith.constant 40 : i32
        %lt3A_81 = arith.cmpi slt, %add3A_80, %lt3A : i32
        %gt3A = arith.constant 0 : i32
        %gt3A_82 = arith.cmpi sgt, %add3A_72, %gt3A : i32
        %and3A = arith.andi %lt3A_81, %gt3A_82 : i1
        %convert_element_type3A = arith.extui %and3A : i1 to i32
        %cond3A = arith.constant 0 : i32
        %cond3A_83 = arith.cmpi ne, %convert_element_type3A, %cond3A : i32
        scf.if %cond3A_83 {
          %dma_wait3A_130 = arith.constant 0 : i32
          %dma_wait3A_131 = tpu.memref_slice %arg8[%add3A_72, %dma_wait3A_130] : memref<40x128xi32, #tpu.memory_space<vmem>> -> memref<1x128xi32, #tpu.memory_space<vmem>>
          %dma_wait3A_132 = tpu.memref_squeeze %dma_wait3A_131 : memref<1x128xi32, #tpu.memory_space<vmem>> -> memref<128xi32, #tpu.memory_space<vmem>>
          %dma_wait3A_133 = arith.constant 0 : i32
          %dma_wait3A_134 = arith.constant 0 : i32
          %dma_wait3A_135 = tpu.memref_slice %arg6[%dma_wait3A_133, %dma_wait3A_134] : memref<10240x128xf32, #tpu.memory_space<vmem_shared>> -> memref<10240x128xf32, #tpu.memory_space<vmem_shared>>
          tpu.wait_indirect_dma semaphore(%arg14 : memref<!tpu.dma_semaphore, #tpu.memory_space<semaphore_mem>>) src(%arg10 : memref<128x128xf32, #tpu.memory_space<vmem>>) dst(%dma_wait3A_135 : memref<10240x128xf32, #tpu.memory_space<vmem_shared>>)
        } else {
        }
        %add3A_84 = arith.constant 1 : i32
        %add3A_85 = arith.addi %add3A_72, %add3A_84 : i32
        %lt3A_86 = arith.constant 40 : i32
        %lt3A_87 = arith.cmpi slt, %add3A_85, %lt3A_86 : i32
        %convert_element_type3A_88 = arith.extui %lt3A_87 : i1 to i32
        %cond3A_89 = arith.constant 0 : i32
        %cond3A_90 = arith.cmpi ne, %convert_element_type3A_88, %cond3A_89 : i32
        scf.if %cond3A_90 {
          %add3A_130 = arith.constant 1 : i32
          %add3A_131 = arith.addi %add3A_72, %add3A_130 : i32
          %dma_start3A_132 = arith.constant 0 : i32
          %dma_start3A_133 = tpu.memref_slice %arg7[%add3A_131, %dma_start3A_132] : memref<40x128xi32, #tpu.memory_space<vmem>> -> memref<1x128xi32, #tpu.memory_space<vmem>>
          %dma_start3A_134 = tpu.memref_squeeze %dma_start3A_133 : memref<1x128xi32, #tpu.memory_space<vmem>> -> memref<128xi32, #tpu.memory_space<vmem>>
          %dma_start3A_135 = arith.constant 0 : i32
          %dma_start3A_136 = arith.constant 0 : i32
          %dma_start3A_137 = tpu.memref_slice %arg2[%dma_start3A_135, %dma_start3A_136] : memref<10240x128xf32, #tpu.memory_space<hbm>> -> memref<10240x128xf32, #tpu.memory_space<hbm>>
          tpu.enqueue_indirect_dma source(%dma_start3A_137 : memref<10240x128xf32, #tpu.memory_space<hbm>>) target(%arg10 : memref<128x128xf32, #tpu.memory_space<vmem>>) offsets(%dma_start3A_134 : memref<128xi32, #tpu.memory_space<vmem>>) semaphore(%arg12 : memref<!tpu.dma_semaphore, #tpu.memory_space<semaphore_mem>>)
        } else {
        }
        %dma_start3A_91 = arith.constant 0 : i32
        %dma_start3A_92 = tpu.memref_slice %arg8[%add3A_72, %dma_start3A_91] : memref<40x128xi32, #tpu.memory_space<vmem>> -> memref<1x128xi32, #tpu.memory_space<vmem>>
        %dma_start3A_93 = tpu.memref_squeeze %dma_start3A_92 : memref<1x128xi32, #tpu.memory_space<vmem>> -> memref<128xi32, #tpu.memory_space<vmem>>
        %dma_start3A_94 = arith.constant 0 : i32
        %dma_start3A_95 = arith.constant 0 : i32
        %dma_start3A_96 = tpu.memref_slice %arg6[%dma_start3A_94, %dma_start3A_95] : memref<10240x128xf32, #tpu.memory_space<vmem_shared>> -> memref<10240x128xf32, #tpu.memory_space<vmem_shared>>
        tpu.enqueue_indirect_dma source(%arg9 : memref<128x128xf32, #tpu.memory_space<vmem>>) target(%dma_start3A_96 : memref<10240x128xf32, #tpu.memory_space<vmem_shared>>) offsets(%dma_start3A_93 : memref<128xi32, #tpu.memory_space<vmem>>) semaphore(%arg13 : memref<!tpu.dma_semaphore, #tpu.memory_space<semaphore_mem>>) {add = true}
        %mul3A_97 = arith.constant 2 : i32
        %mul3A_98 = arith.muli %scan3A_68, %mul3A_97 : i32
        %add3A_99 = arith.constant 1 : i32
        %add3A_100 = arith.addi %mul3A_98, %add3A_99 : i32
        %dma_wait3A_101 = arith.constant 0 : i32
        %dma_wait3A_102 = tpu.memref_slice %arg7[%add3A_100, %dma_wait3A_101] : memref<40x128xi32, #tpu.memory_space<vmem>> -> memref<1x128xi32, #tpu.memory_space<vmem>>
        %dma_wait3A_103 = tpu.memref_squeeze %dma_wait3A_102 : memref<1x128xi32, #tpu.memory_space<vmem>> -> memref<128xi32, #tpu.memory_space<vmem>>
        %dma_wait3A_104 = arith.constant 0 : i32
        %dma_wait3A_105 = arith.constant 0 : i32
        %dma_wait3A_106 = tpu.memref_slice %arg2[%dma_wait3A_104, %dma_wait3A_105] : memref<10240x128xf32, #tpu.memory_space<hbm>> -> memref<10240x128xf32, #tpu.memory_space<hbm>>
        tpu.wait_indirect_dma semaphore(%arg12 : memref<!tpu.dma_semaphore, #tpu.memory_space<semaphore_mem>>) src(%dma_wait3A_106 : memref<10240x128xf32, #tpu.memory_space<hbm>>) dst(%arg10 : memref<128x128xf32, #tpu.memory_space<vmem>>)
        %add3A_107 = arith.constant 1 : i32
        %add3A_108 = arith.addi %add3A_100, %add3A_107 : i32
        %lt3A_109 = arith.constant 40 : i32
        %lt3A_110 = arith.cmpi slt, %add3A_108, %lt3A_109 : i32
        %gt3A_111 = arith.constant 0 : i32
        %gt3A_112 = arith.cmpi sgt, %add3A_100, %gt3A_111 : i32
        %and3A_113 = arith.andi %lt3A_110, %gt3A_112 : i1
        %convert_element_type3A_114 = arith.extui %and3A_113 : i1 to i32
        %cond3A_115 = arith.constant 0 : i32
        %cond3A_116 = arith.cmpi ne, %convert_element_type3A_114, %cond3A_115 : i32
        scf.if %cond3A_116 {
          %dma_wait3A_130 = arith.constant 0 : i32
          %dma_wait3A_131 = tpu.memref_slice %arg8[%add3A_100, %dma_wait3A_130] : memref<40x128xi32, #tpu.memory_space<vmem>> -> memref<1x128xi32, #tpu.memory_space<vmem>>
          %dma_wait3A_132 = tpu.memref_squeeze %dma_wait3A_131 : memref<1x128xi32, #tpu.memory_space<vmem>> -> memref<128xi32, #tpu.memory_space<vmem>>
          %dma_wait3A_133 = arith.constant 0 : i32
          %dma_wait3A_134 = arith.constant 0 : i32
          %dma_wait3A_135 = tpu.memref_slice %arg6[%dma_wait3A_133, %dma_wait3A_134] : memref<10240x128xf32, #tpu.memory_space<vmem_shared>> -> memref<10240x128xf32, #tpu.memory_space<vmem_shared>>
          tpu.wait_indirect_dma semaphore(%arg13 : memref<!tpu.dma_semaphore, #tpu.memory_space<semaphore_mem>>) src(%arg9 : memref<128x128xf32, #tpu.memory_space<vmem>>) dst(%dma_wait3A_135 : memref<10240x128xf32, #tpu.memory_space<vmem_shared>>)
        } else {
        }
        %add3A_117 = arith.constant 1 : i32
        %add3A_118 = arith.addi %add3A_100, %add3A_117 : i32
        %lt3A_119 = arith.constant 40 : i32
        %lt3A_120 = arith.cmpi slt, %add3A_118, %lt3A_119 : i32
        %convert_element_type3A_121 = arith.extui %lt3A_120 : i1 to i32
        %cond3A_122 = arith.constant 0 : i32
        %cond3A_123 = arith.cmpi ne, %convert_element_type3A_121, %cond3A_122 : i32
        scf.if %cond3A_123 {
          %add3A_130 = arith.constant 1 : i32
          %add3A_131 = arith.addi %add3A_100, %add3A_130 : i32
          %dma_start3A_132 = arith.constant 0 : i32
          %dma_start3A_133 = tpu.memref_slice %arg7[%add3A_131, %dma_start3A_132] : memref<40x128xi32, #tpu.memory_space<vmem>> -> memref<1x128xi32, #tpu.memory_space<vmem>>
          %dma_start3A_134 = tpu.memref_squeeze %dma_start3A_133 : memref<1x128xi32, #tpu.memory_space<vmem>> -> memref<128xi32, #tpu.memory_space<vmem>>
          %dma_start3A_135 = arith.constant 0 : i32
          %dma_start3A_136 = arith.constant 0 : i32
          %dma_start3A_137 = tpu.memref_slice %arg2[%dma_start3A_135, %dma_start3A_136] : memref<10240x128xf32, #tpu.memory_space<hbm>> -> memref<10240x128xf32, #tpu.memory_space<hbm>>
          tpu.enqueue_indirect_dma source(%dma_start3A_137 : memref<10240x128xf32, #tpu.memory_space<hbm>>) target(%arg9 : memref<128x128xf32, #tpu.memory_space<vmem>>) offsets(%dma_start3A_134 : memref<128xi32, #tpu.memory_space<vmem>>) semaphore(%arg11 : memref<!tpu.dma_semaphore, #tpu.memory_space<semaphore_mem>>)
        } else {
        }
        %dma_start3A_124 = arith.constant 0 : i32
        %dma_start3A_125 = tpu.memref_slice %arg8[%add3A_100, %dma_start3A_124] : memref<40x128xi32, #tpu.memory_space<vmem>> -> memref<1x128xi32, #tpu.memory_space<vmem>>
        %dma_start3A_126 = tpu.memref_squeeze %dma_start3A_125 : memref<1x128xi32, #tpu.memory_space<vmem>> -> memref<128xi32, #tpu.memory_space<vmem>>
        %dma_start3A_127 = arith.constant 0 : i32
        %dma_start3A_128 = arith.constant 0 : i32
        %dma_start3A_129 = tpu.memref_slice %arg6[%dma_start3A_127, %dma_start3A_128] : memref<10240x128xf32, #tpu.memory_space<vmem_shared>> -> memref<10240x128xf32, #tpu.memory_space<vmem_shared>>
        tpu.enqueue_indirect_dma source(%arg10 : memref<128x128xf32, #tpu.memory_space<vmem>>) target(%dma_start3A_129 : memref<10240x128xf32, #tpu.memory_space<vmem_shared>>) offsets(%dma_start3A_126 : memref<128xi32, #tpu.memory_space<vmem>>) semaphore(%arg14 : memref<!tpu.dma_semaphore, #tpu.memory_space<semaphore_mem>>) {add = true}
      }
      %scan3A_54 = arith.constant 20 : i32
      %dma_wait3A = arith.constant 0 : i32
      %dma_wait3A_55 = arith.constant 0 : i32
      %dma_wait3A_56 = tpu.memref_slice %arg8[%dma_wait3A, %dma_wait3A_55] : memref<40x128xi32, #tpu.memory_space<vmem>> -> memref<1x128xi32, #tpu.memory_space<vmem>>
      %dma_wait3A_57 = tpu.memref_squeeze %dma_wait3A_56 : memref<1x128xi32, #tpu.memory_space<vmem>> -> memref<128xi32, #tpu.memory_space<vmem>>
      %dma_wait3A_58 = arith.constant 0 : i32
      %dma_wait3A_59 = arith.constant 0 : i32
      %dma_wait3A_60 = tpu.memref_slice %arg6[%dma_wait3A_58, %dma_wait3A_59] : memref<10240x128xf32, #tpu.memory_space<vmem_shared>> -> memref<10240x128xf32, #tpu.memory_space<vmem_shared>>
      tpu.wait_indirect_dma semaphore(%arg13 : memref<!tpu.dma_semaphore, #tpu.memory_space<semaphore_mem>>) src(%arg9 : memref<128x128xf32, #tpu.memory_space<vmem>>) dst(%dma_wait3A_60 : memref<10240x128xf32, #tpu.memory_space<vmem_shared>>)
      %dma_wait3A_61 = arith.constant 0 : i32
      %dma_wait3A_62 = arith.constant 0 : i32
      %dma_wait3A_63 = tpu.memref_slice %arg8[%dma_wait3A_61, %dma_wait3A_62] : memref<40x128xi32, #tpu.memory_space<vmem>> -> memref<1x128xi32, #tpu.memory_space<vmem>>
      %dma_wait3A_64 = tpu.memref_squeeze %dma_wait3A_63 : memref<1x128xi32, #tpu.memory_space<vmem>> -> memref<128xi32, #tpu.memory_space<vmem>>
      %dma_wait3A_65 = arith.constant 0 : i32
      %dma_wait3A_66 = arith.constant 0 : i32
      %dma_wait3A_67 = tpu.memref_slice %arg6[%dma_wait3A_65, %dma_wait3A_66] : memref<10240x128xf32, #tpu.memory_space<vmem_shared>> -> memref<10240x128xf32, #tpu.memory_space<vmem_shared>>
      tpu.wait_indirect_dma semaphore(%arg14 : memref<!tpu.dma_semaphore, #tpu.memory_space<semaphore_mem>>) src(%arg10 : memref<128x128xf32, #tpu.memory_space<vmem>>) dst(%dma_wait3A_67 : memref<10240x128xf32, #tpu.memory_space<vmem_shared>>)
    }
    %scan3A_28 = arith.constant 2 : i32
    %barrier3A_29 = arith.constant 0 : index
    tpu.barrier barrier_id(%barrier3A_29)
    %mul3A_30 = arith.constant 640 : i32
    %mul3A_31 = arith.muli %arg1, %mul3A_30 : i32
    %mul3A_32 = arith.constant 640 : i32
    %mul3A_33 = arith.muli %arg1, %mul3A_32 : i32
    "tpu.region"() ({
      %run_scoped3A = tpu.sem_alloc : memref<!tpu.dma_semaphore, #tpu.memory_space<semaphore_mem>>
      %dma_start3A = arith.constant 0 : i32
      %dma_start3A_34 = tpu.memref_slice %arg5[%arg0, %mul3A_33, %dma_start3A] : memref<2x10240x128xf32, #tpu.memory_space<hbm>> -> memref<1x640x128xf32, #tpu.memory_space<hbm>>
      %dma_start3A_35 = tpu.memref_squeeze %dma_start3A_34 : memref<1x640x128xf32, #tpu.memory_space<hbm>> -> memref<640x128xf32, #tpu.memory_space<hbm>>
      %dma_start3A_36 = arith.constant 0 : i32
      %dma_start3A_37 = tpu.memref_slice %arg6[%mul3A_31, %dma_start3A_36] : memref<10240x128xf32, #tpu.memory_space<vmem_shared>> -> memref<640x128xf32, #tpu.memory_space<vmem_shared>>
      tpu.enqueue_dma source(%dma_start3A_37 : memref<640x128xf32, #tpu.memory_space<vmem_shared>>) target(%dma_start3A_35 : memref<640x128xf32, #tpu.memory_space<hbm>>) target_semaphore(%run_scoped3A : memref<!tpu.dma_semaphore, #tpu.memory_space<semaphore_mem>>)
      %dma_wait3A = arith.constant 0 : i32
      %dma_wait3A_38 = tpu.memref_slice %arg5[%arg0, %mul3A_33, %dma_wait3A] : memref<2x10240x128xf32, #tpu.memory_space<hbm>> -> memref<1x640x128xf32, #tpu.memory_space<hbm>>
      %dma_wait3A_39 = tpu.memref_squeeze %dma_wait3A_38 : memref<1x640x128xf32, #tpu.memory_space<hbm>> -> memref<640x128xf32, #tpu.memory_space<hbm>>
      %dma_wait3A_40 = arith.constant 0 : i32
      %dma_wait3A_41 = tpu.memref_slice %arg6[%mul3A_31, %dma_wait3A_40] : memref<10240x128xf32, #tpu.memory_space<vmem_shared>> -> memref<640x128xf32, #tpu.memory_space<vmem_shared>>
      tpu.wait_dma2 semaphore(%run_scoped3A : memref<!tpu.dma_semaphore, #tpu.memory_space<semaphore_mem>>) src(%dma_wait3A_41 : memref<640x128xf32, #tpu.memory_space<vmem_shared>>) dst(%dma_wait3A_39 : memref<640x128xf32, #tpu.memory_space<hbm>>)
      tpu.yield
    }) : () -> ()
    return
  }
}

#map = affine_map<(d0, d1) -> (0, 0)>
#map1 = affine_map<(d0, d1) -> (0, 0, 0)>
module attributes {stable_mosaic.version = 14 : i64} {
  func.func @_sc_degree(%arg0: i32, %arg1: i32, %arg2: memref<2560x128xi32, #tpu.memory_space<hbm>>, %arg3: memref<2x10240x128xf32, #tpu.memory_space<hbm>>, %arg4: memref<10240x128xf32, #tpu.memory_space<vmem_shared>>, %arg5: memref<80x128xi32, #tpu.memory_space<vmem>>, %arg6: memref<128x128xf32, #tpu.memory_space<vmem>>, %arg7: memref<!tpu.dma_semaphore, #tpu.memory_space<semaphore_mem>>, %arg8: memref<!tpu.dma_semaphore, #tpu.memory_space<semaphore_mem>>, %arg9: memref<!tpu.dma_semaphore, #tpu.memory_space<semaphore_mem>>, %arg10: memref<!tpu.dma_semaphore, #tpu.memory_space<semaphore_mem>>) attributes {dimension_semantics = [#tpu.dimension_semantics<core_parallel>, #tpu.dimension_semantics<subcore_parallel>], iteration_bounds = array<i64: 2, 16>, scalar_prefetch = 0 : i64, scratch_operands = 7 : i64, tpu.core_type = #tpu.core_type<sc_vector_subcore>, window_params = [{transform_indices = #map}, {transform_indices = #map1}]} {
    %scan3A = arith.constant 0 : i32
    %scan3A_0 = arith.constant 0 : i32
    %scan3A_1 = arith.constant 128 : i32
    %scan3A_2 = arith.addi %scan3A_0, %scan3A_1 : i32
    %scan3A_3 = arith.constant 1 : i32
    scf.for %scan3A_65 = %scan3A_0 to %scan3A_2 step %scan3A_3  : i32 {
      %broadcast_in_dim3A = arith.constant 0.000000e+00 : f32
      %broadcast_in_dim3A_66 = vector.broadcast %broadcast_in_dim3A : f32 to vector<16xf32>
      %swap3A = arith.index_cast %scan3A_65 : i32 to index
      %swap3A_67 = arith.constant 0 : index
      %swap3A_68 = tpu.vector_load %arg6[%swap3A, %swap3A_67] {strides = array<i32>} : memref<128x128xf32, #tpu.memory_space<vmem>>, vector<1x16xf32>,
      %swap3A_69 = vector.shape_cast %swap3A_68 : vector<1x16xf32> to vector<16xf32>
      %swap3A_70 = vector.shape_cast %broadcast_in_dim3A_66 : vector<16xf32> to vector<1x16xf32>
      tpu.vector_store %arg6[%swap3A, %swap3A_67], %swap3A_70 {strides = array<i32>} : memref<128x128xf32, #tpu.memory_space<vmem>>, vector<1x16xf32>,
      %broadcast_in_dim3A_71 = arith.constant 0.000000e+00 : f32
      %broadcast_in_dim3A_72 = vector.broadcast %broadcast_in_dim3A_71 : f32 to vector<16xf32>
      %swap3A_73 = arith.index_cast %scan3A_65 : i32 to index
      %swap3A_74 = arith.constant 16 : index
      %swap3A_75 = tpu.vector_load %arg6[%swap3A_73, %swap3A_74] {strides = array<i32>} : memref<128x128xf32, #tpu.memory_space<vmem>>, vector<1x16xf32>,
      %swap3A_76 = vector.shape_cast %swap3A_75 : vector<1x16xf32> to vector<16xf32>
      %swap3A_77 = vector.shape_cast %broadcast_in_dim3A_72 : vector<16xf32> to vector<1x16xf32>
      tpu.vector_store %arg6[%swap3A_73, %swap3A_74], %swap3A_77 {strides = array<i32>} : memref<128x128xf32, #tpu.memory_space<vmem>>, vector<1x16xf32>,
      %broadcast_in_dim3A_78 = arith.constant 0.000000e+00 : f32
      %broadcast_in_dim3A_79 = vector.broadcast %broadcast_in_dim3A_78 : f32 to vector<16xf32>
      %swap3A_80 = arith.index_cast %scan3A_65 : i32 to index
      %swap3A_81 = arith.constant 32 : index
      %swap3A_82 = tpu.vector_load %arg6[%swap3A_80, %swap3A_81] {strides = array<i32>} : memref<128x128xf32, #tpu.memory_space<vmem>>, vector<1x16xf32>,
      %swap3A_83 = vector.shape_cast %swap3A_82 : vector<1x16xf32> to vector<16xf32>
      %swap3A_84 = vector.shape_cast %broadcast_in_dim3A_79 : vector<16xf32> to vector<1x16xf32>
      tpu.vector_store %arg6[%swap3A_80, %swap3A_81], %swap3A_84 {strides = array<i32>} : memref<128x128xf32, #tpu.memory_space<vmem>>, vector<1x16xf32>,
      %broadcast_in_dim3A_85 = arith.constant 0.000000e+00 : f32
      %broadcast_in_dim3A_86 = vector.broadcast %broadcast_in_dim3A_85 : f32 to vector<16xf32>
      %swap3A_87 = arith.index_cast %scan3A_65 : i32 to index
      %swap3A_88 = arith.constant 48 : index
      %swap3A_89 = tpu.vector_load %arg6[%swap3A_87, %swap3A_88] {strides = array<i32>} : memref<128x128xf32, #tpu.memory_space<vmem>>, vector<1x16xf32>,
      %swap3A_90 = vector.shape_cast %swap3A_89 : vector<1x16xf32> to vector<16xf32>
      %swap3A_91 = vector.shape_cast %broadcast_in_dim3A_86 : vector<16xf32> to vector<1x16xf32>
      tpu.vector_store %arg6[%swap3A_87, %swap3A_88], %swap3A_91 {strides = array<i32>} : memref<128x128xf32, #tpu.memory_space<vmem>>, vector<1x16xf32>,
      %broadcast_in_dim3A_92 = arith.constant 0.000000e+00 : f32
      %broadcast_in_dim3A_93 = vector.broadcast %broadcast_in_dim3A_92 : f32 to vector<16xf32>
      %swap3A_94 = arith.index_cast %scan3A_65 : i32 to index
      %swap3A_95 = arith.constant 64 : index
      %swap3A_96 = tpu.vector_load %arg6[%swap3A_94, %swap3A_95] {strides = array<i32>} : memref<128x128xf32, #tpu.memory_space<vmem>>, vector<1x16xf32>,
      %swap3A_97 = vector.shape_cast %swap3A_96 : vector<1x16xf32> to vector<16xf32>
      %swap3A_98 = vector.shape_cast %broadcast_in_dim3A_93 : vector<16xf32> to vector<1x16xf32>
      tpu.vector_store %arg6[%swap3A_94, %swap3A_95], %swap3A_98 {strides = array<i32>} : memref<128x128xf32, #tpu.memory_space<vmem>>, vector<1x16xf32>,
      %broadcast_in_dim3A_99 = arith.constant 0.000000e+00 : f32
      %broadcast_in_dim3A_100 = vector.broadcast %broadcast_in_dim3A_99 : f32 to vector<16xf32>
      %swap3A_101 = arith.index_cast %scan3A_65 : i32 to index
      %swap3A_102 = arith.constant 80 : index
      %swap3A_103 = tpu.vector_load %arg6[%swap3A_101, %swap3A_102] {strides = array<i32>} : memref<128x128xf32, #tpu.memory_space<vmem>>, vector<1x16xf32>,
      %swap3A_104 = vector.shape_cast %swap3A_103 : vector<1x16xf32> to vector<16xf32>
      %swap3A_105 = vector.shape_cast %broadcast_in_dim3A_100 : vector<16xf32> to vector<1x16xf32>
      tpu.vector_store %arg6[%swap3A_101, %swap3A_102], %swap3A_105 {strides = array<i32>} : memref<128x128xf32, #tpu.memory_space<vmem>>, vector<1x16xf32>,
      %broadcast_in_dim3A_106 = arith.constant 0.000000e+00 : f32
      %broadcast_in_dim3A_107 = vector.broadcast %broadcast_in_dim3A_106 : f32 to vector<16xf32>
      %swap3A_108 = arith.index_cast %scan3A_65 : i32 to index
      %swap3A_109 = arith.constant 96 : index
      %swap3A_110 = tpu.vector_load %arg6[%swap3A_108, %swap3A_109] {strides = array<i32>} : memref<128x128xf32, #tpu.memory_space<vmem>>, vector<1x16xf32>,
      %swap3A_111 = vector.shape_cast %swap3A_110 : vector<1x16xf32> to vector<16xf32>
      %swap3A_112 = vector.shape_cast %broadcast_in_dim3A_107 : vector<16xf32> to vector<1x16xf32>
      tpu.vector_store %arg6[%swap3A_108, %swap3A_109], %swap3A_112 {strides = array<i32>} : memref<128x128xf32, #tpu.memory_space<vmem>>, vector<1x16xf32>,
      %broadcast_in_dim3A_113 = arith.constant 0.000000e+00 : f32
      %broadcast_in_dim3A_114 = vector.broadcast %broadcast_in_dim3A_113 : f32 to vector<16xf32>
      %swap3A_115 = arith.index_cast %scan3A_65 : i32 to index
      %swap3A_116 = arith.constant 112 : index
      %swap3A_117 = tpu.vector_load %arg6[%swap3A_115, %swap3A_116] {strides = array<i32>} : memref<128x128xf32, #tpu.memory_space<vmem>>, vector<1x16xf32>,
      %swap3A_118 = vector.shape_cast %swap3A_117 : vector<1x16xf32> to vector<16xf32>
      %swap3A_119 = vector.shape_cast %broadcast_in_dim3A_114 : vector<16xf32> to vector<1x16xf32>
      tpu.vector_store %arg6[%swap3A_115, %swap3A_116], %swap3A_119 {strides = array<i32>} : memref<128x128xf32, #tpu.memory_space<vmem>>, vector<1x16xf32>,
    }
    %scan3A_4 = arith.constant 128 : i32
    %mul3A = arith.constant 640 : i32
    %mul3A_5 = arith.muli %arg1, %mul3A : i32
    %add3A = arith.constant 0 : i32
    %add3A_6 = arith.addi %mul3A_5, %add3A : i32
    "tpu.region"() ({
      %run_scoped3A = tpu.sem_alloc : memref<!tpu.dma_semaphore, #tpu.memory_space<semaphore_mem>>
      %dma_start3A_65 = arith.constant 0 : i32
      %dma_start3A_66 = tpu.memref_slice %arg4[%add3A_6, %dma_start3A_65] : memref<10240x128xf32, #tpu.memory_space<vmem_shared>> -> memref<128x128xf32, #tpu.memory_space<vmem_shared>>
      %dma_start3A_67 = arith.constant 0 : i32
      %dma_start3A_68 = tpu.memref_slice %arg4[%add3A_6, %dma_start3A_67] : memref<10240x128xf32, #tpu.memory_space<vmem_shared>> -> memref<128x128xf32, #tpu.memory_space<vmem_shared>>
      tpu.enqueue_dma source(%arg6 : memref<128x128xf32, #tpu.memory_space<vmem>>) target(%dma_start3A_68 : memref<128x128xf32, #tpu.memory_space<vmem_shared>>) target_semaphore(%run_scoped3A : memref<!tpu.dma_semaphore, #tpu.memory_space<semaphore_mem>>)
      %dma_wait3A = arith.constant 0 : i32
      %dma_wait3A_69 = tpu.memref_slice %arg4[%add3A_6, %dma_wait3A] : memref<10240x128xf32, #tpu.memory_space<vmem_shared>> -> memref<128x128xf32, #tpu.memory_space<vmem_shared>>
      %dma_wait3A_70 = arith.constant 0 : i32
      %dma_wait3A_71 = tpu.memref_slice %arg4[%add3A_6, %dma_wait3A_70] : memref<10240x128xf32, #tpu.memory_space<vmem_shared>> -> memref<128x128xf32, #tpu.memory_space<vmem_shared>>
      tpu.wait_dma2 semaphore(%run_scoped3A : memref<!tpu.dma_semaphore, #tpu.memory_space<semaphore_mem>>) src(%arg6 : memref<128x128xf32, #tpu.memory_space<vmem>>) dst(%dma_wait3A_71 : memref<128x128xf32, #tpu.memory_space<vmem_shared>>)
      tpu.yield
    }) : () -> ()
    %mul3A_7 = arith.constant 640 : i32
    %mul3A_8 = arith.muli %arg1, %mul3A_7 : i32
    %add3A_9 = arith.constant 128 : i32
    %add3A_10 = arith.addi %mul3A_8, %add3A_9 : i32
    "tpu.region"() ({
      %run_scoped3A = tpu.sem_alloc : memref<!tpu.dma_semaphore, #tpu.memory_space<semaphore_mem>>
      %dma_start3A_65 = arith.constant 0 : i32
      %dma_start3A_66 = tpu.memref_slice %arg4[%add3A_10, %dma_start3A_65] : memref<10240x128xf32, #tpu.memory_space<vmem_shared>> -> memref<128x128xf32, #tpu.memory_space<vmem_shared>>
      %dma_start3A_67 = arith.constant 0 : i32
      %dma_start3A_68 = tpu.memref_slice %arg4[%add3A_10, %dma_start3A_67] : memref<10240x128xf32, #tpu.memory_space<vmem_shared>> -> memref<128x128xf32, #tpu.memory_space<vmem_shared>>
      tpu.enqueue_dma source(%arg6 : memref<128x128xf32, #tpu.memory_space<vmem>>) target(%dma_start3A_68 : memref<128x128xf32, #tpu.memory_space<vmem_shared>>) target_semaphore(%run_scoped3A : memref<!tpu.dma_semaphore, #tpu.memory_space<semaphore_mem>>)
      %dma_wait3A = arith.constant 0 : i32
      %dma_wait3A_69 = tpu.memref_slice %arg4[%add3A_10, %dma_wait3A] : memref<10240x128xf32, #tpu.memory_space<vmem_shared>> -> memref<128x128xf32, #tpu.memory_space<vmem_shared>>
      %dma_wait3A_70 = arith.constant 0 : i32
      %dma_wait3A_71 = tpu.memref_slice %arg4[%add3A_10, %dma_wait3A_70] : memref<10240x128xf32, #tpu.memory_space<vmem_shared>> -> memref<128x128xf32, #tpu.memory_space<vmem_shared>>
      tpu.wait_dma2 semaphore(%run_scoped3A : memref<!tpu.dma_semaphore, #tpu.memory_space<semaphore_mem>>) src(%arg6 : memref<128x128xf32, #tpu.memory_space<vmem>>) dst(%dma_wait3A_71 : memref<128x128xf32, #tpu.memory_space<vmem_shared>>)
      tpu.yield
    }) : () -> ()
    %mul3A_11 = arith.constant 640 : i32
    %mul3A_12 = arith.muli %arg1, %mul3A_11 : i32
    %add3A_13 = arith.constant 256 : i32
    %add3A_14 = arith.addi %mul3A_12, %add3A_13 : i32
    "tpu.region"() ({
      %run_scoped3A = tpu.sem_alloc : memref<!tpu.dma_semaphore, #tpu.memory_space<semaphore_mem>>
      %dma_start3A_65 = arith.constant 0 : i32
      %dma_start3A_66 = tpu.memref_slice %arg4[%add3A_14, %dma_start3A_65] : memref<10240x128xf32, #tpu.memory_space<vmem_shared>> -> memref<128x128xf32, #tpu.memory_space<vmem_shared>>
      %dma_start3A_67 = arith.constant 0 : i32
      %dma_start3A_68 = tpu.memref_slice %arg4[%add3A_14, %dma_start3A_67] : memref<10240x128xf32, #tpu.memory_space<vmem_shared>> -> memref<128x128xf32, #tpu.memory_space<vmem_shared>>
      tpu.enqueue_dma source(%arg6 : memref<128x128xf32, #tpu.memory_space<vmem>>) target(%dma_start3A_68 : memref<128x128xf32, #tpu.memory_space<vmem_shared>>) target_semaphore(%run_scoped3A : memref<!tpu.dma_semaphore, #tpu.memory_space<semaphore_mem>>)
      %dma_wait3A = arith.constant 0 : i32
      %dma_wait3A_69 = tpu.memref_slice %arg4[%add3A_14, %dma_wait3A] : memref<10240x128xf32, #tpu.memory_space<vmem_shared>> -> memref<128x128xf32, #tpu.memory_space<vmem_shared>>
      %dma_wait3A_70 = arith.constant 0 : i32
      %dma_wait3A_71 = tpu.memref_slice %arg4[%add3A_14, %dma_wait3A_70] : memref<10240x128xf32, #tpu.memory_space<vmem_shared>> -> memref<128x128xf32, #tpu.memory_space<vmem_shared>>
      tpu.wait_dma2 semaphore(%run_scoped3A : memref<!tpu.dma_semaphore, #tpu.memory_space<semaphore_mem>>) src(%arg6 : memref<128x128xf32, #tpu.memory_space<vmem>>) dst(%dma_wait3A_71 : memref<128x128xf32, #tpu.memory_space<vmem_shared>>)
      tpu.yield
    }) : () -> ()
    %mul3A_15 = arith.constant 640 : i32
    %mul3A_16 = arith.muli %arg1, %mul3A_15 : i32
    %add3A_17 = arith.constant 384 : i32
    %add3A_18 = arith.addi %mul3A_16, %add3A_17 : i32
    "tpu.region"() ({
      %run_scoped3A = tpu.sem_alloc : memref<!tpu.dma_semaphore, #tpu.memory_space<semaphore_mem>>
      %dma_start3A_65 = arith.constant 0 : i32
      %dma_start3A_66 = tpu.memref_slice %arg4[%add3A_18, %dma_start3A_65] : memref<10240x128xf32, #tpu.memory_space<vmem_shared>> -> memref<128x128xf32, #tpu.memory_space<vmem_shared>>
      %dma_start3A_67 = arith.constant 0 : i32
      %dma_start3A_68 = tpu.memref_slice %arg4[%add3A_18, %dma_start3A_67] : memref<10240x128xf32, #tpu.memory_space<vmem_shared>> -> memref<128x128xf32, #tpu.memory_space<vmem_shared>>
      tpu.enqueue_dma source(%arg6 : memref<128x128xf32, #tpu.memory_space<vmem>>) target(%dma_start3A_68 : memref<128x128xf32, #tpu.memory_space<vmem_shared>>) target_semaphore(%run_scoped3A : memref<!tpu.dma_semaphore, #tpu.memory_space<semaphore_mem>>)
      %dma_wait3A = arith.constant 0 : i32
      %dma_wait3A_69 = tpu.memref_slice %arg4[%add3A_18, %dma_wait3A] : memref<10240x128xf32, #tpu.memory_space<vmem_shared>> -> memref<128x128xf32, #tpu.memory_space<vmem_shared>>
      %dma_wait3A_70 = arith.constant 0 : i32
      %dma_wait3A_71 = tpu.memref_slice %arg4[%add3A_18, %dma_wait3A_70] : memref<10240x128xf32, #tpu.memory_space<vmem_shared>> -> memref<128x128xf32, #tpu.memory_space<vmem_shared>>
      tpu.wait_dma2 semaphore(%run_scoped3A : memref<!tpu.dma_semaphore, #tpu.memory_space<semaphore_mem>>) src(%arg6 : memref<128x128xf32, #tpu.memory_space<vmem>>) dst(%dma_wait3A_71 : memref<128x128xf32, #tpu.memory_space<vmem_shared>>)
      tpu.yield
    }) : () -> ()
    %mul3A_19 = arith.constant 640 : i32
    %mul3A_20 = arith.muli %arg1, %mul3A_19 : i32
    %add3A_21 = arith.constant 512 : i32
    %add3A_22 = arith.addi %mul3A_20, %add3A_21 : i32
    "tpu.region"() ({
      %run_scoped3A = tpu.sem_alloc : memref<!tpu.dma_semaphore, #tpu.memory_space<semaphore_mem>>
      %dma_start3A_65 = arith.constant 0 : i32
      %dma_start3A_66 = tpu.memref_slice %arg4[%add3A_22, %dma_start3A_65] : memref<10240x128xf32, #tpu.memory_space<vmem_shared>> -> memref<128x128xf32, #tpu.memory_space<vmem_shared>>
      %dma_start3A_67 = arith.constant 0 : i32
      %dma_start3A_68 = tpu.memref_slice %arg4[%add3A_22, %dma_start3A_67] : memref<10240x128xf32, #tpu.memory_space<vmem_shared>> -> memref<128x128xf32, #tpu.memory_space<vmem_shared>>
      tpu.enqueue_dma source(%arg6 : memref<128x128xf32, #tpu.memory_space<vmem>>) target(%dma_start3A_68 : memref<128x128xf32, #tpu.memory_space<vmem_shared>>) target_semaphore(%run_scoped3A : memref<!tpu.dma_semaphore, #tpu.memory_space<semaphore_mem>>)
      %dma_wait3A = arith.constant 0 : i32
      %dma_wait3A_69 = tpu.memref_slice %arg4[%add3A_22, %dma_wait3A] : memref<10240x128xf32, #tpu.memory_space<vmem_shared>> -> memref<128x128xf32, #tpu.memory_space<vmem_shared>>
      %dma_wait3A_70 = arith.constant 0 : i32
      %dma_wait3A_71 = tpu.memref_slice %arg4[%add3A_22, %dma_wait3A_70] : memref<10240x128xf32, #tpu.memory_space<vmem_shared>> -> memref<128x128xf32, #tpu.memory_space<vmem_shared>>
      tpu.wait_dma2 semaphore(%run_scoped3A : memref<!tpu.dma_semaphore, #tpu.memory_space<semaphore_mem>>) src(%arg6 : memref<128x128xf32, #tpu.memory_space<vmem>>) dst(%dma_wait3A_71 : memref<128x128xf32, #tpu.memory_space<vmem_shared>>)
      tpu.yield
    }) : () -> ()
    %scan3A_23 = arith.constant 0 : i32
    %scan3A_24 = arith.constant 0 : i32
    %scan3A_25 = arith.constant 128 : i32
    %scan3A_26 = arith.addi %scan3A_24, %scan3A_25 : i32
    %scan3A_27 = arith.constant 1 : i32
    scf.for %scan3A_65 = %scan3A_24 to %scan3A_26 step %scan3A_27  : i32 {
      %broadcast_in_dim3A = arith.constant 1.000000e+00 : f32
      %broadcast_in_dim3A_66 = vector.broadcast %broadcast_in_dim3A : f32 to vector<16xf32>
      %swap3A = arith.index_cast %scan3A_65 : i32 to index
      %swap3A_67 = arith.constant 0 : index
      %swap3A_68 = tpu.vector_load %arg6[%swap3A, %swap3A_67] {strides = array<i32>} : memref<128x128xf32, #tpu.memory_space<vmem>>, vector<1x16xf32>,
      %swap3A_69 = vector.shape_cast %swap3A_68 : vector<1x16xf32> to vector<16xf32>
      %swap3A_70 = vector.shape_cast %broadcast_in_dim3A_66 : vector<16xf32> to vector<1x16xf32>
      tpu.vector_store %arg6[%swap3A, %swap3A_67], %swap3A_70 {strides = array<i32>} : memref<128x128xf32, #tpu.memory_space<vmem>>, vector<1x16xf32>,
      %broadcast_in_dim3A_71 = arith.constant 1.000000e+00 : f32
      %broadcast_in_dim3A_72 = vector.broadcast %broadcast_in_dim3A_71 : f32 to vector<16xf32>
      %swap3A_73 = arith.index_cast %scan3A_65 : i32 to index
      %swap3A_74 = arith.constant 16 : index
      %swap3A_75 = tpu.vector_load %arg6[%swap3A_73, %swap3A_74] {strides = array<i32>} : memref<128x128xf32, #tpu.memory_space<vmem>>, vector<1x16xf32>,
      %swap3A_76 = vector.shape_cast %swap3A_75 : vector<1x16xf32> to vector<16xf32>
      %swap3A_77 = vector.shape_cast %broadcast_in_dim3A_72 : vector<16xf32> to vector<1x16xf32>
      tpu.vector_store %arg6[%swap3A_73, %swap3A_74], %swap3A_77 {strides = array<i32>} : memref<128x128xf32, #tpu.memory_space<vmem>>, vector<1x16xf32>,
      %broadcast_in_dim3A_78 = arith.constant 1.000000e+00 : f32
      %broadcast_in_dim3A_79 = vector.broadcast %broadcast_in_dim3A_78 : f32 to vector<16xf32>
      %swap3A_80 = arith.index_cast %scan3A_65 : i32 to index
      %swap3A_81 = arith.constant 32 : index
      %swap3A_82 = tpu.vector_load %arg6[%swap3A_80, %swap3A_81] {strides = array<i32>} : memref<128x128xf32, #tpu.memory_space<vmem>>, vector<1x16xf32>,
      %swap3A_83 = vector.shape_cast %swap3A_82 : vector<1x16xf32> to vector<16xf32>
      %swap3A_84 = vector.shape_cast %broadcast_in_dim3A_79 : vector<16xf32> to vector<1x16xf32>
      tpu.vector_store %arg6[%swap3A_80, %swap3A_81], %swap3A_84 {strides = array<i32>} : memref<128x128xf32, #tpu.memory_space<vmem>>, vector<1x16xf32>,
      %broadcast_in_dim3A_85 = arith.constant 1.000000e+00 : f32
      %broadcast_in_dim3A_86 = vector.broadcast %broadcast_in_dim3A_85 : f32 to vector<16xf32>
      %swap3A_87 = arith.index_cast %scan3A_65 : i32 to index
      %swap3A_88 = arith.constant 48 : index
      %swap3A_89 = tpu.vector_load %arg6[%swap3A_87, %swap3A_88] {strides = array<i32>} : memref<128x128xf32, #tpu.memory_space<vmem>>, vector<1x16xf32>,
      %swap3A_90 = vector.shape_cast %swap3A_89 : vector<1x16xf32> to vector<16xf32>
      %swap3A_91 = vector.shape_cast %broadcast_in_dim3A_86 : vector<16xf32> to vector<1x16xf32>
      tpu.vector_store %arg6[%swap3A_87, %swap3A_88], %swap3A_91 {strides = array<i32>} : memref<128x128xf32, #tpu.memory_space<vmem>>, vector<1x16xf32>,
      %broadcast_in_dim3A_92 = arith.constant 1.000000e+00 : f32
      %broadcast_in_dim3A_93 = vector.broadcast %broadcast_in_dim3A_92 : f32 to vector<16xf32>
      %swap3A_94 = arith.index_cast %scan3A_65 : i32 to index
      %swap3A_95 = arith.constant 64 : index
      %swap3A_96 = tpu.vector_load %arg6[%swap3A_94, %swap3A_95] {strides = array<i32>} : memref<128x128xf32, #tpu.memory_space<vmem>>, vector<1x16xf32>,
      %swap3A_97 = vector.shape_cast %swap3A_96 : vector<1x16xf32> to vector<16xf32>
      %swap3A_98 = vector.shape_cast %broadcast_in_dim3A_93 : vector<16xf32> to vector<1x16xf32>
      tpu.vector_store %arg6[%swap3A_94, %swap3A_95], %swap3A_98 {strides = array<i32>} : memref<128x128xf32, #tpu.memory_space<vmem>>, vector<1x16xf32>,
      %broadcast_in_dim3A_99 = arith.constant 1.000000e+00 : f32
      %broadcast_in_dim3A_100 = vector.broadcast %broadcast_in_dim3A_99 : f32 to vector<16xf32>
      %swap3A_101 = arith.index_cast %scan3A_65 : i32 to index
      %swap3A_102 = arith.constant 80 : index
      %swap3A_103 = tpu.vector_load %arg6[%swap3A_101, %swap3A_102] {strides = array<i32>} : memref<128x128xf32, #tpu.memory_space<vmem>>, vector<1x16xf32>,
      %swap3A_104 = vector.shape_cast %swap3A_103 : vector<1x16xf32> to vector<16xf32>
      %swap3A_105 = vector.shape_cast %broadcast_in_dim3A_100 : vector<16xf32> to vector<1x16xf32>
      tpu.vector_store %arg6[%swap3A_101, %swap3A_102], %swap3A_105 {strides = array<i32>} : memref<128x128xf32, #tpu.memory_space<vmem>>, vector<1x16xf32>,
      %broadcast_in_dim3A_106 = arith.constant 1.000000e+00 : f32
      %broadcast_in_dim3A_107 = vector.broadcast %broadcast_in_dim3A_106 : f32 to vector<16xf32>
      %swap3A_108 = arith.index_cast %scan3A_65 : i32 to index
      %swap3A_109 = arith.constant 96 : index
      %swap3A_110 = tpu.vector_load %arg6[%swap3A_108, %swap3A_109] {strides = array<i32>} : memref<128x128xf32, #tpu.memory_space<vmem>>, vector<1x16xf32>,
      %swap3A_111 = vector.shape_cast %swap3A_110 : vector<1x16xf32> to vector<16xf32>
      %swap3A_112 = vector.shape_cast %broadcast_in_dim3A_107 : vector<16xf32> to vector<1x16xf32>
      tpu.vector_store %arg6[%swap3A_108, %swap3A_109], %swap3A_112 {strides = array<i32>} : memref<128x128xf32, #tpu.memory_space<vmem>>, vector<1x16xf32>,
      %broadcast_in_dim3A_113 = arith.constant 1.000000e+00 : f32
      %broadcast_in_dim3A_114 = vector.broadcast %broadcast_in_dim3A_113 : f32 to vector<16xf32>
      %swap3A_115 = arith.index_cast %scan3A_65 : i32 to index
      %swap3A_116 = arith.constant 112 : index
      %swap3A_117 = tpu.vector_load %arg6[%swap3A_115, %swap3A_116] {strides = array<i32>} : memref<128x128xf32, #tpu.memory_space<vmem>>, vector<1x16xf32>,
      %swap3A_118 = vector.shape_cast %swap3A_117 : vector<1x16xf32> to vector<16xf32>
      %swap3A_119 = vector.shape_cast %broadcast_in_dim3A_114 : vector<16xf32> to vector<1x16xf32>
      tpu.vector_store %arg6[%swap3A_115, %swap3A_116], %swap3A_119 {strides = array<i32>} : memref<128x128xf32, #tpu.memory_space<vmem>>, vector<1x16xf32>,
    }
    %scan3A_28 = arith.constant 128 : i32
    %mul3A_29 = arith.constant 16 : i32
    %mul3A_30 = arith.muli %arg0, %mul3A_29 : i32
    %add3A_31 = arith.addi %mul3A_30, %arg1 : i32
    %mul3A_32 = arith.constant 80 : i32
    %mul3A_33 = arith.muli %add3A_31, %mul3A_32 : i32
    "tpu.region"() ({
      %run_scoped3A = tpu.sem_alloc : memref<!tpu.dma_semaphore, #tpu.memory_space<semaphore_mem>>
      %dma_start3A_65 = arith.constant 0 : i32
      %dma_start3A_66 = tpu.memref_slice %arg2[%mul3A_33, %dma_start3A_65] : memref<2560x128xi32, #tpu.memory_space<hbm>> -> memref<80x128xi32, #tpu.memory_space<hbm>>
      %dma_start3A_67 = arith.constant 0 : i32
      %dma_start3A_68 = tpu.memref_slice %arg2[%mul3A_33, %dma_start3A_67] : memref<2560x128xi32, #tpu.memory_space<hbm>> -> memref<80x128xi32, #tpu.memory_space<hbm>>
      tpu.enqueue_dma source(%dma_start3A_68 : memref<80x128xi32, #tpu.memory_space<hbm>>) target(%arg5 : memref<80x128xi32, #tpu.memory_space<vmem>>) target_semaphore(%run_scoped3A : memref<!tpu.dma_semaphore, #tpu.memory_space<semaphore_mem>>)
      %dma_wait3A = arith.constant 0 : i32
      %dma_wait3A_69 = tpu.memref_slice %arg2[%mul3A_33, %dma_wait3A] : memref<2560x128xi32, #tpu.memory_space<hbm>> -> memref<80x128xi32, #tpu.memory_space<hbm>>
      %dma_wait3A_70 = arith.constant 0 : i32
      %dma_wait3A_71 = tpu.memref_slice %arg2[%mul3A_33, %dma_wait3A_70] : memref<2560x128xi32, #tpu.memory_space<hbm>> -> memref<80x128xi32, #tpu.memory_space<hbm>>
      tpu.wait_dma2 semaphore(%run_scoped3A : memref<!tpu.dma_semaphore, #tpu.memory_space<semaphore_mem>>) src(%dma_wait3A_71 : memref<80x128xi32, #tpu.memory_space<hbm>>) dst(%arg5 : memref<80x128xi32, #tpu.memory_space<vmem>>)
      tpu.yield
    }) : () -> ()
    %barrier3A = arith.constant 0 : index
    tpu.barrier barrier_id(%barrier3A)
    %dma_start3A = arith.constant 0 : i32
    %dma_start3A_34 = arith.constant 0 : i32
    %dma_start3A_35 = tpu.memref_slice %arg5[%dma_start3A, %dma_start3A_34] : memref<80x128xi32, #tpu.memory_space<vmem>> -> memref<1x128xi32, #tpu.memory_space<vmem>>
    %dma_start3A_36 = tpu.memref_squeeze %dma_start3A_35 : memref<1x128xi32, #tpu.memory_space<vmem>> -> memref<128xi32, #tpu.memory_space<vmem>>
    %dma_start3A_37 = arith.constant 0 : i32
    %dma_start3A_38 = arith.constant 0 : i32
    %dma_start3A_39 = tpu.memref_slice %arg4[%dma_start3A_37, %dma_start3A_38] : memref<10240x128xf32, #tpu.memory_space<vmem_shared>> -> memref<10240x128xf32, #tpu.memory_space<vmem_shared>>
    tpu.enqueue_indirect_dma source(%arg6 : memref<128x128xf32, #tpu.memory_space<vmem>>) target(%dma_start3A_39 : memref<10240x128xf32, #tpu.memory_space<vmem_shared>>) offsets(%dma_start3A_36 : memref<128xi32, #tpu.memory_space<vmem>>) semaphore(%arg7 : memref<!tpu.dma_semaphore, #tpu.memory_space<semaphore_mem>>) {add = true}
    %dma_start3A_40 = arith.constant 1 : i32
    %dma_start3A_41 = arith.constant 0 : i32
    %dma_start3A_42 = tpu.memref_slice %arg5[%dma_start3A_40, %dma_start3A_41] : memref<80x128xi32, #tpu.memory_space<vmem>> -> memref<1x128xi32, #tpu.memory_space<vmem>>
    %dma_start3A_43 = tpu.memref_squeeze %dma_start3A_42 : memref<1x128xi32, #tpu.memory_space<vmem>> -> memref<128xi32, #tpu.memory_space<vmem>>
    %dma_start3A_44 = arith.constant 0 : i32
    %dma_start3A_45 = arith.constant 0 : i32
    %dma_start3A_46 = tpu.memref_slice %arg4[%dma_start3A_44, %dma_start3A_45] : memref<10240x128xf32, #tpu.memory_space<vmem_shared>> -> memref<10240x128xf32, #tpu.memory_space<vmem_shared>>
    tpu.enqueue_indirect_dma source(%arg6 : memref<128x128xf32, #tpu.memory_space<vmem>>) target(%dma_start3A_46 : memref<10240x128xf32, #tpu.memory_space<vmem_shared>>) offsets(%dma_start3A_43 : memref<128xi32, #tpu.memory_space<vmem>>) semaphore(%arg8 : memref<!tpu.dma_semaphore, #tpu.memory_space<semaphore_mem>>) {add = true}
    %dma_start3A_47 = arith.constant 2 : i32
    %dma_start3A_48 = arith.constant 0 : i32
    %dma_start3A_49 = tpu.memref_slice %arg5[%dma_start3A_47, %dma_start3A_48] : memref<80x128xi32, #tpu.memory_space<vmem>> -> memref<1x128xi32, #tpu.memory_space<vmem>>
    %dma_start3A_50 = tpu.memref_squeeze %dma_start3A_49 : memref<1x128xi32, #tpu.memory_space<vmem>> -> memref<128xi32, #tpu.memory_space<vmem>>
    %dma_start3A_51 = arith.constant 0 : i32
    %dma_start3A_52 = arith.constant 0 : i32
    %dma_start3A_53 = tpu.memref_slice %arg4[%dma_start3A_51, %dma_start3A_52] : memref<10240x128xf32, #tpu.memory_space<vmem_shared>> -> memref<10240x128xf32, #tpu.memory_space<vmem_shared>>
    tpu.enqueue_indirect_dma source(%arg6 : memref<128x128xf32, #tpu.memory_space<vmem>>) target(%dma_start3A_53 : memref<10240x128xf32, #tpu.memory_space<vmem_shared>>) offsets(%dma_start3A_50 : memref<128xi32, #tpu.memory_space<vmem>>) semaphore(%arg9 : memref<!tpu.dma_semaphore, #tpu.memory_space<semaphore_mem>>) {add = true}
    %scan3A_54 = arith.constant 0 : i32
    %scan3A_55 = arith.constant 0 : i32
    %scan3A_56 = arith.constant 20 : i32
    %scan3A_57 = arith.addi %scan3A_55, %scan3A_56 : i32
    %scan3A_58 = arith.constant 1 : i32
    scf.for %scan3A_65 = %scan3A_55 to %scan3A_57 step %scan3A_58  : i32 {
      %mul3A_66 = arith.constant 4 : i32
      %mul3A_67 = arith.muli %scan3A_65, %mul3A_66 : i32
      %add3A_68 = arith.constant 0 : i32
      %add3A_69 = arith.addi %mul3A_67, %add3A_68 : i32
      %add3A_70 = arith.constant 3 : i32
      %add3A_71 = arith.addi %add3A_69, %add3A_70 : i32
      %lt3A = arith.constant 80 : i32
      %lt3A_72 = arith.cmpi slt, %add3A_71, %lt3A : i32
      %convert_element_type3A = arith.extui %lt3A_72 : i1 to i32
      %cond3A = arith.constant 0 : i32
      %cond3A_73 = arith.cmpi ne, %convert_element_type3A, %cond3A : i32
      scf.if %cond3A_73 {
        %add3A_130 = arith.constant 3 : i32
        %add3A_131 = arith.addi %add3A_69, %add3A_130 : i32
        %dma_start3A_132 = arith.constant 0 : i32
        %dma_start3A_133 = tpu.memref_slice %arg5[%add3A_131, %dma_start3A_132] : memref<80x128xi32, #tpu.memory_space<vmem>> -> memref<1x128xi32, #tpu.memory_space<vmem>>
        %dma_start3A_134 = tpu.memref_squeeze %dma_start3A_133 : memref<1x128xi32, #tpu.memory_space<vmem>> -> memref<128xi32, #tpu.memory_space<vmem>>
        %dma_start3A_135 = arith.constant 0 : i32
        %dma_start3A_136 = arith.constant 0 : i32
        %dma_start3A_137 = tpu.memref_slice %arg4[%dma_start3A_135, %dma_start3A_136] : memref<10240x128xf32, #tpu.memory_space<vmem_shared>> -> memref<10240x128xf32, #tpu.memory_space<vmem_shared>>
        tpu.enqueue_indirect_dma source(%arg6 : memref<128x128xf32, #tpu.memory_space<vmem>>) target(%dma_start3A_137 : memref<10240x128xf32, #tpu.memory_space<vmem_shared>>) offsets(%dma_start3A_134 : memref<128xi32, #tpu.memory_space<vmem>>) semaphore(%arg10 : memref<!tpu.dma_semaphore, #tpu.memory_space<semaphore_mem>>) {add = true}
      } else {
      }
      %dma_wait3A = arith.constant 0 : i32
      %dma_wait3A_74 = tpu.memref_slice %arg5[%add3A_69, %dma_wait3A] : memref<80x128xi32, #tpu.memory_space<vmem>> -> memref<1x128xi32, #tpu.memory_space<vmem>>
      %dma_wait3A_75 = tpu.memref_squeeze %dma_wait3A_74 : memref<1x128xi32, #tpu.memory_space<vmem>> -> memref<128xi32, #tpu.memory_space<vmem>>
      %dma_wait3A_76 = arith.constant 0 : i32
      %dma_wait3A_77 = arith.constant 0 : i32
      %dma_wait3A_78 = tpu.memref_slice %arg4[%dma_wait3A_76, %dma_wait3A_77] : memref<10240x128xf32, #tpu.memory_space<vmem_shared>> -> memref<10240x128xf32, #tpu.memory_space<vmem_shared>>
      tpu.wait_indirect_dma semaphore(%arg7 : memref<!tpu.dma_semaphore, #tpu.memory_space<semaphore_mem>>) src(%arg6 : memref<128x128xf32, #tpu.memory_space<vmem>>) dst(%dma_wait3A_78 : memref<10240x128xf32, #tpu.memory_space<vmem_shared>>)
      %mul3A_79 = arith.constant 4 : i32
      %mul3A_80 = arith.muli %scan3A_65, %mul3A_79 : i32
      %add3A_81 = arith.constant 1 : i32
      %add3A_82 = arith.addi %mul3A_80, %add3A_81 : i32
      %add3A_83 = arith.constant 3 : i32
      %add3A_84 = arith.addi %add3A_82, %add3A_83 : i32
      %lt3A_85 = arith.constant 80 : i32
      %lt3A_86 = arith.cmpi slt, %add3A_84, %lt3A_85 : i32
      %convert_element_type3A_87 = arith.extui %lt3A_86 : i1 to i32
      %cond3A_88 = arith.constant 0 : i32
      %cond3A_89 = arith.cmpi ne, %convert_element_type3A_87, %cond3A_88 : i32
      scf.if %cond3A_89 {
        %add3A_130 = arith.constant 3 : i32
        %add3A_131 = arith.addi %add3A_82, %add3A_130 : i32
        %dma_start3A_132 = arith.constant 0 : i32
        %dma_start3A_133 = tpu.memref_slice %arg5[%add3A_131, %dma_start3A_132] : memref<80x128xi32, #tpu.memory_space<vmem>> -> memref<1x128xi32, #tpu.memory_space<vmem>>
        %dma_start3A_134 = tpu.memref_squeeze %dma_start3A_133 : memref<1x128xi32, #tpu.memory_space<vmem>> -> memref<128xi32, #tpu.memory_space<vmem>>
        %dma_start3A_135 = arith.constant 0 : i32
        %dma_start3A_136 = arith.constant 0 : i32
        %dma_start3A_137 = tpu.memref_slice %arg4[%dma_start3A_135, %dma_start3A_136] : memref<10240x128xf32, #tpu.memory_space<vmem_shared>> -> memref<10240x128xf32, #tpu.memory_space<vmem_shared>>
        tpu.enqueue_indirect_dma source(%arg6 : memref<128x128xf32, #tpu.memory_space<vmem>>) target(%dma_start3A_137 : memref<10240x128xf32, #tpu.memory_space<vmem_shared>>) offsets(%dma_start3A_134 : memref<128xi32, #tpu.memory_space<vmem>>) semaphore(%arg7 : memref<!tpu.dma_semaphore, #tpu.memory_space<semaphore_mem>>) {add = true}
      } else {
      }
      %dma_wait3A_90 = arith.constant 0 : i32
      %dma_wait3A_91 = tpu.memref_slice %arg5[%add3A_82, %dma_wait3A_90] : memref<80x128xi32, #tpu.memory_space<vmem>> -> memref<1x128xi32, #tpu.memory_space<vmem>>
      %dma_wait3A_92 = tpu.memref_squeeze %dma_wait3A_91 : memref<1x128xi32, #tpu.memory_space<vmem>> -> memref<128xi32, #tpu.memory_space<vmem>>
      %dma_wait3A_93 = arith.constant 0 : i32
      %dma_wait3A_94 = arith.constant 0 : i32
      %dma_wait3A_95 = tpu.memref_slice %arg4[%dma_wait3A_93, %dma_wait3A_94] : memref<10240x128xf32, #tpu.memory_space<vmem_shared>> -> memref<10240x128xf32, #tpu.memory_space<vmem_shared>>
      tpu.wait_indirect_dma semaphore(%arg8 : memref<!tpu.dma_semaphore, #tpu.memory_space<semaphore_mem>>) src(%arg6 : memref<128x128xf32, #tpu.memory_space<vmem>>) dst(%dma_wait3A_95 : memref<10240x128xf32, #tpu.memory_space<vmem_shared>>)
      %mul3A_96 = arith.constant 4 : i32
      %mul3A_97 = arith.muli %scan3A_65, %mul3A_96 : i32
      %add3A_98 = arith.constant 2 : i32
      %add3A_99 = arith.addi %mul3A_97, %add3A_98 : i32
      %add3A_100 = arith.constant 3 : i32
      %add3A_101 = arith.addi %add3A_99, %add3A_100 : i32
      %lt3A_102 = arith.constant 80 : i32
      %lt3A_103 = arith.cmpi slt, %add3A_101, %lt3A_102 : i32
      %convert_element_type3A_104 = arith.extui %lt3A_103 : i1 to i32
      %cond3A_105 = arith.constant 0 : i32
      %cond3A_106 = arith.cmpi ne, %convert_element_type3A_104, %cond3A_105 : i32
      scf.if %cond3A_106 {
        %add3A_130 = arith.constant 3 : i32
        %add3A_131 = arith.addi %add3A_99, %add3A_130 : i32
        %dma_start3A_132 = arith.constant 0 : i32
        %dma_start3A_133 = tpu.memref_slice %arg5[%add3A_131, %dma_start3A_132] : memref<80x128xi32, #tpu.memory_space<vmem>> -> memref<1x128xi32, #tpu.memory_space<vmem>>
        %dma_start3A_134 = tpu.memref_squeeze %dma_start3A_133 : memref<1x128xi32, #tpu.memory_space<vmem>> -> memref<128xi32, #tpu.memory_space<vmem>>
        %dma_start3A_135 = arith.constant 0 : i32
        %dma_start3A_136 = arith.constant 0 : i32
        %dma_start3A_137 = tpu.memref_slice %arg4[%dma_start3A_135, %dma_start3A_136] : memref<10240x128xf32, #tpu.memory_space<vmem_shared>> -> memref<10240x128xf32, #tpu.memory_space<vmem_shared>>
        tpu.enqueue_indirect_dma source(%arg6 : memref<128x128xf32, #tpu.memory_space<vmem>>) target(%dma_start3A_137 : memref<10240x128xf32, #tpu.memory_space<vmem_shared>>) offsets(%dma_start3A_134 : memref<128xi32, #tpu.memory_space<vmem>>) semaphore(%arg8 : memref<!tpu.dma_semaphore, #tpu.memory_space<semaphore_mem>>) {add = true}
      } else {
      }
      %dma_wait3A_107 = arith.constant 0 : i32
      %dma_wait3A_108 = tpu.memref_slice %arg5[%add3A_99, %dma_wait3A_107] : memref<80x128xi32, #tpu.memory_space<vmem>> -> memref<1x128xi32, #tpu.memory_space<vmem>>
      %dma_wait3A_109 = tpu.memref_squeeze %dma_wait3A_108 : memref<1x128xi32, #tpu.memory_space<vmem>> -> memref<128xi32, #tpu.memory_space<vmem>>
      %dma_wait3A_110 = arith.constant 0 : i32
      %dma_wait3A_111 = arith.constant 0 : i32
      %dma_wait3A_112 = tpu.memref_slice %arg4[%dma_wait3A_110, %dma_wait3A_111] : memref<10240x128xf32, #tpu.memory_space<vmem_shared>> -> memref<10240x128xf32, #tpu.memory_space<vmem_shared>>
      tpu.wait_indirect_dma semaphore(%arg9 : memref<!tpu.dma_semaphore, #tpu.memory_space<semaphore_mem>>) src(%arg6 : memref<128x128xf32, #tpu.memory_space<vmem>>) dst(%dma_wait3A_112 : memref<10240x128xf32, #tpu.memory_space<vmem_shared>>)
      %mul3A_113 = arith.constant 4 : i32
      %mul3A_114 = arith.muli %scan3A_65, %mul3A_113 : i32
      %add3A_115 = arith.constant 3 : i32
      %add3A_116 = arith.addi %mul3A_114, %add3A_115 : i32
      %add3A_117 = arith.constant 3 : i32
      %add3A_118 = arith.addi %add3A_116, %add3A_117 : i32
      %lt3A_119 = arith.constant 80 : i32
      %lt3A_120 = arith.cmpi slt, %add3A_118, %lt3A_119 : i32
      %convert_element_type3A_121 = arith.extui %lt3A_120 : i1 to i32
      %cond3A_122 = arith.constant 0 : i32
      %cond3A_123 = arith.cmpi ne, %convert_element_type3A_121, %cond3A_122 : i32
      scf.if %cond3A_123 {
        %add3A_130 = arith.constant 3 : i32
        %add3A_131 = arith.addi %add3A_116, %add3A_130 : i32
        %dma_start3A_132 = arith.constant 0 : i32
        %dma_start3A_133 = tpu.memref_slice %arg5[%add3A_131, %dma_start3A_132] : memref<80x128xi32, #tpu.memory_space<vmem>> -> memref<1x128xi32, #tpu.memory_space<vmem>>
        %dma_start3A_134 = tpu.memref_squeeze %dma_start3A_133 : memref<1x128xi32, #tpu.memory_space<vmem>> -> memref<128xi32, #tpu.memory_space<vmem>>
        %dma_start3A_135 = arith.constant 0 : i32
        %dma_start3A_136 = arith.constant 0 : i32
        %dma_start3A_137 = tpu.memref_slice %arg4[%dma_start3A_135, %dma_start3A_136] : memref<10240x128xf32, #tpu.memory_space<vmem_shared>> -> memref<10240x128xf32, #tpu.memory_space<vmem_shared>>
        tpu.enqueue_indirect_dma source(%arg6 : memref<128x128xf32, #tpu.memory_space<vmem>>) target(%dma_start3A_137 : memref<10240x128xf32, #tpu.memory_space<vmem_shared>>) offsets(%dma_start3A_134 : memref<128xi32, #tpu.memory_space<vmem>>) semaphore(%arg9 : memref<!tpu.dma_semaphore, #tpu.memory_space<semaphore_mem>>) {add = true}
      } else {
      }
      %dma_wait3A_124 = arith.constant 0 : i32
      %dma_wait3A_125 = tpu.memref_slice %arg5[%add3A_116, %dma_wait3A_124] : memref<80x128xi32, #tpu.memory_space<vmem>> -> memref<1x128xi32, #tpu.memory_space<vmem>>
      %dma_wait3A_126 = tpu.memref_squeeze %dma_wait3A_125 : memref<1x128xi32, #tpu.memory_space<vmem>> -> memref<128xi32, #tpu.memory_space<vmem>>
      %dma_wait3A_127 = arith.constant 0 : i32
      %dma_wait3A_128 = arith.constant 0 : i32
      %dma_wait3A_129 = tpu.memref_slice %arg4[%dma_wait3A_127, %dma_wait3A_128] : memref<10240x128xf32, #tpu.memory_space<vmem_shared>> -> memref<10240x128xf32, #tpu.memory_space<vmem_shared>>
      tpu.wait_indirect_dma semaphore(%arg10 : memref<!tpu.dma_semaphore, #tpu.memory_space<semaphore_mem>>) src(%arg6 : memref<128x128xf32, #tpu.memory_space<vmem>>) dst(%dma_wait3A_129 : memref<10240x128xf32, #tpu.memory_space<vmem_shared>>)
    }
    %scan3A_59 = arith.constant 20 : i32
    %barrier3A_60 = arith.constant 0 : index
    tpu.barrier barrier_id(%barrier3A_60)
    %mul3A_61 = arith.constant 640 : i32
    %mul3A_62 = arith.muli %arg1, %mul3A_61 : i32
    %mul3A_63 = arith.constant 640 : i32
    %mul3A_64 = arith.muli %arg1, %mul3A_63 : i32
    "tpu.region"() ({
      %run_scoped3A = tpu.sem_alloc : memref<!tpu.dma_semaphore, #tpu.memory_space<semaphore_mem>>
      %dma_start3A_65 = arith.constant 0 : i32
      %dma_start3A_66 = tpu.memref_slice %arg3[%arg0, %mul3A_64, %dma_start3A_65] : memref<2x10240x128xf32, #tpu.memory_space<hbm>> -> memref<1x640x128xf32, #tpu.memory_space<hbm>>
      %dma_start3A_67 = tpu.memref_squeeze %dma_start3A_66 : memref<1x640x128xf32, #tpu.memory_space<hbm>> -> memref<640x128xf32, #tpu.memory_space<hbm>>
      %dma_start3A_68 = arith.constant 0 : i32
      %dma_start3A_69 = tpu.memref_slice %arg4[%mul3A_62, %dma_start3A_68] : memref<10240x128xf32, #tpu.memory_space<vmem_shared>> -> memref<640x128xf32, #tpu.memory_space<vmem_shared>>
      tpu.enqueue_dma source(%dma_start3A_69 : memref<640x128xf32, #tpu.memory_space<vmem_shared>>) target(%dma_start3A_67 : memref<640x128xf32, #tpu.memory_space<hbm>>) target_semaphore(%run_scoped3A : memref<!tpu.dma_semaphore, #tpu.memory_space<semaphore_mem>>)
      %dma_wait3A = arith.constant 0 : i32
      %dma_wait3A_70 = tpu.memref_slice %arg3[%arg0, %mul3A_64, %dma_wait3A] : memref<2x10240x128xf32, #tpu.memory_space<hbm>> -> memref<1x640x128xf32, #tpu.memory_space<hbm>>
      %dma_wait3A_71 = tpu.memref_squeeze %dma_wait3A_70 : memref<1x640x128xf32, #tpu.memory_space<hbm>> -> memref<640x128xf32, #tpu.memory_space<hbm>>
      %dma_wait3A_72 = arith.constant 0 : i32
      %dma_wait3A_73 = tpu.memref_slice %arg4[%mul3A_62, %dma_wait3A_72] : memref<10240x128xf32, #tpu.memory_space<vmem_shared>> -> memref<640x128xf32, #tpu.memory_space<vmem_shared>>
      tpu.wait_dma2 semaphore(%run_scoped3A : memref<!tpu.dma_semaphore, #tpu.memory_space<semaphore_mem>>) src(%dma_wait3A_73 : memref<640x128xf32, #tpu.memory_space<vmem_shared>>) dst(%dma_wait3A_71 : memref<640x128xf32, #tpu.memory_space<hbm>>)
      tpu.yield
    }) : () -> ()
    return
  }
}

#map = affine_map<(d0, d1) -> (0, 0)>
#map1 = affine_map<(d0, d1) -> (0, 0, 0)>
module attributes {stable_mosaic.version = 14 : i64} {
  func.func @_sc_spmm(%arg0: i32, %arg1: i32, %arg2: memref<10240x128xf32, #tpu.memory_space<hbm>>, %arg3: memref<2560x128xi32, #tpu.memory_space<hbm>>, %arg4: memref<2560x128xi32, #tpu.memory_space<hbm>>, %arg5: memref<2x10240x128xf32, #tpu.memory_space<hbm>>, %arg6: memref<10240x128xf32, #tpu.memory_space<vmem_shared>>, %arg7: memref<40x128xi32, #tpu.memory_space<vmem>>, %arg8: memref<40x128xi32, #tpu.memory_space<vmem>>, %arg9: memref<128x128xf32, #tpu.memory_space<vmem>>, %arg10: memref<128x128xf32, #tpu.memory_space<vmem>>, %arg11: memref<!tpu.dma_semaphore, #tpu.memory_space<semaphore_mem>>, %arg12: memref<!tpu.dma_semaphore, #tpu.memory_space<semaphore_mem>>, %arg13: memref<!tpu.dma_semaphore, #tpu.memory_space<semaphore_mem>>, %arg14: memref<!tpu.dma_semaphore, #tpu.memory_space<semaphore_mem>>) attributes {dimension_semantics = [#tpu.dimension_semantics<core_parallel>, #tpu.dimension_semantics<subcore_parallel>], iteration_bounds = array<i64: 2, 16>, scalar_prefetch = 0 : i64, scratch_operands = 9 : i64, tpu.core_type = #tpu.core_type<sc_vector_subcore>, window_params = [{transform_indices = #map}, {transform_indices = #map}, {transform_indices = #map}, {transform_indices = #map1}]} {
    %scan3A = arith.constant 0 : i32
    %scan3A_0 = arith.constant 0 : i32
    %scan3A_1 = arith.constant 128 : i32
    %scan3A_2 = arith.addi %scan3A_0, %scan3A_1 : i32
    %scan3A_3 = arith.constant 1 : i32
    scf.for %scan3A_34 = %scan3A_0 to %scan3A_2 step %scan3A_3  : i32 {
      %broadcast_in_dim3A = arith.constant 0.000000e+00 : f32
      %broadcast_in_dim3A_35 = vector.broadcast %broadcast_in_dim3A : f32 to vector<16xf32>
      %swap3A = arith.index_cast %scan3A_34 : i32 to index
      %swap3A_36 = arith.constant 0 : index
      %swap3A_37 = tpu.vector_load %arg9[%swap3A, %swap3A_36] {strides = array<i32>} : memref<128x128xf32, #tpu.memory_space<vmem>>, vector<1x16xf32>,
      %swap3A_38 = vector.shape_cast %swap3A_37 : vector<1x16xf32> to vector<16xf32>
      %swap3A_39 = vector.shape_cast %broadcast_in_dim3A_35 : vector<16xf32> to vector<1x16xf32>
      tpu.vector_store %arg9[%swap3A, %swap3A_36], %swap3A_39 {strides = array<i32>} : memref<128x128xf32, #tpu.memory_space<vmem>>, vector<1x16xf32>,
      %broadcast_in_dim3A_40 = arith.constant 0.000000e+00 : f32
      %broadcast_in_dim3A_41 = vector.broadcast %broadcast_in_dim3A_40 : f32 to vector<16xf32>
      %swap3A_42 = arith.index_cast %scan3A_34 : i32 to index
      %swap3A_43 = arith.constant 16 : index
      %swap3A_44 = tpu.vector_load %arg9[%swap3A_42, %swap3A_43] {strides = array<i32>} : memref<128x128xf32, #tpu.memory_space<vmem>>, vector<1x16xf32>,
      %swap3A_45 = vector.shape_cast %swap3A_44 : vector<1x16xf32> to vector<16xf32>
      %swap3A_46 = vector.shape_cast %broadcast_in_dim3A_41 : vector<16xf32> to vector<1x16xf32>
      tpu.vector_store %arg9[%swap3A_42, %swap3A_43], %swap3A_46 {strides = array<i32>} : memref<128x128xf32, #tpu.memory_space<vmem>>, vector<1x16xf32>,
      %broadcast_in_dim3A_47 = arith.constant 0.000000e+00 : f32
      %broadcast_in_dim3A_48 = vector.broadcast %broadcast_in_dim3A_47 : f32 to vector<16xf32>
      %swap3A_49 = arith.index_cast %scan3A_34 : i32 to index
      %swap3A_50 = arith.constant 32 : index
      %swap3A_51 = tpu.vector_load %arg9[%swap3A_49, %swap3A_50] {strides = array<i32>} : memref<128x128xf32, #tpu.memory_space<vmem>>, vector<1x16xf32>,
      %swap3A_52 = vector.shape_cast %swap3A_51 : vector<1x16xf32> to vector<16xf32>
      %swap3A_53 = vector.shape_cast %broadcast_in_dim3A_48 : vector<16xf32> to vector<1x16xf32>
      tpu.vector_store %arg9[%swap3A_49, %swap3A_50], %swap3A_53 {strides = array<i32>} : memref<128x128xf32, #tpu.memory_space<vmem>>, vector<1x16xf32>,
      %broadcast_in_dim3A_54 = arith.constant 0.000000e+00 : f32
      %broadcast_in_dim3A_55 = vector.broadcast %broadcast_in_dim3A_54 : f32 to vector<16xf32>
      %swap3A_56 = arith.index_cast %scan3A_34 : i32 to index
      %swap3A_57 = arith.constant 48 : index
      %swap3A_58 = tpu.vector_load %arg9[%swap3A_56, %swap3A_57] {strides = array<i32>} : memref<128x128xf32, #tpu.memory_space<vmem>>, vector<1x16xf32>,
      %swap3A_59 = vector.shape_cast %swap3A_58 : vector<1x16xf32> to vector<16xf32>
      %swap3A_60 = vector.shape_cast %broadcast_in_dim3A_55 : vector<16xf32> to vector<1x16xf32>
      tpu.vector_store %arg9[%swap3A_56, %swap3A_57], %swap3A_60 {strides = array<i32>} : memref<128x128xf32, #tpu.memory_space<vmem>>, vector<1x16xf32>,
      %broadcast_in_dim3A_61 = arith.constant 0.000000e+00 : f32
      %broadcast_in_dim3A_62 = vector.broadcast %broadcast_in_dim3A_61 : f32 to vector<16xf32>
      %swap3A_63 = arith.index_cast %scan3A_34 : i32 to index
      %swap3A_64 = arith.constant 64 : index
      %swap3A_65 = tpu.vector_load %arg9[%swap3A_63, %swap3A_64] {strides = array<i32>} : memref<128x128xf32, #tpu.memory_space<vmem>>, vector<1x16xf32>,
      %swap3A_66 = vector.shape_cast %swap3A_65 : vector<1x16xf32> to vector<16xf32>
      %swap3A_67 = vector.shape_cast %broadcast_in_dim3A_62 : vector<16xf32> to vector<1x16xf32>
      tpu.vector_store %arg9[%swap3A_63, %swap3A_64], %swap3A_67 {strides = array<i32>} : memref<128x128xf32, #tpu.memory_space<vmem>>, vector<1x16xf32>,
      %broadcast_in_dim3A_68 = arith.constant 0.000000e+00 : f32
      %broadcast_in_dim3A_69 = vector.broadcast %broadcast_in_dim3A_68 : f32 to vector<16xf32>
      %swap3A_70 = arith.index_cast %scan3A_34 : i32 to index
      %swap3A_71 = arith.constant 80 : index
      %swap3A_72 = tpu.vector_load %arg9[%swap3A_70, %swap3A_71] {strides = array<i32>} : memref<128x128xf32, #tpu.memory_space<vmem>>, vector<1x16xf32>,
      %swap3A_73 = vector.shape_cast %swap3A_72 : vector<1x16xf32> to vector<16xf32>
      %swap3A_74 = vector.shape_cast %broadcast_in_dim3A_69 : vector<16xf32> to vector<1x16xf32>
      tpu.vector_store %arg9[%swap3A_70, %swap3A_71], %swap3A_74 {strides = array<i32>} : memref<128x128xf32, #tpu.memory_space<vmem>>, vector<1x16xf32>,
      %broadcast_in_dim3A_75 = arith.constant 0.000000e+00 : f32
      %broadcast_in_dim3A_76 = vector.broadcast %broadcast_in_dim3A_75 : f32 to vector<16xf32>
      %swap3A_77 = arith.index_cast %scan3A_34 : i32 to index
      %swap3A_78 = arith.constant 96 : index
      %swap3A_79 = tpu.vector_load %arg9[%swap3A_77, %swap3A_78] {strides = array<i32>} : memref<128x128xf32, #tpu.memory_space<vmem>>, vector<1x16xf32>,
      %swap3A_80 = vector.shape_cast %swap3A_79 : vector<1x16xf32> to vector<16xf32>
      %swap3A_81 = vector.shape_cast %broadcast_in_dim3A_76 : vector<16xf32> to vector<1x16xf32>
      tpu.vector_store %arg9[%swap3A_77, %swap3A_78], %swap3A_81 {strides = array<i32>} : memref<128x128xf32, #tpu.memory_space<vmem>>, vector<1x16xf32>,
      %broadcast_in_dim3A_82 = arith.constant 0.000000e+00 : f32
      %broadcast_in_dim3A_83 = vector.broadcast %broadcast_in_dim3A_82 : f32 to vector<16xf32>
      %swap3A_84 = arith.index_cast %scan3A_34 : i32 to index
      %swap3A_85 = arith.constant 112 : index
      %swap3A_86 = tpu.vector_load %arg9[%swap3A_84, %swap3A_85] {strides = array<i32>} : memref<128x128xf32, #tpu.memory_space<vmem>>, vector<1x16xf32>,
      %swap3A_87 = vector.shape_cast %swap3A_86 : vector<1x16xf32> to vector<16xf32>
      %swap3A_88 = vector.shape_cast %broadcast_in_dim3A_83 : vector<16xf32> to vector<1x16xf32>
      tpu.vector_store %arg9[%swap3A_84, %swap3A_85], %swap3A_88 {strides = array<i32>} : memref<128x128xf32, #tpu.memory_space<vmem>>, vector<1x16xf32>,
    }
    %scan3A_4 = arith.constant 128 : i32
    %mul3A = arith.constant 640 : i32
    %mul3A_5 = arith.muli %arg1, %mul3A : i32
    %add3A = arith.constant 0 : i32
    %add3A_6 = arith.addi %mul3A_5, %add3A : i32
    "tpu.region"() ({
      %run_scoped3A = tpu.sem_alloc : memref<!tpu.dma_semaphore, #tpu.memory_space<semaphore_mem>>
      %dma_start3A = arith.constant 0 : i32
      %dma_start3A_34 = tpu.memref_slice %arg6[%add3A_6, %dma_start3A] : memref<10240x128xf32, #tpu.memory_space<vmem_shared>> -> memref<128x128xf32, #tpu.memory_space<vmem_shared>>
      %dma_start3A_35 = arith.constant 0 : i32
      %dma_start3A_36 = tpu.memref_slice %arg6[%add3A_6, %dma_start3A_35] : memref<10240x128xf32, #tpu.memory_space<vmem_shared>> -> memref<128x128xf32, #tpu.memory_space<vmem_shared>>
      tpu.enqueue_dma source(%arg9 : memref<128x128xf32, #tpu.memory_space<vmem>>) target(%dma_start3A_36 : memref<128x128xf32, #tpu.memory_space<vmem_shared>>) target_semaphore(%run_scoped3A : memref<!tpu.dma_semaphore, #tpu.memory_space<semaphore_mem>>)
      %dma_wait3A = arith.constant 0 : i32
      %dma_wait3A_37 = tpu.memref_slice %arg6[%add3A_6, %dma_wait3A] : memref<10240x128xf32, #tpu.memory_space<vmem_shared>> -> memref<128x128xf32, #tpu.memory_space<vmem_shared>>
      %dma_wait3A_38 = arith.constant 0 : i32
      %dma_wait3A_39 = tpu.memref_slice %arg6[%add3A_6, %dma_wait3A_38] : memref<10240x128xf32, #tpu.memory_space<vmem_shared>> -> memref<128x128xf32, #tpu.memory_space<vmem_shared>>
      tpu.wait_dma2 semaphore(%run_scoped3A : memref<!tpu.dma_semaphore, #tpu.memory_space<semaphore_mem>>) src(%arg9 : memref<128x128xf32, #tpu.memory_space<vmem>>) dst(%dma_wait3A_39 : memref<128x128xf32, #tpu.memory_space<vmem_shared>>)
      tpu.yield
    }) : () -> ()
    %mul3A_7 = arith.constant 640 : i32
    %mul3A_8 = arith.muli %arg1, %mul3A_7 : i32
    %add3A_9 = arith.constant 128 : i32
    %add3A_10 = arith.addi %mul3A_8, %add3A_9 : i32
    "tpu.region"() ({
      %run_scoped3A = tpu.sem_alloc : memref<!tpu.dma_semaphore, #tpu.memory_space<semaphore_mem>>
      %dma_start3A = arith.constant 0 : i32
      %dma_start3A_34 = tpu.memref_slice %arg6[%add3A_10, %dma_start3A] : memref<10240x128xf32, #tpu.memory_space<vmem_shared>> -> memref<128x128xf32, #tpu.memory_space<vmem_shared>>
      %dma_start3A_35 = arith.constant 0 : i32
      %dma_start3A_36 = tpu.memref_slice %arg6[%add3A_10, %dma_start3A_35] : memref<10240x128xf32, #tpu.memory_space<vmem_shared>> -> memref<128x128xf32, #tpu.memory_space<vmem_shared>>
      tpu.enqueue_dma source(%arg9 : memref<128x128xf32, #tpu.memory_space<vmem>>) target(%dma_start3A_36 : memref<128x128xf32, #tpu.memory_space<vmem_shared>>) target_semaphore(%run_scoped3A : memref<!tpu.dma_semaphore, #tpu.memory_space<semaphore_mem>>)
      %dma_wait3A = arith.constant 0 : i32
      %dma_wait3A_37 = tpu.memref_slice %arg6[%add3A_10, %dma_wait3A] : memref<10240x128xf32, #tpu.memory_space<vmem_shared>> -> memref<128x128xf32, #tpu.memory_space<vmem_shared>>
      %dma_wait3A_38 = arith.constant 0 : i32
      %dma_wait3A_39 = tpu.memref_slice %arg6[%add3A_10, %dma_wait3A_38] : memref<10240x128xf32, #tpu.memory_space<vmem_shared>> -> memref<128x128xf32, #tpu.memory_space<vmem_shared>>
      tpu.wait_dma2 semaphore(%run_scoped3A : memref<!tpu.dma_semaphore, #tpu.memory_space<semaphore_mem>>) src(%arg9 : memref<128x128xf32, #tpu.memory_space<vmem>>) dst(%dma_wait3A_39 : memref<128x128xf32, #tpu.memory_space<vmem_shared>>)
      tpu.yield
    }) : () -> ()
    %mul3A_11 = arith.constant 640 : i32
    %mul3A_12 = arith.muli %arg1, %mul3A_11 : i32
    %add3A_13 = arith.constant 256 : i32
    %add3A_14 = arith.addi %mul3A_12, %add3A_13 : i32
    "tpu.region"() ({
      %run_scoped3A = tpu.sem_alloc : memref<!tpu.dma_semaphore, #tpu.memory_space<semaphore_mem>>
      %dma_start3A = arith.constant 0 : i32
      %dma_start3A_34 = tpu.memref_slice %arg6[%add3A_14, %dma_start3A] : memref<10240x128xf32, #tpu.memory_space<vmem_shared>> -> memref<128x128xf32, #tpu.memory_space<vmem_shared>>
      %dma_start3A_35 = arith.constant 0 : i32
      %dma_start3A_36 = tpu.memref_slice %arg6[%add3A_14, %dma_start3A_35] : memref<10240x128xf32, #tpu.memory_space<vmem_shared>> -> memref<128x128xf32, #tpu.memory_space<vmem_shared>>
      tpu.enqueue_dma source(%arg9 : memref<128x128xf32, #tpu.memory_space<vmem>>) target(%dma_start3A_36 : memref<128x128xf32, #tpu.memory_space<vmem_shared>>) target_semaphore(%run_scoped3A : memref<!tpu.dma_semaphore, #tpu.memory_space<semaphore_mem>>)
      %dma_wait3A = arith.constant 0 : i32
      %dma_wait3A_37 = tpu.memref_slice %arg6[%add3A_14, %dma_wait3A] : memref<10240x128xf32, #tpu.memory_space<vmem_shared>> -> memref<128x128xf32, #tpu.memory_space<vmem_shared>>
      %dma_wait3A_38 = arith.constant 0 : i32
      %dma_wait3A_39 = tpu.memref_slice %arg6[%add3A_14, %dma_wait3A_38] : memref<10240x128xf32, #tpu.memory_space<vmem_shared>> -> memref<128x128xf32, #tpu.memory_space<vmem_shared>>
      tpu.wait_dma2 semaphore(%run_scoped3A : memref<!tpu.dma_semaphore, #tpu.memory_space<semaphore_mem>>) src(%arg9 : memref<128x128xf32, #tpu.memory_space<vmem>>) dst(%dma_wait3A_39 : memref<128x128xf32, #tpu.memory_space<vmem_shared>>)
      tpu.yield
    }) : () -> ()
    %mul3A_15 = arith.constant 640 : i32
    %mul3A_16 = arith.muli %arg1, %mul3A_15 : i32
    %add3A_17 = arith.constant 384 : i32
    %add3A_18 = arith.addi %mul3A_16, %add3A_17 : i32
    "tpu.region"() ({
      %run_scoped3A = tpu.sem_alloc : memref<!tpu.dma_semaphore, #tpu.memory_space<semaphore_mem>>
      %dma_start3A = arith.constant 0 : i32
      %dma_start3A_34 = tpu.memref_slice %arg6[%add3A_18, %dma_start3A] : memref<10240x128xf32, #tpu.memory_space<vmem_shared>> -> memref<128x128xf32, #tpu.memory_space<vmem_shared>>
      %dma_start3A_35 = arith.constant 0 : i32
      %dma_start3A_36 = tpu.memref_slice %arg6[%add3A_18, %dma_start3A_35] : memref<10240x128xf32, #tpu.memory_space<vmem_shared>> -> memref<128x128xf32, #tpu.memory_space<vmem_shared>>
      tpu.enqueue_dma source(%arg9 : memref<128x128xf32, #tpu.memory_space<vmem>>) target(%dma_start3A_36 : memref<128x128xf32, #tpu.memory_space<vmem_shared>>) target_semaphore(%run_scoped3A : memref<!tpu.dma_semaphore, #tpu.memory_space<semaphore_mem>>)
      %dma_wait3A = arith.constant 0 : i32
      %dma_wait3A_37 = tpu.memref_slice %arg6[%add3A_18, %dma_wait3A] : memref<10240x128xf32, #tpu.memory_space<vmem_shared>> -> memref<128x128xf32, #tpu.memory_space<vmem_shared>>
      %dma_wait3A_38 = arith.constant 0 : i32
      %dma_wait3A_39 = tpu.memref_slice %arg6[%add3A_18, %dma_wait3A_38] : memref<10240x128xf32, #tpu.memory_space<vmem_shared>> -> memref<128x128xf32, #tpu.memory_space<vmem_shared>>
      tpu.wait_dma2 semaphore(%run_scoped3A : memref<!tpu.dma_semaphore, #tpu.memory_space<semaphore_mem>>) src(%arg9 : memref<128x128xf32, #tpu.memory_space<vmem>>) dst(%dma_wait3A_39 : memref<128x128xf32, #tpu.memory_space<vmem_shared>>)
      tpu.yield
    }) : () -> ()
    %mul3A_19 = arith.constant 640 : i32
    %mul3A_20 = arith.muli %arg1, %mul3A_19 : i32
    %add3A_21 = arith.constant 512 : i32
    %add3A_22 = arith.addi %mul3A_20, %add3A_21 : i32
    "tpu.region"() ({
      %run_scoped3A = tpu.sem_alloc : memref<!tpu.dma_semaphore, #tpu.memory_space<semaphore_mem>>
      %dma_start3A = arith.constant 0 : i32
      %dma_start3A_34 = tpu.memref_slice %arg6[%add3A_22, %dma_start3A] : memref<10240x128xf32, #tpu.memory_space<vmem_shared>> -> memref<128x128xf32, #tpu.memory_space<vmem_shared>>
      %dma_start3A_35 = arith.constant 0 : i32
      %dma_start3A_36 = tpu.memref_slice %arg6[%add3A_22, %dma_start3A_35] : memref<10240x128xf32, #tpu.memory_space<vmem_shared>> -> memref<128x128xf32, #tpu.memory_space<vmem_shared>>
      tpu.enqueue_dma source(%arg9 : memref<128x128xf32, #tpu.memory_space<vmem>>) target(%dma_start3A_36 : memref<128x128xf32, #tpu.memory_space<vmem_shared>>) target_semaphore(%run_scoped3A : memref<!tpu.dma_semaphore, #tpu.memory_space<semaphore_mem>>)
      %dma_wait3A = arith.constant 0 : i32
      %dma_wait3A_37 = tpu.memref_slice %arg6[%add3A_22, %dma_wait3A] : memref<10240x128xf32, #tpu.memory_space<vmem_shared>> -> memref<128x128xf32, #tpu.memory_space<vmem_shared>>
      %dma_wait3A_38 = arith.constant 0 : i32
      %dma_wait3A_39 = tpu.memref_slice %arg6[%add3A_22, %dma_wait3A_38] : memref<10240x128xf32, #tpu.memory_space<vmem_shared>> -> memref<128x128xf32, #tpu.memory_space<vmem_shared>>
      tpu.wait_dma2 semaphore(%run_scoped3A : memref<!tpu.dma_semaphore, #tpu.memory_space<semaphore_mem>>) src(%arg9 : memref<128x128xf32, #tpu.memory_space<vmem>>) dst(%dma_wait3A_39 : memref<128x128xf32, #tpu.memory_space<vmem_shared>>)
      tpu.yield
    }) : () -> ()
    %barrier3A = arith.constant 0 : index
    tpu.barrier barrier_id(%barrier3A)
    %scan3A_23 = arith.constant 0 : i32
    %scan3A_24 = arith.constant 0 : i32
    %scan3A_25 = arith.constant 2 : i32
    %scan3A_26 = arith.addi %scan3A_24, %scan3A_25 : i32
    %scan3A_27 = arith.constant 1 : i32
    scf.for %scan3A_34 = %scan3A_24 to %scan3A_26 step %scan3A_27  : i32 {
      %mul3A_35 = arith.constant 16 : i32
      %mul3A_36 = arith.muli %arg0, %mul3A_35 : i32
      %add3A_37 = arith.addi %mul3A_36, %arg1 : i32
      %mul3A_38 = arith.constant 80 : i32
      %mul3A_39 = arith.muli %add3A_37, %mul3A_38 : i32
      %mul3A_40 = arith.constant 40 : i32
      %mul3A_41 = arith.muli %scan3A_34, %mul3A_40 : i32
      %add3A_42 = arith.addi %mul3A_39, %mul3A_41 : i32
      "tpu.region"() ({
        %run_scoped3A = tpu.sem_alloc : memref<!tpu.dma_semaphore, #tpu.memory_space<semaphore_mem>>
        %dma_start3A_68 = arith.constant 0 : i32
        %dma_start3A_69 = tpu.memref_slice %arg3[%add3A_42, %dma_start3A_68] : memref<2560x128xi32, #tpu.memory_space<hbm>> -> memref<40x128xi32, #tpu.memory_space<hbm>>
        %dma_start3A_70 = arith.constant 0 : i32
        %dma_start3A_71 = tpu.memref_slice %arg3[%add3A_42, %dma_start3A_70] : memref<2560x128xi32, #tpu.memory_space<hbm>> -> memref<40x128xi32, #tpu.memory_space<hbm>>
        tpu.enqueue_dma source(%dma_start3A_71 : memref<40x128xi32, #tpu.memory_space<hbm>>) target(%arg7 : memref<40x128xi32, #tpu.memory_space<vmem>>) target_semaphore(%run_scoped3A : memref<!tpu.dma_semaphore, #tpu.memory_space<semaphore_mem>>)
        %dma_wait3A_72 = arith.constant 0 : i32
        %dma_wait3A_73 = tpu.memref_slice %arg3[%add3A_42, %dma_wait3A_72] : memref<2560x128xi32, #tpu.memory_space<hbm>> -> memref<40x128xi32, #tpu.memory_space<hbm>>
        %dma_wait3A_74 = arith.constant 0 : i32
        %dma_wait3A_75 = tpu.memref_slice %arg3[%add3A_42, %dma_wait3A_74] : memref<2560x128xi32, #tpu.memory_space<hbm>> -> memref<40x128xi32, #tpu.memory_space<hbm>>
        tpu.wait_dma2 semaphore(%run_scoped3A : memref<!tpu.dma_semaphore, #tpu.memory_space<semaphore_mem>>) src(%dma_wait3A_75 : memref<40x128xi32, #tpu.memory_space<hbm>>) dst(%arg7 : memref<40x128xi32, #tpu.memory_space<vmem>>)
        tpu.yield
      }) : () -> ()
      "tpu.region"() ({
        %run_scoped3A = tpu.sem_alloc : memref<!tpu.dma_semaphore, #tpu.memory_space<semaphore_mem>>
        %dma_start3A_68 = arith.constant 0 : i32
        %dma_start3A_69 = tpu.memref_slice %arg4[%add3A_42, %dma_start3A_68] : memref<2560x128xi32, #tpu.memory_space<hbm>> -> memref<40x128xi32, #tpu.memory_space<hbm>>
        %dma_start3A_70 = arith.constant 0 : i32
        %dma_start3A_71 = tpu.memref_slice %arg4[%add3A_42, %dma_start3A_70] : memref<2560x128xi32, #tpu.memory_space<hbm>> -> memref<40x128xi32, #tpu.memory_space<hbm>>
        tpu.enqueue_dma source(%dma_start3A_71 : memref<40x128xi32, #tpu.memory_space<hbm>>) target(%arg8 : memref<40x128xi32, #tpu.memory_space<vmem>>) target_semaphore(%run_scoped3A : memref<!tpu.dma_semaphore, #tpu.memory_space<semaphore_mem>>)
        %dma_wait3A_72 = arith.constant 0 : i32
        %dma_wait3A_73 = tpu.memref_slice %arg4[%add3A_42, %dma_wait3A_72] : memref<2560x128xi32, #tpu.memory_space<hbm>> -> memref<40x128xi32, #tpu.memory_space<hbm>>
        %dma_wait3A_74 = arith.constant 0 : i32
        %dma_wait3A_75 = tpu.memref_slice %arg4[%add3A_42, %dma_wait3A_74] : memref<2560x128xi32, #tpu.memory_space<hbm>> -> memref<40x128xi32, #tpu.memory_space<hbm>>
        tpu.wait_dma2 semaphore(%run_scoped3A : memref<!tpu.dma_semaphore, #tpu.memory_space<semaphore_mem>>) src(%dma_wait3A_75 : memref<40x128xi32, #tpu.memory_space<hbm>>) dst(%arg8 : memref<40x128xi32, #tpu.memory_space<vmem>>)
        tpu.yield
      }) : () -> ()
      %dma_start3A = arith.constant 0 : i32
      %dma_start3A_43 = arith.constant 0 : i32
      %dma_start3A_44 = tpu.memref_slice %arg7[%dma_start3A, %dma_start3A_43] : memref<40x128xi32, #tpu.memory_space<vmem>> -> memref<1x128xi32, #tpu.memory_space<vmem>>
      %dma_start3A_45 = tpu.memref_squeeze %dma_start3A_44 : memref<1x128xi32, #tpu.memory_space<vmem>> -> memref<128xi32, #tpu.memory_space<vmem>>
      %dma_start3A_46 = arith.constant 0 : i32
      %dma_start3A_47 = arith.constant 0 : i32
      %dma_start3A_48 = tpu.memref_slice %arg2[%dma_start3A_46, %dma_start3A_47] : memref<10240x128xf32, #tpu.memory_space<hbm>> -> memref<10240x128xf32, #tpu.memory_space<hbm>>
      tpu.enqueue_indirect_dma source(%dma_start3A_48 : memref<10240x128xf32, #tpu.memory_space<hbm>>) target(%arg9 : memref<128x128xf32, #tpu.memory_space<vmem>>) offsets(%dma_start3A_45 : memref<128xi32, #tpu.memory_space<vmem>>) semaphore(%arg11 : memref<!tpu.dma_semaphore, #tpu.memory_space<semaphore_mem>>)
      %scan3A_49 = arith.constant 0 : i32
      %scan3A_50 = arith.constant 0 : i32
      %scan3A_51 = arith.constant 20 : i32
      %scan3A_52 = arith.addi %scan3A_50, %scan3A_51 : i32
      %scan3A_53 = arith.constant 1 : i32
      scf.for %scan3A_68 = %scan3A_50 to %scan3A_52 step %scan3A_53  : i32 {
        %mul3A_69 = arith.constant 2 : i32
        %mul3A_70 = arith.muli %scan3A_68, %mul3A_69 : i32
        %add3A_71 = arith.constant 0 : i32
        %add3A_72 = arith.addi %mul3A_70, %add3A_71 : i32
        %dma_wait3A_73 = arith.constant 0 : i32
        %dma_wait3A_74 = tpu.memref_slice %arg7[%add3A_72, %dma_wait3A_73] : memref<40x128xi32, #tpu.memory_space<vmem>> -> memref<1x128xi32, #tpu.memory_space<vmem>>
        %dma_wait3A_75 = tpu.memref_squeeze %dma_wait3A_74 : memref<1x128xi32, #tpu.memory_space<vmem>> -> memref<128xi32, #tpu.memory_space<vmem>>
        %dma_wait3A_76 = arith.constant 0 : i32
        %dma_wait3A_77 = arith.constant 0 : i32
        %dma_wait3A_78 = tpu.memref_slice %arg2[%dma_wait3A_76, %dma_wait3A_77] : memref<10240x128xf32, #tpu.memory_space<hbm>> -> memref<10240x128xf32, #tpu.memory_space<hbm>>
        tpu.wait_indirect_dma semaphore(%arg11 : memref<!tpu.dma_semaphore, #tpu.memory_space<semaphore_mem>>) src(%dma_wait3A_78 : memref<10240x128xf32, #tpu.memory_space<hbm>>) dst(%arg9 : memref<128x128xf32, #tpu.memory_space<vmem>>)
        %add3A_79 = arith.constant 1 : i32
        %add3A_80 = arith.addi %add3A_72, %add3A_79 : i32
        %lt3A = arith.constant 40 : i32
        %lt3A_81 = arith.cmpi slt, %add3A_80, %lt3A : i32
        %gt3A = arith.constant 0 : i32
        %gt3A_82 = arith.cmpi sgt, %add3A_72, %gt3A : i32
        %and3A = arith.andi %lt3A_81, %gt3A_82 : i1
        %convert_element_type3A = arith.extui %and3A : i1 to i32
        %cond3A = arith.constant 0 : i32
        %cond3A_83 = arith.cmpi ne, %convert_element_type3A, %cond3A : i32
        scf.if %cond3A_83 {
          %dma_wait3A_130 = arith.constant 0 : i32
          %dma_wait3A_131 = tpu.memref_slice %arg8[%add3A_72, %dma_wait3A_130] : memref<40x128xi32, #tpu.memory_space<vmem>> -> memref<1x128xi32, #tpu.memory_space<vmem>>
          %dma_wait3A_132 = tpu.memref_squeeze %dma_wait3A_131 : memref<1x128xi32, #tpu.memory_space<vmem>> -> memref<128xi32, #tpu.memory_space<vmem>>
          %dma_wait3A_133 = arith.constant 0 : i32
          %dma_wait3A_134 = arith.constant 0 : i32
          %dma_wait3A_135 = tpu.memref_slice %arg6[%dma_wait3A_133, %dma_wait3A_134] : memref<10240x128xf32, #tpu.memory_space<vmem_shared>> -> memref<10240x128xf32, #tpu.memory_space<vmem_shared>>
          tpu.wait_indirect_dma semaphore(%arg14 : memref<!tpu.dma_semaphore, #tpu.memory_space<semaphore_mem>>) src(%arg10 : memref<128x128xf32, #tpu.memory_space<vmem>>) dst(%dma_wait3A_135 : memref<10240x128xf32, #tpu.memory_space<vmem_shared>>)
        } else {
        }
        %add3A_84 = arith.constant 1 : i32
        %add3A_85 = arith.addi %add3A_72, %add3A_84 : i32
        %lt3A_86 = arith.constant 40 : i32
        %lt3A_87 = arith.cmpi slt, %add3A_85, %lt3A_86 : i32
        %convert_element_type3A_88 = arith.extui %lt3A_87 : i1 to i32
        %cond3A_89 = arith.constant 0 : i32
        %cond3A_90 = arith.cmpi ne, %convert_element_type3A_88, %cond3A_89 : i32
        scf.if %cond3A_90 {
          %add3A_130 = arith.constant 1 : i32
          %add3A_131 = arith.addi %add3A_72, %add3A_130 : i32
          %dma_start3A_132 = arith.constant 0 : i32
          %dma_start3A_133 = tpu.memref_slice %arg7[%add3A_131, %dma_start3A_132] : memref<40x128xi32, #tpu.memory_space<vmem>> -> memref<1x128xi32, #tpu.memory_space<vmem>>
          %dma_start3A_134 = tpu.memref_squeeze %dma_start3A_133 : memref<1x128xi32, #tpu.memory_space<vmem>> -> memref<128xi32, #tpu.memory_space<vmem>>
          %dma_start3A_135 = arith.constant 0 : i32
          %dma_start3A_136 = arith.constant 0 : i32
          %dma_start3A_137 = tpu.memref_slice %arg2[%dma_start3A_135, %dma_start3A_136] : memref<10240x128xf32, #tpu.memory_space<hbm>> -> memref<10240x128xf32, #tpu.memory_space<hbm>>
          tpu.enqueue_indirect_dma source(%dma_start3A_137 : memref<10240x128xf32, #tpu.memory_space<hbm>>) target(%arg10 : memref<128x128xf32, #tpu.memory_space<vmem>>) offsets(%dma_start3A_134 : memref<128xi32, #tpu.memory_space<vmem>>) semaphore(%arg12 : memref<!tpu.dma_semaphore, #tpu.memory_space<semaphore_mem>>)
        } else {
        }
        %dma_start3A_91 = arith.constant 0 : i32
        %dma_start3A_92 = tpu.memref_slice %arg8[%add3A_72, %dma_start3A_91] : memref<40x128xi32, #tpu.memory_space<vmem>> -> memref<1x128xi32, #tpu.memory_space<vmem>>
        %dma_start3A_93 = tpu.memref_squeeze %dma_start3A_92 : memref<1x128xi32, #tpu.memory_space<vmem>> -> memref<128xi32, #tpu.memory_space<vmem>>
        %dma_start3A_94 = arith.constant 0 : i32
        %dma_start3A_95 = arith.constant 0 : i32
        %dma_start3A_96 = tpu.memref_slice %arg6[%dma_start3A_94, %dma_start3A_95] : memref<10240x128xf32, #tpu.memory_space<vmem_shared>> -> memref<10240x128xf32, #tpu.memory_space<vmem_shared>>
        tpu.enqueue_indirect_dma source(%arg9 : memref<128x128xf32, #tpu.memory_space<vmem>>) target(%dma_start3A_96 : memref<10240x128xf32, #tpu.memory_space<vmem_shared>>) offsets(%dma_start3A_93 : memref<128xi32, #tpu.memory_space<vmem>>) semaphore(%arg13 : memref<!tpu.dma_semaphore, #tpu.memory_space<semaphore_mem>>) {add = true}
        %mul3A_97 = arith.constant 2 : i32
        %mul3A_98 = arith.muli %scan3A_68, %mul3A_97 : i32
        %add3A_99 = arith.constant 1 : i32
        %add3A_100 = arith.addi %mul3A_98, %add3A_99 : i32
        %dma_wait3A_101 = arith.constant 0 : i32
        %dma_wait3A_102 = tpu.memref_slice %arg7[%add3A_100, %dma_wait3A_101] : memref<40x128xi32, #tpu.memory_space<vmem>> -> memref<1x128xi32, #tpu.memory_space<vmem>>
        %dma_wait3A_103 = tpu.memref_squeeze %dma_wait3A_102 : memref<1x128xi32, #tpu.memory_space<vmem>> -> memref<128xi32, #tpu.memory_space<vmem>>
        %dma_wait3A_104 = arith.constant 0 : i32
        %dma_wait3A_105 = arith.constant 0 : i32
        %dma_wait3A_106 = tpu.memref_slice %arg2[%dma_wait3A_104, %dma_wait3A_105] : memref<10240x128xf32, #tpu.memory_space<hbm>> -> memref<10240x128xf32, #tpu.memory_space<hbm>>
        tpu.wait_indirect_dma semaphore(%arg12 : memref<!tpu.dma_semaphore, #tpu.memory_space<semaphore_mem>>) src(%dma_wait3A_106 : memref<10240x128xf32, #tpu.memory_space<hbm>>) dst(%arg10 : memref<128x128xf32, #tpu.memory_space<vmem>>)
        %add3A_107 = arith.constant 1 : i32
        %add3A_108 = arith.addi %add3A_100, %add3A_107 : i32
        %lt3A_109 = arith.constant 40 : i32
        %lt3A_110 = arith.cmpi slt, %add3A_108, %lt3A_109 : i32
        %gt3A_111 = arith.constant 0 : i32
        %gt3A_112 = arith.cmpi sgt, %add3A_100, %gt3A_111 : i32
        %and3A_113 = arith.andi %lt3A_110, %gt3A_112 : i1
        %convert_element_type3A_114 = arith.extui %and3A_113 : i1 to i32
        %cond3A_115 = arith.constant 0 : i32
        %cond3A_116 = arith.cmpi ne, %convert_element_type3A_114, %cond3A_115 : i32
        scf.if %cond3A_116 {
          %dma_wait3A_130 = arith.constant 0 : i32
          %dma_wait3A_131 = tpu.memref_slice %arg8[%add3A_100, %dma_wait3A_130] : memref<40x128xi32, #tpu.memory_space<vmem>> -> memref<1x128xi32, #tpu.memory_space<vmem>>
          %dma_wait3A_132 = tpu.memref_squeeze %dma_wait3A_131 : memref<1x128xi32, #tpu.memory_space<vmem>> -> memref<128xi32, #tpu.memory_space<vmem>>
          %dma_wait3A_133 = arith.constant 0 : i32
          %dma_wait3A_134 = arith.constant 0 : i32
          %dma_wait3A_135 = tpu.memref_slice %arg6[%dma_wait3A_133, %dma_wait3A_134] : memref<10240x128xf32, #tpu.memory_space<vmem_shared>> -> memref<10240x128xf32, #tpu.memory_space<vmem_shared>>
          tpu.wait_indirect_dma semaphore(%arg13 : memref<!tpu.dma_semaphore, #tpu.memory_space<semaphore_mem>>) src(%arg9 : memref<128x128xf32, #tpu.memory_space<vmem>>) dst(%dma_wait3A_135 : memref<10240x128xf32, #tpu.memory_space<vmem_shared>>)
        } else {
        }
        %add3A_117 = arith.constant 1 : i32
        %add3A_118 = arith.addi %add3A_100, %add3A_117 : i32
        %lt3A_119 = arith.constant 40 : i32
        %lt3A_120 = arith.cmpi slt, %add3A_118, %lt3A_119 : i32
        %convert_element_type3A_121 = arith.extui %lt3A_120 : i1 to i32
        %cond3A_122 = arith.constant 0 : i32
        %cond3A_123 = arith.cmpi ne, %convert_element_type3A_121, %cond3A_122 : i32
        scf.if %cond3A_123 {
          %add3A_130 = arith.constant 1 : i32
          %add3A_131 = arith.addi %add3A_100, %add3A_130 : i32
          %dma_start3A_132 = arith.constant 0 : i32
          %dma_start3A_133 = tpu.memref_slice %arg7[%add3A_131, %dma_start3A_132] : memref<40x128xi32, #tpu.memory_space<vmem>> -> memref<1x128xi32, #tpu.memory_space<vmem>>
          %dma_start3A_134 = tpu.memref_squeeze %dma_start3A_133 : memref<1x128xi32, #tpu.memory_space<vmem>> -> memref<128xi32, #tpu.memory_space<vmem>>
          %dma_start3A_135 = arith.constant 0 : i32
          %dma_start3A_136 = arith.constant 0 : i32
          %dma_start3A_137 = tpu.memref_slice %arg2[%dma_start3A_135, %dma_start3A_136] : memref<10240x128xf32, #tpu.memory_space<hbm>> -> memref<10240x128xf32, #tpu.memory_space<hbm>>
          tpu.enqueue_indirect_dma source(%dma_start3A_137 : memref<10240x128xf32, #tpu.memory_space<hbm>>) target(%arg9 : memref<128x128xf32, #tpu.memory_space<vmem>>) offsets(%dma_start3A_134 : memref<128xi32, #tpu.memory_space<vmem>>) semaphore(%arg11 : memref<!tpu.dma_semaphore, #tpu.memory_space<semaphore_mem>>)
        } else {
        }
        %dma_start3A_124 = arith.constant 0 : i32
        %dma_start3A_125 = tpu.memref_slice %arg8[%add3A_100, %dma_start3A_124] : memref<40x128xi32, #tpu.memory_space<vmem>> -> memref<1x128xi32, #tpu.memory_space<vmem>>
        %dma_start3A_126 = tpu.memref_squeeze %dma_start3A_125 : memref<1x128xi32, #tpu.memory_space<vmem>> -> memref<128xi32, #tpu.memory_space<vmem>>
        %dma_start3A_127 = arith.constant 0 : i32
        %dma_start3A_128 = arith.constant 0 : i32
        %dma_start3A_129 = tpu.memref_slice %arg6[%dma_start3A_127, %dma_start3A_128] : memref<10240x128xf32, #tpu.memory_space<vmem_shared>> -> memref<10240x128xf32, #tpu.memory_space<vmem_shared>>
        tpu.enqueue_indirect_dma source(%arg10 : memref<128x128xf32, #tpu.memory_space<vmem>>) target(%dma_start3A_129 : memref<10240x128xf32, #tpu.memory_space<vmem_shared>>) offsets(%dma_start3A_126 : memref<128xi32, #tpu.memory_space<vmem>>) semaphore(%arg14 : memref<!tpu.dma_semaphore, #tpu.memory_space<semaphore_mem>>) {add = true}
      }
      %scan3A_54 = arith.constant 20 : i32
      %dma_wait3A = arith.constant 0 : i32
      %dma_wait3A_55 = arith.constant 0 : i32
      %dma_wait3A_56 = tpu.memref_slice %arg8[%dma_wait3A, %dma_wait3A_55] : memref<40x128xi32, #tpu.memory_space<vmem>> -> memref<1x128xi32, #tpu.memory_space<vmem>>
      %dma_wait3A_57 = tpu.memref_squeeze %dma_wait3A_56 : memref<1x128xi32, #tpu.memory_space<vmem>> -> memref<128xi32, #tpu.memory_space<vmem>>
      %dma_wait3A_58 = arith.constant 0 : i32
      %dma_wait3A_59 = arith.constant 0 : i32
      %dma_wait3A_60 = tpu.memref_slice %arg6[%dma_wait3A_58, %dma_wait3A_59] : memref<10240x128xf32, #tpu.memory_space<vmem_shared>> -> memref<10240x128xf32, #tpu.memory_space<vmem_shared>>
      tpu.wait_indirect_dma semaphore(%arg13 : memref<!tpu.dma_semaphore, #tpu.memory_space<semaphore_mem>>) src(%arg9 : memref<128x128xf32, #tpu.memory_space<vmem>>) dst(%dma_wait3A_60 : memref<10240x128xf32, #tpu.memory_space<vmem_shared>>)
      %dma_wait3A_61 = arith.constant 0 : i32
      %dma_wait3A_62 = arith.constant 0 : i32
      %dma_wait3A_63 = tpu.memref_slice %arg8[%dma_wait3A_61, %dma_wait3A_62] : memref<40x128xi32, #tpu.memory_space<vmem>> -> memref<1x128xi32, #tpu.memory_space<vmem>>
      %dma_wait3A_64 = tpu.memref_squeeze %dma_wait3A_63 : memref<1x128xi32, #tpu.memory_space<vmem>> -> memref<128xi32, #tpu.memory_space<vmem>>
      %dma_wait3A_65 = arith.constant 0 : i32
      %dma_wait3A_66 = arith.constant 0 : i32
      %dma_wait3A_67 = tpu.memref_slice %arg6[%dma_wait3A_65, %dma_wait3A_66] : memref<10240x128xf32, #tpu.memory_space<vmem_shared>> -> memref<10240x128xf32, #tpu.memory_space<vmem_shared>>
      tpu.wait_indirect_dma semaphore(%arg14 : memref<!tpu.dma_semaphore, #tpu.memory_space<semaphore_mem>>) src(%arg10 : memref<128x128xf32, #tpu.memory_space<vmem>>) dst(%dma_wait3A_67 : memref<10240x128xf32, #tpu.memory_space<vmem_shared>>)
    }
    %scan3A_28 = arith.constant 2 : i32
    %barrier3A_29 = arith.constant 0 : index
    tpu.barrier barrier_id(%barrier3A_29)
    %mul3A_30 = arith.constant 640 : i32
    %mul3A_31 = arith.muli %arg1, %mul3A_30 : i32
    %mul3A_32 = arith.constant 640 : i32
    %mul3A_33 = arith.muli %arg1, %mul3A_32 : i32
    "tpu.region"() ({
      %run_scoped3A = tpu.sem_alloc : memref<!tpu.dma_semaphore, #tpu.memory_space<semaphore_mem>>
      %dma_start3A = arith.constant 0 : i32
      %dma_start3A_34 = tpu.memref_slice %arg5[%arg0, %mul3A_33, %dma_start3A] : memref<2x10240x128xf32, #tpu.memory_space<hbm>> -> memref<1x640x128xf32, #tpu.memory_space<hbm>>
      %dma_start3A_35 = tpu.memref_squeeze %dma_start3A_34 : memref<1x640x128xf32, #tpu.memory_space<hbm>> -> memref<640x128xf32, #tpu.memory_space<hbm>>
      %dma_start3A_36 = arith.constant 0 : i32
      %dma_start3A_37 = tpu.memref_slice %arg6[%mul3A_31, %dma_start3A_36] : memref<10240x128xf32, #tpu.memory_space<vmem_shared>> -> memref<640x128xf32, #tpu.memory_space<vmem_shared>>
      tpu.enqueue_dma source(%dma_start3A_37 : memref<640x128xf32, #tpu.memory_space<vmem_shared>>) target(%dma_start3A_35 : memref<640x128xf32, #tpu.memory_space<hbm>>) target_semaphore(%run_scoped3A : memref<!tpu.dma_semaphore, #tpu.memory_space<semaphore_mem>>)
      %dma_wait3A = arith.constant 0 : i32
      %dma_wait3A_38 = tpu.memref_slice %arg5[%arg0, %mul3A_33, %dma_wait3A] : memref<2x10240x128xf32, #tpu.memory_space<hbm>> -> memref<1x640x128xf32, #tpu.memory_space<hbm>>
      %dma_wait3A_39 = tpu.memref_squeeze %dma_wait3A_38 : memref<1x640x128xf32, #tpu.memory_space<hbm>> -> memref<640x128xf32, #tpu.memory_space<hbm>>
      %dma_wait3A_40 = arith.constant 0 : i32
      %dma_wait3A_41 = tpu.memref_slice %arg6[%mul3A_31, %dma_wait3A_40] : memref<10240x128xf32, #tpu.memory_space<vmem_shared>> -> memref<640x128xf32, #tpu.memory_space<vmem_shared>>
      tpu.wait_dma2 semaphore(%run_scoped3A : memref<!tpu.dma_semaphore, #tpu.memory_space<semaphore_mem>>) src(%dma_wait3A_41 : memref<640x128xf32, #tpu.memory_space<vmem_shared>>) dst(%dma_wait3A_39 : memref<640x128xf32, #tpu.memory_space<hbm>>)
      tpu.yield
    }) : () -> ()
    return
  }
}

#map = affine_map<(d0, d1) -> (0, 0)>
#map1 = affine_map<(d0, d1) -> (0, 0, 0)>
module attributes {stable_mosaic.version = 14 : i64} {
  func.func @_sc_spmm(%arg0: i32, %arg1: i32, %arg2: memref<10240x128xf32, #tpu.memory_space<hbm>>, %arg3: memref<2560x128xi32, #tpu.memory_space<hbm>>, %arg4: memref<2560x128xi32, #tpu.memory_space<hbm>>, %arg5: memref<2x10240x128xf32, #tpu.memory_space<hbm>>, %arg6: memref<10240x128xf32, #tpu.memory_space<vmem_shared>>, %arg7: memref<40x128xi32, #tpu.memory_space<vmem>>, %arg8: memref<40x128xi32, #tpu.memory_space<vmem>>, %arg9: memref<128x128xf32, #tpu.memory_space<vmem>>, %arg10: memref<128x128xf32, #tpu.memory_space<vmem>>, %arg11: memref<!tpu.dma_semaphore, #tpu.memory_space<semaphore_mem>>, %arg12: memref<!tpu.dma_semaphore, #tpu.memory_space<semaphore_mem>>, %arg13: memref<!tpu.dma_semaphore, #tpu.memory_space<semaphore_mem>>, %arg14: memref<!tpu.dma_semaphore, #tpu.memory_space<semaphore_mem>>) attributes {dimension_semantics = [#tpu.dimension_semantics<core_parallel>, #tpu.dimension_semantics<subcore_parallel>], iteration_bounds = array<i64: 2, 16>, scalar_prefetch = 0 : i64, scratch_operands = 9 : i64, tpu.core_type = #tpu.core_type<sc_vector_subcore>, window_params = [{transform_indices = #map}, {transform_indices = #map}, {transform_indices = #map}, {transform_indices = #map1}]} {
    %scan3A = arith.constant 0 : i32
    %scan3A_0 = arith.constant 0 : i32
    %scan3A_1 = arith.constant 128 : i32
    %scan3A_2 = arith.addi %scan3A_0, %scan3A_1 : i32
    %scan3A_3 = arith.constant 1 : i32
    scf.for %scan3A_34 = %scan3A_0 to %scan3A_2 step %scan3A_3  : i32 {
      %broadcast_in_dim3A = arith.constant 0.000000e+00 : f32
      %broadcast_in_dim3A_35 = vector.broadcast %broadcast_in_dim3A : f32 to vector<16xf32>
      %swap3A = arith.index_cast %scan3A_34 : i32 to index
      %swap3A_36 = arith.constant 0 : index
      %swap3A_37 = tpu.vector_load %arg9[%swap3A, %swap3A_36] {strides = array<i32>} : memref<128x128xf32, #tpu.memory_space<vmem>>, vector<1x16xf32>,
      %swap3A_38 = vector.shape_cast %swap3A_37 : vector<1x16xf32> to vector<16xf32>
      %swap3A_39 = vector.shape_cast %broadcast_in_dim3A_35 : vector<16xf32> to vector<1x16xf32>
      tpu.vector_store %arg9[%swap3A, %swap3A_36], %swap3A_39 {strides = array<i32>} : memref<128x128xf32, #tpu.memory_space<vmem>>, vector<1x16xf32>,
      %broadcast_in_dim3A_40 = arith.constant 0.000000e+00 : f32
      %broadcast_in_dim3A_41 = vector.broadcast %broadcast_in_dim3A_40 : f32 to vector<16xf32>
      %swap3A_42 = arith.index_cast %scan3A_34 : i32 to index
      %swap3A_43 = arith.constant 16 : index
      %swap3A_44 = tpu.vector_load %arg9[%swap3A_42, %swap3A_43] {strides = array<i32>} : memref<128x128xf32, #tpu.memory_space<vmem>>, vector<1x16xf32>,
      %swap3A_45 = vector.shape_cast %swap3A_44 : vector<1x16xf32> to vector<16xf32>
      %swap3A_46 = vector.shape_cast %broadcast_in_dim3A_41 : vector<16xf32> to vector<1x16xf32>
      tpu.vector_store %arg9[%swap3A_42, %swap3A_43], %swap3A_46 {strides = array<i32>} : memref<128x128xf32, #tpu.memory_space<vmem>>, vector<1x16xf32>,
      %broadcast_in_dim3A_47 = arith.constant 0.000000e+00 : f32
      %broadcast_in_dim3A_48 = vector.broadcast %broadcast_in_dim3A_47 : f32 to vector<16xf32>
      %swap3A_49 = arith.index_cast %scan3A_34 : i32 to index
      %swap3A_50 = arith.constant 32 : index
      %swap3A_51 = tpu.vector_load %arg9[%swap3A_49, %swap3A_50] {strides = array<i32>} : memref<128x128xf32, #tpu.memory_space<vmem>>, vector<1x16xf32>,
      %swap3A_52 = vector.shape_cast %swap3A_51 : vector<1x16xf32> to vector<16xf32>
      %swap3A_53 = vector.shape_cast %broadcast_in_dim3A_48 : vector<16xf32> to vector<1x16xf32>
      tpu.vector_store %arg9[%swap3A_49, %swap3A_50], %swap3A_53 {strides = array<i32>} : memref<128x128xf32, #tpu.memory_space<vmem>>, vector<1x16xf32>,
      %broadcast_in_dim3A_54 = arith.constant 0.000000e+00 : f32
      %broadcast_in_dim3A_55 = vector.broadcast %broadcast_in_dim3A_54 : f32 to vector<16xf32>
      %swap3A_56 = arith.index_cast %scan3A_34 : i32 to index
      %swap3A_57 = arith.constant 48 : index
      %swap3A_58 = tpu.vector_load %arg9[%swap3A_56, %swap3A_57] {strides = array<i32>} : memref<128x128xf32, #tpu.memory_space<vmem>>, vector<1x16xf32>,
      %swap3A_59 = vector.shape_cast %swap3A_58 : vector<1x16xf32> to vector<16xf32>
      %swap3A_60 = vector.shape_cast %broadcast_in_dim3A_55 : vector<16xf32> to vector<1x16xf32>
      tpu.vector_store %arg9[%swap3A_56, %swap3A_57], %swap3A_60 {strides = array<i32>} : memref<128x128xf32, #tpu.memory_space<vmem>>, vector<1x16xf32>,
      %broadcast_in_dim3A_61 = arith.constant 0.000000e+00 : f32
      %broadcast_in_dim3A_62 = vector.broadcast %broadcast_in_dim3A_61 : f32 to vector<16xf32>
      %swap3A_63 = arith.index_cast %scan3A_34 : i32 to index
      %swap3A_64 = arith.constant 64 : index
      %swap3A_65 = tpu.vector_load %arg9[%swap3A_63, %swap3A_64] {strides = array<i32>} : memref<128x128xf32, #tpu.memory_space<vmem>>, vector<1x16xf32>,
      %swap3A_66 = vector.shape_cast %swap3A_65 : vector<1x16xf32> to vector<16xf32>
      %swap3A_67 = vector.shape_cast %broadcast_in_dim3A_62 : vector<16xf32> to vector<1x16xf32>
      tpu.vector_store %arg9[%swap3A_63, %swap3A_64], %swap3A_67 {strides = array<i32>} : memref<128x128xf32, #tpu.memory_space<vmem>>, vector<1x16xf32>,
      %broadcast_in_dim3A_68 = arith.constant 0.000000e+00 : f32
      %broadcast_in_dim3A_69 = vector.broadcast %broadcast_in_dim3A_68 : f32 to vector<16xf32>
      %swap3A_70 = arith.index_cast %scan3A_34 : i32 to index
      %swap3A_71 = arith.constant 80 : index
      %swap3A_72 = tpu.vector_load %arg9[%swap3A_70, %swap3A_71] {strides = array<i32>} : memref<128x128xf32, #tpu.memory_space<vmem>>, vector<1x16xf32>,
      %swap3A_73 = vector.shape_cast %swap3A_72 : vector<1x16xf32> to vector<16xf32>
      %swap3A_74 = vector.shape_cast %broadcast_in_dim3A_69 : vector<16xf32> to vector<1x16xf32>
      tpu.vector_store %arg9[%swap3A_70, %swap3A_71], %swap3A_74 {strides = array<i32>} : memref<128x128xf32, #tpu.memory_space<vmem>>, vector<1x16xf32>,
      %broadcast_in_dim3A_75 = arith.constant 0.000000e+00 : f32
      %broadcast_in_dim3A_76 = vector.broadcast %broadcast_in_dim3A_75 : f32 to vector<16xf32>
      %swap3A_77 = arith.index_cast %scan3A_34 : i32 to index
      %swap3A_78 = arith.constant 96 : index
      %swap3A_79 = tpu.vector_load %arg9[%swap3A_77, %swap3A_78] {strides = array<i32>} : memref<128x128xf32, #tpu.memory_space<vmem>>, vector<1x16xf32>,
      %swap3A_80 = vector.shape_cast %swap3A_79 : vector<1x16xf32> to vector<16xf32>
      %swap3A_81 = vector.shape_cast %broadcast_in_dim3A_76 : vector<16xf32> to vector<1x16xf32>
      tpu.vector_store %arg9[%swap3A_77, %swap3A_78], %swap3A_81 {strides = array<i32>} : memref<128x128xf32, #tpu.memory_space<vmem>>, vector<1x16xf32>,
      %broadcast_in_dim3A_82 = arith.constant 0.000000e+00 : f32
      %broadcast_in_dim3A_83 = vector.broadcast %broadcast_in_dim3A_82 : f32 to vector<16xf32>
      %swap3A_84 = arith.index_cast %scan3A_34 : i32 to index
      %swap3A_85 = arith.constant 112 : index
      %swap3A_86 = tpu.vector_load %arg9[%swap3A_84, %swap3A_85] {strides = array<i32>} : memref<128x128xf32, #tpu.memory_space<vmem>>, vector<1x16xf32>,
      %swap3A_87 = vector.shape_cast %swap3A_86 : vector<1x16xf32> to vector<16xf32>
      %swap3A_88 = vector.shape_cast %broadcast_in_dim3A_83 : vector<16xf32> to vector<1x16xf32>
      tpu.vector_store %arg9[%swap3A_84, %swap3A_85], %swap3A_88 {strides = array<i32>} : memref<128x128xf32, #tpu.memory_space<vmem>>, vector<1x16xf32>,
    }
    %scan3A_4 = arith.constant 128 : i32
    %mul3A = arith.constant 640 : i32
    %mul3A_5 = arith.muli %arg1, %mul3A : i32
    %add3A = arith.constant 0 : i32
    %add3A_6 = arith.addi %mul3A_5, %add3A : i32
    "tpu.region"() ({
      %run_scoped3A = tpu.sem_alloc : memref<!tpu.dma_semaphore, #tpu.memory_space<semaphore_mem>>
      %dma_start3A = arith.constant 0 : i32
      %dma_start3A_34 = tpu.memref_slice %arg6[%add3A_6, %dma_start3A] : memref<10240x128xf32, #tpu.memory_space<vmem_shared>> -> memref<128x128xf32, #tpu.memory_space<vmem_shared>>
      %dma_start3A_35 = arith.constant 0 : i32
      %dma_start3A_36 = tpu.memref_slice %arg6[%add3A_6, %dma_start3A_35] : memref<10240x128xf32, #tpu.memory_space<vmem_shared>> -> memref<128x128xf32, #tpu.memory_space<vmem_shared>>
      tpu.enqueue_dma source(%arg9 : memref<128x128xf32, #tpu.memory_space<vmem>>) target(%dma_start3A_36 : memref<128x128xf32, #tpu.memory_space<vmem_shared>>) target_semaphore(%run_scoped3A : memref<!tpu.dma_semaphore, #tpu.memory_space<semaphore_mem>>)
      %dma_wait3A = arith.constant 0 : i32
      %dma_wait3A_37 = tpu.memref_slice %arg6[%add3A_6, %dma_wait3A] : memref<10240x128xf32, #tpu.memory_space<vmem_shared>> -> memref<128x128xf32, #tpu.memory_space<vmem_shared>>
      %dma_wait3A_38 = arith.constant 0 : i32
      %dma_wait3A_39 = tpu.memref_slice %arg6[%add3A_6, %dma_wait3A_38] : memref<10240x128xf32, #tpu.memory_space<vmem_shared>> -> memref<128x128xf32, #tpu.memory_space<vmem_shared>>
      tpu.wait_dma2 semaphore(%run_scoped3A : memref<!tpu.dma_semaphore, #tpu.memory_space<semaphore_mem>>) src(%arg9 : memref<128x128xf32, #tpu.memory_space<vmem>>) dst(%dma_wait3A_39 : memref<128x128xf32, #tpu.memory_space<vmem_shared>>)
      tpu.yield
    }) : () -> ()
    %mul3A_7 = arith.constant 640 : i32
    %mul3A_8 = arith.muli %arg1, %mul3A_7 : i32
    %add3A_9 = arith.constant 128 : i32
    %add3A_10 = arith.addi %mul3A_8, %add3A_9 : i32
    "tpu.region"() ({
      %run_scoped3A = tpu.sem_alloc : memref<!tpu.dma_semaphore, #tpu.memory_space<semaphore_mem>>
      %dma_start3A = arith.constant 0 : i32
      %dma_start3A_34 = tpu.memref_slice %arg6[%add3A_10, %dma_start3A] : memref<10240x128xf32, #tpu.memory_space<vmem_shared>> -> memref<128x128xf32, #tpu.memory_space<vmem_shared>>
      %dma_start3A_35 = arith.constant 0 : i32
      %dma_start3A_36 = tpu.memref_slice %arg6[%add3A_10, %dma_start3A_35] : memref<10240x128xf32, #tpu.memory_space<vmem_shared>> -> memref<128x128xf32, #tpu.memory_space<vmem_shared>>
      tpu.enqueue_dma source(%arg9 : memref<128x128xf32, #tpu.memory_space<vmem>>) target(%dma_start3A_36 : memref<128x128xf32, #tpu.memory_space<vmem_shared>>) target_semaphore(%run_scoped3A : memref<!tpu.dma_semaphore, #tpu.memory_space<semaphore_mem>>)
      %dma_wait3A = arith.constant 0 : i32
      %dma_wait3A_37 = tpu.memref_slice %arg6[%add3A_10, %dma_wait3A] : memref<10240x128xf32, #tpu.memory_space<vmem_shared>> -> memref<128x128xf32, #tpu.memory_space<vmem_shared>>
      %dma_wait3A_38 = arith.constant 0 : i32
      %dma_wait3A_39 = tpu.memref_slice %arg6[%add3A_10, %dma_wait3A_38] : memref<10240x128xf32, #tpu.memory_space<vmem_shared>> -> memref<128x128xf32, #tpu.memory_space<vmem_shared>>
      tpu.wait_dma2 semaphore(%run_scoped3A : memref<!tpu.dma_semaphore, #tpu.memory_space<semaphore_mem>>) src(%arg9 : memref<128x128xf32, #tpu.memory_space<vmem>>) dst(%dma_wait3A_39 : memref<128x128xf32, #tpu.memory_space<vmem_shared>>)
      tpu.yield
    }) : () -> ()
    %mul3A_11 = arith.constant 640 : i32
    %mul3A_12 = arith.muli %arg1, %mul3A_11 : i32
    %add3A_13 = arith.constant 256 : i32
    %add3A_14 = arith.addi %mul3A_12, %add3A_13 : i32
    "tpu.region"() ({
      %run_scoped3A = tpu.sem_alloc : memref<!tpu.dma_semaphore, #tpu.memory_space<semaphore_mem>>
      %dma_start3A = arith.constant 0 : i32
      %dma_start3A_34 = tpu.memref_slice %arg6[%add3A_14, %dma_start3A] : memref<10240x128xf32, #tpu.memory_space<vmem_shared>> -> memref<128x128xf32, #tpu.memory_space<vmem_shared>>
      %dma_start3A_35 = arith.constant 0 : i32
      %dma_start3A_36 = tpu.memref_slice %arg6[%add3A_14, %dma_start3A_35] : memref<10240x128xf32, #tpu.memory_space<vmem_shared>> -> memref<128x128xf32, #tpu.memory_space<vmem_shared>>
      tpu.enqueue_dma source(%arg9 : memref<128x128xf32, #tpu.memory_space<vmem>>) target(%dma_start3A_36 : memref<128x128xf32, #tpu.memory_space<vmem_shared>>) target_semaphore(%run_scoped3A : memref<!tpu.dma_semaphore, #tpu.memory_space<semaphore_mem>>)
      %dma_wait3A = arith.constant 0 : i32
      %dma_wait3A_37 = tpu.memref_slice %arg6[%add3A_14, %dma_wait3A] : memref<10240x128xf32, #tpu.memory_space<vmem_shared>> -> memref<128x128xf32, #tpu.memory_space<vmem_shared>>
      %dma_wait3A_38 = arith.constant 0 : i32
      %dma_wait3A_39 = tpu.memref_slice %arg6[%add3A_14, %dma_wait3A_38] : memref<10240x128xf32, #tpu.memory_space<vmem_shared>> -> memref<128x128xf32, #tpu.memory_space<vmem_shared>>
      tpu.wait_dma2 semaphore(%run_scoped3A : memref<!tpu.dma_semaphore, #tpu.memory_space<semaphore_mem>>) src(%arg9 : memref<128x128xf32, #tpu.memory_space<vmem>>) dst(%dma_wait3A_39 : memref<128x128xf32, #tpu.memory_space<vmem_shared>>)
      tpu.yield
    }) : () -> ()
    %mul3A_15 = arith.constant 640 : i32
    %mul3A_16 = arith.muli %arg1, %mul3A_15 : i32
    %add3A_17 = arith.constant 384 : i32
    %add3A_18 = arith.addi %mul3A_16, %add3A_17 : i32
    "tpu.region"() ({
      %run_scoped3A = tpu.sem_alloc : memref<!tpu.dma_semaphore, #tpu.memory_space<semaphore_mem>>
      %dma_start3A = arith.constant 0 : i32
      %dma_start3A_34 = tpu.memref_slice %arg6[%add3A_18, %dma_start3A] : memref<10240x128xf32, #tpu.memory_space<vmem_shared>> -> memref<128x128xf32, #tpu.memory_space<vmem_shared>>
      %dma_start3A_35 = arith.constant 0 : i32
      %dma_start3A_36 = tpu.memref_slice %arg6[%add3A_18, %dma_start3A_35] : memref<10240x128xf32, #tpu.memory_space<vmem_shared>> -> memref<128x128xf32, #tpu.memory_space<vmem_shared>>
      tpu.enqueue_dma source(%arg9 : memref<128x128xf32, #tpu.memory_space<vmem>>) target(%dma_start3A_36 : memref<128x128xf32, #tpu.memory_space<vmem_shared>>) target_semaphore(%run_scoped3A : memref<!tpu.dma_semaphore, #tpu.memory_space<semaphore_mem>>)
      %dma_wait3A = arith.constant 0 : i32
      %dma_wait3A_37 = tpu.memref_slice %arg6[%add3A_18, %dma_wait3A] : memref<10240x128xf32, #tpu.memory_space<vmem_shared>> -> memref<128x128xf32, #tpu.memory_space<vmem_shared>>
      %dma_wait3A_38 = arith.constant 0 : i32
      %dma_wait3A_39 = tpu.memref_slice %arg6[%add3A_18, %dma_wait3A_38] : memref<10240x128xf32, #tpu.memory_space<vmem_shared>> -> memref<128x128xf32, #tpu.memory_space<vmem_shared>>
      tpu.wait_dma2 semaphore(%run_scoped3A : memref<!tpu.dma_semaphore, #tpu.memory_space<semaphore_mem>>) src(%arg9 : memref<128x128xf32, #tpu.memory_space<vmem>>) dst(%dma_wait3A_39 : memref<128x128xf32, #tpu.memory_space<vmem_shared>>)
      tpu.yield
    }) : () -> ()
    %mul3A_19 = arith.constant 640 : i32
    %mul3A_20 = arith.muli %arg1, %mul3A_19 : i32
    %add3A_21 = arith.constant 512 : i32
    %add3A_22 = arith.addi %mul3A_20, %add3A_21 : i32
    "tpu.region"() ({
      %run_scoped3A = tpu.sem_alloc : memref<!tpu.dma_semaphore, #tpu.memory_space<semaphore_mem>>
      %dma_start3A = arith.constant 0 : i32
      %dma_start3A_34 = tpu.memref_slice %arg6[%add3A_22, %dma_start3A] : memref<10240x128xf32, #tpu.memory_space<vmem_shared>> -> memref<128x128xf32, #tpu.memory_space<vmem_shared>>
      %dma_start3A_35 = arith.constant 0 : i32
      %dma_start3A_36 = tpu.memref_slice %arg6[%add3A_22, %dma_start3A_35] : memref<10240x128xf32, #tpu.memory_space<vmem_shared>> -> memref<128x128xf32, #tpu.memory_space<vmem_shared>>
      tpu.enqueue_dma source(%arg9 : memref<128x128xf32, #tpu.memory_space<vmem>>) target(%dma_start3A_36 : memref<128x128xf32, #tpu.memory_space<vmem_shared>>) target_semaphore(%run_scoped3A : memref<!tpu.dma_semaphore, #tpu.memory_space<semaphore_mem>>)
      %dma_wait3A = arith.constant 0 : i32
      %dma_wait3A_37 = tpu.memref_slice %arg6[%add3A_22, %dma_wait3A] : memref<10240x128xf32, #tpu.memory_space<vmem_shared>> -> memref<128x128xf32, #tpu.memory_space<vmem_shared>>
      %dma_wait3A_38 = arith.constant 0 : i32
      %dma_wait3A_39 = tpu.memref_slice %arg6[%add3A_22, %dma_wait3A_38] : memref<10240x128xf32, #tpu.memory_space<vmem_shared>> -> memref<128x128xf32, #tpu.memory_space<vmem_shared>>
      tpu.wait_dma2 semaphore(%run_scoped3A : memref<!tpu.dma_semaphore, #tpu.memory_space<semaphore_mem>>) src(%arg9 : memref<128x128xf32, #tpu.memory_space<vmem>>) dst(%dma_wait3A_39 : memref<128x128xf32, #tpu.memory_space<vmem_shared>>)
      tpu.yield
    }) : () -> ()
    %barrier3A = arith.constant 0 : index
    tpu.barrier barrier_id(%barrier3A)
    %scan3A_23 = arith.constant 0 : i32
    %scan3A_24 = arith.constant 0 : i32
    %scan3A_25 = arith.constant 2 : i32
    %scan3A_26 = arith.addi %scan3A_24, %scan3A_25 : i32
    %scan3A_27 = arith.constant 1 : i32
    scf.for %scan3A_34 = %scan3A_24 to %scan3A_26 step %scan3A_27  : i32 {
      %mul3A_35 = arith.constant 16 : i32
      %mul3A_36 = arith.muli %arg0, %mul3A_35 : i32
      %add3A_37 = arith.addi %mul3A_36, %arg1 : i32
      %mul3A_38 = arith.constant 80 : i32
      %mul3A_39 = arith.muli %add3A_37, %mul3A_38 : i32
      %mul3A_40 = arith.constant 40 : i32
      %mul3A_41 = arith.muli %scan3A_34, %mul3A_40 : i32
      %add3A_42 = arith.addi %mul3A_39, %mul3A_41 : i32
      "tpu.region"() ({
        %run_scoped3A = tpu.sem_alloc : memref<!tpu.dma_semaphore, #tpu.memory_space<semaphore_mem>>
        %dma_start3A_68 = arith.constant 0 : i32
        %dma_start3A_69 = tpu.memref_slice %arg3[%add3A_42, %dma_start3A_68] : memref<2560x128xi32, #tpu.memory_space<hbm>> -> memref<40x128xi32, #tpu.memory_space<hbm>>
        %dma_start3A_70 = arith.constant 0 : i32
        %dma_start3A_71 = tpu.memref_slice %arg3[%add3A_42, %dma_start3A_70] : memref<2560x128xi32, #tpu.memory_space<hbm>> -> memref<40x128xi32, #tpu.memory_space<hbm>>
        tpu.enqueue_dma source(%dma_start3A_71 : memref<40x128xi32, #tpu.memory_space<hbm>>) target(%arg7 : memref<40x128xi32, #tpu.memory_space<vmem>>) target_semaphore(%run_scoped3A : memref<!tpu.dma_semaphore, #tpu.memory_space<semaphore_mem>>)
        %dma_wait3A_72 = arith.constant 0 : i32
        %dma_wait3A_73 = tpu.memref_slice %arg3[%add3A_42, %dma_wait3A_72] : memref<2560x128xi32, #tpu.memory_space<hbm>> -> memref<40x128xi32, #tpu.memory_space<hbm>>
        %dma_wait3A_74 = arith.constant 0 : i32
        %dma_wait3A_75 = tpu.memref_slice %arg3[%add3A_42, %dma_wait3A_74] : memref<2560x128xi32, #tpu.memory_space<hbm>> -> memref<40x128xi32, #tpu.memory_space<hbm>>
        tpu.wait_dma2 semaphore(%run_scoped3A : memref<!tpu.dma_semaphore, #tpu.memory_space<semaphore_mem>>) src(%dma_wait3A_75 : memref<40x128xi32, #tpu.memory_space<hbm>>) dst(%arg7 : memref<40x128xi32, #tpu.memory_space<vmem>>)
        tpu.yield
      }) : () -> ()
      "tpu.region"() ({
        %run_scoped3A = tpu.sem_alloc : memref<!tpu.dma_semaphore, #tpu.memory_space<semaphore_mem>>
        %dma_start3A_68 = arith.constant 0 : i32
        %dma_start3A_69 = tpu.memref_slice %arg4[%add3A_42, %dma_start3A_68] : memref<2560x128xi32, #tpu.memory_space<hbm>> -> memref<40x128xi32, #tpu.memory_space<hbm>>
        %dma_start3A_70 = arith.constant 0 : i32
        %dma_start3A_71 = tpu.memref_slice %arg4[%add3A_42, %dma_start3A_70] : memref<2560x128xi32, #tpu.memory_space<hbm>> -> memref<40x128xi32, #tpu.memory_space<hbm>>
        tpu.enqueue_dma source(%dma_start3A_71 : memref<40x128xi32, #tpu.memory_space<hbm>>) target(%arg8 : memref<40x128xi32, #tpu.memory_space<vmem>>) target_semaphore(%run_scoped3A : memref<!tpu.dma_semaphore, #tpu.memory_space<semaphore_mem>>)
        %dma_wait3A_72 = arith.constant 0 : i32
        %dma_wait3A_73 = tpu.memref_slice %arg4[%add3A_42, %dma_wait3A_72] : memref<2560x128xi32, #tpu.memory_space<hbm>> -> memref<40x128xi32, #tpu.memory_space<hbm>>
        %dma_wait3A_74 = arith.constant 0 : i32
        %dma_wait3A_75 = tpu.memref_slice %arg4[%add3A_42, %dma_wait3A_74] : memref<2560x128xi32, #tpu.memory_space<hbm>> -> memref<40x128xi32, #tpu.memory_space<hbm>>
        tpu.wait_dma2 semaphore(%run_scoped3A : memref<!tpu.dma_semaphore, #tpu.memory_space<semaphore_mem>>) src(%dma_wait3A_75 : memref<40x128xi32, #tpu.memory_space<hbm>>) dst(%arg8 : memref<40x128xi32, #tpu.memory_space<vmem>>)
        tpu.yield
      }) : () -> ()
      %dma_start3A = arith.constant 0 : i32
      %dma_start3A_43 = arith.constant 0 : i32
      %dma_start3A_44 = tpu.memref_slice %arg7[%dma_start3A, %dma_start3A_43] : memref<40x128xi32, #tpu.memory_space<vmem>> -> memref<1x128xi32, #tpu.memory_space<vmem>>
      %dma_start3A_45 = tpu.memref_squeeze %dma_start3A_44 : memref<1x128xi32, #tpu.memory_space<vmem>> -> memref<128xi32, #tpu.memory_space<vmem>>
      %dma_start3A_46 = arith.constant 0 : i32
      %dma_start3A_47 = arith.constant 0 : i32
      %dma_start3A_48 = tpu.memref_slice %arg2[%dma_start3A_46, %dma_start3A_47] : memref<10240x128xf32, #tpu.memory_space<hbm>> -> memref<10240x128xf32, #tpu.memory_space<hbm>>
      tpu.enqueue_indirect_dma source(%dma_start3A_48 : memref<10240x128xf32, #tpu.memory_space<hbm>>) target(%arg9 : memref<128x128xf32, #tpu.memory_space<vmem>>) offsets(%dma_start3A_45 : memref<128xi32, #tpu.memory_space<vmem>>) semaphore(%arg11 : memref<!tpu.dma_semaphore, #tpu.memory_space<semaphore_mem>>)
      %scan3A_49 = arith.constant 0 : i32
      %scan3A_50 = arith.constant 0 : i32
      %scan3A_51 = arith.constant 20 : i32
      %scan3A_52 = arith.addi %scan3A_50, %scan3A_51 : i32
      %scan3A_53 = arith.constant 1 : i32
      scf.for %scan3A_68 = %scan3A_50 to %scan3A_52 step %scan3A_53  : i32 {
        %mul3A_69 = arith.constant 2 : i32
        %mul3A_70 = arith.muli %scan3A_68, %mul3A_69 : i32
        %add3A_71 = arith.constant 0 : i32
        %add3A_72 = arith.addi %mul3A_70, %add3A_71 : i32
        %dma_wait3A_73 = arith.constant 0 : i32
        %dma_wait3A_74 = tpu.memref_slice %arg7[%add3A_72, %dma_wait3A_73] : memref<40x128xi32, #tpu.memory_space<vmem>> -> memref<1x128xi32, #tpu.memory_space<vmem>>
        %dma_wait3A_75 = tpu.memref_squeeze %dma_wait3A_74 : memref<1x128xi32, #tpu.memory_space<vmem>> -> memref<128xi32, #tpu.memory_space<vmem>>
        %dma_wait3A_76 = arith.constant 0 : i32
        %dma_wait3A_77 = arith.constant 0 : i32
        %dma_wait3A_78 = tpu.memref_slice %arg2[%dma_wait3A_76, %dma_wait3A_77] : memref<10240x128xf32, #tpu.memory_space<hbm>> -> memref<10240x128xf32, #tpu.memory_space<hbm>>
        tpu.wait_indirect_dma semaphore(%arg11 : memref<!tpu.dma_semaphore, #tpu.memory_space<semaphore_mem>>) src(%dma_wait3A_78 : memref<10240x128xf32, #tpu.memory_space<hbm>>) dst(%arg9 : memref<128x128xf32, #tpu.memory_space<vmem>>)
        %add3A_79 = arith.constant 1 : i32
        %add3A_80 = arith.addi %add3A_72, %add3A_79 : i32
        %lt3A = arith.constant 40 : i32
        %lt3A_81 = arith.cmpi slt, %add3A_80, %lt3A : i32
        %gt3A = arith.constant 0 : i32
        %gt3A_82 = arith.cmpi sgt, %add3A_72, %gt3A : i32
        %and3A = arith.andi %lt3A_81, %gt3A_82 : i1
        %convert_element_type3A = arith.extui %and3A : i1 to i32
        %cond3A = arith.constant 0 : i32
        %cond3A_83 = arith.cmpi ne, %convert_element_type3A, %cond3A : i32
        scf.if %cond3A_83 {
          %dma_wait3A_130 = arith.constant 0 : i32
          %dma_wait3A_131 = tpu.memref_slice %arg8[%add3A_72, %dma_wait3A_130] : memref<40x128xi32, #tpu.memory_space<vmem>> -> memref<1x128xi32, #tpu.memory_space<vmem>>
          %dma_wait3A_132 = tpu.memref_squeeze %dma_wait3A_131 : memref<1x128xi32, #tpu.memory_space<vmem>> -> memref<128xi32, #tpu.memory_space<vmem>>
          %dma_wait3A_133 = arith.constant 0 : i32
          %dma_wait3A_134 = arith.constant 0 : i32
          %dma_wait3A_135 = tpu.memref_slice %arg6[%dma_wait3A_133, %dma_wait3A_134] : memref<10240x128xf32, #tpu.memory_space<vmem_shared>> -> memref<10240x128xf32, #tpu.memory_space<vmem_shared>>
          tpu.wait_indirect_dma semaphore(%arg14 : memref<!tpu.dma_semaphore, #tpu.memory_space<semaphore_mem>>) src(%arg10 : memref<128x128xf32, #tpu.memory_space<vmem>>) dst(%dma_wait3A_135 : memref<10240x128xf32, #tpu.memory_space<vmem_shared>>)
        } else {
        }
        %add3A_84 = arith.constant 1 : i32
        %add3A_85 = arith.addi %add3A_72, %add3A_84 : i32
        %lt3A_86 = arith.constant 40 : i32
        %lt3A_87 = arith.cmpi slt, %add3A_85, %lt3A_86 : i32
        %convert_element_type3A_88 = arith.extui %lt3A_87 : i1 to i32
        %cond3A_89 = arith.constant 0 : i32
        %cond3A_90 = arith.cmpi ne, %convert_element_type3A_88, %cond3A_89 : i32
        scf.if %cond3A_90 {
          %add3A_130 = arith.constant 1 : i32
          %add3A_131 = arith.addi %add3A_72, %add3A_130 : i32
          %dma_start3A_132 = arith.constant 0 : i32
          %dma_start3A_133 = tpu.memref_slice %arg7[%add3A_131, %dma_start3A_132] : memref<40x128xi32, #tpu.memory_space<vmem>> -> memref<1x128xi32, #tpu.memory_space<vmem>>
          %dma_start3A_134 = tpu.memref_squeeze %dma_start3A_133 : memref<1x128xi32, #tpu.memory_space<vmem>> -> memref<128xi32, #tpu.memory_space<vmem>>
          %dma_start3A_135 = arith.constant 0 : i32
          %dma_start3A_136 = arith.constant 0 : i32
          %dma_start3A_137 = tpu.memref_slice %arg2[%dma_start3A_135, %dma_start3A_136] : memref<10240x128xf32, #tpu.memory_space<hbm>> -> memref<10240x128xf32, #tpu.memory_space<hbm>>
          tpu.enqueue_indirect_dma source(%dma_start3A_137 : memref<10240x128xf32, #tpu.memory_space<hbm>>) target(%arg10 : memref<128x128xf32, #tpu.memory_space<vmem>>) offsets(%dma_start3A_134 : memref<128xi32, #tpu.memory_space<vmem>>) semaphore(%arg12 : memref<!tpu.dma_semaphore, #tpu.memory_space<semaphore_mem>>)
        } else {
        }
        %dma_start3A_91 = arith.constant 0 : i32
        %dma_start3A_92 = tpu.memref_slice %arg8[%add3A_72, %dma_start3A_91] : memref<40x128xi32, #tpu.memory_space<vmem>> -> memref<1x128xi32, #tpu.memory_space<vmem>>
        %dma_start3A_93 = tpu.memref_squeeze %dma_start3A_92 : memref<1x128xi32, #tpu.memory_space<vmem>> -> memref<128xi32, #tpu.memory_space<vmem>>
        %dma_start3A_94 = arith.constant 0 : i32
        %dma_start3A_95 = arith.constant 0 : i32
        %dma_start3A_96 = tpu.memref_slice %arg6[%dma_start3A_94, %dma_start3A_95] : memref<10240x128xf32, #tpu.memory_space<vmem_shared>> -> memref<10240x128xf32, #tpu.memory_space<vmem_shared>>
        tpu.enqueue_indirect_dma source(%arg9 : memref<128x128xf32, #tpu.memory_space<vmem>>) target(%dma_start3A_96 : memref<10240x128xf32, #tpu.memory_space<vmem_shared>>) offsets(%dma_start3A_93 : memref<128xi32, #tpu.memory_space<vmem>>) semaphore(%arg13 : memref<!tpu.dma_semaphore, #tpu.memory_space<semaphore_mem>>) {add = true}
        %mul3A_97 = arith.constant 2 : i32
        %mul3A_98 = arith.muli %scan3A_68, %mul3A_97 : i32
        %add3A_99 = arith.constant 1 : i32
        %add3A_100 = arith.addi %mul3A_98, %add3A_99 : i32
        %dma_wait3A_101 = arith.constant 0 : i32
        %dma_wait3A_102 = tpu.memref_slice %arg7[%add3A_100, %dma_wait3A_101] : memref<40x128xi32, #tpu.memory_space<vmem>> -> memref<1x128xi32, #tpu.memory_space<vmem>>
        %dma_wait3A_103 = tpu.memref_squeeze %dma_wait3A_102 : memref<1x128xi32, #tpu.memory_space<vmem>> -> memref<128xi32, #tpu.memory_space<vmem>>
        %dma_wait3A_104 = arith.constant 0 : i32
        %dma_wait3A_105 = arith.constant 0 : i32
        %dma_wait3A_106 = tpu.memref_slice %arg2[%dma_wait3A_104, %dma_wait3A_105] : memref<10240x128xf32, #tpu.memory_space<hbm>> -> memref<10240x128xf32, #tpu.memory_space<hbm>>
        tpu.wait_indirect_dma semaphore(%arg12 : memref<!tpu.dma_semaphore, #tpu.memory_space<semaphore_mem>>) src(%dma_wait3A_106 : memref<10240x128xf32, #tpu.memory_space<hbm>>) dst(%arg10 : memref<128x128xf32, #tpu.memory_space<vmem>>)
        %add3A_107 = arith.constant 1 : i32
        %add3A_108 = arith.addi %add3A_100, %add3A_107 : i32
        %lt3A_109 = arith.constant 40 : i32
        %lt3A_110 = arith.cmpi slt, %add3A_108, %lt3A_109 : i32
        %gt3A_111 = arith.constant 0 : i32
        %gt3A_112 = arith.cmpi sgt, %add3A_100, %gt3A_111 : i32
        %and3A_113 = arith.andi %lt3A_110, %gt3A_112 : i1
        %convert_element_type3A_114 = arith.extui %and3A_113 : i1 to i32
        %cond3A_115 = arith.constant 0 : i32
        %cond3A_116 = arith.cmpi ne, %convert_element_type3A_114, %cond3A_115 : i32
        scf.if %cond3A_116 {
          %dma_wait3A_130 = arith.constant 0 : i32
          %dma_wait3A_131 = tpu.memref_slice %arg8[%add3A_100, %dma_wait3A_130] : memref<40x128xi32, #tpu.memory_space<vmem>> -> memref<1x128xi32, #tpu.memory_space<vmem>>
          %dma_wait3A_132 = tpu.memref_squeeze %dma_wait3A_131 : memref<1x128xi32, #tpu.memory_space<vmem>> -> memref<128xi32, #tpu.memory_space<vmem>>
          %dma_wait3A_133 = arith.constant 0 : i32
          %dma_wait3A_134 = arith.constant 0 : i32
          %dma_wait3A_135 = tpu.memref_slice %arg6[%dma_wait3A_133, %dma_wait3A_134] : memref<10240x128xf32, #tpu.memory_space<vmem_shared>> -> memref<10240x128xf32, #tpu.memory_space<vmem_shared>>
          tpu.wait_indirect_dma semaphore(%arg13 : memref<!tpu.dma_semaphore, #tpu.memory_space<semaphore_mem>>) src(%arg9 : memref<128x128xf32, #tpu.memory_space<vmem>>) dst(%dma_wait3A_135 : memref<10240x128xf32, #tpu.memory_space<vmem_shared>>)
        } else {
        }
        %add3A_117 = arith.constant 1 : i32
        %add3A_118 = arith.addi %add3A_100, %add3A_117 : i32
        %lt3A_119 = arith.constant 40 : i32
        %lt3A_120 = arith.cmpi slt, %add3A_118, %lt3A_119 : i32
        %convert_element_type3A_121 = arith.extui %lt3A_120 : i1 to i32
        %cond3A_122 = arith.constant 0 : i32
        %cond3A_123 = arith.cmpi ne, %convert_element_type3A_121, %cond3A_122 : i32
        scf.if %cond3A_123 {
          %add3A_130 = arith.constant 1 : i32
          %add3A_131 = arith.addi %add3A_100, %add3A_130 : i32
          %dma_start3A_132 = arith.constant 0 : i32
          %dma_start3A_133 = tpu.memref_slice %arg7[%add3A_131, %dma_start3A_132] : memref<40x128xi32, #tpu.memory_space<vmem>> -> memref<1x128xi32, #tpu.memory_space<vmem>>
          %dma_start3A_134 = tpu.memref_squeeze %dma_start3A_133 : memref<1x128xi32, #tpu.memory_space<vmem>> -> memref<128xi32, #tpu.memory_space<vmem>>
          %dma_start3A_135 = arith.constant 0 : i32
          %dma_start3A_136 = arith.constant 0 : i32
          %dma_start3A_137 = tpu.memref_slice %arg2[%dma_start3A_135, %dma_start3A_136] : memref<10240x128xf32, #tpu.memory_space<hbm>> -> memref<10240x128xf32, #tpu.memory_space<hbm>>
          tpu.enqueue_indirect_dma source(%dma_start3A_137 : memref<10240x128xf32, #tpu.memory_space<hbm>>) target(%arg9 : memref<128x128xf32, #tpu.memory_space<vmem>>) offsets(%dma_start3A_134 : memref<128xi32, #tpu.memory_space<vmem>>) semaphore(%arg11 : memref<!tpu.dma_semaphore, #tpu.memory_space<semaphore_mem>>)
        } else {
        }
        %dma_start3A_124 = arith.constant 0 : i32
        %dma_start3A_125 = tpu.memref_slice %arg8[%add3A_100, %dma_start3A_124] : memref<40x128xi32, #tpu.memory_space<vmem>> -> memref<1x128xi32, #tpu.memory_space<vmem>>
        %dma_start3A_126 = tpu.memref_squeeze %dma_start3A_125 : memref<1x128xi32, #tpu.memory_space<vmem>> -> memref<128xi32, #tpu.memory_space<vmem>>
        %dma_start3A_127 = arith.constant 0 : i32
        %dma_start3A_128 = arith.constant 0 : i32
        %dma_start3A_129 = tpu.memref_slice %arg6[%dma_start3A_127, %dma_start3A_128] : memref<10240x128xf32, #tpu.memory_space<vmem_shared>> -> memref<10240x128xf32, #tpu.memory_space<vmem_shared>>
        tpu.enqueue_indirect_dma source(%arg10 : memref<128x128xf32, #tpu.memory_space<vmem>>) target(%dma_start3A_129 : memref<10240x128xf32, #tpu.memory_space<vmem_shared>>) offsets(%dma_start3A_126 : memref<128xi32, #tpu.memory_space<vmem>>) semaphore(%arg14 : memref<!tpu.dma_semaphore, #tpu.memory_space<semaphore_mem>>) {add = true}
      }
      %scan3A_54 = arith.constant 20 : i32
      %dma_wait3A = arith.constant 0 : i32
      %dma_wait3A_55 = arith.constant 0 : i32
      %dma_wait3A_56 = tpu.memref_slice %arg8[%dma_wait3A, %dma_wait3A_55] : memref<40x128xi32, #tpu.memory_space<vmem>> -> memref<1x128xi32, #tpu.memory_space<vmem>>
      %dma_wait3A_57 = tpu.memref_squeeze %dma_wait3A_56 : memref<1x128xi32, #tpu.memory_space<vmem>> -> memref<128xi32, #tpu.memory_space<vmem>>
      %dma_wait3A_58 = arith.constant 0 : i32
      %dma_wait3A_59 = arith.constant 0 : i32
      %dma_wait3A_60 = tpu.memref_slice %arg6[%dma_wait3A_58, %dma_wait3A_59] : memref<10240x128xf32, #tpu.memory_space<vmem_shared>> -> memref<10240x128xf32, #tpu.memory_space<vmem_shared>>
      tpu.wait_indirect_dma semaphore(%arg13 : memref<!tpu.dma_semaphore, #tpu.memory_space<semaphore_mem>>) src(%arg9 : memref<128x128xf32, #tpu.memory_space<vmem>>) dst(%dma_wait3A_60 : memref<10240x128xf32, #tpu.memory_space<vmem_shared>>)
      %dma_wait3A_61 = arith.constant 0 : i32
      %dma_wait3A_62 = arith.constant 0 : i32
      %dma_wait3A_63 = tpu.memref_slice %arg8[%dma_wait3A_61, %dma_wait3A_62] : memref<40x128xi32, #tpu.memory_space<vmem>> -> memref<1x128xi32, #tpu.memory_space<vmem>>
      %dma_wait3A_64 = tpu.memref_squeeze %dma_wait3A_63 : memref<1x128xi32, #tpu.memory_space<vmem>> -> memref<128xi32, #tpu.memory_space<vmem>>
      %dma_wait3A_65 = arith.constant 0 : i32
      %dma_wait3A_66 = arith.constant 0 : i32
      %dma_wait3A_67 = tpu.memref_slice %arg6[%dma_wait3A_65, %dma_wait3A_66] : memref<10240x128xf32, #tpu.memory_space<vmem_shared>> -> memref<10240x128xf32, #tpu.memory_space<vmem_shared>>
      tpu.wait_indirect_dma semaphore(%arg14 : memref<!tpu.dma_semaphore, #tpu.memory_space<semaphore_mem>>) src(%arg10 : memref<128x128xf32, #tpu.memory_space<vmem>>) dst(%dma_wait3A_67 : memref<10240x128xf32, #tpu.memory_space<vmem_shared>>)
    }
    %scan3A_28 = arith.constant 2 : i32
    %barrier3A_29 = arith.constant 0 : index
    tpu.barrier barrier_id(%barrier3A_29)
    %mul3A_30 = arith.constant 640 : i32
    %mul3A_31 = arith.muli %arg1, %mul3A_30 : i32
    %mul3A_32 = arith.constant 640 : i32
    %mul3A_33 = arith.muli %arg1, %mul3A_32 : i32
    "tpu.region"() ({
      %run_scoped3A = tpu.sem_alloc : memref<!tpu.dma_semaphore, #tpu.memory_space<semaphore_mem>>
      %dma_start3A = arith.constant 0 : i32
      %dma_start3A_34 = tpu.memref_slice %arg5[%arg0, %mul3A_33, %dma_start3A] : memref<2x10240x128xf32, #tpu.memory_space<hbm>> -> memref<1x640x128xf32, #tpu.memory_space<hbm>>
      %dma_start3A_35 = tpu.memref_squeeze %dma_start3A_34 : memref<1x640x128xf32, #tpu.memory_space<hbm>> -> memref<640x128xf32, #tpu.memory_space<hbm>>
      %dma_start3A_36 = arith.constant 0 : i32
      %dma_start3A_37 = tpu.memref_slice %arg6[%mul3A_31, %dma_start3A_36] : memref<10240x128xf32, #tpu.memory_space<vmem_shared>> -> memref<640x128xf32, #tpu.memory_space<vmem_shared>>
      tpu.enqueue_dma source(%dma_start3A_37 : memref<640x128xf32, #tpu.memory_space<vmem_shared>>) target(%dma_start3A_35 : memref<640x128xf32, #tpu.memory_space<hbm>>) target_semaphore(%run_scoped3A : memref<!tpu.dma_semaphore, #tpu.memory_space<semaphore_mem>>)
      %dma_wait3A = arith.constant 0 : i32
      %dma_wait3A_38 = tpu.memref_slice %arg5[%arg0, %mul3A_33, %dma_wait3A] : memref<2x10240x128xf32, #tpu.memory_space<hbm>> -> memref<1x640x128xf32, #tpu.memory_space<hbm>>
      %dma_wait3A_39 = tpu.memref_squeeze %dma_wait3A_38 : memref<1x640x128xf32, #tpu.memory_space<hbm>> -> memref<640x128xf32, #tpu.memory_space<hbm>>
      %dma_wait3A_40 = arith.constant 0 : i32
      %dma_wait3A_41 = tpu.memref_slice %arg6[%mul3A_31, %dma_wait3A_40] : memref<10240x128xf32, #tpu.memory_space<vmem_shared>> -> memref<640x128xf32, #tpu.memory_space<vmem_shared>>
      tpu.wait_dma2 semaphore(%run_scoped3A : memref<!tpu.dma_semaphore, #tpu.memory_space<semaphore_mem>>) src(%dma_wait3A_41 : memref<640x128xf32, #tpu.memory_space<vmem_shared>>) dst(%dma_wait3A_39 : memref<640x128xf32, #tpu.memory_space<hbm>>)
      tpu.yield
    }) : () -> ()
    return
  }
}

#map = affine_map<(d0, d1) -> (0, 0)>
#map1 = affine_map<(d0, d1) -> (0, 0, 0)>
module attributes {stable_mosaic.version = 14 : i64} {
  func.func @_sc_spmm(%arg0: i32, %arg1: i32, %arg2: memref<10240x128xf32, #tpu.memory_space<hbm>>, %arg3: memref<2560x128xi32, #tpu.memory_space<hbm>>, %arg4: memref<2560x128xi32, #tpu.memory_space<hbm>>, %arg5: memref<2x10240x128xf32, #tpu.memory_space<hbm>>, %arg6: memref<10240x128xf32, #tpu.memory_space<vmem_shared>>, %arg7: memref<40x128xi32, #tpu.memory_space<vmem>>, %arg8: memref<40x128xi32, #tpu.memory_space<vmem>>, %arg9: memref<128x128xf32, #tpu.memory_space<vmem>>, %arg10: memref<128x128xf32, #tpu.memory_space<vmem>>, %arg11: memref<!tpu.dma_semaphore, #tpu.memory_space<semaphore_mem>>, %arg12: memref<!tpu.dma_semaphore, #tpu.memory_space<semaphore_mem>>, %arg13: memref<!tpu.dma_semaphore, #tpu.memory_space<semaphore_mem>>, %arg14: memref<!tpu.dma_semaphore, #tpu.memory_space<semaphore_mem>>) attributes {dimension_semantics = [#tpu.dimension_semantics<core_parallel>, #tpu.dimension_semantics<subcore_parallel>], iteration_bounds = array<i64: 2, 16>, scalar_prefetch = 0 : i64, scratch_operands = 9 : i64, tpu.core_type = #tpu.core_type<sc_vector_subcore>, window_params = [{transform_indices = #map}, {transform_indices = #map}, {transform_indices = #map}, {transform_indices = #map1}]} {
    %scan3A = arith.constant 0 : i32
    %scan3A_0 = arith.constant 0 : i32
    %scan3A_1 = arith.constant 128 : i32
    %scan3A_2 = arith.addi %scan3A_0, %scan3A_1 : i32
    %scan3A_3 = arith.constant 1 : i32
    scf.for %scan3A_34 = %scan3A_0 to %scan3A_2 step %scan3A_3  : i32 {
      %broadcast_in_dim3A = arith.constant 0.000000e+00 : f32
      %broadcast_in_dim3A_35 = vector.broadcast %broadcast_in_dim3A : f32 to vector<16xf32>
      %swap3A = arith.index_cast %scan3A_34 : i32 to index
      %swap3A_36 = arith.constant 0 : index
      %swap3A_37 = tpu.vector_load %arg9[%swap3A, %swap3A_36] {strides = array<i32>} : memref<128x128xf32, #tpu.memory_space<vmem>>, vector<1x16xf32>,
      %swap3A_38 = vector.shape_cast %swap3A_37 : vector<1x16xf32> to vector<16xf32>
      %swap3A_39 = vector.shape_cast %broadcast_in_dim3A_35 : vector<16xf32> to vector<1x16xf32>
      tpu.vector_store %arg9[%swap3A, %swap3A_36], %swap3A_39 {strides = array<i32>} : memref<128x128xf32, #tpu.memory_space<vmem>>, vector<1x16xf32>,
      %broadcast_in_dim3A_40 = arith.constant 0.000000e+00 : f32
      %broadcast_in_dim3A_41 = vector.broadcast %broadcast_in_dim3A_40 : f32 to vector<16xf32>
      %swap3A_42 = arith.index_cast %scan3A_34 : i32 to index
      %swap3A_43 = arith.constant 16 : index
      %swap3A_44 = tpu.vector_load %arg9[%swap3A_42, %swap3A_43] {strides = array<i32>} : memref<128x128xf32, #tpu.memory_space<vmem>>, vector<1x16xf32>,
      %swap3A_45 = vector.shape_cast %swap3A_44 : vector<1x16xf32> to vector<16xf32>
      %swap3A_46 = vector.shape_cast %broadcast_in_dim3A_41 : vector<16xf32> to vector<1x16xf32>
      tpu.vector_store %arg9[%swap3A_42, %swap3A_43], %swap3A_46 {strides = array<i32>} : memref<128x128xf32, #tpu.memory_space<vmem>>, vector<1x16xf32>,
      %broadcast_in_dim3A_47 = arith.constant 0.000000e+00 : f32
      %broadcast_in_dim3A_48 = vector.broadcast %broadcast_in_dim3A_47 : f32 to vector<16xf32>
      %swap3A_49 = arith.index_cast %scan3A_34 : i32 to index
      %swap3A_50 = arith.constant 32 : index
      %swap3A_51 = tpu.vector_load %arg9[%swap3A_49, %swap3A_50] {strides = array<i32>} : memref<128x128xf32, #tpu.memory_space<vmem>>, vector<1x16xf32>,
      %swap3A_52 = vector.shape_cast %swap3A_51 : vector<1x16xf32> to vector<16xf32>
      %swap3A_53 = vector.shape_cast %broadcast_in_dim3A_48 : vector<16xf32> to vector<1x16xf32>
      tpu.vector_store %arg9[%swap3A_49, %swap3A_50], %swap3A_53 {strides = array<i32>} : memref<128x128xf32, #tpu.memory_space<vmem>>, vector<1x16xf32>,
      %broadcast_in_dim3A_54 = arith.constant 0.000000e+00 : f32
      %broadcast_in_dim3A_55 = vector.broadcast %broadcast_in_dim3A_54 : f32 to vector<16xf32>
      %swap3A_56 = arith.index_cast %scan3A_34 : i32 to index
      %swap3A_57 = arith.constant 48 : index
      %swap3A_58 = tpu.vector_load %arg9[%swap3A_56, %swap3A_57] {strides = array<i32>} : memref<128x128xf32, #tpu.memory_space<vmem>>, vector<1x16xf32>,
      %swap3A_59 = vector.shape_cast %swap3A_58 : vector<1x16xf32> to vector<16xf32>
      %swap3A_60 = vector.shape_cast %broadcast_in_dim3A_55 : vector<16xf32> to vector<1x16xf32>
      tpu.vector_store %arg9[%swap3A_56, %swap3A_57], %swap3A_60 {strides = array<i32>} : memref<128x128xf32, #tpu.memory_space<vmem>>, vector<1x16xf32>,
      %broadcast_in_dim3A_61 = arith.constant 0.000000e+00 : f32
      %broadcast_in_dim3A_62 = vector.broadcast %broadcast_in_dim3A_61 : f32 to vector<16xf32>
      %swap3A_63 = arith.index_cast %scan3A_34 : i32 to index
      %swap3A_64 = arith.constant 64 : index
      %swap3A_65 = tpu.vector_load %arg9[%swap3A_63, %swap3A_64] {strides = array<i32>} : memref<128x128xf32, #tpu.memory_space<vmem>>, vector<1x16xf32>,
      %swap3A_66 = vector.shape_cast %swap3A_65 : vector<1x16xf32> to vector<16xf32>
      %swap3A_67 = vector.shape_cast %broadcast_in_dim3A_62 : vector<16xf32> to vector<1x16xf32>
      tpu.vector_store %arg9[%swap3A_63, %swap3A_64], %swap3A_67 {strides = array<i32>} : memref<128x128xf32, #tpu.memory_space<vmem>>, vector<1x16xf32>,
      %broadcast_in_dim3A_68 = arith.constant 0.000000e+00 : f32
      %broadcast_in_dim3A_69 = vector.broadcast %broadcast_in_dim3A_68 : f32 to vector<16xf32>
      %swap3A_70 = arith.index_cast %scan3A_34 : i32 to index
      %swap3A_71 = arith.constant 80 : index
      %swap3A_72 = tpu.vector_load %arg9[%swap3A_70, %swap3A_71] {strides = array<i32>} : memref<128x128xf32, #tpu.memory_space<vmem>>, vector<1x16xf32>,
      %swap3A_73 = vector.shape_cast %swap3A_72 : vector<1x16xf32> to vector<16xf32>
      %swap3A_74 = vector.shape_cast %broadcast_in_dim3A_69 : vector<16xf32> to vector<1x16xf32>
      tpu.vector_store %arg9[%swap3A_70, %swap3A_71], %swap3A_74 {strides = array<i32>} : memref<128x128xf32, #tpu.memory_space<vmem>>, vector<1x16xf32>,
      %broadcast_in_dim3A_75 = arith.constant 0.000000e+00 : f32
      %broadcast_in_dim3A_76 = vector.broadcast %broadcast_in_dim3A_75 : f32 to vector<16xf32>
      %swap3A_77 = arith.index_cast %scan3A_34 : i32 to index
      %swap3A_78 = arith.constant 96 : index
      %swap3A_79 = tpu.vector_load %arg9[%swap3A_77, %swap3A_78] {strides = array<i32>} : memref<128x128xf32, #tpu.memory_space<vmem>>, vector<1x16xf32>,
      %swap3A_80 = vector.shape_cast %swap3A_79 : vector<1x16xf32> to vector<16xf32>
      %swap3A_81 = vector.shape_cast %broadcast_in_dim3A_76 : vector<16xf32> to vector<1x16xf32>
      tpu.vector_store %arg9[%swap3A_77, %swap3A_78], %swap3A_81 {strides = array<i32>} : memref<128x128xf32, #tpu.memory_space<vmem>>, vector<1x16xf32>,
      %broadcast_in_dim3A_82 = arith.constant 0.000000e+00 : f32
      %broadcast_in_dim3A_83 = vector.broadcast %broadcast_in_dim3A_82 : f32 to vector<16xf32>
      %swap3A_84 = arith.index_cast %scan3A_34 : i32 to index
      %swap3A_85 = arith.constant 112 : index
      %swap3A_86 = tpu.vector_load %arg9[%swap3A_84, %swap3A_85] {strides = array<i32>} : memref<128x128xf32, #tpu.memory_space<vmem>>, vector<1x16xf32>,
      %swap3A_87 = vector.shape_cast %swap3A_86 : vector<1x16xf32> to vector<16xf32>
      %swap3A_88 = vector.shape_cast %broadcast_in_dim3A_83 : vector<16xf32> to vector<1x16xf32>
      tpu.vector_store %arg9[%swap3A_84, %swap3A_85], %swap3A_88 {strides = array<i32>} : memref<128x128xf32, #tpu.memory_space<vmem>>, vector<1x16xf32>,
    }
    %scan3A_4 = arith.constant 128 : i32
    %mul3A = arith.constant 640 : i32
    %mul3A_5 = arith.muli %arg1, %mul3A : i32
    %add3A = arith.constant 0 : i32
    %add3A_6 = arith.addi %mul3A_5, %add3A : i32
    "tpu.region"() ({
      %run_scoped3A = tpu.sem_alloc : memref<!tpu.dma_semaphore, #tpu.memory_space<semaphore_mem>>
      %dma_start3A = arith.constant 0 : i32
      %dma_start3A_34 = tpu.memref_slice %arg6[%add3A_6, %dma_start3A] : memref<10240x128xf32, #tpu.memory_space<vmem_shared>> -> memref<128x128xf32, #tpu.memory_space<vmem_shared>>
      %dma_start3A_35 = arith.constant 0 : i32
      %dma_start3A_36 = tpu.memref_slice %arg6[%add3A_6, %dma_start3A_35] : memref<10240x128xf32, #tpu.memory_space<vmem_shared>> -> memref<128x128xf32, #tpu.memory_space<vmem_shared>>
      tpu.enqueue_dma source(%arg9 : memref<128x128xf32, #tpu.memory_space<vmem>>) target(%dma_start3A_36 : memref<128x128xf32, #tpu.memory_space<vmem_shared>>) target_semaphore(%run_scoped3A : memref<!tpu.dma_semaphore, #tpu.memory_space<semaphore_mem>>)
      %dma_wait3A = arith.constant 0 : i32
      %dma_wait3A_37 = tpu.memref_slice %arg6[%add3A_6, %dma_wait3A] : memref<10240x128xf32, #tpu.memory_space<vmem_shared>> -> memref<128x128xf32, #tpu.memory_space<vmem_shared>>
      %dma_wait3A_38 = arith.constant 0 : i32
      %dma_wait3A_39 = tpu.memref_slice %arg6[%add3A_6, %dma_wait3A_38] : memref<10240x128xf32, #tpu.memory_space<vmem_shared>> -> memref<128x128xf32, #tpu.memory_space<vmem_shared>>
      tpu.wait_dma2 semaphore(%run_scoped3A : memref<!tpu.dma_semaphore, #tpu.memory_space<semaphore_mem>>) src(%arg9 : memref<128x128xf32, #tpu.memory_space<vmem>>) dst(%dma_wait3A_39 : memref<128x128xf32, #tpu.memory_space<vmem_shared>>)
      tpu.yield
    }) : () -> ()
    %mul3A_7 = arith.constant 640 : i32
    %mul3A_8 = arith.muli %arg1, %mul3A_7 : i32
    %add3A_9 = arith.constant 128 : i32
    %add3A_10 = arith.addi %mul3A_8, %add3A_9 : i32
    "tpu.region"() ({
      %run_scoped3A = tpu.sem_alloc : memref<!tpu.dma_semaphore, #tpu.memory_space<semaphore_mem>>
      %dma_start3A = arith.constant 0 : i32
      %dma_start3A_34 = tpu.memref_slice %arg6[%add3A_10, %dma_start3A] : memref<10240x128xf32, #tpu.memory_space<vmem_shared>> -> memref<128x128xf32, #tpu.memory_space<vmem_shared>>
      %dma_start3A_35 = arith.constant 0 : i32
      %dma_start3A_36 = tpu.memref_slice %arg6[%add3A_10, %dma_start3A_35] : memref<10240x128xf32, #tpu.memory_space<vmem_shared>> -> memref<128x128xf32, #tpu.memory_space<vmem_shared>>
      tpu.enqueue_dma source(%arg9 : memref<128x128xf32, #tpu.memory_space<vmem>>) target(%dma_start3A_36 : memref<128x128xf32, #tpu.memory_space<vmem_shared>>) target_semaphore(%run_scoped3A : memref<!tpu.dma_semaphore, #tpu.memory_space<semaphore_mem>>)
      %dma_wait3A = arith.constant 0 : i32
      %dma_wait3A_37 = tpu.memref_slice %arg6[%add3A_10, %dma_wait3A] : memref<10240x128xf32, #tpu.memory_space<vmem_shared>> -> memref<128x128xf32, #tpu.memory_space<vmem_shared>>
      %dma_wait3A_38 = arith.constant 0 : i32
      %dma_wait3A_39 = tpu.memref_slice %arg6[%add3A_10, %dma_wait3A_38] : memref<10240x128xf32, #tpu.memory_space<vmem_shared>> -> memref<128x128xf32, #tpu.memory_space<vmem_shared>>
      tpu.wait_dma2 semaphore(%run_scoped3A : memref<!tpu.dma_semaphore, #tpu.memory_space<semaphore_mem>>) src(%arg9 : memref<128x128xf32, #tpu.memory_space<vmem>>) dst(%dma_wait3A_39 : memref<128x128xf32, #tpu.memory_space<vmem_shared>>)
      tpu.yield
    }) : () -> ()
    %mul3A_11 = arith.constant 640 : i32
    %mul3A_12 = arith.muli %arg1, %mul3A_11 : i32
    %add3A_13 = arith.constant 256 : i32
    %add3A_14 = arith.addi %mul3A_12, %add3A_13 : i32
    "tpu.region"() ({
      %run_scoped3A = tpu.sem_alloc : memref<!tpu.dma_semaphore, #tpu.memory_space<semaphore_mem>>
      %dma_start3A = arith.constant 0 : i32
      %dma_start3A_34 = tpu.memref_slice %arg6[%add3A_14, %dma_start3A] : memref<10240x128xf32, #tpu.memory_space<vmem_shared>> -> memref<128x128xf32, #tpu.memory_space<vmem_shared>>
      %dma_start3A_35 = arith.constant 0 : i32
      %dma_start3A_36 = tpu.memref_slice %arg6[%add3A_14, %dma_start3A_35] : memref<10240x128xf32, #tpu.memory_space<vmem_shared>> -> memref<128x128xf32, #tpu.memory_space<vmem_shared>>
      tpu.enqueue_dma source(%arg9 : memref<128x128xf32, #tpu.memory_space<vmem>>) target(%dma_start3A_36 : memref<128x128xf32, #tpu.memory_space<vmem_shared>>) target_semaphore(%run_scoped3A : memref<!tpu.dma_semaphore, #tpu.memory_space<semaphore_mem>>)
      %dma_wait3A = arith.constant 0 : i32
      %dma_wait3A_37 = tpu.memref_slice %arg6[%add3A_14, %dma_wait3A] : memref<10240x128xf32, #tpu.memory_space<vmem_shared>> -> memref<128x128xf32, #tpu.memory_space<vmem_shared>>
      %dma_wait3A_38 = arith.constant 0 : i32
      %dma_wait3A_39 = tpu.memref_slice %arg6[%add3A_14, %dma_wait3A_38] : memref<10240x128xf32, #tpu.memory_space<vmem_shared>> -> memref<128x128xf32, #tpu.memory_space<vmem_shared>>
      tpu.wait_dma2 semaphore(%run_scoped3A : memref<!tpu.dma_semaphore, #tpu.memory_space<semaphore_mem>>) src(%arg9 : memref<128x128xf32, #tpu.memory_space<vmem>>) dst(%dma_wait3A_39 : memref<128x128xf32, #tpu.memory_space<vmem_shared>>)
      tpu.yield
    }) : () -> ()
    %mul3A_15 = arith.constant 640 : i32
    %mul3A_16 = arith.muli %arg1, %mul3A_15 : i32
    %add3A_17 = arith.constant 384 : i32
    %add3A_18 = arith.addi %mul3A_16, %add3A_17 : i32
    "tpu.region"() ({
      %run_scoped3A = tpu.sem_alloc : memref<!tpu.dma_semaphore, #tpu.memory_space<semaphore_mem>>
      %dma_start3A = arith.constant 0 : i32
      %dma_start3A_34 = tpu.memref_slice %arg6[%add3A_18, %dma_start3A] : memref<10240x128xf32, #tpu.memory_space<vmem_shared>> -> memref<128x128xf32, #tpu.memory_space<vmem_shared>>
      %dma_start3A_35 = arith.constant 0 : i32
      %dma_start3A_36 = tpu.memref_slice %arg6[%add3A_18, %dma_start3A_35] : memref<10240x128xf32, #tpu.memory_space<vmem_shared>> -> memref<128x128xf32, #tpu.memory_space<vmem_shared>>
      tpu.enqueue_dma source(%arg9 : memref<128x128xf32, #tpu.memory_space<vmem>>) target(%dma_start3A_36 : memref<128x128xf32, #tpu.memory_space<vmem_shared>>) target_semaphore(%run_scoped3A : memref<!tpu.dma_semaphore, #tpu.memory_space<semaphore_mem>>)
      %dma_wait3A = arith.constant 0 : i32
      %dma_wait3A_37 = tpu.memref_slice %arg6[%add3A_18, %dma_wait3A] : memref<10240x128xf32, #tpu.memory_space<vmem_shared>> -> memref<128x128xf32, #tpu.memory_space<vmem_shared>>
      %dma_wait3A_38 = arith.constant 0 : i32
      %dma_wait3A_39 = tpu.memref_slice %arg6[%add3A_18, %dma_wait3A_38] : memref<10240x128xf32, #tpu.memory_space<vmem_shared>> -> memref<128x128xf32, #tpu.memory_space<vmem_shared>>
      tpu.wait_dma2 semaphore(%run_scoped3A : memref<!tpu.dma_semaphore, #tpu.memory_space<semaphore_mem>>) src(%arg9 : memref<128x128xf32, #tpu.memory_space<vmem>>) dst(%dma_wait3A_39 : memref<128x128xf32, #tpu.memory_space<vmem_shared>>)
      tpu.yield
    }) : () -> ()
    %mul3A_19 = arith.constant 640 : i32
    %mul3A_20 = arith.muli %arg1, %mul3A_19 : i32
    %add3A_21 = arith.constant 512 : i32
    %add3A_22 = arith.addi %mul3A_20, %add3A_21 : i32
    "tpu.region"() ({
      %run_scoped3A = tpu.sem_alloc : memref<!tpu.dma_semaphore, #tpu.memory_space<semaphore_mem>>
      %dma_start3A = arith.constant 0 : i32
      %dma_start3A_34 = tpu.memref_slice %arg6[%add3A_22, %dma_start3A] : memref<10240x128xf32, #tpu.memory_space<vmem_shared>> -> memref<128x128xf32, #tpu.memory_space<vmem_shared>>
      %dma_start3A_35 = arith.constant 0 : i32
      %dma_start3A_36 = tpu.memref_slice %arg6[%add3A_22, %dma_start3A_35] : memref<10240x128xf32, #tpu.memory_space<vmem_shared>> -> memref<128x128xf32, #tpu.memory_space<vmem_shared>>
      tpu.enqueue_dma source(%arg9 : memref<128x128xf32, #tpu.memory_space<vmem>>) target(%dma_start3A_36 : memref<128x128xf32, #tpu.memory_space<vmem_shared>>) target_semaphore(%run_scoped3A : memref<!tpu.dma_semaphore, #tpu.memory_space<semaphore_mem>>)
      %dma_wait3A = arith.constant 0 : i32
      %dma_wait3A_37 = tpu.memref_slice %arg6[%add3A_22, %dma_wait3A] : memref<10240x128xf32, #tpu.memory_space<vmem_shared>> -> memref<128x128xf32, #tpu.memory_space<vmem_shared>>
      %dma_wait3A_38 = arith.constant 0 : i32
      %dma_wait3A_39 = tpu.memref_slice %arg6[%add3A_22, %dma_wait3A_38] : memref<10240x128xf32, #tpu.memory_space<vmem_shared>> -> memref<128x128xf32, #tpu.memory_space<vmem_shared>>
      tpu.wait_dma2 semaphore(%run_scoped3A : memref<!tpu.dma_semaphore, #tpu.memory_space<semaphore_mem>>) src(%arg9 : memref<128x128xf32, #tpu.memory_space<vmem>>) dst(%dma_wait3A_39 : memref<128x128xf32, #tpu.memory_space<vmem_shared>>)
      tpu.yield
    }) : () -> ()
    %barrier3A = arith.constant 0 : index
    tpu.barrier barrier_id(%barrier3A)
    %scan3A_23 = arith.constant 0 : i32
    %scan3A_24 = arith.constant 0 : i32
    %scan3A_25 = arith.constant 2 : i32
    %scan3A_26 = arith.addi %scan3A_24, %scan3A_25 : i32
    %scan3A_27 = arith.constant 1 : i32
    scf.for %scan3A_34 = %scan3A_24 to %scan3A_26 step %scan3A_27  : i32 {
      %mul3A_35 = arith.constant 16 : i32
      %mul3A_36 = arith.muli %arg0, %mul3A_35 : i32
      %add3A_37 = arith.addi %mul3A_36, %arg1 : i32
      %mul3A_38 = arith.constant 80 : i32
      %mul3A_39 = arith.muli %add3A_37, %mul3A_38 : i32
      %mul3A_40 = arith.constant 40 : i32
      %mul3A_41 = arith.muli %scan3A_34, %mul3A_40 : i32
      %add3A_42 = arith.addi %mul3A_39, %mul3A_41 : i32
      "tpu.region"() ({
        %run_scoped3A = tpu.sem_alloc : memref<!tpu.dma_semaphore, #tpu.memory_space<semaphore_mem>>
        %dma_start3A_68 = arith.constant 0 : i32
        %dma_start3A_69 = tpu.memref_slice %arg3[%add3A_42, %dma_start3A_68] : memref<2560x128xi32, #tpu.memory_space<hbm>> -> memref<40x128xi32, #tpu.memory_space<hbm>>
        %dma_start3A_70 = arith.constant 0 : i32
        %dma_start3A_71 = tpu.memref_slice %arg3[%add3A_42, %dma_start3A_70] : memref<2560x128xi32, #tpu.memory_space<hbm>> -> memref<40x128xi32, #tpu.memory_space<hbm>>
        tpu.enqueue_dma source(%dma_start3A_71 : memref<40x128xi32, #tpu.memory_space<hbm>>) target(%arg7 : memref<40x128xi32, #tpu.memory_space<vmem>>) target_semaphore(%run_scoped3A : memref<!tpu.dma_semaphore, #tpu.memory_space<semaphore_mem>>)
        %dma_wait3A_72 = arith.constant 0 : i32
        %dma_wait3A_73 = tpu.memref_slice %arg3[%add3A_42, %dma_wait3A_72] : memref<2560x128xi32, #tpu.memory_space<hbm>> -> memref<40x128xi32, #tpu.memory_space<hbm>>
        %dma_wait3A_74 = arith.constant 0 : i32
        %dma_wait3A_75 = tpu.memref_slice %arg3[%add3A_42, %dma_wait3A_74] : memref<2560x128xi32, #tpu.memory_space<hbm>> -> memref<40x128xi32, #tpu.memory_space<hbm>>
        tpu.wait_dma2 semaphore(%run_scoped3A : memref<!tpu.dma_semaphore, #tpu.memory_space<semaphore_mem>>) src(%dma_wait3A_75 : memref<40x128xi32, #tpu.memory_space<hbm>>) dst(%arg7 : memref<40x128xi32, #tpu.memory_space<vmem>>)
        tpu.yield
      }) : () -> ()
      "tpu.region"() ({
        %run_scoped3A = tpu.sem_alloc : memref<!tpu.dma_semaphore, #tpu.memory_space<semaphore_mem>>
        %dma_start3A_68 = arith.constant 0 : i32
        %dma_start3A_69 = tpu.memref_slice %arg4[%add3A_42, %dma_start3A_68] : memref<2560x128xi32, #tpu.memory_space<hbm>> -> memref<40x128xi32, #tpu.memory_space<hbm>>
        %dma_start3A_70 = arith.constant 0 : i32
        %dma_start3A_71 = tpu.memref_slice %arg4[%add3A_42, %dma_start3A_70] : memref<2560x128xi32, #tpu.memory_space<hbm>> -> memref<40x128xi32, #tpu.memory_space<hbm>>
        tpu.enqueue_dma source(%dma_start3A_71 : memref<40x128xi32, #tpu.memory_space<hbm>>) target(%arg8 : memref<40x128xi32, #tpu.memory_space<vmem>>) target_semaphore(%run_scoped3A : memref<!tpu.dma_semaphore, #tpu.memory_space<semaphore_mem>>)
        %dma_wait3A_72 = arith.constant 0 : i32
        %dma_wait3A_73 = tpu.memref_slice %arg4[%add3A_42, %dma_wait3A_72] : memref<2560x128xi32, #tpu.memory_space<hbm>> -> memref<40x128xi32, #tpu.memory_space<hbm>>
        %dma_wait3A_74 = arith.constant 0 : i32
        %dma_wait3A_75 = tpu.memref_slice %arg4[%add3A_42, %dma_wait3A_74] : memref<2560x128xi32, #tpu.memory_space<hbm>> -> memref<40x128xi32, #tpu.memory_space<hbm>>
        tpu.wait_dma2 semaphore(%run_scoped3A : memref<!tpu.dma_semaphore, #tpu.memory_space<semaphore_mem>>) src(%dma_wait3A_75 : memref<40x128xi32, #tpu.memory_space<hbm>>) dst(%arg8 : memref<40x128xi32, #tpu.memory_space<vmem>>)
        tpu.yield
      }) : () -> ()
      %dma_start3A = arith.constant 0 : i32
      %dma_start3A_43 = arith.constant 0 : i32
      %dma_start3A_44 = tpu.memref_slice %arg7[%dma_start3A, %dma_start3A_43] : memref<40x128xi32, #tpu.memory_space<vmem>> -> memref<1x128xi32, #tpu.memory_space<vmem>>
      %dma_start3A_45 = tpu.memref_squeeze %dma_start3A_44 : memref<1x128xi32, #tpu.memory_space<vmem>> -> memref<128xi32, #tpu.memory_space<vmem>>
      %dma_start3A_46 = arith.constant 0 : i32
      %dma_start3A_47 = arith.constant 0 : i32
      %dma_start3A_48 = tpu.memref_slice %arg2[%dma_start3A_46, %dma_start3A_47] : memref<10240x128xf32, #tpu.memory_space<hbm>> -> memref<10240x128xf32, #tpu.memory_space<hbm>>
      tpu.enqueue_indirect_dma source(%dma_start3A_48 : memref<10240x128xf32, #tpu.memory_space<hbm>>) target(%arg9 : memref<128x128xf32, #tpu.memory_space<vmem>>) offsets(%dma_start3A_45 : memref<128xi32, #tpu.memory_space<vmem>>) semaphore(%arg11 : memref<!tpu.dma_semaphore, #tpu.memory_space<semaphore_mem>>)
      %scan3A_49 = arith.constant 0 : i32
      %scan3A_50 = arith.constant 0 : i32
      %scan3A_51 = arith.constant 20 : i32
      %scan3A_52 = arith.addi %scan3A_50, %scan3A_51 : i32
      %scan3A_53 = arith.constant 1 : i32
      scf.for %scan3A_68 = %scan3A_50 to %scan3A_52 step %scan3A_53  : i32 {
        %mul3A_69 = arith.constant 2 : i32
        %mul3A_70 = arith.muli %scan3A_68, %mul3A_69 : i32
        %add3A_71 = arith.constant 0 : i32
        %add3A_72 = arith.addi %mul3A_70, %add3A_71 : i32
        %dma_wait3A_73 = arith.constant 0 : i32
        %dma_wait3A_74 = tpu.memref_slice %arg7[%add3A_72, %dma_wait3A_73] : memref<40x128xi32, #tpu.memory_space<vmem>> -> memref<1x128xi32, #tpu.memory_space<vmem>>
        %dma_wait3A_75 = tpu.memref_squeeze %dma_wait3A_74 : memref<1x128xi32, #tpu.memory_space<vmem>> -> memref<128xi32, #tpu.memory_space<vmem>>
        %dma_wait3A_76 = arith.constant 0 : i32
        %dma_wait3A_77 = arith.constant 0 : i32
        %dma_wait3A_78 = tpu.memref_slice %arg2[%dma_wait3A_76, %dma_wait3A_77] : memref<10240x128xf32, #tpu.memory_space<hbm>> -> memref<10240x128xf32, #tpu.memory_space<hbm>>
        tpu.wait_indirect_dma semaphore(%arg11 : memref<!tpu.dma_semaphore, #tpu.memory_space<semaphore_mem>>) src(%dma_wait3A_78 : memref<10240x128xf32, #tpu.memory_space<hbm>>) dst(%arg9 : memref<128x128xf32, #tpu.memory_space<vmem>>)
        %add3A_79 = arith.constant 1 : i32
        %add3A_80 = arith.addi %add3A_72, %add3A_79 : i32
        %lt3A = arith.constant 40 : i32
        %lt3A_81 = arith.cmpi slt, %add3A_80, %lt3A : i32
        %gt3A = arith.constant 0 : i32
        %gt3A_82 = arith.cmpi sgt, %add3A_72, %gt3A : i32
        %and3A = arith.andi %lt3A_81, %gt3A_82 : i1
        %convert_element_type3A = arith.extui %and3A : i1 to i32
        %cond3A = arith.constant 0 : i32
        %cond3A_83 = arith.cmpi ne, %convert_element_type3A, %cond3A : i32
        scf.if %cond3A_83 {
          %dma_wait3A_130 = arith.constant 0 : i32
          %dma_wait3A_131 = tpu.memref_slice %arg8[%add3A_72, %dma_wait3A_130] : memref<40x128xi32, #tpu.memory_space<vmem>> -> memref<1x128xi32, #tpu.memory_space<vmem>>
          %dma_wait3A_132 = tpu.memref_squeeze %dma_wait3A_131 : memref<1x128xi32, #tpu.memory_space<vmem>> -> memref<128xi32, #tpu.memory_space<vmem>>
          %dma_wait3A_133 = arith.constant 0 : i32
          %dma_wait3A_134 = arith.constant 0 : i32
          %dma_wait3A_135 = tpu.memref_slice %arg6[%dma_wait3A_133, %dma_wait3A_134] : memref<10240x128xf32, #tpu.memory_space<vmem_shared>> -> memref<10240x128xf32, #tpu.memory_space<vmem_shared>>
          tpu.wait_indirect_dma semaphore(%arg14 : memref<!tpu.dma_semaphore, #tpu.memory_space<semaphore_mem>>) src(%arg10 : memref<128x128xf32, #tpu.memory_space<vmem>>) dst(%dma_wait3A_135 : memref<10240x128xf32, #tpu.memory_space<vmem_shared>>)
        } else {
        }
        %add3A_84 = arith.constant 1 : i32
        %add3A_85 = arith.addi %add3A_72, %add3A_84 : i32
        %lt3A_86 = arith.constant 40 : i32
        %lt3A_87 = arith.cmpi slt, %add3A_85, %lt3A_86 : i32
        %convert_element_type3A_88 = arith.extui %lt3A_87 : i1 to i32
        %cond3A_89 = arith.constant 0 : i32
        %cond3A_90 = arith.cmpi ne, %convert_element_type3A_88, %cond3A_89 : i32
        scf.if %cond3A_90 {
          %add3A_130 = arith.constant 1 : i32
          %add3A_131 = arith.addi %add3A_72, %add3A_130 : i32
          %dma_start3A_132 = arith.constant 0 : i32
          %dma_start3A_133 = tpu.memref_slice %arg7[%add3A_131, %dma_start3A_132] : memref<40x128xi32, #tpu.memory_space<vmem>> -> memref<1x128xi32, #tpu.memory_space<vmem>>
          %dma_start3A_134 = tpu.memref_squeeze %dma_start3A_133 : memref<1x128xi32, #tpu.memory_space<vmem>> -> memref<128xi32, #tpu.memory_space<vmem>>
          %dma_start3A_135 = arith.constant 0 : i32
          %dma_start3A_136 = arith.constant 0 : i32
          %dma_start3A_137 = tpu.memref_slice %arg2[%dma_start3A_135, %dma_start3A_136] : memref<10240x128xf32, #tpu.memory_space<hbm>> -> memref<10240x128xf32, #tpu.memory_space<hbm>>
          tpu.enqueue_indirect_dma source(%dma_start3A_137 : memref<10240x128xf32, #tpu.memory_space<hbm>>) target(%arg10 : memref<128x128xf32, #tpu.memory_space<vmem>>) offsets(%dma_start3A_134 : memref<128xi32, #tpu.memory_space<vmem>>) semaphore(%arg12 : memref<!tpu.dma_semaphore, #tpu.memory_space<semaphore_mem>>)
        } else {
        }
        %dma_start3A_91 = arith.constant 0 : i32
        %dma_start3A_92 = tpu.memref_slice %arg8[%add3A_72, %dma_start3A_91] : memref<40x128xi32, #tpu.memory_space<vmem>> -> memref<1x128xi32, #tpu.memory_space<vmem>>
        %dma_start3A_93 = tpu.memref_squeeze %dma_start3A_92 : memref<1x128xi32, #tpu.memory_space<vmem>> -> memref<128xi32, #tpu.memory_space<vmem>>
        %dma_start3A_94 = arith.constant 0 : i32
        %dma_start3A_95 = arith.constant 0 : i32
        %dma_start3A_96 = tpu.memref_slice %arg6[%dma_start3A_94, %dma_start3A_95] : memref<10240x128xf32, #tpu.memory_space<vmem_shared>> -> memref<10240x128xf32, #tpu.memory_space<vmem_shared>>
        tpu.enqueue_indirect_dma source(%arg9 : memref<128x128xf32, #tpu.memory_space<vmem>>) target(%dma_start3A_96 : memref<10240x128xf32, #tpu.memory_space<vmem_shared>>) offsets(%dma_start3A_93 : memref<128xi32, #tpu.memory_space<vmem>>) semaphore(%arg13 : memref<!tpu.dma_semaphore, #tpu.memory_space<semaphore_mem>>) {add = true}
        %mul3A_97 = arith.constant 2 : i32
        %mul3A_98 = arith.muli %scan3A_68, %mul3A_97 : i32
        %add3A_99 = arith.constant 1 : i32
        %add3A_100 = arith.addi %mul3A_98, %add3A_99 : i32
        %dma_wait3A_101 = arith.constant 0 : i32
        %dma_wait3A_102 = tpu.memref_slice %arg7[%add3A_100, %dma_wait3A_101] : memref<40x128xi32, #tpu.memory_space<vmem>> -> memref<1x128xi32, #tpu.memory_space<vmem>>
        %dma_wait3A_103 = tpu.memref_squeeze %dma_wait3A_102 : memref<1x128xi32, #tpu.memory_space<vmem>> -> memref<128xi32, #tpu.memory_space<vmem>>
        %dma_wait3A_104 = arith.constant 0 : i32
        %dma_wait3A_105 = arith.constant 0 : i32
        %dma_wait3A_106 = tpu.memref_slice %arg2[%dma_wait3A_104, %dma_wait3A_105] : memref<10240x128xf32, #tpu.memory_space<hbm>> -> memref<10240x128xf32, #tpu.memory_space<hbm>>
        tpu.wait_indirect_dma semaphore(%arg12 : memref<!tpu.dma_semaphore, #tpu.memory_space<semaphore_mem>>) src(%dma_wait3A_106 : memref<10240x128xf32, #tpu.memory_space<hbm>>) dst(%arg10 : memref<128x128xf32, #tpu.memory_space<vmem>>)
        %add3A_107 = arith.constant 1 : i32
        %add3A_108 = arith.addi %add3A_100, %add3A_107 : i32
        %lt3A_109 = arith.constant 40 : i32
        %lt3A_110 = arith.cmpi slt, %add3A_108, %lt3A_109 : i32
        %gt3A_111 = arith.constant 0 : i32
        %gt3A_112 = arith.cmpi sgt, %add3A_100, %gt3A_111 : i32
        %and3A_113 = arith.andi %lt3A_110, %gt3A_112 : i1
        %convert_element_type3A_114 = arith.extui %and3A_113 : i1 to i32
        %cond3A_115 = arith.constant 0 : i32
        %cond3A_116 = arith.cmpi ne, %convert_element_type3A_114, %cond3A_115 : i32
        scf.if %cond3A_116 {
          %dma_wait3A_130 = arith.constant 0 : i32
          %dma_wait3A_131 = tpu.memref_slice %arg8[%add3A_100, %dma_wait3A_130] : memref<40x128xi32, #tpu.memory_space<vmem>> -> memref<1x128xi32, #tpu.memory_space<vmem>>
          %dma_wait3A_132 = tpu.memref_squeeze %dma_wait3A_131 : memref<1x128xi32, #tpu.memory_space<vmem>> -> memref<128xi32, #tpu.memory_space<vmem>>
          %dma_wait3A_133 = arith.constant 0 : i32
          %dma_wait3A_134 = arith.constant 0 : i32
          %dma_wait3A_135 = tpu.memref_slice %arg6[%dma_wait3A_133, %dma_wait3A_134] : memref<10240x128xf32, #tpu.memory_space<vmem_shared>> -> memref<10240x128xf32, #tpu.memory_space<vmem_shared>>
          tpu.wait_indirect_dma semaphore(%arg13 : memref<!tpu.dma_semaphore, #tpu.memory_space<semaphore_mem>>) src(%arg9 : memref<128x128xf32, #tpu.memory_space<vmem>>) dst(%dma_wait3A_135 : memref<10240x128xf32, #tpu.memory_space<vmem_shared>>)
        } else {
        }
        %add3A_117 = arith.constant 1 : i32
        %add3A_118 = arith.addi %add3A_100, %add3A_117 : i32
        %lt3A_119 = arith.constant 40 : i32
        %lt3A_120 = arith.cmpi slt, %add3A_118, %lt3A_119 : i32
        %convert_element_type3A_121 = arith.extui %lt3A_120 : i1 to i32
        %cond3A_122 = arith.constant 0 : i32
        %cond3A_123 = arith.cmpi ne, %convert_element_type3A_121, %cond3A_122 : i32
        scf.if %cond3A_123 {
          %add3A_130 = arith.constant 1 : i32
          %add3A_131 = arith.addi %add3A_100, %add3A_130 : i32
          %dma_start3A_132 = arith.constant 0 : i32
          %dma_start3A_133 = tpu.memref_slice %arg7[%add3A_131, %dma_start3A_132] : memref<40x128xi32, #tpu.memory_space<vmem>> -> memref<1x128xi32, #tpu.memory_space<vmem>>
          %dma_start3A_134 = tpu.memref_squeeze %dma_start3A_133 : memref<1x128xi32, #tpu.memory_space<vmem>> -> memref<128xi32, #tpu.memory_space<vmem>>
          %dma_start3A_135 = arith.constant 0 : i32
          %dma_start3A_136 = arith.constant 0 : i32
          %dma_start3A_137 = tpu.memref_slice %arg2[%dma_start3A_135, %dma_start3A_136] : memref<10240x128xf32, #tpu.memory_space<hbm>> -> memref<10240x128xf32, #tpu.memory_space<hbm>>
          tpu.enqueue_indirect_dma source(%dma_start3A_137 : memref<10240x128xf32, #tpu.memory_space<hbm>>) target(%arg9 : memref<128x128xf32, #tpu.memory_space<vmem>>) offsets(%dma_start3A_134 : memref<128xi32, #tpu.memory_space<vmem>>) semaphore(%arg11 : memref<!tpu.dma_semaphore, #tpu.memory_space<semaphore_mem>>)
        } else {
        }
        %dma_start3A_124 = arith.constant 0 : i32
        %dma_start3A_125 = tpu.memref_slice %arg8[%add3A_100, %dma_start3A_124] : memref<40x128xi32, #tpu.memory_space<vmem>> -> memref<1x128xi32, #tpu.memory_space<vmem>>
        %dma_start3A_126 = tpu.memref_squeeze %dma_start3A_125 : memref<1x128xi32, #tpu.memory_space<vmem>> -> memref<128xi32, #tpu.memory_space<vmem>>
        %dma_start3A_127 = arith.constant 0 : i32
        %dma_start3A_128 = arith.constant 0 : i32
        %dma_start3A_129 = tpu.memref_slice %arg6[%dma_start3A_127, %dma_start3A_128] : memref<10240x128xf32, #tpu.memory_space<vmem_shared>> -> memref<10240x128xf32, #tpu.memory_space<vmem_shared>>
        tpu.enqueue_indirect_dma source(%arg10 : memref<128x128xf32, #tpu.memory_space<vmem>>) target(%dma_start3A_129 : memref<10240x128xf32, #tpu.memory_space<vmem_shared>>) offsets(%dma_start3A_126 : memref<128xi32, #tpu.memory_space<vmem>>) semaphore(%arg14 : memref<!tpu.dma_semaphore, #tpu.memory_space<semaphore_mem>>) {add = true}
      }
      %scan3A_54 = arith.constant 20 : i32
      %dma_wait3A = arith.constant 0 : i32
      %dma_wait3A_55 = arith.constant 0 : i32
      %dma_wait3A_56 = tpu.memref_slice %arg8[%dma_wait3A, %dma_wait3A_55] : memref<40x128xi32, #tpu.memory_space<vmem>> -> memref<1x128xi32, #tpu.memory_space<vmem>>
      %dma_wait3A_57 = tpu.memref_squeeze %dma_wait3A_56 : memref<1x128xi32, #tpu.memory_space<vmem>> -> memref<128xi32, #tpu.memory_space<vmem>>
      %dma_wait3A_58 = arith.constant 0 : i32
      %dma_wait3A_59 = arith.constant 0 : i32
      %dma_wait3A_60 = tpu.memref_slice %arg6[%dma_wait3A_58, %dma_wait3A_59] : memref<10240x128xf32, #tpu.memory_space<vmem_shared>> -> memref<10240x128xf32, #tpu.memory_space<vmem_shared>>
      tpu.wait_indirect_dma semaphore(%arg13 : memref<!tpu.dma_semaphore, #tpu.memory_space<semaphore_mem>>) src(%arg9 : memref<128x128xf32, #tpu.memory_space<vmem>>) dst(%dma_wait3A_60 : memref<10240x128xf32, #tpu.memory_space<vmem_shared>>)
      %dma_wait3A_61 = arith.constant 0 : i32
      %dma_wait3A_62 = arith.constant 0 : i32
      %dma_wait3A_63 = tpu.memref_slice %arg8[%dma_wait3A_61, %dma_wait3A_62] : memref<40x128xi32, #tpu.memory_space<vmem>> -> memref<1x128xi32, #tpu.memory_space<vmem>>
      %dma_wait3A_64 = tpu.memref_squeeze %dma_wait3A_63 : memref<1x128xi32, #tpu.memory_space<vmem>> -> memref<128xi32, #tpu.memory_space<vmem>>
      %dma_wait3A_65 = arith.constant 0 : i32
      %dma_wait3A_66 = arith.constant 0 : i32
      %dma_wait3A_67 = tpu.memref_slice %arg6[%dma_wait3A_65, %dma_wait3A_66] : memref<10240x128xf32, #tpu.memory_space<vmem_shared>> -> memref<10240x128xf32, #tpu.memory_space<vmem_shared>>
      tpu.wait_indirect_dma semaphore(%arg14 : memref<!tpu.dma_semaphore, #tpu.memory_space<semaphore_mem>>) src(%arg10 : memref<128x128xf32, #tpu.memory_space<vmem>>) dst(%dma_wait3A_67 : memref<10240x128xf32, #tpu.memory_space<vmem_shared>>)
    }
    %scan3A_28 = arith.constant 2 : i32
    %barrier3A_29 = arith.constant 0 : index
    tpu.barrier barrier_id(%barrier3A_29)
    %mul3A_30 = arith.constant 640 : i32
    %mul3A_31 = arith.muli %arg1, %mul3A_30 : i32
    %mul3A_32 = arith.constant 640 : i32
    %mul3A_33 = arith.muli %arg1, %mul3A_32 : i32
    "tpu.region"() ({
      %run_scoped3A = tpu.sem_alloc : memref<!tpu.dma_semaphore, #tpu.memory_space<semaphore_mem>>
      %dma_start3A = arith.constant 0 : i32
      %dma_start3A_34 = tpu.memref_slice %arg5[%arg0, %mul3A_33, %dma_start3A] : memref<2x10240x128xf32, #tpu.memory_space<hbm>> -> memref<1x640x128xf32, #tpu.memory_space<hbm>>
      %dma_start3A_35 = tpu.memref_squeeze %dma_start3A_34 : memref<1x640x128xf32, #tpu.memory_space<hbm>> -> memref<640x128xf32, #tpu.memory_space<hbm>>
      %dma_start3A_36 = arith.constant 0 : i32
      %dma_start3A_37 = tpu.memref_slice %arg6[%mul3A_31, %dma_start3A_36] : memref<10240x128xf32, #tpu.memory_space<vmem_shared>> -> memref<640x128xf32, #tpu.memory_space<vmem_shared>>
      tpu.enqueue_dma source(%dma_start3A_37 : memref<640x128xf32, #tpu.memory_space<vmem_shared>>) target(%dma_start3A_35 : memref<640x128xf32, #tpu.memory_space<hbm>>) target_semaphore(%run_scoped3A : memref<!tpu.dma_semaphore, #tpu.memory_space<semaphore_mem>>)
      %dma_wait3A = arith.constant 0 : i32
      %dma_wait3A_38 = tpu.memref_slice %arg5[%arg0, %mul3A_33, %dma_wait3A] : memref<2x10240x128xf32, #tpu.memory_space<hbm>> -> memref<1x640x128xf32, #tpu.memory_space<hbm>>
      %dma_wait3A_39 = tpu.memref_squeeze %dma_wait3A_38 : memref<1x640x128xf32, #tpu.memory_space<hbm>> -> memref<640x128xf32, #tpu.memory_space<hbm>>
      %dma_wait3A_40 = arith.constant 0 : i32
      %dma_wait3A_41 = tpu.memref_slice %arg6[%mul3A_31, %dma_wait3A_40] : memref<10240x128xf32, #tpu.memory_space<vmem_shared>> -> memref<640x128xf32, #tpu.memory_space<vmem_shared>>
      tpu.wait_dma2 semaphore(%run_scoped3A : memref<!tpu.dma_semaphore, #tpu.memory_space<semaphore_mem>>) src(%dma_wait3A_41 : memref<640x128xf32, #tpu.memory_space<vmem_shared>>) dst(%dma_wait3A_39 : memref<640x128xf32, #tpu.memory_space<hbm>>)
      tpu.yield
    }) : () -> ()
    return
  }
}

#map = affine_map<(d0, d1) -> (0, 0)>
#map1 = affine_map<(d0, d1) -> (0, 0, 0)>
module attributes {stable_mosaic.version = 14 : i64} {
  func.func @_sc_spmm(%arg0: i32, %arg1: i32, %arg2: memref<10240x128xf32, #tpu.memory_space<hbm>>, %arg3: memref<2560x128xi32, #tpu.memory_space<hbm>>, %arg4: memref<2560x128xi32, #tpu.memory_space<hbm>>, %arg5: memref<2x10240x128xf32, #tpu.memory_space<hbm>>, %arg6: memref<10240x128xf32, #tpu.memory_space<vmem_shared>>, %arg7: memref<40x128xi32, #tpu.memory_space<vmem>>, %arg8: memref<40x128xi32, #tpu.memory_space<vmem>>, %arg9: memref<128x128xf32, #tpu.memory_space<vmem>>, %arg10: memref<128x128xf32, #tpu.memory_space<vmem>>, %arg11: memref<!tpu.dma_semaphore, #tpu.memory_space<semaphore_mem>>, %arg12: memref<!tpu.dma_semaphore, #tpu.memory_space<semaphore_mem>>, %arg13: memref<!tpu.dma_semaphore, #tpu.memory_space<semaphore_mem>>, %arg14: memref<!tpu.dma_semaphore, #tpu.memory_space<semaphore_mem>>) attributes {dimension_semantics = [#tpu.dimension_semantics<core_parallel>, #tpu.dimension_semantics<subcore_parallel>], iteration_bounds = array<i64: 2, 16>, scalar_prefetch = 0 : i64, scratch_operands = 9 : i64, tpu.core_type = #tpu.core_type<sc_vector_subcore>, window_params = [{transform_indices = #map}, {transform_indices = #map}, {transform_indices = #map}, {transform_indices = #map1}]} {
    %scan3A = arith.constant 0 : i32
    %scan3A_0 = arith.constant 0 : i32
    %scan3A_1 = arith.constant 128 : i32
    %scan3A_2 = arith.addi %scan3A_0, %scan3A_1 : i32
    %scan3A_3 = arith.constant 1 : i32
    scf.for %scan3A_34 = %scan3A_0 to %scan3A_2 step %scan3A_3  : i32 {
      %broadcast_in_dim3A = arith.constant 0.000000e+00 : f32
      %broadcast_in_dim3A_35 = vector.broadcast %broadcast_in_dim3A : f32 to vector<16xf32>
      %swap3A = arith.index_cast %scan3A_34 : i32 to index
      %swap3A_36 = arith.constant 0 : index
      %swap3A_37 = tpu.vector_load %arg9[%swap3A, %swap3A_36] {strides = array<i32>} : memref<128x128xf32, #tpu.memory_space<vmem>>, vector<1x16xf32>,
      %swap3A_38 = vector.shape_cast %swap3A_37 : vector<1x16xf32> to vector<16xf32>
      %swap3A_39 = vector.shape_cast %broadcast_in_dim3A_35 : vector<16xf32> to vector<1x16xf32>
      tpu.vector_store %arg9[%swap3A, %swap3A_36], %swap3A_39 {strides = array<i32>} : memref<128x128xf32, #tpu.memory_space<vmem>>, vector<1x16xf32>,
      %broadcast_in_dim3A_40 = arith.constant 0.000000e+00 : f32
      %broadcast_in_dim3A_41 = vector.broadcast %broadcast_in_dim3A_40 : f32 to vector<16xf32>
      %swap3A_42 = arith.index_cast %scan3A_34 : i32 to index
      %swap3A_43 = arith.constant 16 : index
      %swap3A_44 = tpu.vector_load %arg9[%swap3A_42, %swap3A_43] {strides = array<i32>} : memref<128x128xf32, #tpu.memory_space<vmem>>, vector<1x16xf32>,
      %swap3A_45 = vector.shape_cast %swap3A_44 : vector<1x16xf32> to vector<16xf32>
      %swap3A_46 = vector.shape_cast %broadcast_in_dim3A_41 : vector<16xf32> to vector<1x16xf32>
      tpu.vector_store %arg9[%swap3A_42, %swap3A_43], %swap3A_46 {strides = array<i32>} : memref<128x128xf32, #tpu.memory_space<vmem>>, vector<1x16xf32>,
      %broadcast_in_dim3A_47 = arith.constant 0.000000e+00 : f32
      %broadcast_in_dim3A_48 = vector.broadcast %broadcast_in_dim3A_47 : f32 to vector<16xf32>
      %swap3A_49 = arith.index_cast %scan3A_34 : i32 to index
      %swap3A_50 = arith.constant 32 : index
      %swap3A_51 = tpu.vector_load %arg9[%swap3A_49, %swap3A_50] {strides = array<i32>} : memref<128x128xf32, #tpu.memory_space<vmem>>, vector<1x16xf32>,
      %swap3A_52 = vector.shape_cast %swap3A_51 : vector<1x16xf32> to vector<16xf32>
      %swap3A_53 = vector.shape_cast %broadcast_in_dim3A_48 : vector<16xf32> to vector<1x16xf32>
      tpu.vector_store %arg9[%swap3A_49, %swap3A_50], %swap3A_53 {strides = array<i32>} : memref<128x128xf32, #tpu.memory_space<vmem>>, vector<1x16xf32>,
      %broadcast_in_dim3A_54 = arith.constant 0.000000e+00 : f32
      %broadcast_in_dim3A_55 = vector.broadcast %broadcast_in_dim3A_54 : f32 to vector<16xf32>
      %swap3A_56 = arith.index_cast %scan3A_34 : i32 to index
      %swap3A_57 = arith.constant 48 : index
      %swap3A_58 = tpu.vector_load %arg9[%swap3A_56, %swap3A_57] {strides = array<i32>} : memref<128x128xf32, #tpu.memory_space<vmem>>, vector<1x16xf32>,
      %swap3A_59 = vector.shape_cast %swap3A_58 : vector<1x16xf32> to vector<16xf32>
      %swap3A_60 = vector.shape_cast %broadcast_in_dim3A_55 : vector<16xf32> to vector<1x16xf32>
      tpu.vector_store %arg9[%swap3A_56, %swap3A_57], %swap3A_60 {strides = array<i32>} : memref<128x128xf32, #tpu.memory_space<vmem>>, vector<1x16xf32>,
      %broadcast_in_dim3A_61 = arith.constant 0.000000e+00 : f32
      %broadcast_in_dim3A_62 = vector.broadcast %broadcast_in_dim3A_61 : f32 to vector<16xf32>
      %swap3A_63 = arith.index_cast %scan3A_34 : i32 to index
      %swap3A_64 = arith.constant 64 : index
      %swap3A_65 = tpu.vector_load %arg9[%swap3A_63, %swap3A_64] {strides = array<i32>} : memref<128x128xf32, #tpu.memory_space<vmem>>, vector<1x16xf32>,
      %swap3A_66 = vector.shape_cast %swap3A_65 : vector<1x16xf32> to vector<16xf32>
      %swap3A_67 = vector.shape_cast %broadcast_in_dim3A_62 : vector<16xf32> to vector<1x16xf32>
      tpu.vector_store %arg9[%swap3A_63, %swap3A_64], %swap3A_67 {strides = array<i32>} : memref<128x128xf32, #tpu.memory_space<vmem>>, vector<1x16xf32>,
      %broadcast_in_dim3A_68 = arith.constant 0.000000e+00 : f32
      %broadcast_in_dim3A_69 = vector.broadcast %broadcast_in_dim3A_68 : f32 to vector<16xf32>
      %swap3A_70 = arith.index_cast %scan3A_34 : i32 to index
      %swap3A_71 = arith.constant 80 : index
      %swap3A_72 = tpu.vector_load %arg9[%swap3A_70, %swap3A_71] {strides = array<i32>} : memref<128x128xf32, #tpu.memory_space<vmem>>, vector<1x16xf32>,
      %swap3A_73 = vector.shape_cast %swap3A_72 : vector<1x16xf32> to vector<16xf32>
      %swap3A_74 = vector.shape_cast %broadcast_in_dim3A_69 : vector<16xf32> to vector<1x16xf32>
      tpu.vector_store %arg9[%swap3A_70, %swap3A_71], %swap3A_74 {strides = array<i32>} : memref<128x128xf32, #tpu.memory_space<vmem>>, vector<1x16xf32>,
      %broadcast_in_dim3A_75 = arith.constant 0.000000e+00 : f32
      %broadcast_in_dim3A_76 = vector.broadcast %broadcast_in_dim3A_75 : f32 to vector<16xf32>
      %swap3A_77 = arith.index_cast %scan3A_34 : i32 to index
      %swap3A_78 = arith.constant 96 : index
      %swap3A_79 = tpu.vector_load %arg9[%swap3A_77, %swap3A_78] {strides = array<i32>} : memref<128x128xf32, #tpu.memory_space<vmem>>, vector<1x16xf32>,
      %swap3A_80 = vector.shape_cast %swap3A_79 : vector<1x16xf32> to vector<16xf32>
      %swap3A_81 = vector.shape_cast %broadcast_in_dim3A_76 : vector<16xf32> to vector<1x16xf32>
      tpu.vector_store %arg9[%swap3A_77, %swap3A_78], %swap3A_81 {strides = array<i32>} : memref<128x128xf32, #tpu.memory_space<vmem>>, vector<1x16xf32>,
      %broadcast_in_dim3A_82 = arith.constant 0.000000e+00 : f32
      %broadcast_in_dim3A_83 = vector.broadcast %broadcast_in_dim3A_82 : f32 to vector<16xf32>
      %swap3A_84 = arith.index_cast %scan3A_34 : i32 to index
      %swap3A_85 = arith.constant 112 : index
      %swap3A_86 = tpu.vector_load %arg9[%swap3A_84, %swap3A_85] {strides = array<i32>} : memref<128x128xf32, #tpu.memory_space<vmem>>, vector<1x16xf32>,
      %swap3A_87 = vector.shape_cast %swap3A_86 : vector<1x16xf32> to vector<16xf32>
      %swap3A_88 = vector.shape_cast %broadcast_in_dim3A_83 : vector<16xf32> to vector<1x16xf32>
      tpu.vector_store %arg9[%swap3A_84, %swap3A_85], %swap3A_88 {strides = array<i32>} : memref<128x128xf32, #tpu.memory_space<vmem>>, vector<1x16xf32>,
    }
    %scan3A_4 = arith.constant 128 : i32
    %mul3A = arith.constant 640 : i32
    %mul3A_5 = arith.muli %arg1, %mul3A : i32
    %add3A = arith.constant 0 : i32
    %add3A_6 = arith.addi %mul3A_5, %add3A : i32
    "tpu.region"() ({
      %run_scoped3A = tpu.sem_alloc : memref<!tpu.dma_semaphore, #tpu.memory_space<semaphore_mem>>
      %dma_start3A = arith.constant 0 : i32
      %dma_start3A_34 = tpu.memref_slice %arg6[%add3A_6, %dma_start3A] : memref<10240x128xf32, #tpu.memory_space<vmem_shared>> -> memref<128x128xf32, #tpu.memory_space<vmem_shared>>
      %dma_start3A_35 = arith.constant 0 : i32
      %dma_start3A_36 = tpu.memref_slice %arg6[%add3A_6, %dma_start3A_35] : memref<10240x128xf32, #tpu.memory_space<vmem_shared>> -> memref<128x128xf32, #tpu.memory_space<vmem_shared>>
      tpu.enqueue_dma source(%arg9 : memref<128x128xf32, #tpu.memory_space<vmem>>) target(%dma_start3A_36 : memref<128x128xf32, #tpu.memory_space<vmem_shared>>) target_semaphore(%run_scoped3A : memref<!tpu.dma_semaphore, #tpu.memory_space<semaphore_mem>>)
      %dma_wait3A = arith.constant 0 : i32
      %dma_wait3A_37 = tpu.memref_slice %arg6[%add3A_6, %dma_wait3A] : memref<10240x128xf32, #tpu.memory_space<vmem_shared>> -> memref<128x128xf32, #tpu.memory_space<vmem_shared>>
      %dma_wait3A_38 = arith.constant 0 : i32
      %dma_wait3A_39 = tpu.memref_slice %arg6[%add3A_6, %dma_wait3A_38] : memref<10240x128xf32, #tpu.memory_space<vmem_shared>> -> memref<128x128xf32, #tpu.memory_space<vmem_shared>>
      tpu.wait_dma2 semaphore(%run_scoped3A : memref<!tpu.dma_semaphore, #tpu.memory_space<semaphore_mem>>) src(%arg9 : memref<128x128xf32, #tpu.memory_space<vmem>>) dst(%dma_wait3A_39 : memref<128x128xf32, #tpu.memory_space<vmem_shared>>)
      tpu.yield
    }) : () -> ()
    %mul3A_7 = arith.constant 640 : i32
    %mul3A_8 = arith.muli %arg1, %mul3A_7 : i32
    %add3A_9 = arith.constant 128 : i32
    %add3A_10 = arith.addi %mul3A_8, %add3A_9 : i32
    "tpu.region"() ({
      %run_scoped3A = tpu.sem_alloc : memref<!tpu.dma_semaphore, #tpu.memory_space<semaphore_mem>>
      %dma_start3A = arith.constant 0 : i32
      %dma_start3A_34 = tpu.memref_slice %arg6[%add3A_10, %dma_start3A] : memref<10240x128xf32, #tpu.memory_space<vmem_shared>> -> memref<128x128xf32, #tpu.memory_space<vmem_shared>>
      %dma_start3A_35 = arith.constant 0 : i32
      %dma_start3A_36 = tpu.memref_slice %arg6[%add3A_10, %dma_start3A_35] : memref<10240x128xf32, #tpu.memory_space<vmem_shared>> -> memref<128x128xf32, #tpu.memory_space<vmem_shared>>
      tpu.enqueue_dma source(%arg9 : memref<128x128xf32, #tpu.memory_space<vmem>>) target(%dma_start3A_36 : memref<128x128xf32, #tpu.memory_space<vmem_shared>>) target_semaphore(%run_scoped3A : memref<!tpu.dma_semaphore, #tpu.memory_space<semaphore_mem>>)
      %dma_wait3A = arith.constant 0 : i32
      %dma_wait3A_37 = tpu.memref_slice %arg6[%add3A_10, %dma_wait3A] : memref<10240x128xf32, #tpu.memory_space<vmem_shared>> -> memref<128x128xf32, #tpu.memory_space<vmem_shared>>
      %dma_wait3A_38 = arith.constant 0 : i32
      %dma_wait3A_39 = tpu.memref_slice %arg6[%add3A_10, %dma_wait3A_38] : memref<10240x128xf32, #tpu.memory_space<vmem_shared>> -> memref<128x128xf32, #tpu.memory_space<vmem_shared>>
      tpu.wait_dma2 semaphore(%run_scoped3A : memref<!tpu.dma_semaphore, #tpu.memory_space<semaphore_mem>>) src(%arg9 : memref<128x128xf32, #tpu.memory_space<vmem>>) dst(%dma_wait3A_39 : memref<128x128xf32, #tpu.memory_space<vmem_shared>>)
      tpu.yield
    }) : () -> ()
    %mul3A_11 = arith.constant 640 : i32
    %mul3A_12 = arith.muli %arg1, %mul3A_11 : i32
    %add3A_13 = arith.constant 256 : i32
    %add3A_14 = arith.addi %mul3A_12, %add3A_13 : i32
    "tpu.region"() ({
      %run_scoped3A = tpu.sem_alloc : memref<!tpu.dma_semaphore, #tpu.memory_space<semaphore_mem>>
      %dma_start3A = arith.constant 0 : i32
      %dma_start3A_34 = tpu.memref_slice %arg6[%add3A_14, %dma_start3A] : memref<10240x128xf32, #tpu.memory_space<vmem_shared>> -> memref<128x128xf32, #tpu.memory_space<vmem_shared>>
      %dma_start3A_35 = arith.constant 0 : i32
      %dma_start3A_36 = tpu.memref_slice %arg6[%add3A_14, %dma_start3A_35] : memref<10240x128xf32, #tpu.memory_space<vmem_shared>> -> memref<128x128xf32, #tpu.memory_space<vmem_shared>>
      tpu.enqueue_dma source(%arg9 : memref<128x128xf32, #tpu.memory_space<vmem>>) target(%dma_start3A_36 : memref<128x128xf32, #tpu.memory_space<vmem_shared>>) target_semaphore(%run_scoped3A : memref<!tpu.dma_semaphore, #tpu.memory_space<semaphore_mem>>)
      %dma_wait3A = arith.constant 0 : i32
      %dma_wait3A_37 = tpu.memref_slice %arg6[%add3A_14, %dma_wait3A] : memref<10240x128xf32, #tpu.memory_space<vmem_shared>> -> memref<128x128xf32, #tpu.memory_space<vmem_shared>>
      %dma_wait3A_38 = arith.constant 0 : i32
      %dma_wait3A_39 = tpu.memref_slice %arg6[%add3A_14, %dma_wait3A_38] : memref<10240x128xf32, #tpu.memory_space<vmem_shared>> -> memref<128x128xf32, #tpu.memory_space<vmem_shared>>
      tpu.wait_dma2 semaphore(%run_scoped3A : memref<!tpu.dma_semaphore, #tpu.memory_space<semaphore_mem>>) src(%arg9 : memref<128x128xf32, #tpu.memory_space<vmem>>) dst(%dma_wait3A_39 : memref<128x128xf32, #tpu.memory_space<vmem_shared>>)
      tpu.yield
    }) : () -> ()
    %mul3A_15 = arith.constant 640 : i32
    %mul3A_16 = arith.muli %arg1, %mul3A_15 : i32
    %add3A_17 = arith.constant 384 : i32
    %add3A_18 = arith.addi %mul3A_16, %add3A_17 : i32
    "tpu.region"() ({
      %run_scoped3A = tpu.sem_alloc : memref<!tpu.dma_semaphore, #tpu.memory_space<semaphore_mem>>
      %dma_start3A = arith.constant 0 : i32
      %dma_start3A_34 = tpu.memref_slice %arg6[%add3A_18, %dma_start3A] : memref<10240x128xf32, #tpu.memory_space<vmem_shared>> -> memref<128x128xf32, #tpu.memory_space<vmem_shared>>
      %dma_start3A_35 = arith.constant 0 : i32
      %dma_start3A_36 = tpu.memref_slice %arg6[%add3A_18, %dma_start3A_35] : memref<10240x128xf32, #tpu.memory_space<vmem_shared>> -> memref<128x128xf32, #tpu.memory_space<vmem_shared>>
      tpu.enqueue_dma source(%arg9 : memref<128x128xf32, #tpu.memory_space<vmem>>) target(%dma_start3A_36 : memref<128x128xf32, #tpu.memory_space<vmem_shared>>) target_semaphore(%run_scoped3A : memref<!tpu.dma_semaphore, #tpu.memory_space<semaphore_mem>>)
      %dma_wait3A = arith.constant 0 : i32
      %dma_wait3A_37 = tpu.memref_slice %arg6[%add3A_18, %dma_wait3A] : memref<10240x128xf32, #tpu.memory_space<vmem_shared>> -> memref<128x128xf32, #tpu.memory_space<vmem_shared>>
      %dma_wait3A_38 = arith.constant 0 : i32
      %dma_wait3A_39 = tpu.memref_slice %arg6[%add3A_18, %dma_wait3A_38] : memref<10240x128xf32, #tpu.memory_space<vmem_shared>> -> memref<128x128xf32, #tpu.memory_space<vmem_shared>>
      tpu.wait_dma2 semaphore(%run_scoped3A : memref<!tpu.dma_semaphore, #tpu.memory_space<semaphore_mem>>) src(%arg9 : memref<128x128xf32, #tpu.memory_space<vmem>>) dst(%dma_wait3A_39 : memref<128x128xf32, #tpu.memory_space<vmem_shared>>)
      tpu.yield
    }) : () -> ()
    %mul3A_19 = arith.constant 640 : i32
    %mul3A_20 = arith.muli %arg1, %mul3A_19 : i32
    %add3A_21 = arith.constant 512 : i32
    %add3A_22 = arith.addi %mul3A_20, %add3A_21 : i32
    "tpu.region"() ({
      %run_scoped3A = tpu.sem_alloc : memref<!tpu.dma_semaphore, #tpu.memory_space<semaphore_mem>>
      %dma_start3A = arith.constant 0 : i32
      %dma_start3A_34 = tpu.memref_slice %arg6[%add3A_22, %dma_start3A] : memref<10240x128xf32, #tpu.memory_space<vmem_shared>> -> memref<128x128xf32, #tpu.memory_space<vmem_shared>>
      %dma_start3A_35 = arith.constant 0 : i32
      %dma_start3A_36 = tpu.memref_slice %arg6[%add3A_22, %dma_start3A_35] : memref<10240x128xf32, #tpu.memory_space<vmem_shared>> -> memref<128x128xf32, #tpu.memory_space<vmem_shared>>
      tpu.enqueue_dma source(%arg9 : memref<128x128xf32, #tpu.memory_space<vmem>>) target(%dma_start3A_36 : memref<128x128xf32, #tpu.memory_space<vmem_shared>>) target_semaphore(%run_scoped3A : memref<!tpu.dma_semaphore, #tpu.memory_space<semaphore_mem>>)
      %dma_wait3A = arith.constant 0 : i32
      %dma_wait3A_37 = tpu.memref_slice %arg6[%add3A_22, %dma_wait3A] : memref<10240x128xf32, #tpu.memory_space<vmem_shared>> -> memref<128x128xf32, #tpu.memory_space<vmem_shared>>
      %dma_wait3A_38 = arith.constant 0 : i32
      %dma_wait3A_39 = tpu.memref_slice %arg6[%add3A_22, %dma_wait3A_38] : memref<10240x128xf32, #tpu.memory_space<vmem_shared>> -> memref<128x128xf32, #tpu.memory_space<vmem_shared>>
      tpu.wait_dma2 semaphore(%run_scoped3A : memref<!tpu.dma_semaphore, #tpu.memory_space<semaphore_mem>>) src(%arg9 : memref<128x128xf32, #tpu.memory_space<vmem>>) dst(%dma_wait3A_39 : memref<128x128xf32, #tpu.memory_space<vmem_shared>>)
      tpu.yield
    }) : () -> ()
    %barrier3A = arith.constant 0 : index
    tpu.barrier barrier_id(%barrier3A)
    %scan3A_23 = arith.constant 0 : i32
    %scan3A_24 = arith.constant 0 : i32
    %scan3A_25 = arith.constant 2 : i32
    %scan3A_26 = arith.addi %scan3A_24, %scan3A_25 : i32
    %scan3A_27 = arith.constant 1 : i32
    scf.for %scan3A_34 = %scan3A_24 to %scan3A_26 step %scan3A_27  : i32 {
      %mul3A_35 = arith.constant 16 : i32
      %mul3A_36 = arith.muli %arg0, %mul3A_35 : i32
      %add3A_37 = arith.addi %mul3A_36, %arg1 : i32
      %mul3A_38 = arith.constant 80 : i32
      %mul3A_39 = arith.muli %add3A_37, %mul3A_38 : i32
      %mul3A_40 = arith.constant 40 : i32
      %mul3A_41 = arith.muli %scan3A_34, %mul3A_40 : i32
      %add3A_42 = arith.addi %mul3A_39, %mul3A_41 : i32
      "tpu.region"() ({
        %run_scoped3A = tpu.sem_alloc : memref<!tpu.dma_semaphore, #tpu.memory_space<semaphore_mem>>
        %dma_start3A_68 = arith.constant 0 : i32
        %dma_start3A_69 = tpu.memref_slice %arg3[%add3A_42, %dma_start3A_68] : memref<2560x128xi32, #tpu.memory_space<hbm>> -> memref<40x128xi32, #tpu.memory_space<hbm>>
        %dma_start3A_70 = arith.constant 0 : i32
        %dma_start3A_71 = tpu.memref_slice %arg3[%add3A_42, %dma_start3A_70] : memref<2560x128xi32, #tpu.memory_space<hbm>> -> memref<40x128xi32, #tpu.memory_space<hbm>>
        tpu.enqueue_dma source(%dma_start3A_71 : memref<40x128xi32, #tpu.memory_space<hbm>>) target(%arg7 : memref<40x128xi32, #tpu.memory_space<vmem>>) target_semaphore(%run_scoped3A : memref<!tpu.dma_semaphore, #tpu.memory_space<semaphore_mem>>)
        %dma_wait3A_72 = arith.constant 0 : i32
        %dma_wait3A_73 = tpu.memref_slice %arg3[%add3A_42, %dma_wait3A_72] : memref<2560x128xi32, #tpu.memory_space<hbm>> -> memref<40x128xi32, #tpu.memory_space<hbm>>
        %dma_wait3A_74 = arith.constant 0 : i32
        %dma_wait3A_75 = tpu.memref_slice %arg3[%add3A_42, %dma_wait3A_74] : memref<2560x128xi32, #tpu.memory_space<hbm>> -> memref<40x128xi32, #tpu.memory_space<hbm>>
        tpu.wait_dma2 semaphore(%run_scoped3A : memref<!tpu.dma_semaphore, #tpu.memory_space<semaphore_mem>>) src(%dma_wait3A_75 : memref<40x128xi32, #tpu.memory_space<hbm>>) dst(%arg7 : memref<40x128xi32, #tpu.memory_space<vmem>>)
        tpu.yield
      }) : () -> ()
      "tpu.region"() ({
        %run_scoped3A = tpu.sem_alloc : memref<!tpu.dma_semaphore, #tpu.memory_space<semaphore_mem>>
        %dma_start3A_68 = arith.constant 0 : i32
        %dma_start3A_69 = tpu.memref_slice %arg4[%add3A_42, %dma_start3A_68] : memref<2560x128xi32, #tpu.memory_space<hbm>> -> memref<40x128xi32, #tpu.memory_space<hbm>>
        %dma_start3A_70 = arith.constant 0 : i32
        %dma_start3A_71 = tpu.memref_slice %arg4[%add3A_42, %dma_start3A_70] : memref<2560x128xi32, #tpu.memory_space<hbm>> -> memref<40x128xi32, #tpu.memory_space<hbm>>
        tpu.enqueue_dma source(%dma_start3A_71 : memref<40x128xi32, #tpu.memory_space<hbm>>) target(%arg8 : memref<40x128xi32, #tpu.memory_space<vmem>>) target_semaphore(%run_scoped3A : memref<!tpu.dma_semaphore, #tpu.memory_space<semaphore_mem>>)
        %dma_wait3A_72 = arith.constant 0 : i32
        %dma_wait3A_73 = tpu.memref_slice %arg4[%add3A_42, %dma_wait3A_72] : memref<2560x128xi32, #tpu.memory_space<hbm>> -> memref<40x128xi32, #tpu.memory_space<hbm>>
        %dma_wait3A_74 = arith.constant 0 : i32
        %dma_wait3A_75 = tpu.memref_slice %arg4[%add3A_42, %dma_wait3A_74] : memref<2560x128xi32, #tpu.memory_space<hbm>> -> memref<40x128xi32, #tpu.memory_space<hbm>>
        tpu.wait_dma2 semaphore(%run_scoped3A : memref<!tpu.dma_semaphore, #tpu.memory_space<semaphore_mem>>) src(%dma_wait3A_75 : memref<40x128xi32, #tpu.memory_space<hbm>>) dst(%arg8 : memref<40x128xi32, #tpu.memory_space<vmem>>)
        tpu.yield
      }) : () -> ()
      %dma_start3A = arith.constant 0 : i32
      %dma_start3A_43 = arith.constant 0 : i32
      %dma_start3A_44 = tpu.memref_slice %arg7[%dma_start3A, %dma_start3A_43] : memref<40x128xi32, #tpu.memory_space<vmem>> -> memref<1x128xi32, #tpu.memory_space<vmem>>
      %dma_start3A_45 = tpu.memref_squeeze %dma_start3A_44 : memref<1x128xi32, #tpu.memory_space<vmem>> -> memref<128xi32, #tpu.memory_space<vmem>>
      %dma_start3A_46 = arith.constant 0 : i32
      %dma_start3A_47 = arith.constant 0 : i32
      %dma_start3A_48 = tpu.memref_slice %arg2[%dma_start3A_46, %dma_start3A_47] : memref<10240x128xf32, #tpu.memory_space<hbm>> -> memref<10240x128xf32, #tpu.memory_space<hbm>>
      tpu.enqueue_indirect_dma source(%dma_start3A_48 : memref<10240x128xf32, #tpu.memory_space<hbm>>) target(%arg9 : memref<128x128xf32, #tpu.memory_space<vmem>>) offsets(%dma_start3A_45 : memref<128xi32, #tpu.memory_space<vmem>>) semaphore(%arg11 : memref<!tpu.dma_semaphore, #tpu.memory_space<semaphore_mem>>)
      %scan3A_49 = arith.constant 0 : i32
      %scan3A_50 = arith.constant 0 : i32
      %scan3A_51 = arith.constant 20 : i32
      %scan3A_52 = arith.addi %scan3A_50, %scan3A_51 : i32
      %scan3A_53 = arith.constant 1 : i32
      scf.for %scan3A_68 = %scan3A_50 to %scan3A_52 step %scan3A_53  : i32 {
        %mul3A_69 = arith.constant 2 : i32
        %mul3A_70 = arith.muli %scan3A_68, %mul3A_69 : i32
        %add3A_71 = arith.constant 0 : i32
        %add3A_72 = arith.addi %mul3A_70, %add3A_71 : i32
        %dma_wait3A_73 = arith.constant 0 : i32
        %dma_wait3A_74 = tpu.memref_slice %arg7[%add3A_72, %dma_wait3A_73] : memref<40x128xi32, #tpu.memory_space<vmem>> -> memref<1x128xi32, #tpu.memory_space<vmem>>
        %dma_wait3A_75 = tpu.memref_squeeze %dma_wait3A_74 : memref<1x128xi32, #tpu.memory_space<vmem>> -> memref<128xi32, #tpu.memory_space<vmem>>
        %dma_wait3A_76 = arith.constant 0 : i32
        %dma_wait3A_77 = arith.constant 0 : i32
        %dma_wait3A_78 = tpu.memref_slice %arg2[%dma_wait3A_76, %dma_wait3A_77] : memref<10240x128xf32, #tpu.memory_space<hbm>> -> memref<10240x128xf32, #tpu.memory_space<hbm>>
        tpu.wait_indirect_dma semaphore(%arg11 : memref<!tpu.dma_semaphore, #tpu.memory_space<semaphore_mem>>) src(%dma_wait3A_78 : memref<10240x128xf32, #tpu.memory_space<hbm>>) dst(%arg9 : memref<128x128xf32, #tpu.memory_space<vmem>>)
        %add3A_79 = arith.constant 1 : i32
        %add3A_80 = arith.addi %add3A_72, %add3A_79 : i32
        %lt3A = arith.constant 40 : i32
        %lt3A_81 = arith.cmpi slt, %add3A_80, %lt3A : i32
        %gt3A = arith.constant 0 : i32
        %gt3A_82 = arith.cmpi sgt, %add3A_72, %gt3A : i32
        %and3A = arith.andi %lt3A_81, %gt3A_82 : i1
        %convert_element_type3A = arith.extui %and3A : i1 to i32
        %cond3A = arith.constant 0 : i32
        %cond3A_83 = arith.cmpi ne, %convert_element_type3A, %cond3A : i32
        scf.if %cond3A_83 {
          %dma_wait3A_130 = arith.constant 0 : i32
          %dma_wait3A_131 = tpu.memref_slice %arg8[%add3A_72, %dma_wait3A_130] : memref<40x128xi32, #tpu.memory_space<vmem>> -> memref<1x128xi32, #tpu.memory_space<vmem>>
          %dma_wait3A_132 = tpu.memref_squeeze %dma_wait3A_131 : memref<1x128xi32, #tpu.memory_space<vmem>> -> memref<128xi32, #tpu.memory_space<vmem>>
          %dma_wait3A_133 = arith.constant 0 : i32
          %dma_wait3A_134 = arith.constant 0 : i32
          %dma_wait3A_135 = tpu.memref_slice %arg6[%dma_wait3A_133, %dma_wait3A_134] : memref<10240x128xf32, #tpu.memory_space<vmem_shared>> -> memref<10240x128xf32, #tpu.memory_space<vmem_shared>>
          tpu.wait_indirect_dma semaphore(%arg14 : memref<!tpu.dma_semaphore, #tpu.memory_space<semaphore_mem>>) src(%arg10 : memref<128x128xf32, #tpu.memory_space<vmem>>) dst(%dma_wait3A_135 : memref<10240x128xf32, #tpu.memory_space<vmem_shared>>)
        } else {
        }
        %add3A_84 = arith.constant 1 : i32
        %add3A_85 = arith.addi %add3A_72, %add3A_84 : i32
        %lt3A_86 = arith.constant 40 : i32
        %lt3A_87 = arith.cmpi slt, %add3A_85, %lt3A_86 : i32
        %convert_element_type3A_88 = arith.extui %lt3A_87 : i1 to i32
        %cond3A_89 = arith.constant 0 : i32
        %cond3A_90 = arith.cmpi ne, %convert_element_type3A_88, %cond3A_89 : i32
        scf.if %cond3A_90 {
          %add3A_130 = arith.constant 1 : i32
          %add3A_131 = arith.addi %add3A_72, %add3A_130 : i32
          %dma_start3A_132 = arith.constant 0 : i32
          %dma_start3A_133 = tpu.memref_slice %arg7[%add3A_131, %dma_start3A_132] : memref<40x128xi32, #tpu.memory_space<vmem>> -> memref<1x128xi32, #tpu.memory_space<vmem>>
          %dma_start3A_134 = tpu.memref_squeeze %dma_start3A_133 : memref<1x128xi32, #tpu.memory_space<vmem>> -> memref<128xi32, #tpu.memory_space<vmem>>
          %dma_start3A_135 = arith.constant 0 : i32
          %dma_start3A_136 = arith.constant 0 : i32
          %dma_start3A_137 = tpu.memref_slice %arg2[%dma_start3A_135, %dma_start3A_136] : memref<10240x128xf32, #tpu.memory_space<hbm>> -> memref<10240x128xf32, #tpu.memory_space<hbm>>
          tpu.enqueue_indirect_dma source(%dma_start3A_137 : memref<10240x128xf32, #tpu.memory_space<hbm>>) target(%arg10 : memref<128x128xf32, #tpu.memory_space<vmem>>) offsets(%dma_start3A_134 : memref<128xi32, #tpu.memory_space<vmem>>) semaphore(%arg12 : memref<!tpu.dma_semaphore, #tpu.memory_space<semaphore_mem>>)
        } else {
        }
        %dma_start3A_91 = arith.constant 0 : i32
        %dma_start3A_92 = tpu.memref_slice %arg8[%add3A_72, %dma_start3A_91] : memref<40x128xi32, #tpu.memory_space<vmem>> -> memref<1x128xi32, #tpu.memory_space<vmem>>
        %dma_start3A_93 = tpu.memref_squeeze %dma_start3A_92 : memref<1x128xi32, #tpu.memory_space<vmem>> -> memref<128xi32, #tpu.memory_space<vmem>>
        %dma_start3A_94 = arith.constant 0 : i32
        %dma_start3A_95 = arith.constant 0 : i32
        %dma_start3A_96 = tpu.memref_slice %arg6[%dma_start3A_94, %dma_start3A_95] : memref<10240x128xf32, #tpu.memory_space<vmem_shared>> -> memref<10240x128xf32, #tpu.memory_space<vmem_shared>>
        tpu.enqueue_indirect_dma source(%arg9 : memref<128x128xf32, #tpu.memory_space<vmem>>) target(%dma_start3A_96 : memref<10240x128xf32, #tpu.memory_space<vmem_shared>>) offsets(%dma_start3A_93 : memref<128xi32, #tpu.memory_space<vmem>>) semaphore(%arg13 : memref<!tpu.dma_semaphore, #tpu.memory_space<semaphore_mem>>) {add = true}
        %mul3A_97 = arith.constant 2 : i32
        %mul3A_98 = arith.muli %scan3A_68, %mul3A_97 : i32
        %add3A_99 = arith.constant 1 : i32
        %add3A_100 = arith.addi %mul3A_98, %add3A_99 : i32
        %dma_wait3A_101 = arith.constant 0 : i32
        %dma_wait3A_102 = tpu.memref_slice %arg7[%add3A_100, %dma_wait3A_101] : memref<40x128xi32, #tpu.memory_space<vmem>> -> memref<1x128xi32, #tpu.memory_space<vmem>>
        %dma_wait3A_103 = tpu.memref_squeeze %dma_wait3A_102 : memref<1x128xi32, #tpu.memory_space<vmem>> -> memref<128xi32, #tpu.memory_space<vmem>>
        %dma_wait3A_104 = arith.constant 0 : i32
        %dma_wait3A_105 = arith.constant 0 : i32
        %dma_wait3A_106 = tpu.memref_slice %arg2[%dma_wait3A_104, %dma_wait3A_105] : memref<10240x128xf32, #tpu.memory_space<hbm>> -> memref<10240x128xf32, #tpu.memory_space<hbm>>
        tpu.wait_indirect_dma semaphore(%arg12 : memref<!tpu.dma_semaphore, #tpu.memory_space<semaphore_mem>>) src(%dma_wait3A_106 : memref<10240x128xf32, #tpu.memory_space<hbm>>) dst(%arg10 : memref<128x128xf32, #tpu.memory_space<vmem>>)
        %add3A_107 = arith.constant 1 : i32
        %add3A_108 = arith.addi %add3A_100, %add3A_107 : i32
        %lt3A_109 = arith.constant 40 : i32
        %lt3A_110 = arith.cmpi slt, %add3A_108, %lt3A_109 : i32
        %gt3A_111 = arith.constant 0 : i32
        %gt3A_112 = arith.cmpi sgt, %add3A_100, %gt3A_111 : i32
        %and3A_113 = arith.andi %lt3A_110, %gt3A_112 : i1
        %convert_element_type3A_114 = arith.extui %and3A_113 : i1 to i32
        %cond3A_115 = arith.constant 0 : i32
        %cond3A_116 = arith.cmpi ne, %convert_element_type3A_114, %cond3A_115 : i32
        scf.if %cond3A_116 {
          %dma_wait3A_130 = arith.constant 0 : i32
          %dma_wait3A_131 = tpu.memref_slice %arg8[%add3A_100, %dma_wait3A_130] : memref<40x128xi32, #tpu.memory_space<vmem>> -> memref<1x128xi32, #tpu.memory_space<vmem>>
          %dma_wait3A_132 = tpu.memref_squeeze %dma_wait3A_131 : memref<1x128xi32, #tpu.memory_space<vmem>> -> memref<128xi32, #tpu.memory_space<vmem>>
          %dma_wait3A_133 = arith.constant 0 : i32
          %dma_wait3A_134 = arith.constant 0 : i32
          %dma_wait3A_135 = tpu.memref_slice %arg6[%dma_wait3A_133, %dma_wait3A_134] : memref<10240x128xf32, #tpu.memory_space<vmem_shared>> -> memref<10240x128xf32, #tpu.memory_space<vmem_shared>>
          tpu.wait_indirect_dma semaphore(%arg13 : memref<!tpu.dma_semaphore, #tpu.memory_space<semaphore_mem>>) src(%arg9 : memref<128x128xf32, #tpu.memory_space<vmem>>) dst(%dma_wait3A_135 : memref<10240x128xf32, #tpu.memory_space<vmem_shared>>)
        } else {
        }
        %add3A_117 = arith.constant 1 : i32
        %add3A_118 = arith.addi %add3A_100, %add3A_117 : i32
        %lt3A_119 = arith.constant 40 : i32
        %lt3A_120 = arith.cmpi slt, %add3A_118, %lt3A_119 : i32
        %convert_element_type3A_121 = arith.extui %lt3A_120 : i1 to i32
        %cond3A_122 = arith.constant 0 : i32
        %cond3A_123 = arith.cmpi ne, %convert_element_type3A_121, %cond3A_122 : i32
        scf.if %cond3A_123 {
          %add3A_130 = arith.constant 1 : i32
          %add3A_131 = arith.addi %add3A_100, %add3A_130 : i32
          %dma_start3A_132 = arith.constant 0 : i32
          %dma_start3A_133 = tpu.memref_slice %arg7[%add3A_131, %dma_start3A_132] : memref<40x128xi32, #tpu.memory_space<vmem>> -> memref<1x128xi32, #tpu.memory_space<vmem>>
          %dma_start3A_134 = tpu.memref_squeeze %dma_start3A_133 : memref<1x128xi32, #tpu.memory_space<vmem>> -> memref<128xi32, #tpu.memory_space<vmem>>
          %dma_start3A_135 = arith.constant 0 : i32
          %dma_start3A_136 = arith.constant 0 : i32
          %dma_start3A_137 = tpu.memref_slice %arg2[%dma_start3A_135, %dma_start3A_136] : memref<10240x128xf32, #tpu.memory_space<hbm>> -> memref<10240x128xf32, #tpu.memory_space<hbm>>
          tpu.enqueue_indirect_dma source(%dma_start3A_137 : memref<10240x128xf32, #tpu.memory_space<hbm>>) target(%arg9 : memref<128x128xf32, #tpu.memory_space<vmem>>) offsets(%dma_start3A_134 : memref<128xi32, #tpu.memory_space<vmem>>) semaphore(%arg11 : memref<!tpu.dma_semaphore, #tpu.memory_space<semaphore_mem>>)
        } else {
        }
        %dma_start3A_124 = arith.constant 0 : i32
        %dma_start3A_125 = tpu.memref_slice %arg8[%add3A_100, %dma_start3A_124] : memref<40x128xi32, #tpu.memory_space<vmem>> -> memref<1x128xi32, #tpu.memory_space<vmem>>
        %dma_start3A_126 = tpu.memref_squeeze %dma_start3A_125 : memref<1x128xi32, #tpu.memory_space<vmem>> -> memref<128xi32, #tpu.memory_space<vmem>>
        %dma_start3A_127 = arith.constant 0 : i32
        %dma_start3A_128 = arith.constant 0 : i32
        %dma_start3A_129 = tpu.memref_slice %arg6[%dma_start3A_127, %dma_start3A_128] : memref<10240x128xf32, #tpu.memory_space<vmem_shared>> -> memref<10240x128xf32, #tpu.memory_space<vmem_shared>>
        tpu.enqueue_indirect_dma source(%arg10 : memref<128x128xf32, #tpu.memory_space<vmem>>) target(%dma_start3A_129 : memref<10240x128xf32, #tpu.memory_space<vmem_shared>>) offsets(%dma_start3A_126 : memref<128xi32, #tpu.memory_space<vmem>>) semaphore(%arg14 : memref<!tpu.dma_semaphore, #tpu.memory_space<semaphore_mem>>) {add = true}
      }
      %scan3A_54 = arith.constant 20 : i32
      %dma_wait3A = arith.constant 0 : i32
      %dma_wait3A_55 = arith.constant 0 : i32
      %dma_wait3A_56 = tpu.memref_slice %arg8[%dma_wait3A, %dma_wait3A_55] : memref<40x128xi32, #tpu.memory_space<vmem>> -> memref<1x128xi32, #tpu.memory_space<vmem>>
      %dma_wait3A_57 = tpu.memref_squeeze %dma_wait3A_56 : memref<1x128xi32, #tpu.memory_space<vmem>> -> memref<128xi32, #tpu.memory_space<vmem>>
      %dma_wait3A_58 = arith.constant 0 : i32
      %dma_wait3A_59 = arith.constant 0 : i32
      %dma_wait3A_60 = tpu.memref_slice %arg6[%dma_wait3A_58, %dma_wait3A_59] : memref<10240x128xf32, #tpu.memory_space<vmem_shared>> -> memref<10240x128xf32, #tpu.memory_space<vmem_shared>>
      tpu.wait_indirect_dma semaphore(%arg13 : memref<!tpu.dma_semaphore, #tpu.memory_space<semaphore_mem>>) src(%arg9 : memref<128x128xf32, #tpu.memory_space<vmem>>) dst(%dma_wait3A_60 : memref<10240x128xf32, #tpu.memory_space<vmem_shared>>)
      %dma_wait3A_61 = arith.constant 0 : i32
      %dma_wait3A_62 = arith.constant 0 : i32
      %dma_wait3A_63 = tpu.memref_slice %arg8[%dma_wait3A_61, %dma_wait3A_62] : memref<40x128xi32, #tpu.memory_space<vmem>> -> memref<1x128xi32, #tpu.memory_space<vmem>>
      %dma_wait3A_64 = tpu.memref_squeeze %dma_wait3A_63 : memref<1x128xi32, #tpu.memory_space<vmem>> -> memref<128xi32, #tpu.memory_space<vmem>>
      %dma_wait3A_65 = arith.constant 0 : i32
      %dma_wait3A_66 = arith.constant 0 : i32
      %dma_wait3A_67 = tpu.memref_slice %arg6[%dma_wait3A_65, %dma_wait3A_66] : memref<10240x128xf32, #tpu.memory_space<vmem_shared>> -> memref<10240x128xf32, #tpu.memory_space<vmem_shared>>
      tpu.wait_indirect_dma semaphore(%arg14 : memref<!tpu.dma_semaphore, #tpu.memory_space<semaphore_mem>>) src(%arg10 : memref<128x128xf32, #tpu.memory_space<vmem>>) dst(%dma_wait3A_67 : memref<10240x128xf32, #tpu.memory_space<vmem_shared>>)
    }
    %scan3A_28 = arith.constant 2 : i32
    %barrier3A_29 = arith.constant 0 : index
    tpu.barrier barrier_id(%barrier3A_29)
    %mul3A_30 = arith.constant 640 : i32
    %mul3A_31 = arith.muli %arg1, %mul3A_30 : i32
    %mul3A_32 = arith.constant 640 : i32
    %mul3A_33 = arith.muli %arg1, %mul3A_32 : i32
    "tpu.region"() ({
      %run_scoped3A = tpu.sem_alloc : memref<!tpu.dma_semaphore, #tpu.memory_space<semaphore_mem>>
      %dma_start3A = arith.constant 0 : i32
      %dma_start3A_34 = tpu.memref_slice %arg5[%arg0, %mul3A_33, %dma_start3A] : memref<2x10240x128xf32, #tpu.memory_space<hbm>> -> memref<1x640x128xf32, #tpu.memory_space<hbm>>
      %dma_start3A_35 = tpu.memref_squeeze %dma_start3A_34 : memref<1x640x128xf32, #tpu.memory_space<hbm>> -> memref<640x128xf32, #tpu.memory_space<hbm>>
      %dma_start3A_36 = arith.constant 0 : i32
      %dma_start3A_37 = tpu.memref_slice %arg6[%mul3A_31, %dma_start3A_36] : memref<10240x128xf32, #tpu.memory_space<vmem_shared>> -> memref<640x128xf32, #tpu.memory_space<vmem_shared>>
      tpu.enqueue_dma source(%dma_start3A_37 : memref<640x128xf32, #tpu.memory_space<vmem_shared>>) target(%dma_start3A_35 : memref<640x128xf32, #tpu.memory_space<hbm>>) target_semaphore(%run_scoped3A : memref<!tpu.dma_semaphore, #tpu.memory_space<semaphore_mem>>)
      %dma_wait3A = arith.constant 0 : i32
      %dma_wait3A_38 = tpu.memref_slice %arg5[%arg0, %mul3A_33, %dma_wait3A] : memref<2x10240x128xf32, #tpu.memory_space<hbm>> -> memref<1x640x128xf32, #tpu.memory_space<hbm>>
      %dma_wait3A_39 = tpu.memref_squeeze %dma_wait3A_38 : memref<1x640x128xf32, #tpu.memory_space<hbm>> -> memref<640x128xf32, #tpu.memory_space<hbm>>
      %dma_wait3A_40 = arith.constant 0 : i32
      %dma_wait3A_41 = tpu.memref_slice %arg6[%mul3A_31, %dma_wait3A_40] : memref<10240x128xf32, #tpu.memory_space<vmem_shared>> -> memref<640x128xf32, #tpu.memory_space<vmem_shared>>
      tpu.wait_dma2 semaphore(%run_scoped3A : memref<!tpu.dma_semaphore, #tpu.memory_space<semaphore_mem>>) src(%dma_wait3A_41 : memref<640x128xf32, #tpu.memory_space<vmem_shared>>) dst(%dma_wait3A_39 : memref<640x128xf32, #tpu.memory_space<hbm>>)
      tpu.yield
    }) : () -> ()
    return
  }
}

#map = affine_map<(d0, d1) -> (0, 0)>
#map1 = affine_map<(d0, d1) -> (0, 0, 0)>
module attributes {stable_mosaic.version = 14 : i64} {
  func.func @_sc_spmm(%arg0: i32, %arg1: i32, %arg2: memref<10240x128xf32, #tpu.memory_space<hbm>>, %arg3: memref<2560x128xi32, #tpu.memory_space<hbm>>, %arg4: memref<2560x128xi32, #tpu.memory_space<hbm>>, %arg5: memref<2x10240x128xf32, #tpu.memory_space<hbm>>, %arg6: memref<10240x128xf32, #tpu.memory_space<vmem_shared>>, %arg7: memref<40x128xi32, #tpu.memory_space<vmem>>, %arg8: memref<40x128xi32, #tpu.memory_space<vmem>>, %arg9: memref<128x128xf32, #tpu.memory_space<vmem>>, %arg10: memref<128x128xf32, #tpu.memory_space<vmem>>, %arg11: memref<!tpu.dma_semaphore, #tpu.memory_space<semaphore_mem>>, %arg12: memref<!tpu.dma_semaphore, #tpu.memory_space<semaphore_mem>>, %arg13: memref<!tpu.dma_semaphore, #tpu.memory_space<semaphore_mem>>, %arg14: memref<!tpu.dma_semaphore, #tpu.memory_space<semaphore_mem>>) attributes {dimension_semantics = [#tpu.dimension_semantics<core_parallel>, #tpu.dimension_semantics<subcore_parallel>], iteration_bounds = array<i64: 2, 16>, scalar_prefetch = 0 : i64, scratch_operands = 9 : i64, tpu.core_type = #tpu.core_type<sc_vector_subcore>, window_params = [{transform_indices = #map}, {transform_indices = #map}, {transform_indices = #map}, {transform_indices = #map1}]} {
    %scan3A = arith.constant 0 : i32
    %scan3A_0 = arith.constant 0 : i32
    %scan3A_1 = arith.constant 128 : i32
    %scan3A_2 = arith.addi %scan3A_0, %scan3A_1 : i32
    %scan3A_3 = arith.constant 1 : i32
    scf.for %scan3A_34 = %scan3A_0 to %scan3A_2 step %scan3A_3  : i32 {
      %broadcast_in_dim3A = arith.constant 0.000000e+00 : f32
      %broadcast_in_dim3A_35 = vector.broadcast %broadcast_in_dim3A : f32 to vector<16xf32>
      %swap3A = arith.index_cast %scan3A_34 : i32 to index
      %swap3A_36 = arith.constant 0 : index
      %swap3A_37 = tpu.vector_load %arg9[%swap3A, %swap3A_36] {strides = array<i32>} : memref<128x128xf32, #tpu.memory_space<vmem>>, vector<1x16xf32>,
      %swap3A_38 = vector.shape_cast %swap3A_37 : vector<1x16xf32> to vector<16xf32>
      %swap3A_39 = vector.shape_cast %broadcast_in_dim3A_35 : vector<16xf32> to vector<1x16xf32>
      tpu.vector_store %arg9[%swap3A, %swap3A_36], %swap3A_39 {strides = array<i32>} : memref<128x128xf32, #tpu.memory_space<vmem>>, vector<1x16xf32>,
      %broadcast_in_dim3A_40 = arith.constant 0.000000e+00 : f32
      %broadcast_in_dim3A_41 = vector.broadcast %broadcast_in_dim3A_40 : f32 to vector<16xf32>
      %swap3A_42 = arith.index_cast %scan3A_34 : i32 to index
      %swap3A_43 = arith.constant 16 : index
      %swap3A_44 = tpu.vector_load %arg9[%swap3A_42, %swap3A_43] {strides = array<i32>} : memref<128x128xf32, #tpu.memory_space<vmem>>, vector<1x16xf32>,
      %swap3A_45 = vector.shape_cast %swap3A_44 : vector<1x16xf32> to vector<16xf32>
      %swap3A_46 = vector.shape_cast %broadcast_in_dim3A_41 : vector<16xf32> to vector<1x16xf32>
      tpu.vector_store %arg9[%swap3A_42, %swap3A_43], %swap3A_46 {strides = array<i32>} : memref<128x128xf32, #tpu.memory_space<vmem>>, vector<1x16xf32>,
      %broadcast_in_dim3A_47 = arith.constant 0.000000e+00 : f32
      %broadcast_in_dim3A_48 = vector.broadcast %broadcast_in_dim3A_47 : f32 to vector<16xf32>
      %swap3A_49 = arith.index_cast %scan3A_34 : i32 to index
      %swap3A_50 = arith.constant 32 : index
      %swap3A_51 = tpu.vector_load %arg9[%swap3A_49, %swap3A_50] {strides = array<i32>} : memref<128x128xf32, #tpu.memory_space<vmem>>, vector<1x16xf32>,
      %swap3A_52 = vector.shape_cast %swap3A_51 : vector<1x16xf32> to vector<16xf32>
      %swap3A_53 = vector.shape_cast %broadcast_in_dim3A_48 : vector<16xf32> to vector<1x16xf32>
      tpu.vector_store %arg9[%swap3A_49, %swap3A_50], %swap3A_53 {strides = array<i32>} : memref<128x128xf32, #tpu.memory_space<vmem>>, vector<1x16xf32>,
      %broadcast_in_dim3A_54 = arith.constant 0.000000e+00 : f32
      %broadcast_in_dim3A_55 = vector.broadcast %broadcast_in_dim3A_54 : f32 to vector<16xf32>
      %swap3A_56 = arith.index_cast %scan3A_34 : i32 to index
      %swap3A_57 = arith.constant 48 : index
      %swap3A_58 = tpu.vector_load %arg9[%swap3A_56, %swap3A_57] {strides = array<i32>} : memref<128x128xf32, #tpu.memory_space<vmem>>, vector<1x16xf32>,
      %swap3A_59 = vector.shape_cast %swap3A_58 : vector<1x16xf32> to vector<16xf32>
      %swap3A_60 = vector.shape_cast %broadcast_in_dim3A_55 : vector<16xf32> to vector<1x16xf32>
      tpu.vector_store %arg9[%swap3A_56, %swap3A_57], %swap3A_60 {strides = array<i32>} : memref<128x128xf32, #tpu.memory_space<vmem>>, vector<1x16xf32>,
      %broadcast_in_dim3A_61 = arith.constant 0.000000e+00 : f32
      %broadcast_in_dim3A_62 = vector.broadcast %broadcast_in_dim3A_61 : f32 to vector<16xf32>
      %swap3A_63 = arith.index_cast %scan3A_34 : i32 to index
      %swap3A_64 = arith.constant 64 : index
      %swap3A_65 = tpu.vector_load %arg9[%swap3A_63, %swap3A_64] {strides = array<i32>} : memref<128x128xf32, #tpu.memory_space<vmem>>, vector<1x16xf32>,
      %swap3A_66 = vector.shape_cast %swap3A_65 : vector<1x16xf32> to vector<16xf32>
      %swap3A_67 = vector.shape_cast %broadcast_in_dim3A_62 : vector<16xf32> to vector<1x16xf32>
      tpu.vector_store %arg9[%swap3A_63, %swap3A_64], %swap3A_67 {strides = array<i32>} : memref<128x128xf32, #tpu.memory_space<vmem>>, vector<1x16xf32>,
      %broadcast_in_dim3A_68 = arith.constant 0.000000e+00 : f32
      %broadcast_in_dim3A_69 = vector.broadcast %broadcast_in_dim3A_68 : f32 to vector<16xf32>
      %swap3A_70 = arith.index_cast %scan3A_34 : i32 to index
      %swap3A_71 = arith.constant 80 : index
      %swap3A_72 = tpu.vector_load %arg9[%swap3A_70, %swap3A_71] {strides = array<i32>} : memref<128x128xf32, #tpu.memory_space<vmem>>, vector<1x16xf32>,
      %swap3A_73 = vector.shape_cast %swap3A_72 : vector<1x16xf32> to vector<16xf32>
      %swap3A_74 = vector.shape_cast %broadcast_in_dim3A_69 : vector<16xf32> to vector<1x16xf32>
      tpu.vector_store %arg9[%swap3A_70, %swap3A_71], %swap3A_74 {strides = array<i32>} : memref<128x128xf32, #tpu.memory_space<vmem>>, vector<1x16xf32>,
      %broadcast_in_dim3A_75 = arith.constant 0.000000e+00 : f32
      %broadcast_in_dim3A_76 = vector.broadcast %broadcast_in_dim3A_75 : f32 to vector<16xf32>
      %swap3A_77 = arith.index_cast %scan3A_34 : i32 to index
      %swap3A_78 = arith.constant 96 : index
      %swap3A_79 = tpu.vector_load %arg9[%swap3A_77, %swap3A_78] {strides = array<i32>} : memref<128x128xf32, #tpu.memory_space<vmem>>, vector<1x16xf32>,
      %swap3A_80 = vector.shape_cast %swap3A_79 : vector<1x16xf32> to vector<16xf32>
      %swap3A_81 = vector.shape_cast %broadcast_in_dim3A_76 : vector<16xf32> to vector<1x16xf32>
      tpu.vector_store %arg9[%swap3A_77, %swap3A_78], %swap3A_81 {strides = array<i32>} : memref<128x128xf32, #tpu.memory_space<vmem>>, vector<1x16xf32>,
      %broadcast_in_dim3A_82 = arith.constant 0.000000e+00 : f32
      %broadcast_in_dim3A_83 = vector.broadcast %broadcast_in_dim3A_82 : f32 to vector<16xf32>
      %swap3A_84 = arith.index_cast %scan3A_34 : i32 to index
      %swap3A_85 = arith.constant 112 : index
      %swap3A_86 = tpu.vector_load %arg9[%swap3A_84, %swap3A_85] {strides = array<i32>} : memref<128x128xf32, #tpu.memory_space<vmem>>, vector<1x16xf32>,
      %swap3A_87 = vector.shape_cast %swap3A_86 : vector<1x16xf32> to vector<16xf32>
      %swap3A_88 = vector.shape_cast %broadcast_in_dim3A_83 : vector<16xf32> to vector<1x16xf32>
      tpu.vector_store %arg9[%swap3A_84, %swap3A_85], %swap3A_88 {strides = array<i32>} : memref<128x128xf32, #tpu.memory_space<vmem>>, vector<1x16xf32>,
    }
    %scan3A_4 = arith.constant 128 : i32
    %mul3A = arith.constant 640 : i32
    %mul3A_5 = arith.muli %arg1, %mul3A : i32
    %add3A = arith.constant 0 : i32
    %add3A_6 = arith.addi %mul3A_5, %add3A : i32
    "tpu.region"() ({
      %run_scoped3A = tpu.sem_alloc : memref<!tpu.dma_semaphore, #tpu.memory_space<semaphore_mem>>
      %dma_start3A = arith.constant 0 : i32
      %dma_start3A_34 = tpu.memref_slice %arg6[%add3A_6, %dma_start3A] : memref<10240x128xf32, #tpu.memory_space<vmem_shared>> -> memref<128x128xf32, #tpu.memory_space<vmem_shared>>
      %dma_start3A_35 = arith.constant 0 : i32
      %dma_start3A_36 = tpu.memref_slice %arg6[%add3A_6, %dma_start3A_35] : memref<10240x128xf32, #tpu.memory_space<vmem_shared>> -> memref<128x128xf32, #tpu.memory_space<vmem_shared>>
      tpu.enqueue_dma source(%arg9 : memref<128x128xf32, #tpu.memory_space<vmem>>) target(%dma_start3A_36 : memref<128x128xf32, #tpu.memory_space<vmem_shared>>) target_semaphore(%run_scoped3A : memref<!tpu.dma_semaphore, #tpu.memory_space<semaphore_mem>>)
      %dma_wait3A = arith.constant 0 : i32
      %dma_wait3A_37 = tpu.memref_slice %arg6[%add3A_6, %dma_wait3A] : memref<10240x128xf32, #tpu.memory_space<vmem_shared>> -> memref<128x128xf32, #tpu.memory_space<vmem_shared>>
      %dma_wait3A_38 = arith.constant 0 : i32
      %dma_wait3A_39 = tpu.memref_slice %arg6[%add3A_6, %dma_wait3A_38] : memref<10240x128xf32, #tpu.memory_space<vmem_shared>> -> memref<128x128xf32, #tpu.memory_space<vmem_shared>>
      tpu.wait_dma2 semaphore(%run_scoped3A : memref<!tpu.dma_semaphore, #tpu.memory_space<semaphore_mem>>) src(%arg9 : memref<128x128xf32, #tpu.memory_space<vmem>>) dst(%dma_wait3A_39 : memref<128x128xf32, #tpu.memory_space<vmem_shared>>)
      tpu.yield
    }) : () -> ()
    %mul3A_7 = arith.constant 640 : i32
    %mul3A_8 = arith.muli %arg1, %mul3A_7 : i32
    %add3A_9 = arith.constant 128 : i32
    %add3A_10 = arith.addi %mul3A_8, %add3A_9 : i32
    "tpu.region"() ({
      %run_scoped3A = tpu.sem_alloc : memref<!tpu.dma_semaphore, #tpu.memory_space<semaphore_mem>>
      %dma_start3A = arith.constant 0 : i32
      %dma_start3A_34 = tpu.memref_slice %arg6[%add3A_10, %dma_start3A] : memref<10240x128xf32, #tpu.memory_space<vmem_shared>> -> memref<128x128xf32, #tpu.memory_space<vmem_shared>>
      %dma_start3A_35 = arith.constant 0 : i32
      %dma_start3A_36 = tpu.memref_slice %arg6[%add3A_10, %dma_start3A_35] : memref<10240x128xf32, #tpu.memory_space<vmem_shared>> -> memref<128x128xf32, #tpu.memory_space<vmem_shared>>
      tpu.enqueue_dma source(%arg9 : memref<128x128xf32, #tpu.memory_space<vmem>>) target(%dma_start3A_36 : memref<128x128xf32, #tpu.memory_space<vmem_shared>>) target_semaphore(%run_scoped3A : memref<!tpu.dma_semaphore, #tpu.memory_space<semaphore_mem>>)
      %dma_wait3A = arith.constant 0 : i32
      %dma_wait3A_37 = tpu.memref_slice %arg6[%add3A_10, %dma_wait3A] : memref<10240x128xf32, #tpu.memory_space<vmem_shared>> -> memref<128x128xf32, #tpu.memory_space<vmem_shared>>
      %dma_wait3A_38 = arith.constant 0 : i32
      %dma_wait3A_39 = tpu.memref_slice %arg6[%add3A_10, %dma_wait3A_38] : memref<10240x128xf32, #tpu.memory_space<vmem_shared>> -> memref<128x128xf32, #tpu.memory_space<vmem_shared>>
      tpu.wait_dma2 semaphore(%run_scoped3A : memref<!tpu.dma_semaphore, #tpu.memory_space<semaphore_mem>>) src(%arg9 : memref<128x128xf32, #tpu.memory_space<vmem>>) dst(%dma_wait3A_39 : memref<128x128xf32, #tpu.memory_space<vmem_shared>>)
      tpu.yield
    }) : () -> ()
    %mul3A_11 = arith.constant 640 : i32
    %mul3A_12 = arith.muli %arg1, %mul3A_11 : i32
    %add3A_13 = arith.constant 256 : i32
    %add3A_14 = arith.addi %mul3A_12, %add3A_13 : i32
    "tpu.region"() ({
      %run_scoped3A = tpu.sem_alloc : memref<!tpu.dma_semaphore, #tpu.memory_space<semaphore_mem>>
      %dma_start3A = arith.constant 0 : i32
      %dma_start3A_34 = tpu.memref_slice %arg6[%add3A_14, %dma_start3A] : memref<10240x128xf32, #tpu.memory_space<vmem_shared>> -> memref<128x128xf32, #tpu.memory_space<vmem_shared>>
      %dma_start3A_35 = arith.constant 0 : i32
      %dma_start3A_36 = tpu.memref_slice %arg6[%add3A_14, %dma_start3A_35] : memref<10240x128xf32, #tpu.memory_space<vmem_shared>> -> memref<128x128xf32, #tpu.memory_space<vmem_shared>>
      tpu.enqueue_dma source(%arg9 : memref<128x128xf32, #tpu.memory_space<vmem>>) target(%dma_start3A_36 : memref<128x128xf32, #tpu.memory_space<vmem_shared>>) target_semaphore(%run_scoped3A : memref<!tpu.dma_semaphore, #tpu.memory_space<semaphore_mem>>)
      %dma_wait3A = arith.constant 0 : i32
      %dma_wait3A_37 = tpu.memref_slice %arg6[%add3A_14, %dma_wait3A] : memref<10240x128xf32, #tpu.memory_space<vmem_shared>> -> memref<128x128xf32, #tpu.memory_space<vmem_shared>>
      %dma_wait3A_38 = arith.constant 0 : i32
      %dma_wait3A_39 = tpu.memref_slice %arg6[%add3A_14, %dma_wait3A_38] : memref<10240x128xf32, #tpu.memory_space<vmem_shared>> -> memref<128x128xf32, #tpu.memory_space<vmem_shared>>
      tpu.wait_dma2 semaphore(%run_scoped3A : memref<!tpu.dma_semaphore, #tpu.memory_space<semaphore_mem>>) src(%arg9 : memref<128x128xf32, #tpu.memory_space<vmem>>) dst(%dma_wait3A_39 : memref<128x128xf32, #tpu.memory_space<vmem_shared>>)
      tpu.yield
    }) : () -> ()
    %mul3A_15 = arith.constant 640 : i32
    %mul3A_16 = arith.muli %arg1, %mul3A_15 : i32
    %add3A_17 = arith.constant 384 : i32
    %add3A_18 = arith.addi %mul3A_16, %add3A_17 : i32
    "tpu.region"() ({
      %run_scoped3A = tpu.sem_alloc : memref<!tpu.dma_semaphore, #tpu.memory_space<semaphore_mem>>
      %dma_start3A = arith.constant 0 : i32
      %dma_start3A_34 = tpu.memref_slice %arg6[%add3A_18, %dma_start3A] : memref<10240x128xf32, #tpu.memory_space<vmem_shared>> -> memref<128x128xf32, #tpu.memory_space<vmem_shared>>
      %dma_start3A_35 = arith.constant 0 : i32
      %dma_start3A_36 = tpu.memref_slice %arg6[%add3A_18, %dma_start3A_35] : memref<10240x128xf32, #tpu.memory_space<vmem_shared>> -> memref<128x128xf32, #tpu.memory_space<vmem_shared>>
      tpu.enqueue_dma source(%arg9 : memref<128x128xf32, #tpu.memory_space<vmem>>) target(%dma_start3A_36 : memref<128x128xf32, #tpu.memory_space<vmem_shared>>) target_semaphore(%run_scoped3A : memref<!tpu.dma_semaphore, #tpu.memory_space<semaphore_mem>>)
      %dma_wait3A = arith.constant 0 : i32
      %dma_wait3A_37 = tpu.memref_slice %arg6[%add3A_18, %dma_wait3A] : memref<10240x128xf32, #tpu.memory_space<vmem_shared>> -> memref<128x128xf32, #tpu.memory_space<vmem_shared>>
      %dma_wait3A_38 = arith.constant 0 : i32
      %dma_wait3A_39 = tpu.memref_slice %arg6[%add3A_18, %dma_wait3A_38] : memref<10240x128xf32, #tpu.memory_space<vmem_shared>> -> memref<128x128xf32, #tpu.memory_space<vmem_shared>>
      tpu.wait_dma2 semaphore(%run_scoped3A : memref<!tpu.dma_semaphore, #tpu.memory_space<semaphore_mem>>) src(%arg9 : memref<128x128xf32, #tpu.memory_space<vmem>>) dst(%dma_wait3A_39 : memref<128x128xf32, #tpu.memory_space<vmem_shared>>)
      tpu.yield
    }) : () -> ()
    %mul3A_19 = arith.constant 640 : i32
    %mul3A_20 = arith.muli %arg1, %mul3A_19 : i32
    %add3A_21 = arith.constant 512 : i32
    %add3A_22 = arith.addi %mul3A_20, %add3A_21 : i32
    "tpu.region"() ({
      %run_scoped3A = tpu.sem_alloc : memref<!tpu.dma_semaphore, #tpu.memory_space<semaphore_mem>>
      %dma_start3A = arith.constant 0 : i32
      %dma_start3A_34 = tpu.memref_slice %arg6[%add3A_22, %dma_start3A] : memref<10240x128xf32, #tpu.memory_space<vmem_shared>> -> memref<128x128xf32, #tpu.memory_space<vmem_shared>>
      %dma_start3A_35 = arith.constant 0 : i32
      %dma_start3A_36 = tpu.memref_slice %arg6[%add3A_22, %dma_start3A_35] : memref<10240x128xf32, #tpu.memory_space<vmem_shared>> -> memref<128x128xf32, #tpu.memory_space<vmem_shared>>
      tpu.enqueue_dma source(%arg9 : memref<128x128xf32, #tpu.memory_space<vmem>>) target(%dma_start3A_36 : memref<128x128xf32, #tpu.memory_space<vmem_shared>>) target_semaphore(%run_scoped3A : memref<!tpu.dma_semaphore, #tpu.memory_space<semaphore_mem>>)
      %dma_wait3A = arith.constant 0 : i32
      %dma_wait3A_37 = tpu.memref_slice %arg6[%add3A_22, %dma_wait3A] : memref<10240x128xf32, #tpu.memory_space<vmem_shared>> -> memref<128x128xf32, #tpu.memory_space<vmem_shared>>
      %dma_wait3A_38 = arith.constant 0 : i32
      %dma_wait3A_39 = tpu.memref_slice %arg6[%add3A_22, %dma_wait3A_38] : memref<10240x128xf32, #tpu.memory_space<vmem_shared>> -> memref<128x128xf32, #tpu.memory_space<vmem_shared>>
      tpu.wait_dma2 semaphore(%run_scoped3A : memref<!tpu.dma_semaphore, #tpu.memory_space<semaphore_mem>>) src(%arg9 : memref<128x128xf32, #tpu.memory_space<vmem>>) dst(%dma_wait3A_39 : memref<128x128xf32, #tpu.memory_space<vmem_shared>>)
      tpu.yield
    }) : () -> ()
    %barrier3A = arith.constant 0 : index
    tpu.barrier barrier_id(%barrier3A)
    %scan3A_23 = arith.constant 0 : i32
    %scan3A_24 = arith.constant 0 : i32
    %scan3A_25 = arith.constant 2 : i32
    %scan3A_26 = arith.addi %scan3A_24, %scan3A_25 : i32
    %scan3A_27 = arith.constant 1 : i32
    scf.for %scan3A_34 = %scan3A_24 to %scan3A_26 step %scan3A_27  : i32 {
      %mul3A_35 = arith.constant 16 : i32
      %mul3A_36 = arith.muli %arg0, %mul3A_35 : i32
      %add3A_37 = arith.addi %mul3A_36, %arg1 : i32
      %mul3A_38 = arith.constant 80 : i32
      %mul3A_39 = arith.muli %add3A_37, %mul3A_38 : i32
      %mul3A_40 = arith.constant 40 : i32
      %mul3A_41 = arith.muli %scan3A_34, %mul3A_40 : i32
      %add3A_42 = arith.addi %mul3A_39, %mul3A_41 : i32
      "tpu.region"() ({
        %run_scoped3A = tpu.sem_alloc : memref<!tpu.dma_semaphore, #tpu.memory_space<semaphore_mem>>
        %dma_start3A_68 = arith.constant 0 : i32
        %dma_start3A_69 = tpu.memref_slice %arg3[%add3A_42, %dma_start3A_68] : memref<2560x128xi32, #tpu.memory_space<hbm>> -> memref<40x128xi32, #tpu.memory_space<hbm>>
        %dma_start3A_70 = arith.constant 0 : i32
        %dma_start3A_71 = tpu.memref_slice %arg3[%add3A_42, %dma_start3A_70] : memref<2560x128xi32, #tpu.memory_space<hbm>> -> memref<40x128xi32, #tpu.memory_space<hbm>>
        tpu.enqueue_dma source(%dma_start3A_71 : memref<40x128xi32, #tpu.memory_space<hbm>>) target(%arg7 : memref<40x128xi32, #tpu.memory_space<vmem>>) target_semaphore(%run_scoped3A : memref<!tpu.dma_semaphore, #tpu.memory_space<semaphore_mem>>)
        %dma_wait3A_72 = arith.constant 0 : i32
        %dma_wait3A_73 = tpu.memref_slice %arg3[%add3A_42, %dma_wait3A_72] : memref<2560x128xi32, #tpu.memory_space<hbm>> -> memref<40x128xi32, #tpu.memory_space<hbm>>
        %dma_wait3A_74 = arith.constant 0 : i32
        %dma_wait3A_75 = tpu.memref_slice %arg3[%add3A_42, %dma_wait3A_74] : memref<2560x128xi32, #tpu.memory_space<hbm>> -> memref<40x128xi32, #tpu.memory_space<hbm>>
        tpu.wait_dma2 semaphore(%run_scoped3A : memref<!tpu.dma_semaphore, #tpu.memory_space<semaphore_mem>>) src(%dma_wait3A_75 : memref<40x128xi32, #tpu.memory_space<hbm>>) dst(%arg7 : memref<40x128xi32, #tpu.memory_space<vmem>>)
        tpu.yield
      }) : () -> ()
      "tpu.region"() ({
        %run_scoped3A = tpu.sem_alloc : memref<!tpu.dma_semaphore, #tpu.memory_space<semaphore_mem>>
        %dma_start3A_68 = arith.constant 0 : i32
        %dma_start3A_69 = tpu.memref_slice %arg4[%add3A_42, %dma_start3A_68] : memref<2560x128xi32, #tpu.memory_space<hbm>> -> memref<40x128xi32, #tpu.memory_space<hbm>>
        %dma_start3A_70 = arith.constant 0 : i32
        %dma_start3A_71 = tpu.memref_slice %arg4[%add3A_42, %dma_start3A_70] : memref<2560x128xi32, #tpu.memory_space<hbm>> -> memref<40x128xi32, #tpu.memory_space<hbm>>
        tpu.enqueue_dma source(%dma_start3A_71 : memref<40x128xi32, #tpu.memory_space<hbm>>) target(%arg8 : memref<40x128xi32, #tpu.memory_space<vmem>>) target_semaphore(%run_scoped3A : memref<!tpu.dma_semaphore, #tpu.memory_space<semaphore_mem>>)
        %dma_wait3A_72 = arith.constant 0 : i32
        %dma_wait3A_73 = tpu.memref_slice %arg4[%add3A_42, %dma_wait3A_72] : memref<2560x128xi32, #tpu.memory_space<hbm>> -> memref<40x128xi32, #tpu.memory_space<hbm>>
        %dma_wait3A_74 = arith.constant 0 : i32
        %dma_wait3A_75 = tpu.memref_slice %arg4[%add3A_42, %dma_wait3A_74] : memref<2560x128xi32, #tpu.memory_space<hbm>> -> memref<40x128xi32, #tpu.memory_space<hbm>>
        tpu.wait_dma2 semaphore(%run_scoped3A : memref<!tpu.dma_semaphore, #tpu.memory_space<semaphore_mem>>) src(%dma_wait3A_75 : memref<40x128xi32, #tpu.memory_space<hbm>>) dst(%arg8 : memref<40x128xi32, #tpu.memory_space<vmem>>)
        tpu.yield
      }) : () -> ()
      %dma_start3A = arith.constant 0 : i32
      %dma_start3A_43 = arith.constant 0 : i32
      %dma_start3A_44 = tpu.memref_slice %arg7[%dma_start3A, %dma_start3A_43] : memref<40x128xi32, #tpu.memory_space<vmem>> -> memref<1x128xi32, #tpu.memory_space<vmem>>
      %dma_start3A_45 = tpu.memref_squeeze %dma_start3A_44 : memref<1x128xi32, #tpu.memory_space<vmem>> -> memref<128xi32, #tpu.memory_space<vmem>>
      %dma_start3A_46 = arith.constant 0 : i32
      %dma_start3A_47 = arith.constant 0 : i32
      %dma_start3A_48 = tpu.memref_slice %arg2[%dma_start3A_46, %dma_start3A_47] : memref<10240x128xf32, #tpu.memory_space<hbm>> -> memref<10240x128xf32, #tpu.memory_space<hbm>>
      tpu.enqueue_indirect_dma source(%dma_start3A_48 : memref<10240x128xf32, #tpu.memory_space<hbm>>) target(%arg9 : memref<128x128xf32, #tpu.memory_space<vmem>>) offsets(%dma_start3A_45 : memref<128xi32, #tpu.memory_space<vmem>>) semaphore(%arg11 : memref<!tpu.dma_semaphore, #tpu.memory_space<semaphore_mem>>)
      %scan3A_49 = arith.constant 0 : i32
      %scan3A_50 = arith.constant 0 : i32
      %scan3A_51 = arith.constant 20 : i32
      %scan3A_52 = arith.addi %scan3A_50, %scan3A_51 : i32
      %scan3A_53 = arith.constant 1 : i32
      scf.for %scan3A_68 = %scan3A_50 to %scan3A_52 step %scan3A_53  : i32 {
        %mul3A_69 = arith.constant 2 : i32
        %mul3A_70 = arith.muli %scan3A_68, %mul3A_69 : i32
        %add3A_71 = arith.constant 0 : i32
        %add3A_72 = arith.addi %mul3A_70, %add3A_71 : i32
        %dma_wait3A_73 = arith.constant 0 : i32
        %dma_wait3A_74 = tpu.memref_slice %arg7[%add3A_72, %dma_wait3A_73] : memref<40x128xi32, #tpu.memory_space<vmem>> -> memref<1x128xi32, #tpu.memory_space<vmem>>
        %dma_wait3A_75 = tpu.memref_squeeze %dma_wait3A_74 : memref<1x128xi32, #tpu.memory_space<vmem>> -> memref<128xi32, #tpu.memory_space<vmem>>
        %dma_wait3A_76 = arith.constant 0 : i32
        %dma_wait3A_77 = arith.constant 0 : i32
        %dma_wait3A_78 = tpu.memref_slice %arg2[%dma_wait3A_76, %dma_wait3A_77] : memref<10240x128xf32, #tpu.memory_space<hbm>> -> memref<10240x128xf32, #tpu.memory_space<hbm>>
        tpu.wait_indirect_dma semaphore(%arg11 : memref<!tpu.dma_semaphore, #tpu.memory_space<semaphore_mem>>) src(%dma_wait3A_78 : memref<10240x128xf32, #tpu.memory_space<hbm>>) dst(%arg9 : memref<128x128xf32, #tpu.memory_space<vmem>>)
        %add3A_79 = arith.constant 1 : i32
        %add3A_80 = arith.addi %add3A_72, %add3A_79 : i32
        %lt3A = arith.constant 40 : i32
        %lt3A_81 = arith.cmpi slt, %add3A_80, %lt3A : i32
        %gt3A = arith.constant 0 : i32
        %gt3A_82 = arith.cmpi sgt, %add3A_72, %gt3A : i32
        %and3A = arith.andi %lt3A_81, %gt3A_82 : i1
        %convert_element_type3A = arith.extui %and3A : i1 to i32
        %cond3A = arith.constant 0 : i32
        %cond3A_83 = arith.cmpi ne, %convert_element_type3A, %cond3A : i32
        scf.if %cond3A_83 {
          %dma_wait3A_130 = arith.constant 0 : i32
          %dma_wait3A_131 = tpu.memref_slice %arg8[%add3A_72, %dma_wait3A_130] : memref<40x128xi32, #tpu.memory_space<vmem>> -> memref<1x128xi32, #tpu.memory_space<vmem>>
          %dma_wait3A_132 = tpu.memref_squeeze %dma_wait3A_131 : memref<1x128xi32, #tpu.memory_space<vmem>> -> memref<128xi32, #tpu.memory_space<vmem>>
          %dma_wait3A_133 = arith.constant 0 : i32
          %dma_wait3A_134 = arith.constant 0 : i32
          %dma_wait3A_135 = tpu.memref_slice %arg6[%dma_wait3A_133, %dma_wait3A_134] : memref<10240x128xf32, #tpu.memory_space<vmem_shared>> -> memref<10240x128xf32, #tpu.memory_space<vmem_shared>>
          tpu.wait_indirect_dma semaphore(%arg14 : memref<!tpu.dma_semaphore, #tpu.memory_space<semaphore_mem>>) src(%arg10 : memref<128x128xf32, #tpu.memory_space<vmem>>) dst(%dma_wait3A_135 : memref<10240x128xf32, #tpu.memory_space<vmem_shared>>)
        } else {
        }
        %add3A_84 = arith.constant 1 : i32
        %add3A_85 = arith.addi %add3A_72, %add3A_84 : i32
        %lt3A_86 = arith.constant 40 : i32
        %lt3A_87 = arith.cmpi slt, %add3A_85, %lt3A_86 : i32
        %convert_element_type3A_88 = arith.extui %lt3A_87 : i1 to i32
        %cond3A_89 = arith.constant 0 : i32
        %cond3A_90 = arith.cmpi ne, %convert_element_type3A_88, %cond3A_89 : i32
        scf.if %cond3A_90 {
          %add3A_130 = arith.constant 1 : i32
          %add3A_131 = arith.addi %add3A_72, %add3A_130 : i32
          %dma_start3A_132 = arith.constant 0 : i32
          %dma_start3A_133 = tpu.memref_slice %arg7[%add3A_131, %dma_start3A_132] : memref<40x128xi32, #tpu.memory_space<vmem>> -> memref<1x128xi32, #tpu.memory_space<vmem>>
          %dma_start3A_134 = tpu.memref_squeeze %dma_start3A_133 : memref<1x128xi32, #tpu.memory_space<vmem>> -> memref<128xi32, #tpu.memory_space<vmem>>
          %dma_start3A_135 = arith.constant 0 : i32
          %dma_start3A_136 = arith.constant 0 : i32
          %dma_start3A_137 = tpu.memref_slice %arg2[%dma_start3A_135, %dma_start3A_136] : memref<10240x128xf32, #tpu.memory_space<hbm>> -> memref<10240x128xf32, #tpu.memory_space<hbm>>
          tpu.enqueue_indirect_dma source(%dma_start3A_137 : memref<10240x128xf32, #tpu.memory_space<hbm>>) target(%arg10 : memref<128x128xf32, #tpu.memory_space<vmem>>) offsets(%dma_start3A_134 : memref<128xi32, #tpu.memory_space<vmem>>) semaphore(%arg12 : memref<!tpu.dma_semaphore, #tpu.memory_space<semaphore_mem>>)
        } else {
        }
        %dma_start3A_91 = arith.constant 0 : i32
        %dma_start3A_92 = tpu.memref_slice %arg8[%add3A_72, %dma_start3A_91] : memref<40x128xi32, #tpu.memory_space<vmem>> -> memref<1x128xi32, #tpu.memory_space<vmem>>
        %dma_start3A_93 = tpu.memref_squeeze %dma_start3A_92 : memref<1x128xi32, #tpu.memory_space<vmem>> -> memref<128xi32, #tpu.memory_space<vmem>>
        %dma_start3A_94 = arith.constant 0 : i32
        %dma_start3A_95 = arith.constant 0 : i32
        %dma_start3A_96 = tpu.memref_slice %arg6[%dma_start3A_94, %dma_start3A_95] : memref<10240x128xf32, #tpu.memory_space<vmem_shared>> -> memref<10240x128xf32, #tpu.memory_space<vmem_shared>>
        tpu.enqueue_indirect_dma source(%arg9 : memref<128x128xf32, #tpu.memory_space<vmem>>) target(%dma_start3A_96 : memref<10240x128xf32, #tpu.memory_space<vmem_shared>>) offsets(%dma_start3A_93 : memref<128xi32, #tpu.memory_space<vmem>>) semaphore(%arg13 : memref<!tpu.dma_semaphore, #tpu.memory_space<semaphore_mem>>) {add = true}
        %mul3A_97 = arith.constant 2 : i32
        %mul3A_98 = arith.muli %scan3A_68, %mul3A_97 : i32
        %add3A_99 = arith.constant 1 : i32
        %add3A_100 = arith.addi %mul3A_98, %add3A_99 : i32
        %dma_wait3A_101 = arith.constant 0 : i32
        %dma_wait3A_102 = tpu.memref_slice %arg7[%add3A_100, %dma_wait3A_101] : memref<40x128xi32, #tpu.memory_space<vmem>> -> memref<1x128xi32, #tpu.memory_space<vmem>>
        %dma_wait3A_103 = tpu.memref_squeeze %dma_wait3A_102 : memref<1x128xi32, #tpu.memory_space<vmem>> -> memref<128xi32, #tpu.memory_space<vmem>>
        %dma_wait3A_104 = arith.constant 0 : i32
        %dma_wait3A_105 = arith.constant 0 : i32
        %dma_wait3A_106 = tpu.memref_slice %arg2[%dma_wait3A_104, %dma_wait3A_105] : memref<10240x128xf32, #tpu.memory_space<hbm>> -> memref<10240x128xf32, #tpu.memory_space<hbm>>
        tpu.wait_indirect_dma semaphore(%arg12 : memref<!tpu.dma_semaphore, #tpu.memory_space<semaphore_mem>>) src(%dma_wait3A_106 : memref<10240x128xf32, #tpu.memory_space<hbm>>) dst(%arg10 : memref<128x128xf32, #tpu.memory_space<vmem>>)
        %add3A_107 = arith.constant 1 : i32
        %add3A_108 = arith.addi %add3A_100, %add3A_107 : i32
        %lt3A_109 = arith.constant 40 : i32
        %lt3A_110 = arith.cmpi slt, %add3A_108, %lt3A_109 : i32
        %gt3A_111 = arith.constant 0 : i32
        %gt3A_112 = arith.cmpi sgt, %add3A_100, %gt3A_111 : i32
        %and3A_113 = arith.andi %lt3A_110, %gt3A_112 : i1
        %convert_element_type3A_114 = arith.extui %and3A_113 : i1 to i32
        %cond3A_115 = arith.constant 0 : i32
        %cond3A_116 = arith.cmpi ne, %convert_element_type3A_114, %cond3A_115 : i32
        scf.if %cond3A_116 {
          %dma_wait3A_130 = arith.constant 0 : i32
          %dma_wait3A_131 = tpu.memref_slice %arg8[%add3A_100, %dma_wait3A_130] : memref<40x128xi32, #tpu.memory_space<vmem>> -> memref<1x128xi32, #tpu.memory_space<vmem>>
          %dma_wait3A_132 = tpu.memref_squeeze %dma_wait3A_131 : memref<1x128xi32, #tpu.memory_space<vmem>> -> memref<128xi32, #tpu.memory_space<vmem>>
          %dma_wait3A_133 = arith.constant 0 : i32
          %dma_wait3A_134 = arith.constant 0 : i32
          %dma_wait3A_135 = tpu.memref_slice %arg6[%dma_wait3A_133, %dma_wait3A_134] : memref<10240x128xf32, #tpu.memory_space<vmem_shared>> -> memref<10240x128xf32, #tpu.memory_space<vmem_shared>>
          tpu.wait_indirect_dma semaphore(%arg13 : memref<!tpu.dma_semaphore, #tpu.memory_space<semaphore_mem>>) src(%arg9 : memref<128x128xf32, #tpu.memory_space<vmem>>) dst(%dma_wait3A_135 : memref<10240x128xf32, #tpu.memory_space<vmem_shared>>)
        } else {
        }
        %add3A_117 = arith.constant 1 : i32
        %add3A_118 = arith.addi %add3A_100, %add3A_117 : i32
        %lt3A_119 = arith.constant 40 : i32
        %lt3A_120 = arith.cmpi slt, %add3A_118, %lt3A_119 : i32
        %convert_element_type3A_121 = arith.extui %lt3A_120 : i1 to i32
        %cond3A_122 = arith.constant 0 : i32
        %cond3A_123 = arith.cmpi ne, %convert_element_type3A_121, %cond3A_122 : i32
        scf.if %cond3A_123 {
          %add3A_130 = arith.constant 1 : i32
          %add3A_131 = arith.addi %add3A_100, %add3A_130 : i32
          %dma_start3A_132 = arith.constant 0 : i32
          %dma_start3A_133 = tpu.memref_slice %arg7[%add3A_131, %dma_start3A_132] : memref<40x128xi32, #tpu.memory_space<vmem>> -> memref<1x128xi32, #tpu.memory_space<vmem>>
          %dma_start3A_134 = tpu.memref_squeeze %dma_start3A_133 : memref<1x128xi32, #tpu.memory_space<vmem>> -> memref<128xi32, #tpu.memory_space<vmem>>
          %dma_start3A_135 = arith.constant 0 : i32
          %dma_start3A_136 = arith.constant 0 : i32
          %dma_start3A_137 = tpu.memref_slice %arg2[%dma_start3A_135, %dma_start3A_136] : memref<10240x128xf32, #tpu.memory_space<hbm>> -> memref<10240x128xf32, #tpu.memory_space<hbm>>
          tpu.enqueue_indirect_dma source(%dma_start3A_137 : memref<10240x128xf32, #tpu.memory_space<hbm>>) target(%arg9 : memref<128x128xf32, #tpu.memory_space<vmem>>) offsets(%dma_start3A_134 : memref<128xi32, #tpu.memory_space<vmem>>) semaphore(%arg11 : memref<!tpu.dma_semaphore, #tpu.memory_space<semaphore_mem>>)
        } else {
        }
        %dma_start3A_124 = arith.constant 0 : i32
        %dma_start3A_125 = tpu.memref_slice %arg8[%add3A_100, %dma_start3A_124] : memref<40x128xi32, #tpu.memory_space<vmem>> -> memref<1x128xi32, #tpu.memory_space<vmem>>
        %dma_start3A_126 = tpu.memref_squeeze %dma_start3A_125 : memref<1x128xi32, #tpu.memory_space<vmem>> -> memref<128xi32, #tpu.memory_space<vmem>>
        %dma_start3A_127 = arith.constant 0 : i32
        %dma_start3A_128 = arith.constant 0 : i32
        %dma_start3A_129 = tpu.memref_slice %arg6[%dma_start3A_127, %dma_start3A_128] : memref<10240x128xf32, #tpu.memory_space<vmem_shared>> -> memref<10240x128xf32, #tpu.memory_space<vmem_shared>>
        tpu.enqueue_indirect_dma source(%arg10 : memref<128x128xf32, #tpu.memory_space<vmem>>) target(%dma_start3A_129 : memref<10240x128xf32, #tpu.memory_space<vmem_shared>>) offsets(%dma_start3A_126 : memref<128xi32, #tpu.memory_space<vmem>>) semaphore(%arg14 : memref<!tpu.dma_semaphore, #tpu.memory_space<semaphore_mem>>) {add = true}
      }
      %scan3A_54 = arith.constant 20 : i32
      %dma_wait3A = arith.constant 0 : i32
      %dma_wait3A_55 = arith.constant 0 : i32
      %dma_wait3A_56 = tpu.memref_slice %arg8[%dma_wait3A, %dma_wait3A_55] : memref<40x128xi32, #tpu.memory_space<vmem>> -> memref<1x128xi32, #tpu.memory_space<vmem>>
      %dma_wait3A_57 = tpu.memref_squeeze %dma_wait3A_56 : memref<1x128xi32, #tpu.memory_space<vmem>> -> memref<128xi32, #tpu.memory_space<vmem>>
      %dma_wait3A_58 = arith.constant 0 : i32
      %dma_wait3A_59 = arith.constant 0 : i32
      %dma_wait3A_60 = tpu.memref_slice %arg6[%dma_wait3A_58, %dma_wait3A_59] : memref<10240x128xf32, #tpu.memory_space<vmem_shared>> -> memref<10240x128xf32, #tpu.memory_space<vmem_shared>>
      tpu.wait_indirect_dma semaphore(%arg13 : memref<!tpu.dma_semaphore, #tpu.memory_space<semaphore_mem>>) src(%arg9 : memref<128x128xf32, #tpu.memory_space<vmem>>) dst(%dma_wait3A_60 : memref<10240x128xf32, #tpu.memory_space<vmem_shared>>)
      %dma_wait3A_61 = arith.constant 0 : i32
      %dma_wait3A_62 = arith.constant 0 : i32
      %dma_wait3A_63 = tpu.memref_slice %arg8[%dma_wait3A_61, %dma_wait3A_62] : memref<40x128xi32, #tpu.memory_space<vmem>> -> memref<1x128xi32, #tpu.memory_space<vmem>>
      %dma_wait3A_64 = tpu.memref_squeeze %dma_wait3A_63 : memref<1x128xi32, #tpu.memory_space<vmem>> -> memref<128xi32, #tpu.memory_space<vmem>>
      %dma_wait3A_65 = arith.constant 0 : i32
      %dma_wait3A_66 = arith.constant 0 : i32
      %dma_wait3A_67 = tpu.memref_slice %arg6[%dma_wait3A_65, %dma_wait3A_66] : memref<10240x128xf32, #tpu.memory_space<vmem_shared>> -> memref<10240x128xf32, #tpu.memory_space<vmem_shared>>
      tpu.wait_indirect_dma semaphore(%arg14 : memref<!tpu.dma_semaphore, #tpu.memory_space<semaphore_mem>>) src(%arg10 : memref<128x128xf32, #tpu.memory_space<vmem>>) dst(%dma_wait3A_67 : memref<10240x128xf32, #tpu.memory_space<vmem_shared>>)
    }
    %scan3A_28 = arith.constant 2 : i32
    %barrier3A_29 = arith.constant 0 : index
    tpu.barrier barrier_id(%barrier3A_29)
    %mul3A_30 = arith.constant 640 : i32
    %mul3A_31 = arith.muli %arg1, %mul3A_30 : i32
    %mul3A_32 = arith.constant 640 : i32
    %mul3A_33 = arith.muli %arg1, %mul3A_32 : i32
    "tpu.region"() ({
      %run_scoped3A = tpu.sem_alloc : memref<!tpu.dma_semaphore, #tpu.memory_space<semaphore_mem>>
      %dma_start3A = arith.constant 0 : i32
      %dma_start3A_34 = tpu.memref_slice %arg5[%arg0, %mul3A_33, %dma_start3A] : memref<2x10240x128xf32, #tpu.memory_space<hbm>> -> memref<1x640x128xf32, #tpu.memory_space<hbm>>
      %dma_start3A_35 = tpu.memref_squeeze %dma_start3A_34 : memref<1x640x128xf32, #tpu.memory_space<hbm>> -> memref<640x128xf32, #tpu.memory_space<hbm>>
      %dma_start3A_36 = arith.constant 0 : i32
      %dma_start3A_37 = tpu.memref_slice %arg6[%mul3A_31, %dma_start3A_36] : memref<10240x128xf32, #tpu.memory_space<vmem_shared>> -> memref<640x128xf32, #tpu.memory_space<vmem_shared>>
      tpu.enqueue_dma source(%dma_start3A_37 : memref<640x128xf32, #tpu.memory_space<vmem_shared>>) target(%dma_start3A_35 : memref<640x128xf32, #tpu.memory_space<hbm>>) target_semaphore(%run_scoped3A : memref<!tpu.dma_semaphore, #tpu.memory_space<semaphore_mem>>)
      %dma_wait3A = arith.constant 0 : i32
      %dma_wait3A_38 = tpu.memref_slice %arg5[%arg0, %mul3A_33, %dma_wait3A] : memref<2x10240x128xf32, #tpu.memory_space<hbm>> -> memref<1x640x128xf32, #tpu.memory_space<hbm>>
      %dma_wait3A_39 = tpu.memref_squeeze %dma_wait3A_38 : memref<1x640x128xf32, #tpu.memory_space<hbm>> -> memref<640x128xf32, #tpu.memory_space<hbm>>
      %dma_wait3A_40 = arith.constant 0 : i32
      %dma_wait3A_41 = tpu.memref_slice %arg6[%mul3A_31, %dma_wait3A_40] : memref<10240x128xf32, #tpu.memory_space<vmem_shared>> -> memref<640x128xf32, #tpu.memory_space<vmem_shared>>
      tpu.wait_dma2 semaphore(%run_scoped3A : memref<!tpu.dma_semaphore, #tpu.memory_space<semaphore_mem>>) src(%dma_wait3A_41 : memref<640x128xf32, #tpu.memory_space<vmem_shared>>) dst(%dma_wait3A_39 : memref<640x128xf32, #tpu.memory_space<hbm>>)
      tpu.yield
    }) : () -> ()
    return
  }
}

module attributes {stable_mosaic.version = 14 : i64} {
  func.func @_tc_prep_body(%arg0: i32, %arg1: memref<2x1280x128xf32, #tpu.memory_space<vmem>>, %arg2: memref<1280x128xf32, #tpu.memory_space<vmem>>, %arg3: memref<128x128xf32, #tpu.memory_space<vmem>>, %arg4: memref<1280x128xf32, #tpu.memory_space<vmem>>, %arg5: memref<1280x128xf32, #tpu.memory_space<vmem>>, %arg6: memref<1280x128xf32, #tpu.memory_space<vmem>>) attributes {dimension_semantics = [#tpu.dimension_semantics<arbitrary>], iteration_bounds = array<i64: 8>, scalar_prefetch = 0 : i64, scratch_operands = 0 : i64, tpu.core_type = #tpu.core_type<tc>, window_params = [{transform_indices = @transform_0, window_bounds = array<i64: 2, 1280, 128>}, {transform_indices = @transform_1, window_bounds = array<i64: 1280, 128>}, {pipeline_mode = #tpu.pipeline_mode<synchronous>, transform_indices = @transform_2, window_bounds = array<i64: 128, 128>}, {transform_indices = @transform_3, window_bounds = array<i64: 1280, 128>}, {transform_indices = @transform_4, window_bounds = array<i64: 1280, 128>}, {transform_indices = @transform_5, window_bounds = array<i64: 1280, 128>}]} {
    %get3A = arith.constant 0 : index
    %get3A_0 = arith.constant 0 : index
    %get3A_1 = arith.constant 0 : index
    %get3A_2 = vector.load %arg1[%get3A, %get3A_0, %get3A_1] : memref<2x1280x128xf32, #tpu.memory_space<vmem>>, vector<2x1280x128xf32>
    %slice3A = vector.extract_strided_slice %get3A_2 {offsets = [0, 0, 0], sizes = [1, 1280, 1], strides = [1, 1, 1]} : vector<2x1280x128xf32> to vector<1x1280x1xf32>
    %squeeze3A = vector.shape_cast %slice3A : vector<1x1280x1xf32> to vector<1280x1xf32>
    %slice3A_3 = vector.extract_strided_slice %get3A_2 {offsets = [1, 0, 0], sizes = [1, 1280, 1], strides = [1, 1, 1]} : vector<2x1280x128xf32> to vector<1x1280x1xf32>
    %squeeze3A_4 = vector.shape_cast %slice3A_3 : vector<1x1280x1xf32> to vector<1280x1xf32>
    %add3A = arith.addf %squeeze3A, %squeeze3A_4 : vector<1280x1xf32>
    %gt3A = arith.constant 0.000000e+00 : f32
    %gt3A_5 = vector.broadcast %gt3A : f32 to vector<1280x1xf32>
    %gt3A_6 = arith.cmpf ogt, %add3A, %gt3A_5 : vector<1280x1xf32>
    %max3A = arith.constant 9.99999996E-13 : f32
    %max3A_7 = vector.broadcast %max3A : f32 to vector<1280x1xf32>
    %max3A_8 = arith.maximumf %add3A, %max3A_7 : vector<1280x1xf32>
    %rsqrt3A = math.rsqrt %max3A_8 : vector<1280x1xf32>
    %jit3A = arith.constant 0.000000e+00 : f32
    %broadcast_in_dim3A = vector.broadcast %jit3A : f32 to vector<1280x1xf32>
    %select_n3A = arith.select %gt3A_6, %rsqrt3A, %broadcast_in_dim3A : vector<1280x1xi1>, vector<1280x1xf32>
    %broadcast_in_dim3A_9 = vector.shape_cast %select_n3A : vector<1280x1xf32> to vector<1280x1xf32>
    %broadcast_in_dim3A_10 = vector.broadcast %broadcast_in_dim3A_9 : vector<1280x1xf32> to vector<1280x128xf32>
    %get3A_11 = arith.constant 0 : index
    %get3A_12 = arith.constant 0 : index
    %get3A_13 = vector.load %arg2[%get3A_11, %get3A_12] : memref<1280x128xf32, #tpu.memory_space<vmem>>, vector<1280x128xf32>
    %swap3A = arith.constant 0 : index
    %swap3A_14 = arith.constant 0 : index
    %swap3A_15 = vector.load %arg4[%swap3A, %swap3A_14] : memref<1280x128xf32, #tpu.memory_space<vmem>>, vector<1280x128xf32>
    tpu.vector_store %arg4[%swap3A, %swap3A_14], %broadcast_in_dim3A_10 {strides = array<i32>} : memref<1280x128xf32, #tpu.memory_space<vmem>>, vector<1280x128xf32>,
    %mul3A = arith.mulf %broadcast_in_dim3A_10, %get3A_13 : vector<1280x128xf32>
    %swap3A_16 = arith.constant 0 : index
    %swap3A_17 = arith.constant 0 : index
    %swap3A_18 = vector.load %arg5[%swap3A_16, %swap3A_17] : memref<1280x128xf32, #tpu.memory_space<vmem>>, vector<1280x128xf32>
    tpu.vector_store %arg5[%swap3A_16, %swap3A_17], %mul3A {strides = array<i32>} : memref<1280x128xf32, #tpu.memory_space<vmem>>, vector<1280x128xf32>,
    %get3A_19 = arith.constant 0 : index
    %get3A_20 = arith.constant 0 : index
    %get3A_21 = vector.load %arg3[%get3A_19, %get3A_20] : memref<128x128xf32, #tpu.memory_space<vmem>>, vector<128x128xf32>
    %dot_general3A = arith.constant dense<0.000000e+00> : vector<1280x128xf32>
    %dot_general3A_22 = tpu.matmul %get3A_13, %get3A_21, %dot_general3A {dimension_numbers = #tpu.dot_dimension_numbers<[1], [0], [0], [1], [0, 0, 1, 1], [], []>, transpose_lhs_hint = false} : vector<1280x128xf32>, vector<128x128xf32>, vector<1280x128xf32> -> vector<1280x128xf32>
    %swap3A_23 = arith.constant 0 : index
    %swap3A_24 = arith.constant 0 : index
    %swap3A_25 = vector.load %arg6[%swap3A_23, %swap3A_24] : memref<1280x128xf32, #tpu.memory_space<vmem>>, vector<1280x128xf32>
    tpu.vector_store %arg6[%swap3A_23, %swap3A_24], %dot_general3A_22 {strides = array<i32>} : memref<1280x128xf32, #tpu.memory_space<vmem>>, vector<1280x128xf32>,
    return
  }
  func.func @transform_0(%arg0: i32) -> (i32, i32, i32) {
    %c0_i32 = arith.constant 0 : i32
    %c0_i32_0 = arith.constant 0 : i32
    %c0_i32_1 = arith.constant 0 : i32
    return %c0_i32, %arg0, %c0_i32_0 : i32, i32, i32
  }
  func.func @transform_1(%arg0: i32) -> (i32, i32) {
    %c0_i32 = arith.constant 0 : i32
    %c0_i32_0 = arith.constant 0 : i32
    return %arg0, %c0_i32 : i32, i32
  }
  func.func @transform_2(%arg0: i32) -> (i32, i32) {
    %c0_i32 = arith.constant 0 : i32
    %c0_i32_0 = arith.constant 0 : i32
    %c0_i32_1 = arith.constant 0 : i32
    return %c0_i32, %c0_i32_0 : i32, i32
  }
  func.func @transform_3(%arg0: i32) -> (i32, i32) {
    %c0_i32 = arith.constant 0 : i32
    %c0_i32_0 = arith.constant 0 : i32
    return %arg0, %c0_i32 : i32, i32
  }
  func.func @transform_4(%arg0: i32) -> (i32, i32) {
    %c0_i32 = arith.constant 0 : i32
    %c0_i32_0 = arith.constant 0 : i32
    return %arg0, %c0_i32 : i32, i32
  }
  func.func @transform_5(%arg0: i32) -> (i32, i32) {
    %c0_i32 = arith.constant 0 : i32
    %c0_i32_0 = arith.constant 0 : i32
    return %arg0, %c0_i32 : i32, i32
  }
}

module attributes {stable_mosaic.version = 14 : i64} {
  func.func @_tc_hop_body(%arg0: i32, %arg1: memref<2x1280x128xf32, #tpu.memory_space<vmem>>, %arg2: memref<1280x128xf32, #tpu.memory_space<vmem>>, %arg3: memref<1280x128xf32, #tpu.memory_space<vmem>>, %arg4: memref<128x128xf32, #tpu.memory_space<vmem>>, %arg5: memref<1280x128xf32, #tpu.memory_space<vmem>>, %arg6: memref<1280x128xf32, #tpu.memory_space<vmem>>) attributes {dimension_semantics = [#tpu.dimension_semantics<arbitrary>], iteration_bounds = array<i64: 8>, scalar_prefetch = 0 : i64, scratch_operands = 0 : i64, tpu.core_type = #tpu.core_type<tc>, window_params = [{transform_indices = @transform_0, window_bounds = array<i64: 2, 1280, 128>}, {transform_indices = @transform_1, window_bounds = array<i64: 1280, 128>}, {transform_indices = @transform_2, window_bounds = array<i64: 1280, 128>}, {pipeline_mode = #tpu.pipeline_mode<synchronous>, transform_indices = @transform_3, window_bounds = array<i64: 128, 128>}, {transform_indices = @transform_4, window_bounds = array<i64: 1280, 128>}, {transform_indices = @transform_5, window_bounds = array<i64: 1280, 128>}]} {
    %get3A = arith.constant 0 : index
    %get3A_0 = arith.constant 0 : index
    %get3A_1 = vector.load %arg2[%get3A, %get3A_0] : memref<1280x128xf32, #tpu.memory_space<vmem>>, vector<1280x128xf32>
    %get3A_2 = arith.constant 0 : index
    %get3A_3 = arith.constant 0 : index
    %get3A_4 = arith.constant 0 : index
    %get3A_5 = vector.load %arg1[%get3A_2, %get3A_3, %get3A_4] : memref<2x1280x128xf32, #tpu.memory_space<vmem>>, vector<2x1280x128xf32>
    %slice3A = vector.extract_strided_slice %get3A_5 {offsets = [0, 0, 0], sizes = [1, 1280, 128], strides = [1, 1, 1]} : vector<2x1280x128xf32> to vector<1x1280x128xf32>
    %squeeze3A = vector.shape_cast %slice3A : vector<1x1280x128xf32> to vector<1280x128xf32>
    %slice3A_6 = vector.extract_strided_slice %get3A_5 {offsets = [1, 0, 0], sizes = [1, 1280, 128], strides = [1, 1, 1]} : vector<2x1280x128xf32> to vector<1x1280x128xf32>
    %squeeze3A_7 = vector.shape_cast %slice3A_6 : vector<1x1280x128xf32> to vector<1280x128xf32>
    %add3A = arith.addf %squeeze3A, %squeeze3A_7 : vector<1280x128xf32>
    %mul3A = arith.mulf %get3A_1, %add3A : vector<1280x128xf32>
    %get3A_8 = arith.constant 0 : index
    %get3A_9 = arith.constant 0 : index
    %get3A_10 = vector.load %arg3[%get3A_8, %get3A_9] : memref<1280x128xf32, #tpu.memory_space<vmem>>, vector<1280x128xf32>
    %get3A_11 = arith.constant 0 : index
    %get3A_12 = arith.constant 0 : index
    %get3A_13 = vector.load %arg4[%get3A_11, %get3A_12] : memref<128x128xf32, #tpu.memory_space<vmem>>, vector<128x128xf32>
    %dot_general3A = arith.constant dense<0.000000e+00> : vector<1280x128xf32>
    %dot_general3A_14 = tpu.matmul %mul3A, %get3A_13, %dot_general3A {dimension_numbers = #tpu.dot_dimension_numbers<[1], [0], [0], [1], [0, 0, 1, 1], [], []>, transpose_lhs_hint = false} : vector<1280x128xf32>, vector<128x128xf32>, vector<1280x128xf32> -> vector<1280x128xf32>
    %add3A_15 = arith.addf %get3A_10, %dot_general3A_14 : vector<1280x128xf32>
    %swap3A = arith.constant 0 : index
    %swap3A_16 = arith.constant 0 : index
    %swap3A_17 = vector.load %arg6[%swap3A, %swap3A_16] : memref<1280x128xf32, #tpu.memory_space<vmem>>, vector<1280x128xf32>
    tpu.vector_store %arg6[%swap3A, %swap3A_16], %add3A_15 {strides = array<i32>} : memref<1280x128xf32, #tpu.memory_space<vmem>>, vector<1280x128xf32>,
    %mul3A_18 = arith.mulf %get3A_1, %mul3A : vector<1280x128xf32>
    %swap3A_19 = arith.constant 0 : index
    %swap3A_20 = arith.constant 0 : index
    %swap3A_21 = vector.load %arg5[%swap3A_19, %swap3A_20] : memref<1280x128xf32, #tpu.memory_space<vmem>>, vector<1280x128xf32>
    tpu.vector_store %arg5[%swap3A_19, %swap3A_20], %mul3A_18 {strides = array<i32>} : memref<1280x128xf32, #tpu.memory_space<vmem>>, vector<1280x128xf32>,
    return
  }
  func.func @transform_0(%arg0: i32) -> (i32, i32, i32) {
    %c0_i32 = arith.constant 0 : i32
    %c0_i32_0 = arith.constant 0 : i32
    %c0_i32_1 = arith.constant 0 : i32
    return %c0_i32, %arg0, %c0_i32_0 : i32, i32, i32
  }
  func.func @transform_1(%arg0: i32) -> (i32, i32) {
    %c0_i32 = arith.constant 0 : i32
    %c0_i32_0 = arith.constant 0 : i32
    return %arg0, %c0_i32 : i32, i32
  }
  func.func @transform_2(%arg0: i32) -> (i32, i32) {
    %c0_i32 = arith.constant 0 : i32
    %c0_i32_0 = arith.constant 0 : i32
    return %arg0, %c0_i32 : i32, i32
  }
  func.func @transform_3(%arg0: i32) -> (i32, i32) {
    %c0_i32 = arith.constant 0 : i32
    %c0_i32_0 = arith.constant 0 : i32
    %c0_i32_1 = arith.constant 0 : i32
    return %c0_i32, %c0_i32_0 : i32, i32
  }
  func.func @transform_4(%arg0: i32) -> (i32, i32) {
    %c0_i32 = arith.constant 0 : i32
    %c0_i32_0 = arith.constant 0 : i32
    return %arg0, %c0_i32 : i32, i32
  }
  func.func @transform_5(%arg0: i32) -> (i32, i32) {
    %c0_i32 = arith.constant 0 : i32
    %c0_i32_0 = arith.constant 0 : i32
    return %arg0, %c0_i32 : i32, i32
  }
}

module attributes {stable_mosaic.version = 14 : i64} {
  func.func @_tc_l1_end_body(%arg0: i32, %arg1: memref<2x1280x128xf32, #tpu.memory_space<vmem>>, %arg2: memref<1280x128xf32, #tpu.memory_space<vmem>>, %arg3: memref<1280x128xf32, #tpu.memory_space<vmem>>, %arg4: memref<128x128xf32, #tpu.memory_space<vmem>>, %arg5: memref<1x128xf32, #tpu.memory_space<vmem>>, %arg6: memref<128x128xf32, #tpu.memory_space<vmem>>, %arg7: memref<1280x128xf32, #tpu.memory_space<vmem>>, %arg8: memref<1280x128xf32, #tpu.memory_space<vmem>>) attributes {dimension_semantics = [#tpu.dimension_semantics<arbitrary>], iteration_bounds = array<i64: 8>, scalar_prefetch = 0 : i64, scratch_operands = 0 : i64, tpu.core_type = #tpu.core_type<tc>, window_params = [{transform_indices = @transform_0, window_bounds = array<i64: 2, 1280, 128>}, {transform_indices = @transform_1, window_bounds = array<i64: 1280, 128>}, {transform_indices = @transform_2, window_bounds = array<i64: 1280, 128>}, {pipeline_mode = #tpu.pipeline_mode<synchronous>, transform_indices = @transform_3, window_bounds = array<i64: 128, 128>}, {pipeline_mode = #tpu.pipeline_mode<synchronous>, transform_indices = @transform_4, window_bounds = array<i64: 1, 128>}, {pipeline_mode = #tpu.pipeline_mode<synchronous>, transform_indices = @transform_5, window_bounds = array<i64: 128, 128>}, {transform_indices = @transform_6, window_bounds = array<i64: 1280, 128>}, {transform_indices = @transform_7, window_bounds = array<i64: 1280, 128>}]} {
    %get3A = arith.constant 0 : index
    %get3A_0 = arith.constant 0 : index
    %get3A_1 = vector.load %arg2[%get3A, %get3A_0] : memref<1280x128xf32, #tpu.memory_space<vmem>>, vector<1280x128xf32>
    %get3A_2 = arith.constant 0 : index
    %get3A_3 = arith.constant 0 : index
    %get3A_4 = arith.constant 0 : index
    %get3A_5 = vector.load %arg1[%get3A_2, %get3A_3, %get3A_4] : memref<2x1280x128xf32, #tpu.memory_space<vmem>>, vector<2x1280x128xf32>
    %slice3A = vector.extract_strided_slice %get3A_5 {offsets = [0, 0, 0], sizes = [1, 1280, 128], strides = [1, 1, 1]} : vector<2x1280x128xf32> to vector<1x1280x128xf32>
    %squeeze3A = vector.shape_cast %slice3A : vector<1x1280x128xf32> to vector<1280x128xf32>
    %slice3A_6 = vector.extract_strided_slice %get3A_5 {offsets = [1, 0, 0], sizes = [1, 1280, 128], strides = [1, 1, 1]} : vector<2x1280x128xf32> to vector<1x1280x128xf32>
    %squeeze3A_7 = vector.shape_cast %slice3A_6 : vector<1x1280x128xf32> to vector<1280x128xf32>
    %add3A = arith.addf %squeeze3A, %squeeze3A_7 : vector<1280x128xf32>
    %mul3A = arith.mulf %get3A_1, %add3A : vector<1280x128xf32>
    %get3A_8 = arith.constant 0 : index
    %get3A_9 = arith.constant 0 : index
    %get3A_10 = vector.load %arg3[%get3A_8, %get3A_9] : memref<1280x128xf32, #tpu.memory_space<vmem>>, vector<1280x128xf32>
    %get3A_11 = arith.constant 0 : index
    %get3A_12 = arith.constant 0 : index
    %get3A_13 = vector.load %arg4[%get3A_11, %get3A_12] : memref<128x128xf32, #tpu.memory_space<vmem>>, vector<128x128xf32>
    %dot_general3A = arith.constant dense<0.000000e+00> : vector<1280x128xf32>
    %dot_general3A_14 = tpu.matmul %mul3A, %get3A_13, %dot_general3A {dimension_numbers = #tpu.dot_dimension_numbers<[1], [0], [0], [1], [0, 0, 1, 1], [], []>, transpose_lhs_hint = false} : vector<1280x128xf32>, vector<128x128xf32>, vector<1280x128xf32> -> vector<1280x128xf32>
    %add3A_15 = arith.addf %get3A_10, %dot_general3A_14 : vector<1280x128xf32>
    %get3A_16 = arith.constant 0 : index
    %get3A_17 = arith.constant 0 : index
    %get3A_18 = vector.load %arg5[%get3A_16, %get3A_17] : memref<1x128xf32, #tpu.memory_space<vmem>>, vector<1x128xf32>
    %add3A_19 = vector.broadcast %get3A_18 : vector<1x128xf32> to vector<1280x128xf32>
    %add3A_20 = arith.addf %add3A_15, %add3A_19 : vector<1280x128xf32>
    %ge3A = arith.constant 0.000000e+00 : f32
    %ge3A_21 = vector.broadcast %ge3A : f32 to vector<1280x128xf32>
    %ge3A_22 = arith.cmpf oge, %add3A_20, %ge3A_21 : vector<1280x128xf32>
    %mul3A_23 = arith.constant 2.500000e-01 : f32
    %mul3A_24 = vector.broadcast %mul3A_23 : f32 to vector<1280x128xf32>
    %mul3A_25 = arith.mulf %mul3A_24, %add3A_20 : vector<1280x128xf32>
    %select_n3A = arith.select %ge3A_22, %add3A_20, %mul3A_25 : vector<1280x128xi1>, vector<1280x128xf32>
    %mul3A_26 = arith.mulf %get3A_1, %select_n3A : vector<1280x128xf32>
    %swap3A = arith.constant 0 : index
    %swap3A_27 = arith.constant 0 : index
    %swap3A_28 = vector.load %arg7[%swap3A, %swap3A_27] : memref<1280x128xf32, #tpu.memory_space<vmem>>, vector<1280x128xf32>
    tpu.vector_store %arg7[%swap3A, %swap3A_27], %mul3A_26 {strides = array<i32>} : memref<1280x128xf32, #tpu.memory_space<vmem>>, vector<1280x128xf32>,
    %get3A_29 = arith.constant 0 : index
    %get3A_30 = arith.constant 0 : index
    %get3A_31 = vector.load %arg6[%get3A_29, %get3A_30] : memref<128x128xf32, #tpu.memory_space<vmem>>, vector<128x128xf32>
    %dot_general3A_32 = arith.constant dense<0.000000e+00> : vector<1280x128xf32>
    %dot_general3A_33 = tpu.matmul %select_n3A, %get3A_31, %dot_general3A_32 {dimension_numbers = #tpu.dot_dimension_numbers<[1], [0], [0], [1], [0, 0, 1, 1], [], []>, transpose_lhs_hint = false} : vector<1280x128xf32>, vector<128x128xf32>, vector<1280x128xf32> -> vector<1280x128xf32>
    %swap3A_34 = arith.constant 0 : index
    %swap3A_35 = arith.constant 0 : index
    %swap3A_36 = vector.load %arg8[%swap3A_34, %swap3A_35] : memref<1280x128xf32, #tpu.memory_space<vmem>>, vector<1280x128xf32>
    tpu.vector_store %arg8[%swap3A_34, %swap3A_35], %dot_general3A_33 {strides = array<i32>} : memref<1280x128xf32, #tpu.memory_space<vmem>>, vector<1280x128xf32>,
    return
  }
  func.func @transform_0(%arg0: i32) -> (i32, i32, i32) {
    %c0_i32 = arith.constant 0 : i32
    %c0_i32_0 = arith.constant 0 : i32
    %c0_i32_1 = arith.constant 0 : i32
    return %c0_i32, %arg0, %c0_i32_0 : i32, i32, i32
  }
  func.func @transform_1(%arg0: i32) -> (i32, i32) {
    %c0_i32 = arith.constant 0 : i32
    %c0_i32_0 = arith.constant 0 : i32
    return %arg0, %c0_i32 : i32, i32
  }
  func.func @transform_2(%arg0: i32) -> (i32, i32) {
    %c0_i32 = arith.constant 0 : i32
    %c0_i32_0 = arith.constant 0 : i32
    return %arg0, %c0_i32 : i32, i32
  }
  func.func @transform_3(%arg0: i32) -> (i32, i32) {
    %c0_i32 = arith.constant 0 : i32
    %c0_i32_0 = arith.constant 0 : i32
    %c0_i32_1 = arith.constant 0 : i32
    return %c0_i32, %c0_i32_0 : i32, i32
  }
  func.func @transform_4(%arg0: i32) -> (i32, i32) {
    %c0_i32 = arith.constant 0 : i32
    %c0_i32_0 = arith.constant 0 : i32
    %c0_i32_1 = arith.constant 0 : i32
    return %c0_i32, %c0_i32_0 : i32, i32
  }
  func.func @transform_5(%arg0: i32) -> (i32, i32) {
    %c0_i32 = arith.constant 0 : i32
    %c0_i32_0 = arith.constant 0 : i32
    %c0_i32_1 = arith.constant 0 : i32
    return %c0_i32, %c0_i32_0 : i32, i32
  }
  func.func @transform_6(%arg0: i32) -> (i32, i32) {
    %c0_i32 = arith.constant 0 : i32
    %c0_i32_0 = arith.constant 0 : i32
    return %arg0, %c0_i32 : i32, i32
  }
  func.func @transform_7(%arg0: i32) -> (i32, i32) {
    %c0_i32 = arith.constant 0 : i32
    %c0_i32_0 = arith.constant 0 : i32
    return %arg0, %c0_i32 : i32, i32
  }
}

module attributes {stable_mosaic.version = 14 : i64} {
  func.func @_tc_l2_end_body(%arg0: i32, %arg1: memref<2x1280x128xf32, #tpu.memory_space<vmem>>, %arg2: memref<1280x128xf32, #tpu.memory_space<vmem>>, %arg3: memref<1280x128xf32, #tpu.memory_space<vmem>>, %arg4: memref<128x128xf32, #tpu.memory_space<vmem>>, %arg5: memref<1x128xf32, #tpu.memory_space<vmem>>, %arg6: memref<1x1x1280xi32, #tpu.memory_space<vmem>>, %arg7: memref<128x128xf32, #tpu.memory_space<vmem>>, %arg8: memref<1x128xf32, #tpu.memory_space<vmem>>, %arg9: memref<8x128xf32, #tpu.memory_space<vmem>>, %arg10: memref<8x128xf32, #tpu.memory_space<vmem>>) attributes {dimension_semantics = [#tpu.dimension_semantics<arbitrary>], iteration_bounds = array<i64: 8>, scalar_prefetch = 0 : i64, scratch_operands = 1 : i64, tpu.core_type = #tpu.core_type<tc>, window_params = [{transform_indices = @transform_0, window_bounds = array<i64: 2, 1280, 128>}, {transform_indices = @transform_1, window_bounds = array<i64: 1280, 128>}, {transform_indices = @transform_2, window_bounds = array<i64: 1280, 128>}, {pipeline_mode = #tpu.pipeline_mode<synchronous>, transform_indices = @transform_3, window_bounds = array<i64: 128, 128>}, {pipeline_mode = #tpu.pipeline_mode<synchronous>, transform_indices = @transform_4, window_bounds = array<i64: 1, 128>}, {transform_indices = @transform_5, window_bounds = array<i64: 1, 1, 1280>}, {pipeline_mode = #tpu.pipeline_mode<synchronous>, transform_indices = @transform_6, window_bounds = array<i64: 128, 128>}, {pipeline_mode = #tpu.pipeline_mode<synchronous>, transform_indices = @transform_7, window_bounds = array<i64: 1, 128>}, {pipeline_mode = #tpu.pipeline_mode<synchronous>, transform_indices = @transform_8, window_bounds = array<i64: 8, 128>}]} {
    %get3A = arith.constant 0 : index
    %get3A_0 = arith.constant 0 : index
    %get3A_1 = arith.constant 0 : index
    %get3A_2 = vector.load %arg1[%get3A, %get3A_0, %get3A_1] : memref<2x1280x128xf32, #tpu.memory_space<vmem>>, vector<2x1280x128xf32>
    %get3A_3 = arith.constant 0 : index
    %get3A_4 = arith.constant 0 : index
    %get3A_5 = vector.load %arg2[%get3A_3, %get3A_4] : memref<1280x128xf32, #tpu.memory_space<vmem>>, vector<1280x128xf32>
    %slice3A = vector.extract_strided_slice %get3A_2 {offsets = [0, 0, 0], sizes = [1, 1280, 128], strides = [1, 1, 1]} : vector<2x1280x128xf32> to vector<1x1280x128xf32>
    %squeeze3A = vector.shape_cast %slice3A : vector<1x1280x128xf32> to vector<1280x128xf32>
    %slice3A_6 = vector.extract_strided_slice %get3A_2 {offsets = [1, 0, 0], sizes = [1, 1280, 128], strides = [1, 1, 1]} : vector<2x1280x128xf32> to vector<1x1280x128xf32>
    %squeeze3A_7 = vector.shape_cast %slice3A_6 : vector<1x1280x128xf32> to vector<1280x128xf32>
    %add3A = arith.addf %squeeze3A, %squeeze3A_7 : vector<1280x128xf32>
    %mul3A = arith.mulf %get3A_5, %add3A : vector<1280x128xf32>
    %get3A_8 = arith.constant 0 : index
    %get3A_9 = arith.constant 0 : index
    %get3A_10 = vector.load %arg3[%get3A_8, %get3A_9] : memref<1280x128xf32, #tpu.memory_space<vmem>>, vector<1280x128xf32>
    %get3A_11 = arith.constant 0 : index
    %get3A_12 = arith.constant 0 : index
    %get3A_13 = vector.load %arg4[%get3A_11, %get3A_12] : memref<128x128xf32, #tpu.memory_space<vmem>>, vector<128x128xf32>
    %dot_general3A = arith.constant dense<0.000000e+00> : vector<1280x128xf32>
    %dot_general3A_14 = tpu.matmul %mul3A, %get3A_13, %dot_general3A {dimension_numbers = #tpu.dot_dimension_numbers<[1], [0], [0], [1], [0, 0, 1, 1], [], []>, transpose_lhs_hint = false} : vector<1280x128xf32>, vector<128x128xf32>, vector<1280x128xf32> -> vector<1280x128xf32>
    %add3A_15 = arith.addf %get3A_10, %dot_general3A_14 : vector<1280x128xf32>
    %get3A_16 = arith.constant 0 : index
    %get3A_17 = arith.constant 0 : index
    %get3A_18 = vector.load %arg5[%get3A_16, %get3A_17] : memref<1x128xf32, #tpu.memory_space<vmem>>, vector<1x128xf32>
    %add3A_19 = vector.broadcast %get3A_18 : vector<1x128xf32> to vector<1280x128xf32>
    %add3A_20 = arith.addf %add3A_15, %add3A_19 : vector<1280x128xf32>
    %ge3A = arith.constant 0.000000e+00 : f32
    %ge3A_21 = vector.broadcast %ge3A : f32 to vector<1280x128xf32>
    %ge3A_22 = arith.cmpf oge, %add3A_20, %ge3A_21 : vector<1280x128xf32>
    %mul3A_23 = arith.constant 2.500000e-01 : f32
    %mul3A_24 = vector.broadcast %mul3A_23 : f32 to vector<1280x128xf32>
    %mul3A_25 = arith.mulf %mul3A_24, %add3A_20 : vector<1280x128xf32>
    %select_n3A = arith.select %ge3A_22, %add3A_20, %mul3A_25 : vector<1280x128xi1>, vector<1280x128xf32>
    %get3A_26 = arith.constant 0 : index
    %get3A_27 = arith.constant 0 : index
    %get3A_28 = arith.constant 0 : index
    %get3A_29 = vector.load %arg6[%get3A_26, %get3A_27, %get3A_28] : memref<1x1x1280xi32, #tpu.memory_space<vmem>>, vector<1x1x1280xi32>
    %get3A_30 = vector.shape_cast %get3A_29 : vector<1x1x1280xi32> to vector<1x1280xi32>
    %iota3A = tpu.iota {dimensions = array<i32: 0>} : vector<8x1280xi32>
    %eq3A = vector.broadcast %get3A_30 : vector<1x1280xi32> to vector<8x1280xi32>
    %eq3A_31 = arith.cmpi eq, %iota3A, %eq3A : vector<8x1280xi32>
    %convert_element_type3A = arith.extui %eq3A_31 : vector<8x1280xi1> to vector<8x1280xi32>
    %convert_element_type3A_32 = arith.sitofp %convert_element_type3A : vector<8x1280xi32> to vector<8x1280xf32>
    %dot_general3A_33 = arith.constant dense<0.000000e+00> : vector<8x128xf32>
    %dot_general3A_34 = tpu.matmul %convert_element_type3A_32, %select_n3A, %dot_general3A_33 {dimension_numbers = #tpu.dot_dimension_numbers<[1], [0], [0], [1], [0, 0, 1, 1], [], []>, transpose_lhs_hint = false} : vector<8x1280xf32>, vector<1280x128xf32>, vector<8x128xf32> -> vector<8x128xf32>
    %eq3A_35 = arith.constant 0 : i32
    %eq3A_36 = arith.cmpi eq, %arg0, %eq3A_35 : i32
    %convert_element_type3A_37 = arith.extui %eq3A_36 : i1 to i32
    %cond3A = arith.constant 0 : i32
    %cond3A_38 = arith.cmpi ne, %convert_element_type3A_37, %cond3A : i32
    scf.if %cond3A_38 {
      %swap3A = arith.constant 0 : index
      %swap3A_48 = arith.constant 0 : index
      %swap3A_49 = vector.load %arg10[%swap3A, %swap3A_48] : memref<8x128xf32, #tpu.memory_space<vmem>>, vector<8x128xf32>
      tpu.vector_store %arg10[%swap3A, %swap3A_48], %dot_general3A_34 {strides = array<i32>} : memref<8x128xf32, #tpu.memory_space<vmem>>, vector<8x128xf32>,
    } else {
    }
    %gt3A = arith.constant 0 : i32
    %gt3A_39 = arith.cmpi sgt, %arg0, %gt3A : i32
    %convert_element_type3A_40 = arith.extui %gt3A_39 : i1 to i32
    %cond3A_41 = arith.constant 0 : i32
    %cond3A_42 = arith.cmpi ne, %convert_element_type3A_40, %cond3A_41 : i32
    scf.if %cond3A_42 {
      %get3A_48 = arith.constant 0 : index
      %get3A_49 = arith.constant 0 : index
      %get3A_50 = vector.load %arg10[%get3A_48, %get3A_49] : memref<8x128xf32, #tpu.memory_space<vmem>>, vector<8x128xf32>
      %add3A_51 = arith.addf %get3A_50, %dot_general3A_34 : vector<8x128xf32>
      %swap3A = arith.constant 0 : index
      %swap3A_52 = arith.constant 0 : index
      %swap3A_53 = vector.load %arg10[%swap3A, %swap3A_52] : memref<8x128xf32, #tpu.memory_space<vmem>>, vector<8x128xf32>
      tpu.vector_store %arg10[%swap3A, %swap3A_52], %add3A_51 {strides = array<i32>} : memref<8x128xf32, #tpu.memory_space<vmem>>, vector<8x128xf32>,
    } else {
    }
    %eq3A_43 = arith.constant 7 : i32
    %eq3A_44 = arith.cmpi eq, %arg0, %eq3A_43 : i32
    %convert_element_type3A_45 = arith.extui %eq3A_44 : i1 to i32
    %cond3A_46 = arith.constant 0 : i32
    %cond3A_47 = arith.cmpi ne, %convert_element_type3A_45, %cond3A_46 : i32
    scf.if %cond3A_47 {
      %get3A_48 = arith.constant 0 : index
      %get3A_49 = arith.constant 0 : index
      %get3A_50 = vector.load %arg10[%get3A_48, %get3A_49] : memref<8x128xf32, #tpu.memory_space<vmem>>, vector<8x128xf32>
      %get3A_51 = arith.constant 0 : index
      %get3A_52 = arith.constant 0 : index
      %get3A_53 = vector.load %arg7[%get3A_51, %get3A_52] : memref<128x128xf32, #tpu.memory_space<vmem>>, vector<128x128xf32>
      %dot_general3A_54 = arith.constant dense<0.000000e+00> : vector<8x128xf32>
      %dot_general3A_55 = tpu.matmul %get3A_50, %get3A_53, %dot_general3A_54 {dimension_numbers = #tpu.dot_dimension_numbers<[1], [0], [0], [1], [0, 0, 1, 1], [], []>, transpose_lhs_hint = false} : vector<8x128xf32>, vector<128x128xf32>, vector<8x128xf32> -> vector<8x128xf32>
      %get3A_56 = arith.constant 0 : index
      %get3A_57 = arith.constant 0 : index
      %get3A_58 = vector.load %arg8[%get3A_56, %get3A_57] : memref<1x128xf32, #tpu.memory_space<vmem>>, vector<1x128xf32>
      %add3A_59 = vector.broadcast %get3A_58 : vector<1x128xf32> to vector<8x128xf32>
      %add3A_60 = arith.addf %dot_general3A_55, %add3A_59 : vector<8x128xf32>
      %swap3A = arith.constant 0 : index
      %swap3A_61 = arith.constant 0 : index
      %swap3A_62 = vector.load %arg9[%swap3A, %swap3A_61] : memref<8x128xf32, #tpu.memory_space<vmem>>, vector<8x128xf32>
      tpu.vector_store %arg9[%swap3A, %swap3A_61], %add3A_60 {strides = array<i32>} : memref<8x128xf32, #tpu.memory_space<vmem>>, vector<8x128xf32>,
    } else {
    }
    return
  }
  func.func @transform_0(%arg0: i32) -> (i32, i32, i32) {
    %c0_i32 = arith.constant 0 : i32
    %c0_i32_0 = arith.constant 0 : i32
    %c0_i32_1 = arith.constant 0 : i32
    return %c0_i32, %arg0, %c0_i32_0 : i32, i32, i32
  }
  func.func @transform_1(%arg0: i32) -> (i32, i32) {
    %c0_i32 = arith.constant 0 : i32
    %c0_i32_0 = arith.constant 0 : i32
    return %arg0, %c0_i32 : i32, i32
  }
  func.func @transform_2(%arg0: i32) -> (i32, i32) {
    %c0_i32 = arith.constant 0 : i32
    %c0_i32_0 = arith.constant 0 : i32
    return %arg0, %c0_i32 : i32, i32
  }
  func.func @transform_3(%arg0: i32) -> (i32, i32) {
    %c0_i32 = arith.constant 0 : i32
    %c0_i32_0 = arith.constant 0 : i32
    %c0_i32_1 = arith.constant 0 : i32
    return %c0_i32, %c0_i32_0 : i32, i32
  }
  func.func @transform_4(%arg0: i32) -> (i32, i32) {
    %c0_i32 = arith.constant 0 : i32
    %c0_i32_0 = arith.constant 0 : i32
    %c0_i32_1 = arith.constant 0 : i32
    return %c0_i32, %c0_i32_0 : i32, i32
  }
  func.func @transform_5(%arg0: i32) -> (i32, i32, i32) {
    %c0_i32 = arith.constant 0 : i32
    %c0_i32_0 = arith.constant 0 : i32
    %c0_i32_1 = arith.constant 0 : i32
    return %arg0, %c0_i32, %c0_i32_0 : i32, i32, i32
  }
  func.func @transform_6(%arg0: i32) -> (i32, i32) {
    %c0_i32 = arith.constant 0 : i32
    %c0_i32_0 = arith.constant 0 : i32
    %c0_i32_1 = arith.constant 0 : i32
    return %c0_i32, %c0_i32_0 : i32, i32
  }
  func.func @transform_7(%arg0: i32) -> (i32, i32) {
    %c0_i32 = arith.constant 0 : i32
    %c0_i32_0 = arith.constant 0 : i32
    %c0_i32_1 = arith.constant 0 : i32
    return %c0_i32, %c0_i32_0 : i32, i32
  }
  func.func @transform_8(%arg0: i32) -> (i32, i32) {
    %c0_i32 = arith.constant 0 : i32
    %c0_i32_0 = arith.constant 0 : i32
    %c0_i32_1 = arith.constant 0 : i32
    return %c0_i32, %c0_i32_0 : i32, i32
  }
}

</mosaic_0001>

<sc_bundles>
// kernel: kernel.16.cloned.1.call-start
scs
__scs_entry_jumppad:
0x0: {  	(pc) =	sbr.rel $0x88, $3  }
0x1: {  	(tag) =	ssettag $0x0;
	lr =	simm.s32 $0x1  }
0x2: {  	[smem:$0x3F98] =	sst lr;
	_ =	strace $0xD0000000  }
0x3: {  	_ = 	snop  }
0x4: {  	_ = 	snop  }
0x5: {  	_ = 	snop  }
0x6: {  	_ = 	snop  }
0x7: {  	_ = 	snop  }
__scs_overlays_trampoline_lowered:
0x8: {  	[smem:$0x3FA7] =	sst s0  }
0x9: {  	[smem:$0x3FA8] =	sst s1  }
0xa: {  	[smem:$0x3FA9] =	sst s2  }
0xb: {  	[smem:$0x3FAA] =	sst s3  }
0xc: {  	[smem:$0x3FAB] =	sst s4  }
0xd: {  	[smem:$0x3FAC] =	sst s5  }
0xe: {  	[smem:$0x3FAD] =	sst s6  }
0xf: {  	[smem:$0x3FAE] =	sst s7  }
0x10: {  	[smem:$0x3FAF] =	sst s8  }
0x11: {  	[smem:$0x3FB0] =	sst s9;
	s0 =	simm.s32 @!p0 $0x0  }
0x12: {  	s1 =	sld [smem:$0x3F96];
	s0 =	simm.s32 @p0 $0x1  }
0x13: {  	[smem:$0x3FB1] =	sst s0;
	s0 =	simm.s32 @!p1 $0x0  }
0x14: {  	s2 =	sld [smem:$0x3F95];
	s0 =	simm.s32 @p1 $0x1  }
0x15: {  	[smem:$0x3FB2] =	sst s0;
	s0 =	simm.s32 @!p2 $0x0  }
0x16: {  	s3 =	sld [smem:$0x3FDB];
	s0 =	simm.s32 @p2 $0x1  }
0x17: {  	s4 =	simm.s32 $0x1BF5;
	[smem:$0x3FB4] =	sst s0  }
0x18: {  	s0 =	sld [smem:$0x3F97];
	_ =	swait.ge [sflag:s4], $0x0  }
0x19: {  	s7 =	sld [smem:$0x3F98]  }
0x1a: {  	s8 =	sadd.s32 $0xFFFFE003, lr  }
0x1b: {  	s9 =	sadd.s32 $0xFFFFFEF7, lr;
	s5 =	simm.s32 $0xFFFFFFFF;
	p2 =	slt.u32 s8, $0xFFFFF086  }
0x1c: {  	p1 =	slt.u32 s9, $0xF7A;
	s5 =	simm.s32 @!p2 $0x0  }
0x1d: {  	s5 =	simm.s32 @p1 $0x1;
	p0 =	seq.s32 s7, s2  }
0x1e: {  	s7 =	smul.u32 @!p0 $0xF7A, s2;
	p2 =	seq.s32 @!p0 s5, $0x0  }
0x1f: {  	s9 =	smul.u32 $0xF7A, s1;
	s8 =	simm.s32 @!p0 $0x1BF5;
	p2 =	por !p2, p0  }
0x20: {  	[sflag:s8] =	ssyncset.s32 @!p0 $0xFFFFF086;
	s6 =	sadd.s32 @!p0 s3, s7;
	s7 =	simm.s32 @!p0 $0x108  }
0x21: {  	s3 =	sadd.s32 s3, s9;
	s6 =	sadd.s32 @!p0 $0x88, s6;
	s7 =	simm.s32 @p2 $0x1082  }
0x22: {  	[simem:s7], [sflag:s8] =	dma.local @!p0 [hbm:s6], $0xF7A  }
0x23: {  	s9 =	sor.u32 $0xD0000000, s2;
	s6 =	simm.s32 $0x108;
	_ =	swait.ge @!p0 [sflag:s8], $0x0  }
0x24: {  	s3 =	sadd.s32 $0x88, s3;
	s6 =	simm.s32 @!p1 $0x1082;
	[sflag:s4] =	ssyncset.s32 $0xFFFFF086  }
0x25: {  	[simem:s6], [sflag:s4] =	dma.local [hbm:s3], $0xF7A  }
0x26: {  	[smem:$0x3F98] =	sst s1;
	(tag) =	ssettag s2;
	_ =	strace s9  }
0x27: {  	s1 =	sld [smem:$0x3FA8]  }
0x28: {  	s2 =	sld [smem:$0x3FA9]  }
0x29: {  	s4 =	sld [smem:$0x3FAB]  }
0x2a: {  	p0 =	seq.s32 s5, $0x0;
	s5 =	sld [smem:$0x3FAC]  }
0x2b: {  	s6 =	sld [smem:$0x3FAD]  }
0x2c: {  	s7 =	sld [smem:$0x3FAE]  }
0x2d: {  	s3 =	simm.s32 $0x108;
	s8 =	sld [smem:$0x3FAF]  }
0x2e: {  	s3 =	simm.s32 @!p0 $0x1082;
	s9 =	sld [smem:$0x3FB0]  }
0x2f: {  	lr =	sadd.s32 s0, s3;
	s0 =	sld [smem:$0x3FA7]  }
0x30: {  	s3 =	sld [smem:$0x3FAA]  }
0x31: {  	[smem:$0x3FB3] =	sst s10  }
0x32: {  	s10 =	sld [smem:$0x3FB1];
	_ =	sdelay $0x3  }
0x33: {  	p0 =	seq.s32 s10, $0x1;
	s10 =	sld [smem:$0x3FB3];
	_ =	sdelay $0x3  }
0x34: {  	[smem:$0x3FB3] =	sst s10  }
0x35: {  	s10 =	sld [smem:$0x3FB2];
	_ =	sdelay $0x3  }
0x36: {  	p1 =	seq.s32 s10, $0x1;
	s10 =	sld [smem:$0x3FB3];
	_ =	sdelay $0x3  }
0x37: {  	[smem:$0x3FB3] =	sst s10  }
0x38: {  	s10 =	sld [smem:$0x3FB4]  }
0x39: {  	_ = 	snop;
	(pc) =	sbr.ind lr, $3  }
0x3a: {  	_ = 	snop  }
0x3b: {  	_ = 	snop  }
0x3c: {  	p2 =	seq.s32 s10, $0x1;
	s10 =	sld [smem:$0x3FB3]  }
0x3d: {  	_ =	shalt  }
0x3e: {  	_ =	shalt  }
0x3f: {  	_ =	shalt  }
0x40: {  	_ =	shalt  }
0x41: {  	_ =	shalt  }
0x42: {  	_ =	shalt  }
0x43: {  	_ =	shalt  }
0x44: {  	_ =	shalt  }
0x45: {  	_ =	shalt  }
0x46: {  	_ =	shalt  }
0x47: {  	_ =	shalt  }
0x48: {  	_ =	shalt  }
0x49: {  	_ =	shalt  }
0x4a: {  	_ =	shalt  }
0x4b: {  	_ =	shalt  }
0x4c: {  	_ =	shalt  }
0x4d: {  	_ =	shalt  }
0x4e: {  	_ =	shalt  }
0x4f: {  	_ =	shalt  }
0x50: {  	_ =	shalt  }
0x51: {  	_ =	shalt  }
0x52: {  	_ =	shalt  }
0x53: {  	_ =	shalt  }
0x54: {  	_ =	shalt  }
0x55: {  	_ =	shalt  }
0x56: {  	_ =	shalt  }
0x57: {  	_ =	shalt  }
0x58: {  	_ =	shalt  }
0x59: {  	_ =	shalt  }
0x5a: {  	_ =	shalt  }
0x5b: {  	_ =	shalt  }
0x5c: {  	_ =	shalt  }
0x5d: {  	_ =	shalt  }
0x5e: {  	_ =	shalt  }
0x5f: {  	_ =	shalt  }
0x60: {  	_ =	shalt  }
0x61: {  	_ =	shalt  }
0x62: {  	_ =	shalt  }
0x63: {  	_ =	shalt  }
0x64: {  	_ =	shalt  }
0x65: {  	_ =	shalt  }
0x66: {  	_ =	shalt  }
0x67: {  	_ =	shalt  }
0x68: {  	_ =	shalt  }
0x69: {  	_ =	shalt  }
0x6a: {  	_ =	shalt  }
0x6b: {  	_ =	shalt  }
0x6c: {  	_ =	shalt  }
0x6d: {  	_ =	shalt  }
0x6e: {  	_ =	shalt  }
0x6f: {  	_ =	shalt  }
0x70: {  	_ =	shalt  }
0x71: {  	_ =	shalt  }
0x72: {  	_ =	shalt  }
0x73: {  	_ =	shalt  }
0x74: {  	_ =	shalt  }
0x75: {  	_ =	shalt  }
0x76: {  	_ =	shalt  }
0x77: {  	_ =	shalt  }
0x78: {  	_ =	shalt  }
0x79: {  	_ =	shalt  }
0x7a: {  	_ =	shalt  }
0x7b: {  	_ =	shalt  }
0x7c: {  	_ =	shalt  }
0x7d: {  	_ =	shalt  }
0x7e: {  	_ =	shalt  }
0x7f: {  	_ =	shalt  }
0x80: {  	_ =	shalt  }
0x81: {  	_ =	shalt  }
0x82: {  	_ =	shalt  }
0x83: {  	_ =	shalt  }
0x84: {  	_ =	shalt  }
0x85: {  	_ =	shalt  }
0x86: {  	_ =	shalt  }
0x87: {  	_ =	shalt  }
.Lfunc_end0:
.L_simem_size_0:
called_computation_lowered:
.L_overlay_start_0:
0x88: {  	s2 =	sld [smem:$0x3FD9]  }
0x89: {  	s3 =	sld [smem:$0x3FFE];
	_ =	sdelay $0x1  }
0x8a: {  	s1 =	srdreg.scid  }
0x8b: {  	s0 =	sand.u32 $0x1, s1  }
0x8c: {  	s16 =	sshll.u32 s0, $0xA;
	s2 =	sadd.s32 s3, s2  }
0x8d: {  	s2 =	sadd.s32 s2, s16  }
0x8e: {  	[smem:$0x3FBF] =	sst s2  }
0x8f: {  	_ = 	snop  }
0x90: {  	(tm) =	ssettm $0x1  }
0x91: {  	s17 =	sld [smem:$0x3FFB];
	_ =	sdelay $0x3  }
0x92: {  	_ =	strace s17  }
0x93: {  	s2 =	sld [smem:$0x3FFC];
	_ =	sdelay $0x3  }
0x94: {  	_ =	strace s2  }
0x95: {  	s2 =	sld [smem:$0x3FFD];
	_ =	sdelay $0x3  }
0x96: {  	_ =	strace s2  }
0x97: {  	_ =	strace $0x8FFFFFFF  }
0x98: {  	s18 =	sld [smem:$0x3FDB];
	_ =	sdelay $0x1  }
0x99: {  	s19 =	simm.s32 $_scs_section_size  }
0x9a: {  	s4 =	simm.s32 $_size__tile_overlayer_lowered;
	s5 =	simm.s32 $_tile_overlayer_lowered  }
0x9b: {  	s22 =	simm.s32 $0x1BFF;
	s21 =	sshll.u32 s5, $0x1;
	s2 =	sadd.s32 s19, s18  }
0x9c: {  	s6 =	simm.s32 $0x0;
	s20 =	sshll.u32 s4, $0x1;
	s4 =	sadd.s32 s21, s2  }
0x9d: {  	[timem:s6], [sflag:s22] =	dma.local [hbm:s4], s20  }
0x9e: {  	_ =	swait.ge [sflag:s22], s20  }
0x9f: {  	s3 =	ssub.s32 $0x0, s20;
	[sflag:s22] =	ssyncset.done $0x0  }
0xa0: {  	[sflag:s22] =	ssyncadd.s32 s3;
	_ =	sdelay $0x1  }
0xa1: {  	s23 =	simm.s32 $0x1B8B  }
0xa2: {  	_ =	swait.ge [sflag:s23], $0x1  }
0xa3: {  	[sflag:s23] =	ssyncset.done $0x0  }
0xa4: {  	s25 =	simm.s32 $0x1B8E;
	s24 =	sld [smem:$0x3FFE];
	[sflag:s23] =	ssyncadd.s32 $0xFFFFFFFF  }
0xa5: {  	s26 =	simm.s32 $execute0_lowered;
	[smem:$0x3FD2] =	sst s25  }
0xa6: {  	s4 =	sshll.u32 s26, $0x1;
	_ =	strace $0x80000046;
	[dreg:$0x1] =	wrdreg $0xFFFFFFFF  }
0xa7: {  	s28 =	simm.s32 $_size_execute0_lowered;
	s2 =	sadd.s32 s2, s4;
	[dreg:$0x0] =	wrdreg $0x0  }
0xa8: {  	s4 =	sshll.u32 s28, $0x1;
	[dreg:$0x2] =	wrdreg s2  }
0xa9: {  	[dreg:$0x3] =	wrdreg s4  }
0xaa: {  	[dreg:$0x4] =	wrdreg $0xC0  }
0xab: {  	_ =	task [dreg:s6], $0x5FFFF  }
0xac: {  	[dreg:$0x1] =	wrdreg $0xFFFFFFFF  }
0xad: {  	[dreg:$0x0] =	wrdreg $0x60  }
0xae: {  	[dreg:$0x2] =	wrdreg s24  }
0xaf: {  	[dreg:$0x3] =	wrdreg $0x0  }
0xb0: {  	[dreg:$0x4] =	wrdreg $0x9  }
0xb1: {  	_ =	task.clear_ibuf [dreg:s6], $0x5FFFF;
	_ =	strace $0x90000046  }
0xb2: {  	s29 =	simm.s32 $0x9;
	_ =	strace $0x80000048  }
0xb3: {  	_ =	swait.ge [sflag:s29], $0x1  }
0xb4: {  	[sflag:s29] =	ssyncadd.s32 $0xFFFFFFFF  }
0xb5: {  	_ =	strace $0x90000048  }
0xb6: {  	_ =	sfence  }
0xb7: {  	s30 =	sld [smem:$0x0];
	_ =	sdelay $0x2  }
0xb8: {  	s31 =	sshll.u32 s1, $0xD;
	s1 =	sshrl.u32 s1, $0x2  }
0xb9: {  	s3 =	sand.u32 $0x4000, s31;
	s1 =	sadd.s32 s1, s30  }
0xba: {  	s0 =	sor.u32 s3, s0;
	s1 =	sshll.u32 s1, $0x11  }
0xbb: {  	s0 =	sor.u32 s1, s0  }
0xbc: {  	s0 =	sadd.s32 $0x8F2B, s0  }
0xbd: {  	[sflag:s0] =	ssyncadd.remote.s32 $0x1  }
0xbe: {  	_ =	sfence.sel $0xFFFF  }
0xbf: {  	[dreg:$0x0] =	wrdreg $0xFFFFFFFF;
	(pc) =	sbr.abs _section_cstart, $3  }
0xc0: {  	[dreg:$0x1] =	wrdreg $0xFFFFFFFF  }
0xc1: {  	_ =	task.clear_ibuf [dreg:s6], $0x2FFFF;
	_ =	strace $0x9FFFFFFF  }
0xc2: {  	(tm) =	ssettm $0x7FFFFFFF  }
0xc3: {  	_ =	shalt  }
tec
execute0_lowered:
.L_overlay_start_1:
0x0: {  	(tag) =	ssettag $0x1  }
0x1: {  	s5 =	rddreg [dreg:$0x0]  }
0x2: {  	s0 =	srdreg.scid;
	s2 =	rddreg [dreg:$0x1];
	s3 =	simm.s32 $0x0  }
0x3: {  	s13 =	simm.s32 $0x5;
	s14 =	simm.s32 $0x14000;
	s15 =	simm.s32 $0x80  }
0x4: {  	s16 =	simm.s32 $0x14080;
	s17 =	simm.s32 $0x14100;
	s18 =	simm.s32 $0x1  }
0x5: {  	s19 =	simm.s32 $0x2;
	s20 =	simm.s32 $0x3;
	s21 =	simm.s32 $0x4  }
0x6: {  	s22 =	simm.s32 $0x16780;
	s4 =	sand.u32 $0x1, s0;
	s0 =	stileid.u32  }
0x7: {  	s23 =	simm.s32 $0x0;
	[smem:$0x7FF] =	sst s3;
	s7 =	smul.u32 $0x140000, s4  }
0x8: {  	s1 =	sshll.u32 s4, $0x4;
	s8 =	smul.u32 $0x14000, s0;
	s29 =	ssub.s32 $0x2, s4  }
0x9: {  	s9 =	smul.u32 $0x50000, s0;
	s1 =	sor.u32 s0, s1;
	s31 =	sshrl.u32 s29, $0x1  }
0xa: {  	s6 =	smul.u32 $0x500, s1;
	s1 =	rddreg [dreg:$0x2];
	_ =	strace $0x80000047  }
0xb: {  	s28 =	sadd.s32 s8, s7;
	s30 =	sshrl.u32 s9, $0x2;
	s12 =	ssub.s32 s29, s31  }
0xc: {  	s4 =	sadd.s32 s30, s2;
	s10 =	sadd.s32 s6, s5;
	s6 =	sshrl.u32 s28, $0x3  }
0xd: {  	s7 =	sadd.s32 $0xC000, s4;
	s8 =	sadd.s32 $0x10000, s4;
	s11 =	sadd.s32 s6, s5  }
0xe: {  	s5 =	sadd.s32 $0x4000, s4;
	s6 =	sadd.s32 $0x8000, s4;
	s9 =	sadd.s32 $0x4600, s10  }
0xf: {  	v0 =	vimm.f32 $0.0e+00;
	v1 =	vimm.f32 $1.000000000e+00;
	s10 =	sadd.s32 $0x18600, s11;
	s11 =	smax.u32 s12, $0x1;
	s12 =	simm.s32 $0x16800  }
.LBB2_1:
0x10: {  	s24 =	simm.s32 $0x0;
	s25 =	simm.s32 $0x200  }
.LBB2_2:
0x11: {  	p0 =	sne.s32 s25, $0xFE00;
	[tilespmem:s24+$0x16870] =	vst v0  }
0x12: {  	[tilespmem:s24+$0x16800] =	vst v0  }
0x13: {  	[tilespmem:s24+$0x16810] =	vst v0  }
.Ltmp0:
0x14: {  	[tilespmem:s24+$0x16820] =	vst v0;
	(pc) =	sbr.rel @p0 .LBB2_2-.Ltmp0, $4  }
0x15: {  	[tilespmem:s24+$0x16830] =	vst v0  }
0x16: {  	[tilespmem:s24+$0x16840] =	vst v0  }
0x17: {  	[tilespmem:s24+$0x16850] =	vst v0  }
0x18: {  	[tilespmem:s24+$0x16860] =	vst v0;
	s24 =	sshra.s32 s25, $0x2;
	s25 =	sadd.s32 $0x200, s25  }
0x19: {  	[tilespmem:s24+$0x16870] =	vst v0  }
0x1a: {  	[tilespmem:s24+$0x16800] =	vst v0  }
0x1b: {  	[tilespmem:s24+$0x16810] =	vst v0  }
0x1c: {  	[tilespmem:s24+$0x16820] =	vst v0  }
0x1d: {  	[tilespmem:s24+$0x16830] =	vst v0  }
0x1e: {  	[tilespmem:s24+$0x16840] =	vst v0  }
0x1f: {  	[tilespmem:s24+$0x16850] =	vst v0  }
0x20: {  	[tilespmem:s24+$0x16860] =	vst v0  }
0x21: {  	[spmem:s4] =	stream.linear.scatter [tilespmem:s12], [sflag:$0x5], $0x4000, $0x38;
	[tilespmem:$0x1A800] =	vst v63  }
0x22: {  	_ =	swait.ge [sflag:s13], $0x4000  }
0x23: {  	[sflag:s13] =	ssyncset.done $0x0  }
0x24: {  	[sflag:s13] =	ssyncadd.s32 $0xFFFFC000  }
0x25: {  	[spmem:s5] =	stream.linear.scatter [tilespmem:s12], [sflag:$0x5], $0x4000, $0x38;
	[tilespmem:$0x1A800] =	vst v63  }
0x26: {  	_ =	swait.ge [sflag:s13], $0x4000  }
0x27: {  	[sflag:s13] =	ssyncset.done $0x0  }
0x28: {  	[sflag:s13] =	ssyncadd.s32 $0xFFFFC000  }
0x29: {  	[spmem:s6] =	stream.linear.scatter [tilespmem:s12], [sflag:$0x5], $0x4000, $0x38;
	[tilespmem:$0x1A800] =	vst v63  }
0x2a: {  	_ =	swait.ge [sflag:s13], $0x4000  }
0x2b: {  	[sflag:s13] =	ssyncset.done $0x0  }
0x2c: {  	[sflag:s13] =	ssyncadd.s32 $0xFFFFC000  }
0x2d: {  	[spmem:s7] =	stream.linear.scatter [tilespmem:s12], [sflag:$0x5], $0x4000, $0x38;
	[tilespmem:$0x1A800] =	vst v63  }
0x2e: {  	_ =	swait.ge [sflag:s13], $0x4000  }
0x2f: {  	[sflag:s13] =	ssyncset.done $0x0  }
0x30: {  	[sflag:s13] =	ssyncadd.s32 $0xFFFFC000  }
0x31: {  	[spmem:s8] =	stream.linear.scatter [tilespmem:s12], [sflag:$0x5], $0x4000, $0x38;
	[tilespmem:$0x1A800] =	vst v63  }
0x32: {  	_ =	swait.ge [sflag:s13], $0x4000  }
0x33: {  	[sflag:s13] =	ssyncset.done $0x0  }
0x34: {  	s24 =	simm.s32 $0x0;
	s25 =	simm.s32 $0x200;
	[sflag:s13] =	ssyncadd.s32 $0xFFFFC000  }
.LBB2_4:
0x35: {  	p0 =	sne.s32 s25, $0xFE00;
	[tilespmem:s24+$0x16870] =	vst v1  }
0x36: {  	[tilespmem:s24+$0x16800] =	vst v1  }
0x37: {  	[tilespmem:s24+$0x16810] =	vst v1  }
.Ltmp1:
0x38: {  	[tilespmem:s24+$0x16820] =	vst v1;
	(pc) =	sbr.rel @p0 .LBB2_4-.Ltmp1, $4  }
0x39: {  	[tilespmem:s24+$0x16830] =	vst v1  }
0x3a: {  	[tilespmem:s24+$0x16840] =	vst v1  }
0x3b: {  	[tilespmem:s24+$0x16850] =	vst v1  }
0x3c: {  	[tilespmem:s24+$0x16860] =	vst v1;
	s24 =	sshra.s32 s25, $0x2;
	s25 =	sadd.s32 $0x200, s25  }
0x3d: {  	[tilespmem:s24+$0x16870] =	vst v1  }
0x3e: {  	[tilespmem:s24+$0x16800] =	vst v1  }
0x3f: {  	[tilespmem:s24+$0x16810] =	vst v1  }
0x40: {  	[tilespmem:s24+$0x16820] =	vst v1  }
0x41: {  	[tilespmem:s24+$0x16830] =	vst v1  }
0x42: {  	[tilespmem:s24+$0x16840] =	vst v1  }
0x43: {  	[tilespmem:s24+$0x16850] =	vst v1  }
0x44: {  	[tilespmem:s24+$0x16860] =	vst v1  }
0x45: {  	[tilespmem:s14], [sflag:$0x5] =	stream.linear.gather [hbm4b:s9+s3], $0x2800, $0x38;
	[tilespmem:$0x1A800] =	vst v63  }
0x46: {  	_ =	swait.ge [sflag:s13], $0x2800  }
0x47: {  	[sflag:s13] =	ssyncset.done $0x0  }
0x48: {  	[sflag:s13] =	ssyncadd.s32 $0xFFFFD800  }
0x49: {  	[bflag:$0x0] =	sbarrier.arrive $0xFFFF  }
0x4a: {  	[spmem:s2] =	stream.indirect.scatter.add.f32 [tilespmem:s12], [sflag:$0x1], $0x80, s14, s15, $0xb8;
	[tilespmem:$0x1A800] =	vst v63  }
0x4b: {  	_ = 	snop  }
0x4c: {  	[spmem:s2] =	stream.indirect.scatter.add.f32 [tilespmem:s12], [sflag:$0x2], $0x80, s16, s15, $0xb8;
	[tilespmem:$0x1A800] =	vst v63  }
0x4d: {  	_ = 	snop  }
0x4e: {  	[spmem:s2] =	stream.indirect.scatter.add.f32 [tilespmem:s12], [sflag:$0x3], $0x80, s17, s15, $0xb8;
	[tilespmem:$0x1A800] =	vst v63  }
0x4f: {  	s28 =	simm.s32 $0x14180  }
0x50: {  	[spmem:s2] =	stream.indirect.scatter.add.f32 [tilespmem:s12], [sflag:$0x4], $0x80, s28, s15, $0xb8;
	[tilespmem:$0x1A800] =	vst v63  }
0x51: {  	_ =	swait.ge [sflag:s18], $0x4000  }
0x52: {  	[sflag:s18] =	ssyncset.done $0x0  }
0x53: {  	s29 =	simm.s32 $0x14200;
	[sflag:s18] =	ssyncadd.s32 $0xFFFFC000  }
0x54: {  	[spmem:s2] =	stream.indirect.scatter.add.f32 [tilespmem:s12], [sflag:$0x1], $0x80, s29, s15, $0xb8;
	[tilespmem:$0x1A800] =	vst v63  }
0x55: {  	_ =	swait.ge [sflag:s19], $0x4000  }
0x56: {  	[sflag:s19] =	ssyncset.done $0x0  }
0x57: {  	s30 =	simm.s32 $0x14280;
	[sflag:s19] =	ssyncadd.s32 $0xFFFFC000  }
0x58: {  	[spmem:s2] =	stream.indirect.scatter.add.f32 [tilespmem:s12], [sflag:$0x2], $0x80, s30, s15, $0xb8;
	[tilespmem:$0x1A800] =	vst v63  }
0x59: {  	_ =	swait.ge [sflag:s20], $0x4000  }
0x5a: {  	[sflag:s20] =	ssyncset.done $0x0  }
0x5b: {  	s31 =	simm.s32 $0x14300;
	[sflag:s20] =	ssyncadd.s32 $0xFFFFC000  }
0x5c: {  	[spmem:s2] =	stream.indirect.scatter.add.f32 [tilespmem:s12], [sflag:$0x3], $0x80, s31, s15, $0xb8;
	[tilespmem:$0x1A800] =	vst v63  }
0x5d: {  	_ =	swait.ge [sflag:s21], $0x4000  }
0x5e: {  	s25 =	simm.s32 $0xFFFF7800;
	s24 =	simm.s32 $0xFFFFDC00;
	[sflag:s21] =	ssyncset.done $0x0  }
.LBB2_6:
0x5f: {  	s26 =	sadd.s32 $0x16780, s24  }
0x60: {  	[sflag:s21] =	ssyncadd.s32 $0xFFFFC000;
	s28 =	smov.u32 s25;
	s29 =	sadd.s32 $0x800, s25  }
0x61: {  	[spmem:s2] =	stream.indirect.scatter.add.f32 [tilespmem:s12], [sflag:$0x4], $0x80, s26, s15, $0xb8;
	[tilespmem:$0x1A800] =	vst v63  }
0x62: {  	p0 =	sne.s32 s25, $0xFFFFF800;
	_ =	swait.ge [sflag:s18], $0x4000  }
0x63: {  	[sflag:s18] =	ssyncset.done $0x0  }
0x64: {  	s25 =	sadd.s32 $0x16800, s24;
	[sflag:s18] =	ssyncadd.s32 $0xFFFFC000  }
0x65: {  	[spmem:s2] =	stream.indirect.scatter.add.f32 [tilespmem:s12], [sflag:$0x1], $0x80, s25, s15, $0xb8;
	[tilespmem:$0x1A800] =	vst v63  }
0x66: {  	_ =	swait.ge [sflag:s19], $0x4000  }
0x67: {  	[sflag:s19] =	ssyncset.done $0x0  }
0x68: {  	s25 =	sadd.s32 $0x16880, s24;
	[sflag:s19] =	ssyncadd.s32 $0xFFFFC000  }
0x69: {  	[spmem:s2] =	stream.indirect.scatter.add.f32 [tilespmem:s12], [sflag:$0x2], $0x80, s25, s15, $0xb8;
	[tilespmem:$0x1A800] =	vst v63  }
0x6a: {  	_ =	swait.ge [sflag:s20], $0x4000  }
.Ltmp2:
0x6b: {  	[sflag:s20] =	ssyncset.done $0x0;
	(pc) =	sbr.rel @p0 .LBB2_6-.Ltmp2, $4  }
0x6c: {  	s24 =	sadd.s32 $0x16900, s24;
	[sflag:s20] =	ssyncadd.s32 $0xFFFFC000  }
0x6d: {  	[spmem:s2] =	stream.indirect.scatter.add.f32 [tilespmem:s12], [sflag:$0x3], $0x80, s24, s15, $0xb8;
	[tilespmem:$0x1A800] =	vst v63  }
0x6e: {  	_ =	swait.ge [sflag:s21], $0x4000  }
0x6f: {  	s25 =	smov.u32 s29;
	s24 =	sshra.s32 s28, $0x2;
	[sflag:s21] =	ssyncset.done $0x0  }
0x70: {  	s25 =	sadd.s32 $0x16780, s24;
	[sflag:s21] =	ssyncadd.s32 $0xFFFFC000  }
0x71: {  	[spmem:s2] =	stream.indirect.scatter.add.f32 [tilespmem:s12], [sflag:$0x4], $0x80, s25, s15, $0xb8;
	[tilespmem:$0x1A800] =	vst v63  }
0x72: {  	_ =	swait.ge [sflag:s18], $0x4000  }
0x73: {  	[sflag:s18] =	ssyncset.done $0x0  }
0x74: {  	s26 =	sadd.s32 $0x16800, s24;
	[sflag:s18] =	ssyncadd.s32 $0xFFFFC000  }
0x75: {  	[spmem:s2] =	stream.indirect.scatter.add.f32 [tilespmem:s12], [sflag:$0x1], $0x80, s26, s15, $0xb8;
	[tilespmem:$0x1A800] =	vst v63  }
0x76: {  	_ =	swait.ge [sflag:s19], $0x4000  }
0x77: {  	[sflag:s19] =	ssyncset.done $0x0  }
0x78: {  	s28 =	sadd.s32 $0x16880, s24;
	[sflag:s19] =	ssyncadd.s32 $0xFFFFC000  }
0x79: {  	[spmem:s2] =	stream.indirect.scatter.add.f32 [tilespmem:s12], [sflag:$0x2], $0x80, s28, s15, $0xb8;
	[tilespmem:$0x1A800] =	vst v63  }
0x7a: {  	_ =	swait.ge [sflag:s20], $0x4000  }
0x7b: {  	[sflag:s20] =	ssyncset.done $0x0  }
0x7c: {  	s29 =	sadd.s32 $0x16900, s24;
	[sflag:s20] =	ssyncadd.s32 $0xFFFFC000  }
0x7d: {  	[spmem:s2] =	stream.indirect.scatter.add.f32 [tilespmem:s12], [sflag:$0x3], $0x80, s29, s15, $0xb8;
	[tilespmem:$0x1A800] =	vst v63  }
0x7e: {  	_ =	swait.ge [sflag:s21], $0x4000  }
0x7f: {  	[sflag:s21] =	ssyncset.done $0x0  }
0x80: {  	[sflag:s21] =	ssyncadd.s32 $0xFFFFC000  }
0x81: {  	[spmem:s2] =	stream.indirect.scatter.add.f32 [tilespmem:s12], [sflag:$0x4], $0x80, s22, s15, $0xb8;
	[tilespmem:$0x1A800] =	vst v63  }
0x82: {  	_ =	swait.ge [sflag:s18], $0x4000  }
0x83: {  	[sflag:s18] =	ssyncset.done $0x0  }
0x84: {  	[sflag:s18] =	ssyncadd.s32 $0xFFFFC000  }
0x85: {  	_ =	swait.ge [sflag:s19], $0x4000  }
0x86: {  	[sflag:s19] =	ssyncset.done $0x0  }
0x87: {  	[sflag:s19] =	ssyncadd.s32 $0xFFFFC000  }
0x88: {  	_ =	swait.ge [sflag:s20], $0x4000  }
0x89: {  	[sflag:s20] =	ssyncset.done $0x0  }
0x8a: {  	[sflag:s20] =	ssyncadd.s32 $0xFFFFC000  }
0x8b: {  	_ =	swait.ge [sflag:s21], $0x4000  }
0x8c: {  	s30 =	sshll.u32 s0, $0x6;
	s23 =	sadd.s32 $0x1, s23;
	[sflag:s21] =	ssyncset.done $0x0  }
0x8d: {  	s31 =	sshrl.u32 s4, $0x3;
	p0 =	sne.s32 s23, s11;
	[sflag:s21] =	ssyncadd.s32 $0xFFFFC000  }
.Ltmp3:
0x8e: {  	s24 =	sor.u32 $0x1C05, s30;
	[bflag:$0x0] =	sbarrier.arrive $0xFFFF;
	(pc) =	sbr.rel @p0 .LBB2_1-.Ltmp3, $4  }
0x8f: {  	[hbm:s10], [sflag:s24] =	dma.local [spmem:s31], $0x2800  }
0x90: {  	_ =	swait.ge [sflag:s13], $0x2800  }
0x91: {  	[sflag:s13] =	ssyncset.done $0x0  }
0x92: {  	[sflag:s13] =	ssyncadd.s32 $0xFFFFD800  }
0x93: {  	_ =	sfence.sel $0x180000  }
0x94: {  	[bflag:$0x0] =	sbarrier.arrive $0xFFFF  }
0x95: {  	p0 =	sne.s32 s0, $0x0;
	_ =	strace $0x90000047  }
0x96: {  	s0 =	sadd.s32 @!p0 $0x100000, s1;
	[bflag:$0x2] =	sbarrier.arrive $0xFFFF  }
0x97: {  	[sflag:s0] =	ssyncadd.tile.s32 @!p0 $0x1;
	_ =	shalt  }
.Lfunc_end2:
_tile_overlayer_lowered:
.L_overlay_start_2:
0x98: {  	(tag) =	ssettag $0x2  }
0x99: {  	s0 =	rddreg [dreg:$0x0];
	s2 =	stileid.u32  }
0x9a: {  	s1 =	rddreg [dreg:$0x1];
	p0 =	sne.s32 s2, $0x0  }
0x9b: {  	s3 =	rddreg [dreg:$0x2];
	[bflag:$0x3] =	sbarrier.arrive $0xFFFF;
	s2 =	simm.s32 @!p0 $0x1C05  }
0x9c: {  	[timem:s3], [sflag:s2] =	dma.local @!p0 [hbm:s0], s1  }
0x9d: {  	s0 =	simm.s32 @!p0 $0x5  }
0x9e: {  	_ =	swait.ge @!p0 [sflag:s0], s1  }
0x9f: {  	s1 =	ssub.s32 @!p0 $0x0, s1;
	[sflag:s0] =	ssyncset.done @!p0 $0x0  }
0xa0: {  	[sflag:s0] =	ssyncadd.s32 @!p0 s1  }
0xa1: {  	[bflag:$0x3] =	sbarrier.arrive $0xFFFF  }
0xa2: {  	_ =	shalt  }

// kernel: kernel.19.cloned.1.call-start
scs
__scs_entry_jumppad:
0x0: {  	(pc) =	sbr.rel $0x88, $3  }
0x1: {  	(tag) =	ssettag $0x0;
	lr =	simm.s32 $0x1  }
0x2: {  	[smem:$0x3F98] =	sst lr;
	_ =	strace $0xD0000000  }
0x3: {  	_ = 	snop  }
0x4: {  	_ = 	snop  }
0x5: {  	_ = 	snop  }
0x6: {  	_ = 	snop  }
0x7: {  	_ = 	snop  }
__scs_overlays_trampoline_lowered:
0x8: {  	[smem:$0x3FA7] =	sst s0  }
0x9: {  	[smem:$0x3FA8] =	sst s1  }
0xa: {  	[smem:$0x3FA9] =	sst s2  }
0xb: {  	[smem:$0x3FAA] =	sst s3  }
0xc: {  	[smem:$0x3FAB] =	sst s4  }
0xd: {  	[smem:$0x3FAC] =	sst s5  }
0xe: {  	[smem:$0x3FAD] =	sst s6  }
0xf: {  	[smem:$0x3FAE] =	sst s7  }
0x10: {  	[smem:$0x3FAF] =	sst s8  }
0x11: {  	[smem:$0x3FB0] =	sst s9;
	s0 =	simm.s32 @!p0 $0x0  }
0x12: {  	s1 =	sld [smem:$0x3F96];
	s0 =	simm.s32 @p0 $0x1  }
0x13: {  	[smem:$0x3FB1] =	sst s0;
	s0 =	simm.s32 @!p1 $0x0  }
0x14: {  	s2 =	sld [smem:$0x3F95];
	s0 =	simm.s32 @p1 $0x1  }
0x15: {  	[smem:$0x3FB2] =	sst s0;
	s0 =	simm.s32 @!p2 $0x0  }
0x16: {  	s3 =	sld [smem:$0x3FDB];
	s0 =	simm.s32 @p2 $0x1  }
0x17: {  	s4 =	simm.s32 $0x1BF5;
	[smem:$0x3FB4] =	sst s0  }
0x18: {  	s0 =	sld [smem:$0x3F97];
	_ =	swait.ge [sflag:s4], $0x0  }
0x19: {  	s7 =	sld [smem:$0x3F98]  }
0x1a: {  	s8 =	sadd.s32 $0xFFFFE003, lr  }
0x1b: {  	s9 =	sadd.s32 $0xFFFFFEF7, lr;
	s5 =	simm.s32 $0xFFFFFFFF;
	p2 =	slt.u32 s8, $0xFFFFF086  }
0x1c: {  	p1 =	slt.u32 s9, $0xF7A;
	s5 =	simm.s32 @!p2 $0x0  }
0x1d: {  	s5 =	simm.s32 @p1 $0x1;
	p0 =	seq.s32 s7, s2  }
0x1e: {  	s7 =	smul.u32 @!p0 $0xF7A, s2;
	p2 =	seq.s32 @!p0 s5, $0x0  }
0x1f: {  	s9 =	smul.u32 $0xF7A, s1;
	s8 =	simm.s32 @!p0 $0x1BF5;
	p2 =	por !p2, p0  }
0x20: {  	[sflag:s8] =	ssyncset.s32 @!p0 $0xFFFFF086;
	s6 =	sadd.s32 @!p0 s3, s7;
	s7 =	simm.s32 @!p0 $0x108  }
0x21: {  	s3 =	sadd.s32 s3, s9;
	s6 =	sadd.s32 @!p0 $0x88, s6;
	s7 =	simm.s32 @p2 $0x1082  }
0x22: {  	[simem:s7], [sflag:s8] =	dma.local @!p0 [hbm:s6], $0xF7A  }
0x23: {  	s9 =	sor.u32 $0xD0000000, s2;
	s6 =	simm.s32 $0x108;
	_ =	swait.ge @!p0 [sflag:s8], $0x0  }
0x24: {  	s3 =	sadd.s32 $0x88, s3;
	s6 =	simm.s32 @!p1 $0x1082;
	[sflag:s4] =	ssyncset.s32 $0xFFFFF086  }
0x25: {  	[simem:s6], [sflag:s4] =	dma.local [hbm:s3], $0xF7A  }
0x26: {  	[smem:$0x3F98] =	sst s1;
	(tag) =	ssettag s2;
	_ =	strace s9  }
0x27: {  	s1 =	sld [smem:$0x3FA8]  }
0x28: {  	s2 =	sld [smem:$0x3FA9]  }
0x29: {  	s4 =	sld [smem:$0x3FAB]  }
0x2a: {  	p0 =	seq.s32 s5, $0x0;
	s5 =	sld [smem:$0x3FAC]  }
0x2b: {  	s6 =	sld [smem:$0x3FAD]  }
0x2c: {  	s7 =	sld [smem:$0x3FAE]  }
0x2d: {  	s3 =	simm.s32 $0x108;
	s8 =	sld [smem:$0x3FAF]  }
0x2e: {  	s3 =	simm.s32 @!p0 $0x1082;
	s9 =	sld [smem:$0x3FB0]  }
0x2f: {  	lr =	sadd.s32 s0, s3;
	s0 =	sld [smem:$0x3FA7]  }
0x30: {  	s3 =	sld [smem:$0x3FAA]  }
0x31: {  	[smem:$0x3FB3] =	sst s10  }
0x32: {  	s10 =	sld [smem:$0x3FB1];
	_ =	sdelay $0x3  }
0x33: {  	p0 =	seq.s32 s10, $0x1;
	s10 =	sld [smem:$0x3FB3];
	_ =	sdelay $0x3  }
0x34: {  	[smem:$0x3FB3] =	sst s10  }
0x35: {  	s10 =	sld [smem:$0x3FB2];
	_ =	sdelay $0x3  }
0x36: {  	p1 =	seq.s32 s10, $0x1;
	s10 =	sld [smem:$0x3FB3];
	_ =	sdelay $0x3  }
0x37: {  	[smem:$0x3FB3] =	sst s10  }
0x38: {  	s10 =	sld [smem:$0x3FB4]  }
0x39: {  	_ = 	snop;
	(pc) =	sbr.ind lr, $3  }
0x3a: {  	_ = 	snop  }
0x3b: {  	_ = 	snop  }
0x3c: {  	p2 =	seq.s32 s10, $0x1;
	s10 =	sld [smem:$0x3FB3]  }
0x3d: {  	_ =	shalt  }
0x3e: {  	_ =	shalt  }
0x3f: {  	_ =	shalt  }
0x40: {  	_ =	shalt  }
0x41: {  	_ =	shalt  }
0x42: {  	_ =	shalt  }
0x43: {  	_ =	shalt  }
0x44: {  	_ =	shalt  }
0x45: {  	_ =	shalt  }
0x46: {  	_ =	shalt  }
0x47: {  	_ =	shalt  }
0x48: {  	_ =	shalt  }
0x49: {  	_ =	shalt  }
0x4a: {  	_ =	shalt  }
0x4b: {  	_ =	shalt  }
0x4c: {  	_ =	shalt  }
0x4d: {  	_ =	shalt  }
0x4e: {  	_ =	shalt  }
0x4f: {  	_ =	shalt  }
0x50: {  	_ =	shalt  }
0x51: {  	_ =	shalt  }
0x52: {  	_ =	shalt  }
0x53: {  	_ =	shalt  }
0x54: {  	_ =	shalt  }
0x55: {  	_ =	shalt  }
0x56: {  	_ =	shalt  }
0x57: {  	_ =	shalt  }
0x58: {  	_ =	shalt  }
0x59: {  	_ =	shalt  }
0x5a: {  	_ =	shalt  }
0x5b: {  	_ =	shalt  }
0x5c: {  	_ =	shalt  }
0x5d: {  	_ =	shalt  }
0x5e: {  	_ =	shalt  }
0x5f: {  	_ =	shalt  }
0x60: {  	_ =	shalt  }
0x61: {  	_ =	shalt  }
0x62: {  	_ =	shalt  }
0x63: {  	_ =	shalt  }
0x64: {  	_ =	shalt  }
0x65: {  	_ =	shalt  }
0x66: {  	_ =	shalt  }
0x67: {  	_ =	shalt  }
0x68: {  	_ =	shalt  }
0x69: {  	_ =	shalt  }
0x6a: {  	_ =	shalt  }
0x6b: {  	_ =	shalt  }
0x6c: {  	_ =	shalt  }
0x6d: {  	_ =	shalt  }
0x6e: {  	_ =	shalt  }
0x6f: {  	_ =	shalt  }
0x70: {  	_ =	shalt  }
0x71: {  	_ =	shalt  }
0x72: {  	_ =	shalt  }
0x73: {  	_ =	shalt  }
0x74: {  	_ =	shalt  }
0x75: {  	_ =	shalt  }
0x76: {  	_ =	shalt  }
0x77: {  	_ =	shalt  }
0x78: {  	_ =	shalt  }
0x79: {  	_ =	shalt  }
0x7a: {  	_ =	shalt  }
0x7b: {  	_ =	shalt  }
0x7c: {  	_ =	shalt  }
0x7d: {  	_ =	shalt  }
0x7e: {  	_ =	shalt  }
0x7f: {  	_ =	shalt  }
0x80: {  	_ =	shalt  }
0x81: {  	_ =	shalt  }
0x82: {  	_ =	shalt  }
0x83: {  	_ =	shalt  }
0x84: {  	_ =	shalt  }
0x85: {  	_ =	shalt  }
0x86: {  	_ =	shalt  }
0x87: {  	_ =	shalt  }
.Lfunc_end0:
.L_simem_size_0:
called_computation.1_lowered:
.L_overlay_start_0:
0x88: {  	s2 =	sld [smem:$0x3FD9]  }
0x89: {  	s3 =	sld [smem:$0x3FFE];
	_ =	sdelay $0x1  }
0x8a: {  	s1 =	srdreg.scid  }
0x8b: {  	s0 =	sand.u32 $0x1, s1  }
0x8c: {  	s16 =	sshll.u32 s0, $0xA;
	s2 =	sadd.s32 s3, s2  }
0x8d: {  	s2 =	sadd.s32 s2, s16  }
0x8e: {  	[smem:$0x3FBF] =	sst s2  }
0x8f: {  	_ = 	snop  }
0x90: {  	(tm) =	ssettm $0x1  }
0x91: {  	s17 =	sld [smem:$0x3FFB];
	_ =	sdelay $0x3  }
0x92: {  	_ =	strace s17  }
0x93: {  	s2 =	sld [smem:$0x3FFC];
	_ =	sdelay $0x3  }
0x94: {  	_ =	strace s2  }
0x95: {  	s2 =	sld [smem:$0x3FFD];
	_ =	sdelay $0x3  }
0x96: {  	_ =	strace s2  }
0x97: {  	_ =	strace $0x8FFFFFFF  }
0x98: {  	s18 =	sld [smem:$0x3FDB];
	_ =	sdelay $0x1  }
0x99: {  	s19 =	simm.s32 $_scs_section_size  }
0x9a: {  	s4 =	simm.s32 $_size__tile_overlayer_lowered;
	s5 =	simm.s32 $_tile_overlayer_lowered  }
0x9b: {  	s22 =	simm.s32 $0x1BFF;
	s21 =	sshll.u32 s5, $0x1;
	s2 =	sadd.s32 s19, s18  }
0x9c: {  	s6 =	simm.s32 $0x0;
	s20 =	sshll.u32 s4, $0x1;
	s4 =	sadd.s32 s21, s2  }
0x9d: {  	[timem:s6], [sflag:s22] =	dma.local [hbm:s4], s20  }
0x9e: {  	_ =	swait.ge [sflag:s22], s20  }
0x9f: {  	s3 =	ssub.s32 $0x0, s20;
	[sflag:s22] =	ssyncset.done $0x0  }
0xa0: {  	[sflag:s22] =	ssyncadd.s32 s3;
	_ =	sdelay $0x1  }
0xa1: {  	s23 =	simm.s32 $0x1B8B  }
0xa2: {  	_ =	swait.ge [sflag:s23], $0x1  }
0xa3: {  	[sflag:s23] =	ssyncset.done $0x0  }
0xa4: {  	s25 =	simm.s32 $0x1B8E;
	s24 =	sld [smem:$0x3FFE];
	[sflag:s23] =	ssyncadd.s32 $0xFFFFFFFF  }
0xa5: {  	s26 =	simm.s32 $execute0_lowered;
	[smem:$0x3FD2] =	sst s25  }
0xa6: {  	s4 =	sshll.u32 s26, $0x1;
	_ =	strace $0x80000049;
	[dreg:$0x1] =	wrdreg $0xFFFFFFFF  }
0xa7: {  	s28 =	simm.s32 $_size_execute0_lowered;
	s2 =	sadd.s32 s2, s4;
	[dreg:$0x0] =	wrdreg $0x0  }
0xa8: {  	s4 =	sshll.u32 s28, $0x1;
	[dreg:$0x2] =	wrdreg s2  }
0xa9: {  	[dreg:$0x3] =	wrdreg s4  }
0xaa: {  	[dreg:$0x4] =	wrdreg $0xC0  }
0xab: {  	_ =	task [dreg:s6], $0x5FFFF  }
0xac: {  	[dreg:$0x1] =	wrdreg $0xFFFFFFFF  }
0xad: {  	[dreg:$0x0] =	wrdreg $0x60  }
0xae: {  	[dreg:$0x2] =	wrdreg s24  }
0xaf: {  	[dreg:$0x3] =	wrdreg $0x0  }
0xb0: {  	[dreg:$0x4] =	wrdreg $0x9  }
0xb1: {  	_ =	task.clear_ibuf [dreg:s6], $0x5FFFF;
	_ =	strace $0x90000049  }
0xb2: {  	s29 =	simm.s32 $0x9;
	_ =	strace $0x8000004B  }
0xb3: {  	_ =	swait.ge [sflag:s29], $0x1  }
0xb4: {  	[sflag:s29] =	ssyncadd.s32 $0xFFFFFFFF  }
0xb5: {  	_ =	strace $0x9000004B  }
0xb6: {  	_ =	sfence  }
0xb7: {  	s30 =	sld [smem:$0x0];
	_ =	sdelay $0x2  }
0xb8: {  	s31 =	sshll.u32 s1, $0xD;
	s1 =	sshrl.u32 s1, $0x2  }
0xb9: {  	s3 =	sand.u32 $0x4000, s31;
	s1 =	sadd.s32 s1, s30  }
0xba: {  	s0 =	sor.u32 s3, s0;
	s1 =	sshll.u32 s1, $0x11  }
0xbb: {  	s0 =	sor.u32 s1, s0  }
0xbc: {  	s0 =	sadd.s32 $0x8F2B, s0  }
0xbd: {  	[sflag:s0] =	ssyncadd.remote.s32 $0x1  }
0xbe: {  	_ =	sfence.sel $0xFFFF  }
0xbf: {  	[dreg:$0x0] =	wrdreg $0xFFFFFFFF;
	(pc) =	sbr.abs _section_cstart, $3  }
0xc0: {  	[dreg:$0x1] =	wrdreg $0xFFFFFFFF  }
0xc1: {  	_ =	task.clear_ibuf [dreg:s6], $0x2FFFF;
	_ =	strace $0x9FFFFFFF  }
0xc2: {  	(tm) =	ssettm $0x7FFFFFFF  }
0xc3: {  	_ =	shalt  }
tec
execute0_lowered:
.L_overlay_start_1:
0x0: {  	(tag) =	ssettag $0x1  }
0x1: {  	s0 =	rddreg [dreg:$0x0]  }
0x2: {  	s1 =	rddreg [dreg:$0x1];
	s2 =	srdreg.scid  }
0x3: {  	s3 =	simm.s32 $0x0;
	s8 =	stileid.u32;
	s16 =	simm.s32 $0x16800  }
0x4: {  	s17 =	simm.s32 $0x5;
	s18 =	simm.s32 $0x14000;
	s19 =	simm.s32 $0x15400  }
0x5: {  	s20 =	simm.s32 $0x80;
	s28 =	simm.s32 $0x15480;
	s29 =	simm.s32 $0x4  }
0x6: {  	s30 =	simm.s32 $0x14180;
	s31 =	simm.s32 $0x15500;
	s2 =	sand.u32 $0x1, s2  }
0x7: {  	[smem:$0x7FF] =	sst s3;
	s6 =	smul.u32 $0x14000, s8;
	s4 =	sadd.s32 $0x18600, s0  }
0x8: {  	s21 =	smul.u32 $0x50000, s8;
	s14 =	sadd.s32 $0xE600, s0;
	s15 =	sadd.s32 $0x4600, s0  }
0x9: {  	s5 =	smul.u32 $0x140000, s2;
	_ =	strace $0x8000004A;
	s7 =	ssub.s32 $0x2, s2  }
0xa: {  	s2 =	sshll.u32 s2, $0x4;
	s22 =	sshrl.u32 s21, $0x2;
	s23 =	sshrl.u32 s7, $0x1  }
0xb: {  	s2 =	sor.u32 s8, s2;
	s21 =	simm.s32 $0x1;
	s5 =	sadd.s32 s6, s5  }
0xc: {  	s6 =	ssub.s32 s7, s23;
	s2 =	smul.u32 $0x500, s2;
	s5 =	sshrl.u32 s5, $0x3  }
0xd: {  	s23 =	simm.s32 $0x1A800;
	s11 =	smax.u32 s6, $0x1;
	s0 =	sadd.s32 s5, s0  }
0xe: {  	s5 =	sadd.s32 s22, s1;
	s12 =	sadd.s32 s14, s2;
	s13 =	sadd.s32 s15, s2  }
0xf: {  	s26 =	sadd.s32 $0x280, s2;
	s22 =	simm.s32 $0x14080;
	s24 =	sadd.s32 $0x4000, s5  }
0x10: {  	s25 =	sadd.s32 $0x8000, s5;
	s8 =	sadd.s32 $0xC000, s5;
	s9 =	sadd.s32 $0x10000, s5  }
0x11: {  	s10 =	sadd.s32 $0x40600, s0;
	s14 =	sadd.s32 s14, s26;
	s15 =	sadd.s32 s15, s26  }
0x12: {  	s26 =	simm.s32 $0x14100;
	s0 =	simm.s32 $0x0;
	[dreg:$0x3] =	wrdreg s24  }
0x13: {  	v0 =	vimm.f32 $0.0e+00;
	[dreg:$0x4] =	wrdreg s25;
	s24 =	simm.s32 $0x2;
	s25 =	simm.s32 $0x3  }
.LBB2_1:
0x14: {  	s2 =	simm.s32 $0x0;
	s6 =	simm.s32 $0x200  }
.LBB2_2:
0x15: {  	p0 =	sne.s32 s6, $0xFE00;
	[tilespmem:s2+$0x16870] =	vst v0  }
0x16: {  	[tilespmem:s2+$0x16800] =	vst v0  }
0x17: {  	[tilespmem:s2+$0x16810] =	vst v0  }
.Ltmp0:
0x18: {  	[tilespmem:s2+$0x16820] =	vst v0;
	(pc) =	sbr.rel @p0 .LBB2_2-.Ltmp0, $4  }
0x19: {  	[tilespmem:s2+$0x16830] =	vst v0  }
0x1a: {  	[tilespmem:s2+$0x16840] =	vst v0  }
0x1b: {  	[tilespmem:s2+$0x16850] =	vst v0  }
0x1c: {  	[tilespmem:s2+$0x16860] =	vst v0;
	s2 =	sshra.s32 s6, $0x2;
	s6 =	sadd.s32 $0x200, s6  }
0x1d: {  	[tilespmem:s2+$0x16870] =	vst v0  }
0x1e: {  	[tilespmem:s2+$0x16800] =	vst v0  }
0x1f: {  	[tilespmem:s2+$0x16810] =	vst v0  }
0x20: {  	[tilespmem:s2+$0x16820] =	vst v0  }
0x21: {  	[tilespmem:s2+$0x16830] =	vst v0  }
0x22: {  	[tilespmem:s2+$0x16840] =	vst v0  }
0x23: {  	[tilespmem:s2+$0x16850] =	vst v0  }
0x24: {  	[tilespmem:s2+$0x16860] =	vst v0  }
0x25: {  	[spmem:s5] =	stream.linear.scatter [tilespmem:s16], [sflag:$0x5], $0x4000, $0x38;
	[tilespmem:$0x1E800] =	vst v63  }
0x26: {  	_ =	swait.ge [sflag:s17], $0x4000  }
0x27: {  	[sflag:s17] =	ssyncset.done $0x0  }
0x28: {  	s6 =	rddreg [dreg:$0x3];
	[sflag:s17] =	ssyncadd.s32 $0xFFFFC000  }
0x29: {  	[spmem:s6] =	stream.linear.scatter [tilespmem:s16], [sflag:$0x5], $0x4000, $0x38;
	[tilespmem:$0x1E800] =	vst v63  }
0x2a: {  	_ =	swait.ge [sflag:s17], $0x4000  }
0x2b: {  	[sflag:s17] =	ssyncset.done $0x0  }
0x2c: {  	s7 =	rddreg [dreg:$0x4];
	[sflag:s17] =	ssyncadd.s32 $0xFFFFC000  }
0x2d: {  	[spmem:s7] =	stream.linear.scatter [tilespmem:s16], [sflag:$0x5], $0x4000, $0x38;
	[tilespmem:$0x1E800] =	vst v63  }
0x2e: {  	_ =	swait.ge [sflag:s17], $0x4000  }
0x2f: {  	[sflag:s17] =	ssyncset.done $0x0  }
0x30: {  	[sflag:s17] =	ssyncadd.s32 $0xFFFFC000  }
0x31: {  	[spmem:s8] =	stream.linear.scatter [tilespmem:s16], [sflag:$0x5], $0x4000, $0x38;
	[tilespmem:$0x1E800] =	vst v63  }
0x32: {  	_ =	swait.ge [sflag:s17], $0x4000  }
0x33: {  	[sflag:s17] =	ssyncset.done $0x0  }
0x34: {  	[sflag:s17] =	ssyncadd.s32 $0xFFFFC000  }
0x35: {  	[spmem:s9] =	stream.linear.scatter [tilespmem:s16], [sflag:$0x5], $0x4000, $0x38;
	[tilespmem:$0x1E800] =	vst v63  }
0x36: {  	_ =	swait.ge [sflag:s17], $0x4000  }
0x37: {  	[sflag:s17] =	ssyncset.done $0x0  }
0x38: {  	[sflag:s17] =	ssyncadd.s32 $0xFFFFC000  }
0x39: {  	[bflag:$0x0] =	sbarrier.arrive $0xFFFF  }
0x3a: {  	[tilespmem:s18], [sflag:$0x5] =	stream.linear.gather [hbm4b:s12+s3], $0x1400, $0x38;
	[tilespmem:$0x1E800] =	vst v63  }
0x3b: {  	_ =	swait.ge [sflag:s17], $0x1400  }
0x3c: {  	[sflag:s17] =	ssyncset.done $0x0  }
0x3d: {  	[sflag:s17] =	ssyncadd.s32 $0xFFFFEC00  }
0x3e: {  	[tilespmem:s19], [sflag:$0x5] =	stream.linear.gather [hbm4b:s13+s3], $0x1400, $0x38;
	[tilespmem:$0x1E800] =	vst v63  }
0x3f: {  	_ =	swait.ge [sflag:s17], $0x1400  }
0x40: {  	[sflag:s17] =	ssyncset.done $0x0  }
0x41: {  	[sflag:s17] =	ssyncadd.s32 $0xFFFFEC00  }
0x42: {  	[tilespmem:s16], [sflag:$0x1] =	stream.indirect.gather [hbm4b:s4+s20], $0x80, s18, s20, $0xb8;
	[tilespmem:$0x1E800] =	vst v63  }
0x43: {  	_ =	swait.ge [sflag:s21], $0x4000  }
0x44: {  	[sflag:s21] =	ssyncset.done $0x0  }
0x45: {  	[sflag:s21] =	ssyncadd.s32 $0xFFFFC000  }
0x46: {  	[tilespmem:s23], [sflag:$0x2] =	stream.indirect.gather [hbm4b:s4+s20], $0x80, s22, s20, $0xb8;
	[tilespmem:$0x1E800] =	vst v63  }
0x47: {  	_ = 	snop  }
0x48: {  	[spmem:s1] =	stream.indirect.scatter.add.f32 [tilespmem:s16], [sflag:$0x3], $0x80, s19, s20, $0xb8;
	[tilespmem:$0x1E800] =	vst v63  }
0x49: {  	_ =	swait.ge [sflag:s24], $0x4000  }
0x4a: {  	[sflag:s24] =	ssyncset.done $0x0  }
0x4b: {  	[sflag:s24] =	ssyncadd.s32 $0xFFFFC000  }
0x4c: {  	_ =	swait.ge [sflag:s25], $0x4000  }
0x4d: {  	[sflag:s25] =	ssyncset.done $0x0  }
0x4e: {  	[sflag:s25] =	ssyncadd.s32 $0xFFFFC000  }
0x4f: {  	[tilespmem:s16], [sflag:$0x1] =	stream.indirect.gather [hbm4b:s4+s20], $0x80, s26, s20, $0xb8;
	[tilespmem:$0x1E800] =	vst v63  }
0x50: {  	_ = 	snop  }
0x51: {  	[spmem:s1] =	stream.indirect.scatter.add.f32 [tilespmem:s23], [sflag:$0x4], $0x80, s28, s20, $0xb8;
	[tilespmem:$0x1E800] =	vst v63  }
0x52: {  	_ =	swait.ge [sflag:s21], $0x4000  }
0x53: {  	[sflag:s21] =	ssyncset.done $0x0  }
0x54: {  	[sflag:s21] =	ssyncadd.s32 $0xFFFFC000  }
0x55: {  	_ =	swait.ge [sflag:s29], $0x4000  }
0x56: {  	[sflag:s29] =	ssyncset.done $0x0  }
0x57: {  	[sflag:s29] =	ssyncadd.s32 $0xFFFFC000  }
0x58: {  	[tilespmem:s23], [sflag:$0x2] =	stream.indirect.gather [hbm4b:s4+s20], $0x80, s30, s20, $0xb8;
	[tilespmem:$0x1E800] =	vst v63  }
0x59: {  	_ = 	snop  }
0x5a: {  	[spmem:s1] =	stream.indirect.scatter.add.f32 [tilespmem:s16], [sflag:$0x3], $0x80, s31, s20, $0xb8;
	[tilespmem:$0x1E800] =	vst v63  }
0x5b: {  	_ =	swait.ge [sflag:s24], $0x4000  }
0x5c: {  	[sflag:s24] =	ssyncset.done $0x0  }
0x5d: {  	[sflag:s24] =	ssyncadd.s32 $0xFFFFC000  }
0x5e: {  	_ =	swait.ge [sflag:s25], $0x4000  }
0x5f: {  	[sflag:s25] =	ssyncset.done $0x0  }
0x60: {  	s6 =	simm.s32 $0x14200;
	[sflag:s25] =	ssyncadd.s32 $0xFFFFC000  }
0x61: {  	[tilespmem:s16], [sflag:$0x1] =	stream.indirect.gather [hbm4b:s4+s20], $0x80, s6, s20, $0xb8;
	[tilespmem:$0x1E800] =	vst v63  }
0x62: {  	s7 =	simm.s32 $0x15580  }
0x63: {  	[spmem:s1] =	stream.indirect.scatter.add.f32 [tilespmem:s23], [sflag:$0x4], $0x80, s7, s20, $0xb8;
	[tilespmem:$0x1E800] =	vst v63  }
0x64: {  	_ =	swait.ge [sflag:s21], $0x4000  }
0x65: {  	[sflag:s21] =	ssyncset.done $0x0  }
0x66: {  	[sflag:s21] =	ssyncadd.s32 $0xFFFFC000  }
0x67: {  	_ =	swait.ge [sflag:s29], $0x4000  }
0x68: {  	[sflag:s29] =	ssyncset.done $0x0  }
0x69: {  	s6 =	simm.s32 $0x14280;
	[sflag:s29] =	ssyncadd.s32 $0xFFFFC000  }
0x6a: {  	[tilespmem:s23], [sflag:$0x2] =	stream.indirect.gather [hbm4b:s4+s20], $0x80, s6, s20, $0xb8;
	[tilespmem:$0x1E800] =	vst v63  }
0x6b: {  	s7 =	simm.s32 $0x15600  }
0x6c: {  	[spmem:s1] =	stream.indirect.scatter.add.f32 [tilespmem:s16], [sflag:$0x3], $0x80, s7, s20, $0xb8;
	[tilespmem:$0x1E800] =	vst v63  }
0x6d: {  	_ =	swait.ge [sflag:s24], $0x4000  }
0x6e: {  	s2 =	simm.s32 $0xFFFFBC00;
	[sflag:s24] =	ssyncset.done $0x0  }
.LBB2_4:
0x6f: {  	[sflag:s24] =	ssyncadd.s32 $0xFFFFC000;
	s6 =	smov.u32 s2;
	s2 =	sadd.s32 $0x400, s2  }
0x70: {  	p0 =	sne.s32 s2, $0x0  }
0x71: {  	_ =	swait.ge [sflag:s25], $0x4000  }
0x72: {  	s6 =	sshra.s32 s6, $0x2;
	[sflag:s25] =	ssyncset.done $0x0  }
0x73: {  	s7 =	sadd.s32 $0x15400, s6;
	[sflag:s25] =	ssyncadd.s32 $0xFFFFC000  }
0x74: {  	[tilespmem:s16], [sflag:$0x1] =	stream.indirect.gather [hbm4b:s4+s20], $0x80, s7, s20, $0xb8;
	[tilespmem:$0x1E800] =	vst v63  }
0x75: {  	s7 =	sadd.s32 $0x16780, s6  }
0x76: {  	[spmem:s1] =	stream.indirect.scatter.add.f32 [tilespmem:s23], [sflag:$0x4], $0x80, s7, s20, $0xb8;
	[tilespmem:$0x1E800] =	vst v63  }
0x77: {  	_ =	swait.ge [sflag:s21], $0x4000  }
0x78: {  	[sflag:s21] =	ssyncset.done $0x0  }
0x79: {  	[sflag:s21] =	ssyncadd.s32 $0xFFFFC000  }
0x7a: {  	_ =	swait.ge [sflag:s29], $0x4000  }
0x7b: {  	[sflag:s29] =	ssyncset.done $0x0  }
0x7c: {  	s7 =	sadd.s32 $0x15480, s6;
	[sflag:s29] =	ssyncadd.s32 $0xFFFFC000  }
0x7d: {  	[tilespmem:s23], [sflag:$0x2] =	stream.indirect.gather [hbm4b:s4+s20], $0x80, s7, s20, $0xb8;
	[tilespmem:$0x1E800] =	vst v63  }
.Ltmp1:
0x7e: {  	_ = 	snop;
	(pc) =	sbr.rel @p0 .LBB2_4-.Ltmp1, $4  }
0x7f: {  	s6 =	sadd.s32 $0x16800, s6  }
0x80: {  	[spmem:s1] =	stream.indirect.scatter.add.f32 [tilespmem:s16], [sflag:$0x3], $0x80, s6, s20, $0xb8;
	[tilespmem:$0x1E800] =	vst v63  }
0x81: {  	_ =	swait.ge [sflag:s24], $0x4000  }
0x82: {  	[sflag:s24] =	ssyncset.done $0x0  }
0x83: {  	s2 =	sshra.s32 s2, $0x2  }
0x84: {  	[sflag:s24] =	ssyncadd.s32 $0xFFFFC000;
	s2 =	sadd.s32 $0x16780, s2  }
0x85: {  	[spmem:s1] =	stream.indirect.scatter.add.f32 [tilespmem:s23], [sflag:$0x4], $0x80, s2, s20, $0xb8;
	[tilespmem:$0x1E800] =	vst v63  }
0x86: {  	_ =	swait.ge [sflag:s25], $0x4000  }
0x87: {  	[sflag:s25] =	ssyncset.done $0x0  }
0x88: {  	[sflag:s25] =	ssyncadd.s32 $0xFFFFC000  }
0x89: {  	_ =	swait.ge [sflag:s29], $0x4000  }
0x8a: {  	[sflag:s29] =	ssyncset.done $0x0  }
0x8b: {  	[sflag:s29] =	ssyncadd.s32 $0xFFFFC000  }
0x8c: {  	[tilespmem:s18], [sflag:$0x5] =	stream.linear.gather [hbm4b:s14+s3], $0x1400, $0x38;
	[tilespmem:$0x1E800] =	vst v63  }
0x8d: {  	_ =	swait.ge [sflag:s17], $0x1400  }
0x8e: {  	[sflag:s17] =	ssyncset.done $0x0  }
0x8f: {  	[sflag:s17] =	ssyncadd.s32 $0xFFFFEC00  }
0x90: {  	[tilespmem:s19], [sflag:$0x5] =	stream.linear.gather [hbm4b:s15+s3], $0x1400, $0x38;
	[tilespmem:$0x1E800] =	vst v63  }
0x91: {  	_ =	swait.ge [sflag:s17], $0x1400  }
0x92: {  	[sflag:s17] =	ssyncset.done $0x0  }
0x93: {  	[sflag:s17] =	ssyncadd.s32 $0xFFFFEC00  }
0x94: {  	[tilespmem:s16], [sflag:$0x1] =	stream.indirect.gather [hbm4b:s4+s20], $0x80, s18, s20, $0xb8;
	[tilespmem:$0x1E800] =	vst v63  }
0x95: {  	_ =	swait.ge [sflag:s21], $0x4000  }
0x96: {  	[sflag:s21] =	ssyncset.done $0x0  }
0x97: {  	[sflag:s21] =	ssyncadd.s32 $0xFFFFC000  }
0x98: {  	[tilespmem:s23], [sflag:$0x2] =	stream.indirect.gather [hbm4b:s4+s20], $0x80, s22, s20, $0xb8;
	[tilespmem:$0x1E800] =	vst v63  }
0x99: {  	_ = 	snop  }
0x9a: {  	[spmem:s1] =	stream.indirect.scatter.add.f32 [tilespmem:s16], [sflag:$0x3], $0x80, s19, s20, $0xb8;
	[tilespmem:$0x1E800] =	vst v63  }
0x9b: {  	_ =	swait.ge [sflag:s24], $0x4000  }
0x9c: {  	[sflag:s24] =	ssyncset.done $0x0  }
0x9d: {  	[sflag:s24] =	ssyncadd.s32 $0xFFFFC000  }
0x9e: {  	_ =	swait.ge [sflag:s25], $0x4000  }
0x9f: {  	[sflag:s25] =	ssyncset.done $0x0  }
0xa0: {  	[sflag:s25] =	ssyncadd.s32 $0xFFFFC000  }
0xa1: {  	[tilespmem:s16], [sflag:$0x1] =	stream.indirect.gather [hbm4b:s4+s20], $0x80, s26, s20, $0xb8;
	[tilespmem:$0x1E800] =	vst v63  }
0xa2: {  	_ = 	snop  }
0xa3: {  	[spmem:s1] =	stream.indirect.scatter.add.f32 [tilespmem:s23], [sflag:$0x4], $0x80, s28, s20, $0xb8;
	[tilespmem:$0x1E800] =	vst v63  }
0xa4: {  	_ =	swait.ge [sflag:s21], $0x4000  }
0xa5: {  	[sflag:s21] =	ssyncset.done $0x0  }
0xa6: {  	[sflag:s21] =	ssyncadd.s32 $0xFFFFC000  }
0xa7: {  	_ =	swait.ge [sflag:s29], $0x4000  }
0xa8: {  	[sflag:s29] =	ssyncset.done $0x0  }
0xa9: {  	[sflag:s29] =	ssyncadd.s32 $0xFFFFC000  }
0xaa: {  	[tilespmem:s23], [sflag:$0x2] =	stream.indirect.gather [hbm4b:s4+s20], $0x80, s30, s20, $0xb8;
	[tilespmem:$0x1E800] =	vst v63  }
0xab: {  	_ = 	snop  }
0xac: {  	[spmem:s1] =	stream.indirect.scatter.add.f32 [tilespmem:s16], [sflag:$0x3], $0x80, s31, s20, $0xb8;
	[tilespmem:$0x1E800] =	vst v63  }
0xad: {  	_ =	swait.ge [sflag:s24], $0x4000  }
0xae: {  	[sflag:s24] =	ssyncset.done $0x0  }
0xaf: {  	[sflag:s24] =	ssyncadd.s32 $0xFFFFC000  }
0xb0: {  	_ =	swait.ge [sflag:s25], $0x4000  }
0xb1: {  	[sflag:s25] =	ssyncset.done $0x0  }
0xb2: {  	s6 =	simm.s32 $0x14200;
	[sflag:s25] =	ssyncadd.s32 $0xFFFFC000  }
0xb3: {  	[tilespmem:s16], [sflag:$0x1] =	stream.indirect.gather [hbm4b:s4+s20], $0x80, s6, s20, $0xb8;
	[tilespmem:$0x1E800] =	vst v63  }
0xb4: {  	s7 =	simm.s32 $0x15580  }
0xb5: {  	[spmem:s1] =	stream.indirect.scatter.add.f32 [tilespmem:s23], [sflag:$0x4], $0x80, s7, s20, $0xb8;
	[tilespmem:$0x1E800] =	vst v63  }
0xb6: {  	_ =	swait.ge [sflag:s21], $0x4000  }
0xb7: {  	[sflag:s21] =	ssyncset.done $0x0  }
0xb8: {  	[sflag:s21] =	ssyncadd.s32 $0xFFFFC000  }
0xb9: {  	_ =	swait.ge [sflag:s29], $0x4000  }
0xba: {  	[sflag:s29] =	ssyncset.done $0x0  }
0xbb: {  	s6 =	simm.s32 $0x14280;
	[sflag:s29] =	ssyncadd.s32 $0xFFFFC000  }
0xbc: {  	[tilespmem:s23], [sflag:$0x2] =	stream.indirect.gather [hbm4b:s4+s20], $0x80, s6, s20, $0xb8;
	[tilespmem:$0x1E800] =	vst v63  }
0xbd: {  	s7 =	simm.s32 $0x15600  }
0xbe: {  	[spmem:s1] =	stream.indirect.scatter.add.f32 [tilespmem:s16], [sflag:$0x3], $0x80, s7, s20, $0xb8;
	[tilespmem:$0x1E800] =	vst v63  }
0xbf: {  	_ =	swait.ge [sflag:s24], $0x4000  }
0xc0: {  	s2 =	simm.s32 $0xFFFFBC00;
	[sflag:s24] =	ssyncset.done $0x0  }
.LBB2_6:
0xc1: {  	[sflag:s24] =	ssyncadd.s32 $0xFFFFC000;
	s6 =	smov.u32 s2;
	s2 =	sadd.s32 $0x400, s2  }
0xc2: {  	p0 =	sne.s32 s2, $0x0  }
0xc3: {  	_ =	swait.ge [sflag:s25], $0x4000  }
0xc4: {  	s6 =	sshra.s32 s6, $0x2;
	[sflag:s25] =	ssyncset.done $0x0  }
0xc5: {  	s7 =	sadd.s32 $0x15400, s6;
	[sflag:s25] =	ssyncadd.s32 $0xFFFFC000  }
0xc6: {  	[tilespmem:s16], [sflag:$0x1] =	stream.indirect.gather [hbm4b:s4+s20], $0x80, s7, s20, $0xb8;
	[tilespmem:$0x1E800] =	vst v63  }
0xc7: {  	s7 =	sadd.s32 $0x16780, s6  }
0xc8: {  	[spmem:s1] =	stream.indirect.scatter.add.f32 [tilespmem:s23], [sflag:$0x4], $0x80, s7, s20, $0xb8;
	[tilespmem:$0x1E800] =	vst v63  }
0xc9: {  	_ =	swait.ge [sflag:s21], $0x4000  }
0xca: {  	[sflag:s21] =	ssyncset.done $0x0  }
0xcb: {  	[sflag:s21] =	ssyncadd.s32 $0xFFFFC000  }
0xcc: {  	_ =	swait.ge [sflag:s29], $0x4000  }
0xcd: {  	[sflag:s29] =	ssyncset.done $0x0  }
0xce: {  	s7 =	sadd.s32 $0x15480, s6;
	[sflag:s29] =	ssyncadd.s32 $0xFFFFC000  }
0xcf: {  	[tilespmem:s23], [sflag:$0x2] =	stream.indirect.gather [hbm4b:s4+s20], $0x80, s7, s20, $0xb8;
	[tilespmem:$0x1E800] =	vst v63  }
.Ltmp2:
0xd0: {  	_ = 	snop;
	(pc) =	sbr.rel @p0 .LBB2_6-.Ltmp2, $4  }
0xd1: {  	s6 =	sadd.s32 $0x16800, s6  }
0xd2: {  	[spmem:s1] =	stream.indirect.scatter.add.f32 [tilespmem:s16], [sflag:$0x3], $0x80, s6, s20, $0xb8;
	[tilespmem:$0x1E800] =	vst v63  }
0xd3: {  	_ =	swait.ge [sflag:s24], $0x4000  }
0xd4: {  	[sflag:s24] =	ssyncset.done $0x0  }
0xd5: {  	s2 =	sshra.s32 s2, $0x2  }
0xd6: {  	[sflag:s24] =	ssyncadd.s32 $0xFFFFC000;
	s2 =	sadd.s32 $0x16780, s2  }
0xd7: {  	[spmem:s1] =	stream.indirect.scatter.add.f32 [tilespmem:s23], [sflag:$0x4], $0x80, s2, s20, $0xb8;
	[tilespmem:$0x1E800] =	vst v63  }
0xd8: {  	_ =	swait.ge [sflag:s25], $0x4000  }
0xd9: {  	[sflag:s25] =	ssyncset.done $0x0  }
0xda: {  	[sflag:s25] =	ssyncadd.s32 $0xFFFFC000  }
0xdb: {  	s7 =	stileid.u32;
	_ =	swait.ge [sflag:s29], $0x4000  }
0xdc: {  	s6 =	sshrl.u32 s5, $0x3;
	s0 =	sadd.s32 $0x1, s0;
	[sflag:s29] =	ssyncset.done $0x0  }
0xdd: {  	p0 =	sne.s32 s0, s11;
	s2 =	sshll.u32 s7, $0x6;
	[sflag:s29] =	ssyncadd.s32 $0xFFFFC000  }
.Ltmp3:
0xde: {  	s2 =	sor.u32 $0x1C05, s2;
	[bflag:$0x0] =	sbarrier.arrive $0xFFFF;
	(pc) =	sbr.rel @p0 .LBB2_1-.Ltmp3, $4  }
0xdf: {  	[hbm:s10], [sflag:s2] =	dma.local [spmem:s6], $0x2800  }
0xe0: {  	_ =	swait.ge [sflag:s17], $0x2800  }
0xe1: {  	[sflag:s17] =	ssyncset.done $0x0  }
0xe2: {  	[sflag:s17] =	ssyncadd.s32 $0xFFFFD800  }
0xe3: {  	_ =	sfence.sel $0x180000  }
0xe4: {  	[bflag:$0x0] =	sbarrier.arrive $0xFFFF  }
0xe5: {  	_ =	strace $0x9000004A  }
0xe6: {  	s0 =	stileid.u32;
	[bflag:$0x2] =	sbarrier.arrive $0xFFFF  }
0xe7: {  	p0 =	sne.s32 s0, $0x0;
	s0 =	rddreg [dreg:$0x2]  }
0xe8: {  	s0 =	sadd.s32 @!p0 $0x100000, s0  }
0xe9: {  	[sflag:s0] =	ssyncadd.tile.s32 @!p0 $0x1;
	_ =	shalt  }
.Lfunc_end2:
_tile_overlayer_lowered:
.L_overlay_start_2:
0xea: {  	(tag) =	ssettag $0x2  }
0xeb: {  	s0 =	rddreg [dreg:$0x0];
	s2 =	stileid.u32  }
0xec: {  	s1 =	rddreg [dreg:$0x1];
	p0 =	sne.s32 s2, $0x0  }
0xed: {  	s3 =	rddreg [dreg:$0x2];
	[bflag:$0x3] =	sbarrier.arrive $0xFFFF;
	s2 =	simm.s32 @!p0 $0x1C05  }
0xee: {  	[timem:s3], [sflag:s2] =	dma.local @!p0 [hbm:s0], s1  }
0xef: {  	s0 =	simm.s32 @!p0 $0x5  }
0xf0: {  	_ =	swait.ge @!p0 [sflag:s0], s1  }
0xf1: {  	s1 =	ssub.s32 @!p0 $0x0, s1;
	[sflag:s0] =	ssyncset.done @!p0 $0x0  }
0xf2: {  	[sflag:s0] =	ssyncadd.s32 @!p0 s1  }
0xf3: {  	[bflag:$0x3] =	sbarrier.arrive $0xFFFF  }
0xf4: {  	_ =	shalt  }

// kernel: kernel.22.cloned.1.call-start
scs
__scs_entry_jumppad:
0x0: {  	(pc) =	sbr.rel $0x88, $3  }
0x1: {  	(tag) =	ssettag $0x0;
	lr =	simm.s32 $0x1  }
0x2: {  	[smem:$0x3F98] =	sst lr;
	_ =	strace $0xD0000000  }
0x3: {  	_ = 	snop  }
0x4: {  	_ = 	snop  }
0x5: {  	_ = 	snop  }
0x6: {  	_ = 	snop  }
0x7: {  	_ = 	snop  }
__scs_overlays_trampoline_lowered:
0x8: {  	[smem:$0x3FA7] =	sst s0  }
0x9: {  	[smem:$0x3FA8] =	sst s1  }
0xa: {  	[smem:$0x3FA9] =	sst s2  }
0xb: {  	[smem:$0x3FAA] =	sst s3  }
0xc: {  	[smem:$0x3FAB] =	sst s4  }
0xd: {  	[smem:$0x3FAC] =	sst s5  }
0xe: {  	[smem:$0x3FAD] =	sst s6  }
0xf: {  	[smem:$0x3FAE] =	sst s7  }
0x10: {  	[smem:$0x3FAF] =	sst s8  }
0x11: {  	[smem:$0x3FB0] =	sst s9;
	s0 =	simm.s32 @!p0 $0x0  }
0x12: {  	s1 =	sld [smem:$0x3F96];
	s0 =	simm.s32 @p0 $0x1  }
0x13: {  	[smem:$0x3FB1] =	sst s0;
	s0 =	simm.s32 @!p1 $0x0  }
0x14: {  	s2 =	sld [smem:$0x3F95];
	s0 =	simm.s32 @p1 $0x1  }
0x15: {  	[smem:$0x3FB2] =	sst s0;
	s0 =	simm.s32 @!p2 $0x0  }
0x16: {  	s3 =	sld [smem:$0x3FDB];
	s0 =	simm.s32 @p2 $0x1  }
0x17: {  	s4 =	simm.s32 $0x1BF5;
	[smem:$0x3FB4] =	sst s0  }
0x18: {  	s0 =	sld [smem:$0x3F97];
	_ =	swait.ge [sflag:s4], $0x0  }
0x19: {  	s7 =	sld [smem:$0x3F98]  }
0x1a: {  	s8 =	sadd.s32 $0xFFFFE003, lr  }
0x1b: {  	s9 =	sadd.s32 $0xFFFFFEF7, lr;
	s5 =	simm.s32 $0xFFFFFFFF;
	p2 =	slt.u32 s8, $0xFFFFF086  }
0x1c: {  	p1 =	slt.u32 s9, $0xF7A;
	s5 =	simm.s32 @!p2 $0x0  }
0x1d: {  	s5 =	simm.s32 @p1 $0x1;
	p0 =	seq.s32 s7, s2  }
0x1e: {  	s7 =	smul.u32 @!p0 $0xF7A, s2;
	p2 =	seq.s32 @!p0 s5, $0x0  }
0x1f: {  	s9 =	smul.u32 $0xF7A, s1;
	s8 =	simm.s32 @!p0 $0x1BF5;
	p2 =	por !p2, p0  }
0x20: {  	[sflag:s8] =	ssyncset.s32 @!p0 $0xFFFFF086;
	s6 =	sadd.s32 @!p0 s3, s7;
	s7 =	simm.s32 @!p0 $0x108  }
0x21: {  	s3 =	sadd.s32 s3, s9;
	s6 =	sadd.s32 @!p0 $0x88, s6;
	s7 =	simm.s32 @p2 $0x1082  }
0x22: {  	[simem:s7], [sflag:s8] =	dma.local @!p0 [hbm:s6], $0xF7A  }
0x23: {  	s9 =	sor.u32 $0xD0000000, s2;
	s6 =	simm.s32 $0x108;
	_ =	swait.ge @!p0 [sflag:s8], $0x0  }
0x24: {  	s3 =	sadd.s32 $0x88, s3;
	s6 =	simm.s32 @!p1 $0x1082;
	[sflag:s4] =	ssyncset.s32 $0xFFFFF086  }
0x25: {  	[simem:s6], [sflag:s4] =	dma.local [hbm:s3], $0xF7A  }
0x26: {  	[smem:$0x3F98] =	sst s1;
	(tag) =	ssettag s2;
	_ =	strace s9  }
0x27: {  	s1 =	sld [smem:$0x3FA8]  }
0x28: {  	s2 =	sld [smem:$0x3FA9]  }
0x29: {  	s4 =	sld [smem:$0x3FAB]  }
0x2a: {  	p0 =	seq.s32 s5, $0x0;
	s5 =	sld [smem:$0x3FAC]  }
0x2b: {  	s6 =	sld [smem:$0x3FAD]  }
0x2c: {  	s7 =	sld [smem:$0x3FAE]  }
0x2d: {  	s3 =	simm.s32 $0x108;
	s8 =	sld [smem:$0x3FAF]  }
0x2e: {  	s3 =	simm.s32 @!p0 $0x1082;
	s9 =	sld [smem:$0x3FB0]  }
0x2f: {  	lr =	sadd.s32 s0, s3;
	s0 =	sld [smem:$0x3FA7]  }
0x30: {  	s3 =	sld [smem:$0x3FAA]  }
0x31: {  	[smem:$0x3FB3] =	sst s10  }
0x32: {  	s10 =	sld [smem:$0x3FB1];
	_ =	sdelay $0x3  }
0x33: {  	p0 =	seq.s32 s10, $0x1;
	s10 =	sld [smem:$0x3FB3];
	_ =	sdelay $0x3  }
0x34: {  	[smem:$0x3FB3] =	sst s10  }
0x35: {  	s10 =	sld [smem:$0x3FB2];
	_ =	sdelay $0x3  }
0x36: {  	p1 =	seq.s32 s10, $0x1;
	s10 =	sld [smem:$0x3FB3];
	_ =	sdelay $0x3  }
0x37: {  	[smem:$0x3FB3] =	sst s10  }
0x38: {  	s10 =	sld [smem:$0x3FB4]  }
0x39: {  	_ = 	snop;
	(pc) =	sbr.ind lr, $3  }
0x3a: {  	_ = 	snop  }
0x3b: {  	_ = 	snop  }
0x3c: {  	p2 =	seq.s32 s10, $0x1;
	s10 =	sld [smem:$0x3FB3]  }
0x3d: {  	_ =	shalt  }
0x3e: {  	_ =	shalt  }
0x3f: {  	_ =	shalt  }
0x40: {  	_ =	shalt  }
0x41: {  	_ =	shalt  }
0x42: {  	_ =	shalt  }
0x43: {  	_ =	shalt  }
0x44: {  	_ =	shalt  }
0x45: {  	_ =	shalt  }
0x46: {  	_ =	shalt  }
0x47: {  	_ =	shalt  }
0x48: {  	_ =	shalt  }
0x49: {  	_ =	shalt  }
0x4a: {  	_ =	shalt  }
0x4b: {  	_ =	shalt  }
0x4c: {  	_ =	shalt  }
0x4d: {  	_ =	shalt  }
0x4e: {  	_ =	shalt  }
0x4f: {  	_ =	shalt  }
0x50: {  	_ =	shalt  }
0x51: {  	_ =	shalt  }
0x52: {  	_ =	shalt  }
0x53: {  	_ =	shalt  }
0x54: {  	_ =	shalt  }
0x55: {  	_ =	shalt  }
0x56: {  	_ =	shalt  }
0x57: {  	_ =	shalt  }
0x58: {  	_ =	shalt  }
0x59: {  	_ =	shalt  }
0x5a: {  	_ =	shalt  }
0x5b: {  	_ =	shalt  }
0x5c: {  	_ =	shalt  }
0x5d: {  	_ =	shalt  }
0x5e: {  	_ =	shalt  }
0x5f: {  	_ =	shalt  }
0x60: {  	_ =	shalt  }
0x61: {  	_ =	shalt  }
0x62: {  	_ =	shalt  }
0x63: {  	_ =	shalt  }
0x64: {  	_ =	shalt  }
0x65: {  	_ =	shalt  }
0x66: {  	_ =	shalt  }
0x67: {  	_ =	shalt  }
0x68: {  	_ =	shalt  }
0x69: {  	_ =	shalt  }
0x6a: {  	_ =	shalt  }
0x6b: {  	_ =	shalt  }
0x6c: {  	_ =	shalt  }
0x6d: {  	_ =	shalt  }
0x6e: {  	_ =	shalt  }
0x6f: {  	_ =	shalt  }
0x70: {  	_ =	shalt  }
0x71: {  	_ =	shalt  }
0x72: {  	_ =	shalt  }
0x73: {  	_ =	shalt  }
0x74: {  	_ =	shalt  }
0x75: {  	_ =	shalt  }
0x76: {  	_ =	shalt  }
0x77: {  	_ =	shalt  }
0x78: {  	_ =	shalt  }
0x79: {  	_ =	shalt  }
0x7a: {  	_ =	shalt  }
0x7b: {  	_ =	shalt  }
0x7c: {  	_ =	shalt  }
0x7d: {  	_ =	shalt  }
0x7e: {  	_ =	shalt  }
0x7f: {  	_ =	shalt  }
0x80: {  	_ =	shalt  }
0x81: {  	_ =	shalt  }
0x82: {  	_ =	shalt  }
0x83: {  	_ =	shalt  }
0x84: {  	_ =	shalt  }
0x85: {  	_ =	shalt  }
0x86: {  	_ =	shalt  }
0x87: {  	_ =	shalt  }
.Lfunc_end0:
.L_simem_size_0:
called_computation.2_lowered:
.L_overlay_start_0:
0x88: {  	s2 =	sld [smem:$0x3FD9]  }
0x89: {  	s3 =	sld [smem:$0x3FFE];
	_ =	sdelay $0x1  }
0x8a: {  	s1 =	srdreg.scid  }
0x8b: {  	s0 =	sand.u32 $0x1, s1  }
0x8c: {  	s16 =	sshll.u32 s0, $0xA;
	s2 =	sadd.s32 s3, s2  }
0x8d: {  	s2 =	sadd.s32 s2, s16  }
0x8e: {  	[smem:$0x3FBF] =	sst s2  }
0x8f: {  	_ = 	snop  }
0x90: {  	(tm) =	ssettm $0x1  }
0x91: {  	s17 =	sld [smem:$0x3FFB];
	_ =	sdelay $0x3  }
0x92: {  	_ =	strace s17  }
0x93: {  	s2 =	sld [smem:$0x3FFC];
	_ =	sdelay $0x3  }
0x94: {  	_ =	strace s2  }
0x95: {  	s2 =	sld [smem:$0x3FFD];
	_ =	sdelay $0x3  }
0x96: {  	_ =	strace s2  }
0x97: {  	_ =	strace $0x8FFFFFFF  }
0x98: {  	s18 =	sld [smem:$0x3FDB];
	_ =	sdelay $0x1  }
0x99: {  	s19 =	simm.s32 $_scs_section_size  }
0x9a: {  	s4 =	simm.s32 $_size__tile_overlayer_lowered;
	s5 =	simm.s32 $_tile_overlayer_lowered  }
0x9b: {  	s22 =	simm.s32 $0x1BFF;
	s21 =	sshll.u32 s5, $0x1;
	s2 =	sadd.s32 s19, s18  }
0x9c: {  	s6 =	simm.s32 $0x0;
	s20 =	sshll.u32 s4, $0x1;
	s4 =	sadd.s32 s21, s2  }
0x9d: {  	[timem:s6], [sflag:s22] =	dma.local [hbm:s4], s20  }
0x9e: {  	_ =	swait.ge [sflag:s22], s20  }
0x9f: {  	s3 =	ssub.s32 $0x0, s20;
	[sflag:s22] =	ssyncset.done $0x0  }
0xa0: {  	[sflag:s22] =	ssyncadd.s32 s3;
	_ =	sdelay $0x1  }
0xa1: {  	s23 =	simm.s32 $0x1B8B  }
0xa2: {  	_ =	swait.ge [sflag:s23], $0x1  }
0xa3: {  	[sflag:s23] =	ssyncset.done $0x0  }
0xa4: {  	s25 =	simm.s32 $0x1B8E;
	s24 =	sld [smem:$0x3FFE];
	[sflag:s23] =	ssyncadd.s32 $0xFFFFFFFF  }
0xa5: {  	s26 =	simm.s32 $execute0_lowered;
	[smem:$0x3FD2] =	sst s25  }
0xa6: {  	s4 =	sshll.u32 s26, $0x1;
	_ =	strace $0x8000004C;
	[dreg:$0x1] =	wrdreg $0xFFFFFFFF  }
0xa7: {  	s28 =	simm.s32 $_size_execute0_lowered;
	s2 =	sadd.s32 s2, s4;
	[dreg:$0x0] =	wrdreg $0x0  }
0xa8: {  	s4 =	sshll.u32 s28, $0x1;
	[dreg:$0x2] =	wrdreg s2  }
0xa9: {  	[dreg:$0x3] =	wrdreg s4  }
0xaa: {  	[dreg:$0x4] =	wrdreg $0xC0  }
0xab: {  	_ =	task [dreg:s6], $0x5FFFF  }
0xac: {  	[dreg:$0x1] =	wrdreg $0xFFFFFFFF  }
0xad: {  	[dreg:$0x0] =	wrdreg $0x60  }
0xae: {  	[dreg:$0x2] =	wrdreg s24  }
0xaf: {  	[dreg:$0x3] =	wrdreg $0x0  }
0xb0: {  	[dreg:$0x4] =	wrdreg $0x9  }
0xb1: {  	_ =	task.clear_ibuf [dreg:s6], $0x5FFFF;
	_ =	strace $0x9000004C  }
0xb2: {  	s29 =	simm.s32 $0x9;
	_ =	strace $0x8000004E  }
0xb3: {  	_ =	swait.ge [sflag:s29], $0x1  }
0xb4: {  	[sflag:s29] =	ssyncadd.s32 $0xFFFFFFFF  }
0xb5: {  	_ =	strace $0x9000004E  }
0xb6: {  	_ =	sfence  }
0xb7: {  	s30 =	sld [smem:$0x0];
	_ =	sdelay $0x2  }
0xb8: {  	s31 =	sshll.u32 s1, $0xD;
	s1 =	sshrl.u32 s1, $0x2  }
0xb9: {  	s3 =	sand.u32 $0x4000, s31;
	s1 =	sadd.s32 s1, s30  }
0xba: {  	s0 =	sor.u32 s3, s0;
	s1 =	sshll.u32 s1, $0x11  }
0xbb: {  	s0 =	sor.u32 s1, s0  }
0xbc: {  	s0 =	sadd.s32 $0x8F2B, s0  }
0xbd: {  	[sflag:s0] =	ssyncadd.remote.s32 $0x1  }
0xbe: {  	_ =	sfence.sel $0xFFFF  }
0xbf: {  	[dreg:$0x0] =	wrdreg $0xFFFFFFFF;
	(pc) =	sbr.abs _section_cstart, $3  }
0xc0: {  	[dreg:$0x1] =	wrdreg $0xFFFFFFFF  }
0xc1: {  	_ =	task.clear_ibuf [dreg:s6], $0x2FFFF;
	_ =	strace $0x9FFFFFFF  }
0xc2: {  	(tm) =	ssettm $0x7FFFFFFF  }
0xc3: {  	_ =	shalt  }
tec
execute0_lowered:
.L_overlay_start_1:
0x0: {  	(tag) =	ssettag $0x1  }
0x1: {  	s0 =	rddreg [dreg:$0x0]  }
0x2: {  	s1 =	rddreg [dreg:$0x1];
	s2 =	srdreg.scid  }
0x3: {  	s3 =	simm.s32 $0x0;
	s8 =	stileid.u32;
	s16 =	simm.s32 $0x16800  }
0x4: {  	s17 =	simm.s32 $0x5;
	s18 =	simm.s32 $0x14000;
	s19 =	simm.s32 $0x15400  }
0x5: {  	s20 =	simm.s32 $0x80;
	s28 =	simm.s32 $0x15480;
	s29 =	simm.s32 $0x4  }
0x6: {  	s30 =	simm.s32 $0x14180;
	s31 =	simm.s32 $0x15500;
	s2 =	sand.u32 $0x1, s2  }
0x7: {  	[smem:$0x7FF] =	sst s3;
	s6 =	smul.u32 $0x14000, s8;
	s4 =	sadd.s32 $0x18600, s0  }
0x8: {  	s21 =	smul.u32 $0x50000, s8;
	s14 =	sadd.s32 $0xE600, s0;
	s15 =	sadd.s32 $0x4600, s0  }
0x9: {  	s5 =	smul.u32 $0x140000, s2;
	_ =	strace $0x8000004D;
	s7 =	ssub.s32 $0x2, s2  }
0xa: {  	s2 =	sshll.u32 s2, $0x4;
	s22 =	sshrl.u32 s21, $0x2;
	s23 =	sshrl.u32 s7, $0x1  }
0xb: {  	s2 =	sor.u32 s8, s2;
	s21 =	simm.s32 $0x1;
	s5 =	sadd.s32 s6, s5  }
0xc: {  	s6 =	ssub.s32 s7, s23;
	s2 =	smul.u32 $0x500, s2;
	s5 =	sshrl.u32 s5, $0x3  }
0xd: {  	s23 =	simm.s32 $0x1A800;
	s11 =	smax.u32 s6, $0x1;
	s0 =	sadd.s32 s5, s0  }
0xe: {  	s5 =	sadd.s32 s22, s1;
	s12 =	sadd.s32 s14, s2;
	s13 =	sadd.s32 s15, s2  }
0xf: {  	s26 =	sadd.s32 $0x280, s2;
	s22 =	simm.s32 $0x14080;
	s24 =	sadd.s32 $0x4000, s5  }
0x10: {  	s25 =	sadd.s32 $0x8000, s5;
	s8 =	sadd.s32 $0xC000, s5;
	s9 =	sadd.s32 $0x10000, s5  }
0x11: {  	s10 =	sadd.s32 $0x40600, s0;
	s14 =	sadd.s32 s14, s26;
	s15 =	sadd.s32 s15, s26  }
0x12: {  	s26 =	simm.s32 $0x14100;
	s0 =	simm.s32 $0x0;
	[dreg:$0x3] =	wrdreg s24  }
0x13: {  	v0 =	vimm.f32 $0.0e+00;
	[dreg:$0x4] =	wrdreg s25;
	s24 =	simm.s32 $0x2;
	s25 =	simm.s32 $0x3  }
.LBB2_1:
0x14: {  	s2 =	simm.s32 $0x0;
	s6 =	simm.s32 $0x200  }
.LBB2_2:
0x15: {  	p0 =	sne.s32 s6, $0xFE00;
	[tilespmem:s2+$0x16870] =	vst v0  }
0x16: {  	[tilespmem:s2+$0x16800] =	vst v0  }
0x17: {  	[tilespmem:s2+$0x16810] =	vst v0  }
.Ltmp0:
0x18: {  	[tilespmem:s2+$0x16820] =	vst v0;
	(pc) =	sbr.rel @p0 .LBB2_2-.Ltmp0, $4  }
0x19: {  	[tilespmem:s2+$0x16830] =	vst v0  }
0x1a: {  	[tilespmem:s2+$0x16840] =	vst v0  }
0x1b: {  	[tilespmem:s2+$0x16850] =	vst v0  }
0x1c: {  	[tilespmem:s2+$0x16860] =	vst v0;
	s2 =	sshra.s32 s6, $0x2;
	s6 =	sadd.s32 $0x200, s6  }
0x1d: {  	[tilespmem:s2+$0x16870] =	vst v0  }
0x1e: {  	[tilespmem:s2+$0x16800] =	vst v0  }
0x1f: {  	[tilespmem:s2+$0x16810] =	vst v0  }
0x20: {  	[tilespmem:s2+$0x16820] =	vst v0  }
0x21: {  	[tilespmem:s2+$0x16830] =	vst v0  }
0x22: {  	[tilespmem:s2+$0x16840] =	vst v0  }
0x23: {  	[tilespmem:s2+$0x16850] =	vst v0  }
0x24: {  	[tilespmem:s2+$0x16860] =	vst v0  }
0x25: {  	[spmem:s5] =	stream.linear.scatter [tilespmem:s16], [sflag:$0x5], $0x4000, $0x38;
	[tilespmem:$0x1E800] =	vst v63  }
0x26: {  	_ =	swait.ge [sflag:s17], $0x4000  }
0x27: {  	[sflag:s17] =	ssyncset.done $0x0  }
0x28: {  	s6 =	rddreg [dreg:$0x3];
	[sflag:s17] =	ssyncadd.s32 $0xFFFFC000  }
0x29: {  	[spmem:s6] =	stream.linear.scatter [tilespmem:s16], [sflag:$0x5], $0x4000, $0x38;
	[tilespmem:$0x1E800] =	vst v63  }
0x2a: {  	_ =	swait.ge [sflag:s17], $0x4000  }
0x2b: {  	[sflag:s17] =	ssyncset.done $0x0  }
0x2c: {  	s7 =	rddreg [dreg:$0x4];
	[sflag:s17] =	ssyncadd.s32 $0xFFFFC000  }
0x2d: {  	[spmem:s7] =	stream.linear.scatter [tilespmem:s16], [sflag:$0x5], $0x4000, $0x38;
	[tilespmem:$0x1E800] =	vst v63  }
0x2e: {  	_ =	swait.ge [sflag:s17], $0x4000  }
0x2f: {  	[sflag:s17] =	ssyncset.done $0x0  }
0x30: {  	[sflag:s17] =	ssyncadd.s32 $0xFFFFC000  }
0x31: {  	[spmem:s8] =	stream.linear.scatter [tilespmem:s16], [sflag:$0x5], $0x4000, $0x38;
	[tilespmem:$0x1E800] =	vst v63  }
0x32: {  	_ =	swait.ge [sflag:s17], $0x4000  }
0x33: {  	[sflag:s17] =	ssyncset.done $0x0  }
0x34: {  	[sflag:s17] =	ssyncadd.s32 $0xFFFFC000  }
0x35: {  	[spmem:s9] =	stream.linear.scatter [tilespmem:s16], [sflag:$0x5], $0x4000, $0x38;
	[tilespmem:$0x1E800] =	vst v63  }
0x36: {  	_ =	swait.ge [sflag:s17], $0x4000  }
0x37: {  	[sflag:s17] =	ssyncset.done $0x0  }
0x38: {  	[sflag:s17] =	ssyncadd.s32 $0xFFFFC000  }
0x39: {  	[bflag:$0x0] =	sbarrier.arrive $0xFFFF  }
0x3a: {  	[tilespmem:s18], [sflag:$0x5] =	stream.linear.gather [hbm4b:s12+s3], $0x1400, $0x38;
	[tilespmem:$0x1E800] =	vst v63  }
0x3b: {  	_ =	swait.ge [sflag:s17], $0x1400  }
0x3c: {  	[sflag:s17] =	ssyncset.done $0x0  }
0x3d: {  	[sflag:s17] =	ssyncadd.s32 $0xFFFFEC00  }
0x3e: {  	[tilespmem:s19], [sflag:$0x5] =	stream.linear.gather [hbm4b:s13+s3], $0x1400, $0x38;
	[tilespmem:$0x1E800] =	vst v63  }
0x3f: {  	_ =	swait.ge [sflag:s17], $0x1400  }
0x40: {  	[sflag:s17] =	ssyncset.done $0x0  }
0x41: {  	[sflag:s17] =	ssyncadd.s32 $0xFFFFEC00  }
0x42: {  	[tilespmem:s16], [sflag:$0x1] =	stream.indirect.gather [hbm4b:s4+s20], $0x80, s18, s20, $0xb8;
	[tilespmem:$0x1E800] =	vst v63  }
0x43: {  	_ =	swait.ge [sflag:s21], $0x4000  }
0x44: {  	[sflag:s21] =	ssyncset.done $0x0  }
0x45: {  	[sflag:s21] =	ssyncadd.s32 $0xFFFFC000  }
0x46: {  	[tilespmem:s23], [sflag:$0x2] =	stream.indirect.gather [hbm4b:s4+s20], $0x80, s22, s20, $0xb8;
	[tilespmem:$0x1E800] =	vst v63  }
0x47: {  	_ = 	snop  }
0x48: {  	[spmem:s1] =	stream.indirect.scatter.add.f32 [tilespmem:s16], [sflag:$0x3], $0x80, s19, s20, $0xb8;
	[tilespmem:$0x1E800] =	vst v63  }
0x49: {  	_ =	swait.ge [sflag:s24], $0x4000  }
0x4a: {  	[sflag:s24] =	ssyncset.done $0x0  }
0x4b: {  	[sflag:s24] =	ssyncadd.s32 $0xFFFFC000  }
0x4c: {  	_ =	swait.ge [sflag:s25], $0x4000  }
0x4d: {  	[sflag:s25] =	ssyncset.done $0x0  }
0x4e: {  	[sflag:s25] =	ssyncadd.s32 $0xFFFFC000  }
0x4f: {  	[tilespmem:s16], [sflag:$0x1] =	stream.indirect.gather [hbm4b:s4+s20], $0x80, s26, s20, $0xb8;
	[tilespmem:$0x1E800] =	vst v63  }
0x50: {  	_ = 	snop  }
0x51: {  	[spmem:s1] =	stream.indirect.scatter.add.f32 [tilespmem:s23], [sflag:$0x4], $0x80, s28, s20, $0xb8;
	[tilespmem:$0x1E800] =	vst v63  }
0x52: {  	_ =	swait.ge [sflag:s21], $0x4000  }
0x53: {  	[sflag:s21] =	ssyncset.done $0x0  }
0x54: {  	[sflag:s21] =	ssyncadd.s32 $0xFFFFC000  }
0x55: {  	_ =	swait.ge [sflag:s29], $0x4000  }
0x56: {  	[sflag:s29] =	ssyncset.done $0x0  }
0x57: {  	[sflag:s29] =	ssyncadd.s32 $0xFFFFC000  }
0x58: {  	[tilespmem:s23], [sflag:$0x2] =	stream.indirect.gather [hbm4b:s4+s20], $0x80, s30, s20, $0xb8;
	[tilespmem:$0x1E800] =	vst v63  }
0x59: {  	_ = 	snop  }
0x5a: {  	[spmem:s1] =	stream.indirect.scatter.add.f32 [tilespmem:s16], [sflag:$0x3], $0x80, s31, s20, $0xb8;
	[tilespmem:$0x1E800] =	vst v63  }
0x5b: {  	_ =	swait.ge [sflag:s24], $0x4000  }
0x5c: {  	[sflag:s24] =	ssyncset.done $0x0  }
0x5d: {  	[sflag:s24] =	ssyncadd.s32 $0xFFFFC000  }
0x5e: {  	_ =	swait.ge [sflag:s25], $0x4000  }
0x5f: {  	[sflag:s25] =	ssyncset.done $0x0  }
0x60: {  	s6 =	simm.s32 $0x14200;
	[sflag:s25] =	ssyncadd.s32 $0xFFFFC000  }
0x61: {  	[tilespmem:s16], [sflag:$0x1] =	stream.indirect.gather [hbm4b:s4+s20], $0x80, s6, s20, $0xb8;
	[tilespmem:$0x1E800] =	vst v63  }
0x62: {  	s7 =	simm.s32 $0x15580  }
0x63: {  	[spmem:s1] =	stream.indirect.scatter.add.f32 [tilespmem:s23], [sflag:$0x4], $0x80, s7, s20, $0xb8;
	[tilespmem:$0x1E800] =	vst v63  }
0x64: {  	_ =	swait.ge [sflag:s21], $0x4000  }
0x65: {  	[sflag:s21] =	ssyncset.done $0x0  }
0x66: {  	[sflag:s21] =	ssyncadd.s32 $0xFFFFC000  }
0x67: {  	_ =	swait.ge [sflag:s29], $0x4000  }
0x68: {  	[sflag:s29] =	ssyncset.done $0x0  }
0x69: {  	s6 =	simm.s32 $0x14280;
	[sflag:s29] =	ssyncadd.s32 $0xFFFFC000  }
0x6a: {  	[tilespmem:s23], [sflag:$0x2] =	stream.indirect.gather [hbm4b:s4+s20], $0x80, s6, s20, $0xb8;
	[tilespmem:$0x1E800] =	vst v63  }
0x6b: {  	s7 =	simm.s32 $0x15600  }
0x6c: {  	[spmem:s1] =	stream.indirect.scatter.add.f32 [tilespmem:s16], [sflag:$0x3], $0x80, s7, s20, $0xb8;
	[tilespmem:$0x1E800] =	vst v63  }
0x6d: {  	_ =	swait.ge [sflag:s24], $0x4000  }
0x6e: {  	s2 =	simm.s32 $0xFFFFBC00;
	[sflag:s24] =	ssyncset.done $0x0  }
.LBB2_4:
0x6f: {  	[sflag:s24] =	ssyncadd.s32 $0xFFFFC000;
	s6 =	smov.u32 s2;
	s2 =	sadd.s32 $0x400, s2  }
0x70: {  	p0 =	sne.s32 s2, $0x0  }
0x71: {  	_ =	swait.ge [sflag:s25], $0x4000  }
0x72: {  	s6 =	sshra.s32 s6, $0x2;
	[sflag:s25] =	ssyncset.done $0x0  }
0x73: {  	s7 =	sadd.s32 $0x15400, s6;
	[sflag:s25] =	ssyncadd.s32 $0xFFFFC000  }
0x74: {  	[tilespmem:s16], [sflag:$0x1] =	stream.indirect.gather [hbm4b:s4+s20], $0x80, s7, s20, $0xb8;
	[tilespmem:$0x1E800] =	vst v63  }
0x75: {  	s7 =	sadd.s32 $0x16780, s6  }
0x76: {  	[spmem:s1] =	stream.indirect.scatter.add.f32 [tilespmem:s23], [sflag:$0x4], $0x80, s7, s20, $0xb8;
	[tilespmem:$0x1E800] =	vst v63  }
0x77: {  	_ =	swait.ge [sflag:s21], $0x4000  }
0x78: {  	[sflag:s21] =	ssyncset.done $0x0  }
0x79: {  	[sflag:s21] =	ssyncadd.s32 $0xFFFFC000  }
0x7a: {  	_ =	swait.ge [sflag:s29], $0x4000  }
0x7b: {  	[sflag:s29] =	ssyncset.done $0x0  }
0x7c: {  	s7 =	sadd.s32 $0x15480, s6;
	[sflag:s29] =	ssyncadd.s32 $0xFFFFC000  }
0x7d: {  	[tilespmem:s23], [sflag:$0x2] =	stream.indirect.gather [hbm4b:s4+s20], $0x80, s7, s20, $0xb8;
	[tilespmem:$0x1E800] =	vst v63  }
.Ltmp1:
0x7e: {  	_ = 	snop;
	(pc) =	sbr.rel @p0 .LBB2_4-.Ltmp1, $4  }
0x7f: {  	s6 =	sadd.s32 $0x16800, s6  }
0x80: {  	[spmem:s1] =	stream.indirect.scatter.add.f32 [tilespmem:s16], [sflag:$0x3], $0x80, s6, s20, $0xb8;
	[tilespmem:$0x1E800] =	vst v63  }
0x81: {  	_ =	swait.ge [sflag:s24], $0x4000  }
0x82: {  	[sflag:s24] =	ssyncset.done $0x0  }
0x83: {  	s2 =	sshra.s32 s2, $0x2  }
0x84: {  	[sflag:s24] =	ssyncadd.s32 $0xFFFFC000;
	s2 =	sadd.s32 $0x16780, s2  }
0x85: {  	[spmem:s1] =	stream.indirect.scatter.add.f32 [tilespmem:s23], [sflag:$0x4], $0x80, s2, s20, $0xb8;
	[tilespmem:$0x1E800] =	vst v63  }
0x86: {  	_ =	swait.ge [sflag:s25], $0x4000  }
0x87: {  	[sflag:s25] =	ssyncset.done $0x0  }
0x88: {  	[sflag:s25] =	ssyncadd.s32 $0xFFFFC000  }
0x89: {  	_ =	swait.ge [sflag:s29], $0x4000  }
0x8a: {  	[sflag:s29] =	ssyncset.done $0x0  }
0x8b: {  	[sflag:s29] =	ssyncadd.s32 $0xFFFFC000  }
0x8c: {  	[tilespmem:s18], [sflag:$0x5] =	stream.linear.gather [hbm4b:s14+s3], $0x1400, $0x38;
	[tilespmem:$0x1E800] =	vst v63  }
0x8d: {  	_ =	swait.ge [sflag:s17], $0x1400  }
0x8e: {  	[sflag:s17] =	ssyncset.done $0x0  }
0x8f: {  	[sflag:s17] =	ssyncadd.s32 $0xFFFFEC00  }
0x90: {  	[tilespmem:s19], [sflag:$0x5] =	stream.linear.gather [hbm4b:s15+s3], $0x1400, $0x38;
	[tilespmem:$0x1E800] =	vst v63  }
0x91: {  	_ =	swait.ge [sflag:s17], $0x1400  }
0x92: {  	[sflag:s17] =	ssyncset.done $0x0  }
0x93: {  	[sflag:s17] =	ssyncadd.s32 $0xFFFFEC00  }
0x94: {  	[tilespmem:s16], [sflag:$0x1] =	stream.indirect.gather [hbm4b:s4+s20], $0x80, s18, s20, $0xb8;
	[tilespmem:$0x1E800] =	vst v63  }
0x95: {  	_ =	swait.ge [sflag:s21], $0x4000  }
0x96: {  	[sflag:s21] =	ssyncset.done $0x0  }
0x97: {  	[sflag:s21] =	ssyncadd.s32 $0xFFFFC000  }
0x98: {  	[tilespmem:s23], [sflag:$0x2] =	stream.indirect.gather [hbm4b:s4+s20], $0x80, s22, s20, $0xb8;
	[tilespmem:$0x1E800] =	vst v63  }
0x99: {  	_ = 	snop  }
0x9a: {  	[spmem:s1] =	stream.indirect.scatter.add.f32 [tilespmem:s16], [sflag:$0x3], $0x80, s19, s20, $0xb8;
	[tilespmem:$0x1E800] =	vst v63  }
0x9b: {  	_ =	swait.ge [sflag:s24], $0x4000  }
0x9c: {  	[sflag:s24] =	ssyncset.done $0x0  }
0x9d: {  	[sflag:s24] =	ssyncadd.s32 $0xFFFFC000  }
0x9e: {  	_ =	swait.ge [sflag:s25], $0x4000  }
0x9f: {  	[sflag:s25] =	ssyncset.done $0x0  }
0xa0: {  	[sflag:s25] =	ssyncadd.s32 $0xFFFFC000  }
0xa1: {  	[tilespmem:s16], [sflag:$0x1] =	stream.indirect.gather [hbm4b:s4+s20], $0x80, s26, s20, $0xb8;
	[tilespmem:$0x1E800] =	vst v63  }
0xa2: {  	_ = 	snop  }
0xa3: {  	[spmem:s1] =	stream.indirect.scatter.add.f32 [tilespmem:s23], [sflag:$0x4], $0x80, s28, s20, $0xb8;
	[tilespmem:$0x1E800] =	vst v63  }
0xa4: {  	_ =	swait.ge [sflag:s21], $0x4000  }
0xa5: {  	[sflag:s21] =	ssyncset.done $0x0  }
0xa6: {  	[sflag:s21] =	ssyncadd.s32 $0xFFFFC000  }
0xa7: {  	_ =	swait.ge [sflag:s29], $0x4000  }
0xa8: {  	[sflag:s29] =	ssyncset.done $0x0  }
0xa9: {  	[sflag:s29] =	ssyncadd.s32 $0xFFFFC000  }
0xaa: {  	[tilespmem:s23], [sflag:$0x2] =	stream.indirect.gather [hbm4b:s4+s20], $0x80, s30, s20, $0xb8;
	[tilespmem:$0x1E800] =	vst v63  }
0xab: {  	_ = 	snop  }
0xac: {  	[spmem:s1] =	stream.indirect.scatter.add.f32 [tilespmem:s16], [sflag:$0x3], $0x80, s31, s20, $0xb8;
	[tilespmem:$0x1E800] =	vst v63  }
0xad: {  	_ =	swait.ge [sflag:s24], $0x4000  }
0xae: {  	[sflag:s24] =	ssyncset.done $0x0  }
0xaf: {  	[sflag:s24] =	ssyncadd.s32 $0xFFFFC000  }
0xb0: {  	_ =	swait.ge [sflag:s25], $0x4000  }
0xb1: {  	[sflag:s25] =	ssyncset.done $0x0  }
0xb2: {  	s6 =	simm.s32 $0x14200;
	[sflag:s25] =	ssyncadd.s32 $0xFFFFC000  }
0xb3: {  	[tilespmem:s16], [sflag:$0x1] =	stream.indirect.gather [hbm4b:s4+s20], $0x80, s6, s20, $0xb8;
	[tilespmem:$0x1E800] =	vst v63  }
0xb4: {  	s7 =	simm.s32 $0x15580  }
0xb5: {  	[spmem:s1] =	stream.indirect.scatter.add.f32 [tilespmem:s23], [sflag:$0x4], $0x80, s7, s20, $0xb8;
	[tilespmem:$0x1E800] =	vst v63  }
0xb6: {  	_ =	swait.ge [sflag:s21], $0x4000  }
0xb7: {  	[sflag:s21] =	ssyncset.done $0x0  }
0xb8: {  	[sflag:s21] =	ssyncadd.s32 $0xFFFFC000  }
0xb9: {  	_ =	swait.ge [sflag:s29], $0x4000  }
0xba: {  	[sflag:s29] =	ssyncset.done $0x0  }
0xbb: {  	s6 =	simm.s32 $0x14280;
	[sflag:s29] =	ssyncadd.s32 $0xFFFFC000  }
0xbc: {  	[tilespmem:s23], [sflag:$0x2] =	stream.indirect.gather [hbm4b:s4+s20], $0x80, s6, s20, $0xb8;
	[tilespmem:$0x1E800] =	vst v63  }
0xbd: {  	s7 =	simm.s32 $0x15600  }
0xbe: {  	[spmem:s1] =	stream.indirect.scatter.add.f32 [tilespmem:s16], [sflag:$0x3], $0x80, s7, s20, $0xb8;
	[tilespmem:$0x1E800] =	vst v63  }
0xbf: {  	_ =	swait.ge [sflag:s24], $0x4000  }
0xc0: {  	s2 =	simm.s32 $0xFFFFBC00;
	[sflag:s24] =	ssyncset.done $0x0  }
.LBB2_6:
0xc1: {  	[sflag:s24] =	ssyncadd.s32 $0xFFFFC000;
	s6 =	smov.u32 s2;
	s2 =	sadd.s32 $0x400, s2  }
0xc2: {  	p0 =	sne.s32 s2, $0x0  }
0xc3: {  	_ =	swait.ge [sflag:s25], $0x4000  }
0xc4: {  	s6 =	sshra.s32 s6, $0x2;
	[sflag:s25] =	ssyncset.done $0x0  }
0xc5: {  	s7 =	sadd.s32 $0x15400, s6;
	[sflag:s25] =	ssyncadd.s32 $0xFFFFC000  }
0xc6: {  	[tilespmem:s16], [sflag:$0x1] =	stream.indirect.gather [hbm4b:s4+s20], $0x80, s7, s20, $0xb8;
	[tilespmem:$0x1E800] =	vst v63  }
0xc7: {  	s7 =	sadd.s32 $0x16780, s6  }
0xc8: {  	[spmem:s1] =	stream.indirect.scatter.add.f32 [tilespmem:s23], [sflag:$0x4], $0x80, s7, s20, $0xb8;
	[tilespmem:$0x1E800] =	vst v63  }
0xc9: {  	_ =	swait.ge [sflag:s21], $0x4000  }
0xca: {  	[sflag:s21] =	ssyncset.done $0x0  }
0xcb: {  	[sflag:s21] =	ssyncadd.s32 $0xFFFFC000  }
0xcc: {  	_ =	swait.ge [sflag:s29], $0x4000  }
0xcd: {  	[sflag:s29] =	ssyncset.done $0x0  }
0xce: {  	s7 =	sadd.s32 $0x15480, s6;
	[sflag:s29] =	ssyncadd.s32 $0xFFFFC000  }
0xcf: {  	[tilespmem:s23], [sflag:$0x2] =	stream.indirect.gather [hbm4b:s4+s20], $0x80, s7, s20, $0xb8;
	[tilespmem:$0x1E800] =	vst v63  }
.Ltmp2:
0xd0: {  	_ = 	snop;
	(pc) =	sbr.rel @p0 .LBB2_6-.Ltmp2, $4  }
0xd1: {  	s6 =	sadd.s32 $0x16800, s6  }
0xd2: {  	[spmem:s1] =	stream.indirect.scatter.add.f32 [tilespmem:s16], [sflag:$0x3], $0x80, s6, s20, $0xb8;
	[tilespmem:$0x1E800] =	vst v63  }
0xd3: {  	_ =	swait.ge [sflag:s24], $0x4000  }
0xd4: {  	[sflag:s24] =	ssyncset.done $0x0  }
0xd5: {  	s2 =	sshra.s32 s2, $0x2  }
0xd6: {  	[sflag:s24] =	ssyncadd.s32 $0xFFFFC000;
	s2 =	sadd.s32 $0x16780, s2  }
0xd7: {  	[spmem:s1] =	stream.indirect.scatter.add.f32 [tilespmem:s23], [sflag:$0x4], $0x80, s2, s20, $0xb8;
	[tilespmem:$0x1E800] =	vst v63  }
0xd8: {  	_ =	swait.ge [sflag:s25], $0x4000  }
0xd9: {  	[sflag:s25] =	ssyncset.done $0x0  }
0xda: {  	[sflag:s25] =	ssyncadd.s32 $0xFFFFC000  }
0xdb: {  	s7 =	stileid.u32;
	_ =	swait.ge [sflag:s29], $0x4000  }
0xdc: {  	s6 =	sshrl.u32 s5, $0x3;
	s0 =	sadd.s32 $0x1, s0;
	[sflag:s29] =	ssyncset.done $0x0  }
0xdd: {  	p0 =	sne.s32 s0, s11;
	s2 =	sshll.u32 s7, $0x6;
	[sflag:s29] =	ssyncadd.s32 $0xFFFFC000  }
.Ltmp3:
0xde: {  	s2 =	sor.u32 $0x1C05, s2;
	[bflag:$0x0] =	sbarrier.arrive $0xFFFF;
	(pc) =	sbr.rel @p0 .LBB2_1-.Ltmp3, $4  }
0xdf: {  	[hbm:s10], [sflag:s2] =	dma.local [spmem:s6], $0x2800  }
0xe0: {  	_ =	swait.ge [sflag:s17], $0x2800  }
0xe1: {  	[sflag:s17] =	ssyncset.done $0x0  }
0xe2: {  	[sflag:s17] =	ssyncadd.s32 $0xFFFFD800  }
0xe3: {  	_ =	sfence.sel $0x180000  }
0xe4: {  	[bflag:$0x0] =	sbarrier.arrive $0xFFFF  }
0xe5: {  	_ =	strace $0x9000004D  }
0xe6: {  	s0 =	stileid.u32;
	[bflag:$0x2] =	sbarrier.arrive $0xFFFF  }
0xe7: {  	p0 =	sne.s32 s0, $0x0;
	s0 =	rddreg [dreg:$0x2]  }
0xe8: {  	s0 =	sadd.s32 @!p0 $0x100000, s0  }
0xe9: {  	[sflag:s0] =	ssyncadd.tile.s32 @!p0 $0x1;
	_ =	shalt  }
.Lfunc_end2:
_tile_overlayer_lowered:
.L_overlay_start_2:
0xea: {  	(tag) =	ssettag $0x2  }
0xeb: {  	s0 =	rddreg [dreg:$0x0];
	s2 =	stileid.u32  }
0xec: {  	s1 =	rddreg [dreg:$0x1];
	p0 =	sne.s32 s2, $0x0  }
0xed: {  	s3 =	rddreg [dreg:$0x2];
	[bflag:$0x3] =	sbarrier.arrive $0xFFFF;
	s2 =	simm.s32 @!p0 $0x1C05  }
0xee: {  	[timem:s3], [sflag:s2] =	dma.local @!p0 [hbm:s0], s1  }
0xef: {  	s0 =	simm.s32 @!p0 $0x5  }
0xf0: {  	_ =	swait.ge @!p0 [sflag:s0], s1  }
0xf1: {  	s1 =	ssub.s32 @!p0 $0x0, s1;
	[sflag:s0] =	ssyncset.done @!p0 $0x0  }
0xf2: {  	[sflag:s0] =	ssyncadd.s32 @!p0 s1  }
0xf3: {  	[bflag:$0x3] =	sbarrier.arrive $0xFFFF  }
0xf4: {  	_ =	shalt  }

// kernel: kernel.25.cloned.1.call-start
scs
__scs_entry_jumppad:
0x0: {  	(pc) =	sbr.rel $0x88, $3  }
0x1: {  	(tag) =	ssettag $0x0;
	lr =	simm.s32 $0x1  }
0x2: {  	[smem:$0x3F98] =	sst lr;
	_ =	strace $0xD0000000  }
0x3: {  	_ = 	snop  }
0x4: {  	_ = 	snop  }
0x5: {  	_ = 	snop  }
0x6: {  	_ = 	snop  }
0x7: {  	_ = 	snop  }
__scs_overlays_trampoline_lowered:
0x8: {  	[smem:$0x3FA7] =	sst s0  }
0x9: {  	[smem:$0x3FA8] =	sst s1  }
0xa: {  	[smem:$0x3FA9] =	sst s2  }
0xb: {  	[smem:$0x3FAA] =	sst s3  }
0xc: {  	[smem:$0x3FAB] =	sst s4  }
0xd: {  	[smem:$0x3FAC] =	sst s5  }
0xe: {  	[smem:$0x3FAD] =	sst s6  }
0xf: {  	[smem:$0x3FAE] =	sst s7  }
0x10: {  	[smem:$0x3FAF] =	sst s8  }
0x11: {  	[smem:$0x3FB0] =	sst s9;
	s0 =	simm.s32 @!p0 $0x0  }
0x12: {  	s1 =	sld [smem:$0x3F96];
	s0 =	simm.s32 @p0 $0x1  }
0x13: {  	[smem:$0x3FB1] =	sst s0;
	s0 =	simm.s32 @!p1 $0x0  }
0x14: {  	s2 =	sld [smem:$0x3F95];
	s0 =	simm.s32 @p1 $0x1  }
0x15: {  	[smem:$0x3FB2] =	sst s0;
	s0 =	simm.s32 @!p2 $0x0  }
0x16: {  	s3 =	sld [smem:$0x3FDB];
	s0 =	simm.s32 @p2 $0x1  }
0x17: {  	s4 =	simm.s32 $0x1BF5;
	[smem:$0x3FB4] =	sst s0  }
0x18: {  	s0 =	sld [smem:$0x3F97];
	_ =	swait.ge [sflag:s4], $0x0  }
0x19: {  	s7 =	sld [smem:$0x3F98]  }
0x1a: {  	s8 =	sadd.s32 $0xFFFFE003, lr  }
0x1b: {  	s9 =	sadd.s32 $0xFFFFFEF7, lr;
	s5 =	simm.s32 $0xFFFFFFFF;
	p2 =	slt.u32 s8, $0xFFFFF086  }
0x1c: {  	p1 =	slt.u32 s9, $0xF7A;
	s5 =	simm.s32 @!p2 $0x0  }
0x1d: {  	s5 =	simm.s32 @p1 $0x1;
	p0 =	seq.s32 s7, s2  }
0x1e: {  	s7 =	smul.u32 @!p0 $0xF7A, s2;
	p2 =	seq.s32 @!p0 s5, $0x0  }
0x1f: {  	s9 =	smul.u32 $0xF7A, s1;
	s8 =	simm.s32 @!p0 $0x1BF5;
	p2 =	por !p2, p0  }
0x20: {  	[sflag:s8] =	ssyncset.s32 @!p0 $0xFFFFF086;
	s6 =	sadd.s32 @!p0 s3, s7;
	s7 =	simm.s32 @!p0 $0x108  }
0x21: {  	s3 =	sadd.s32 s3, s9;
	s6 =	sadd.s32 @!p0 $0x88, s6;
	s7 =	simm.s32 @p2 $0x1082  }
0x22: {  	[simem:s7], [sflag:s8] =	dma.local @!p0 [hbm:s6], $0xF7A  }
0x23: {  	s9 =	sor.u32 $0xD0000000, s2;
	s6 =	simm.s32 $0x108;
	_ =	swait.ge @!p0 [sflag:s8], $0x0  }
0x24: {  	s3 =	sadd.s32 $0x88, s3;
	s6 =	simm.s32 @!p1 $0x1082;
	[sflag:s4] =	ssyncset.s32 $0xFFFFF086  }
0x25: {  	[simem:s6], [sflag:s4] =	dma.local [hbm:s3], $0xF7A  }
0x26: {  	[smem:$0x3F98] =	sst s1;
	(tag) =	ssettag s2;
	_ =	strace s9  }
0x27: {  	s1 =	sld [smem:$0x3FA8]  }
0x28: {  	s2 =	sld [smem:$0x3FA9]  }
0x29: {  	s4 =	sld [smem:$0x3FAB]  }
0x2a: {  	p0 =	seq.s32 s5, $0x0;
	s5 =	sld [smem:$0x3FAC]  }
0x2b: {  	s6 =	sld [smem:$0x3FAD]  }
0x2c: {  	s7 =	sld [smem:$0x3FAE]  }
0x2d: {  	s3 =	simm.s32 $0x108;
	s8 =	sld [smem:$0x3FAF]  }
0x2e: {  	s3 =	simm.s32 @!p0 $0x1082;
	s9 =	sld [smem:$0x3FB0]  }
0x2f: {  	lr =	sadd.s32 s0, s3;
	s0 =	sld [smem:$0x3FA7]  }
0x30: {  	s3 =	sld [smem:$0x3FAA]  }
0x31: {  	[smem:$0x3FB3] =	sst s10  }
0x32: {  	s10 =	sld [smem:$0x3FB1];
	_ =	sdelay $0x3  }
0x33: {  	p0 =	seq.s32 s10, $0x1;
	s10 =	sld [smem:$0x3FB3];
	_ =	sdelay $0x3  }
0x34: {  	[smem:$0x3FB3] =	sst s10  }
0x35: {  	s10 =	sld [smem:$0x3FB2];
	_ =	sdelay $0x3  }
0x36: {  	p1 =	seq.s32 s10, $0x1;
	s10 =	sld [smem:$0x3FB3];
	_ =	sdelay $0x3  }
0x37: {  	[smem:$0x3FB3] =	sst s10  }
0x38: {  	s10 =	sld [smem:$0x3FB4]  }
0x39: {  	_ = 	snop;
	(pc) =	sbr.ind lr, $3  }
0x3a: {  	_ = 	snop  }
0x3b: {  	_ = 	snop  }
0x3c: {  	p2 =	seq.s32 s10, $0x1;
	s10 =	sld [smem:$0x3FB3]  }
0x3d: {  	_ =	shalt  }
0x3e: {  	_ =	shalt  }
0x3f: {  	_ =	shalt  }
0x40: {  	_ =	shalt  }
0x41: {  	_ =	shalt  }
0x42: {  	_ =	shalt  }
0x43: {  	_ =	shalt  }
0x44: {  	_ =	shalt  }
0x45: {  	_ =	shalt  }
0x46: {  	_ =	shalt  }
0x47: {  	_ =	shalt  }
0x48: {  	_ =	shalt  }
0x49: {  	_ =	shalt  }
0x4a: {  	_ =	shalt  }
0x4b: {  	_ =	shalt  }
0x4c: {  	_ =	shalt  }
0x4d: {  	_ =	shalt  }
0x4e: {  	_ =	shalt  }
0x4f: {  	_ =	shalt  }
0x50: {  	_ =	shalt  }
0x51: {  	_ =	shalt  }
0x52: {  	_ =	shalt  }
0x53: {  	_ =	shalt  }
0x54: {  	_ =	shalt  }
0x55: {  	_ =	shalt  }
0x56: {  	_ =	shalt  }
0x57: {  	_ =	shalt  }
0x58: {  	_ =	shalt  }
0x59: {  	_ =	shalt  }
0x5a: {  	_ =	shalt  }
0x5b: {  	_ =	shalt  }
0x5c: {  	_ =	shalt  }
0x5d: {  	_ =	shalt  }
0x5e: {  	_ =	shalt  }
0x5f: {  	_ =	shalt  }
0x60: {  	_ =	shalt  }
0x61: {  	_ =	shalt  }
0x62: {  	_ =	shalt  }
0x63: {  	_ =	shalt  }
0x64: {  	_ =	shalt  }
0x65: {  	_ =	shalt  }
0x66: {  	_ =	shalt  }
0x67: {  	_ =	shalt  }
0x68: {  	_ =	shalt  }
0x69: {  	_ =	shalt  }
0x6a: {  	_ =	shalt  }
0x6b: {  	_ =	shalt  }
0x6c: {  	_ =	shalt  }
0x6d: {  	_ =	shalt  }
0x6e: {  	_ =	shalt  }
0x6f: {  	_ =	shalt  }
0x70: {  	_ =	shalt  }
0x71: {  	_ =	shalt  }
0x72: {  	_ =	shalt  }
0x73: {  	_ =	shalt  }
0x74: {  	_ =	shalt  }
0x75: {  	_ =	shalt  }
0x76: {  	_ =	shalt  }
0x77: {  	_ =	shalt  }
0x78: {  	_ =	shalt  }
0x79: {  	_ =	shalt  }
0x7a: {  	_ =	shalt  }
0x7b: {  	_ =	shalt  }
0x7c: {  	_ =	shalt  }
0x7d: {  	_ =	shalt  }
0x7e: {  	_ =	shalt  }
0x7f: {  	_ =	shalt  }
0x80: {  	_ =	shalt  }
0x81: {  	_ =	shalt  }
0x82: {  	_ =	shalt  }
0x83: {  	_ =	shalt  }
0x84: {  	_ =	shalt  }
0x85: {  	_ =	shalt  }
0x86: {  	_ =	shalt  }
0x87: {  	_ =	shalt  }
.Lfunc_end0:
.L_simem_size_0:
called_computation.3_lowered:
.L_overlay_start_0:
0x88: {  	s2 =	sld [smem:$0x3FD9]  }
0x89: {  	s3 =	sld [smem:$0x3FFE];
	_ =	sdelay $0x1  }
0x8a: {  	s1 =	srdreg.scid  }
0x8b: {  	s0 =	sand.u32 $0x1, s1  }
0x8c: {  	s16 =	sshll.u32 s0, $0xA;
	s2 =	sadd.s32 s3, s2  }
0x8d: {  	s2 =	sadd.s32 s2, s16  }
0x8e: {  	[smem:$0x3FBF] =	sst s2  }
0x8f: {  	_ = 	snop  }
0x90: {  	(tm) =	ssettm $0x1  }
0x91: {  	s17 =	sld [smem:$0x3FFB];
	_ =	sdelay $0x3  }
0x92: {  	_ =	strace s17  }
0x93: {  	s2 =	sld [smem:$0x3FFC];
	_ =	sdelay $0x3  }
0x94: {  	_ =	strace s2  }
0x95: {  	s2 =	sld [smem:$0x3FFD];
	_ =	sdelay $0x3  }
0x96: {  	_ =	strace s2  }
0x97: {  	_ =	strace $0x8FFFFFFF  }
0x98: {  	s18 =	sld [smem:$0x3FDB];
	_ =	sdelay $0x1  }
0x99: {  	s19 =	simm.s32 $_scs_section_size  }
0x9a: {  	s4 =	simm.s32 $_size__tile_overlayer_lowered;
	s5 =	simm.s32 $_tile_overlayer_lowered  }
0x9b: {  	s22 =	simm.s32 $0x1BFF;
	s21 =	sshll.u32 s5, $0x1;
	s2 =	sadd.s32 s19, s18  }
0x9c: {  	s6 =	simm.s32 $0x0;
	s20 =	sshll.u32 s4, $0x1;
	s4 =	sadd.s32 s21, s2  }
0x9d: {  	[timem:s6], [sflag:s22] =	dma.local [hbm:s4], s20  }
0x9e: {  	_ =	swait.ge [sflag:s22], s20  }
0x9f: {  	s3 =	ssub.s32 $0x0, s20;
	[sflag:s22] =	ssyncset.done $0x0  }
0xa0: {  	[sflag:s22] =	ssyncadd.s32 s3;
	_ =	sdelay $0x1  }
0xa1: {  	s23 =	simm.s32 $0x1B8B  }
0xa2: {  	_ =	swait.ge [sflag:s23], $0x1  }
0xa3: {  	[sflag:s23] =	ssyncset.done $0x0  }
0xa4: {  	s25 =	simm.s32 $0x1B8E;
	s24 =	sld [smem:$0x3FFE];
	[sflag:s23] =	ssyncadd.s32 $0xFFFFFFFF  }
0xa5: {  	s26 =	simm.s32 $execute0_lowered;
	[smem:$0x3FD2] =	sst s25  }
0xa6: {  	s4 =	sshll.u32 s26, $0x1;
	_ =	strace $0x8000004F;
	[dreg:$0x1] =	wrdreg $0xFFFFFFFF  }
0xa7: {  	s28 =	simm.s32 $_size_execute0_lowered;
	s2 =	sadd.s32 s2, s4;
	[dreg:$0x0] =	wrdreg $0x0  }
0xa8: {  	s4 =	sshll.u32 s28, $0x1;
	[dreg:$0x2] =	wrdreg s2  }
0xa9: {  	[dreg:$0x3] =	wrdreg s4  }
0xaa: {  	[dreg:$0x4] =	wrdreg $0xC0  }
0xab: {  	_ =	task [dreg:s6], $0x5FFFF  }
0xac: {  	[dreg:$0x1] =	wrdreg $0xFFFFFFFF  }
0xad: {  	[dreg:$0x0] =	wrdreg $0x60  }
0xae: {  	[dreg:$0x2] =	wrdreg s24  }
0xaf: {  	[dreg:$0x3] =	wrdreg $0x0  }
0xb0: {  	[dreg:$0x4] =	wrdreg $0x9  }
0xb1: {  	_ =	task.clear_ibuf [dreg:s6], $0x5FFFF;
	_ =	strace $0x9000004F  }
0xb2: {  	s29 =	simm.s32 $0x9;
	_ =	strace $0x80000051  }
0xb3: {  	_ =	swait.ge [sflag:s29], $0x1  }
0xb4: {  	[sflag:s29] =	ssyncadd.s32 $0xFFFFFFFF  }
0xb5: {  	_ =	strace $0x90000051  }
0xb6: {  	_ =	sfence  }
0xb7: {  	s30 =	sld [smem:$0x0];
	_ =	sdelay $0x2  }
0xb8: {  	s31 =	sshll.u32 s1, $0xD;
	s1 =	sshrl.u32 s1, $0x2  }
0xb9: {  	s3 =	sand.u32 $0x4000, s31;
	s1 =	sadd.s32 s1, s30  }
0xba: {  	s0 =	sor.u32 s3, s0;
	s1 =	sshll.u32 s1, $0x11  }
0xbb: {  	s0 =	sor.u32 s1, s0  }
0xbc: {  	s0 =	sadd.s32 $0x8F2B, s0  }
0xbd: {  	[sflag:s0] =	ssyncadd.remote.s32 $0x1  }
0xbe: {  	_ =	sfence.sel $0xFFFF  }
0xbf: {  	[dreg:$0x0] =	wrdreg $0xFFFFFFFF;
	(pc) =	sbr.abs _section_cstart, $3  }
0xc0: {  	[dreg:$0x1] =	wrdreg $0xFFFFFFFF  }
0xc1: {  	_ =	task.clear_ibuf [dreg:s6], $0x2FFFF;
	_ =	strace $0x9FFFFFFF  }
0xc2: {  	(tm) =	ssettm $0x7FFFFFFF  }
0xc3: {  	_ =	shalt  }
tec
execute0_lowered:
.L_overlay_start_1:
0x0: {  	(tag) =	ssettag $0x1  }
0x1: {  	s0 =	rddreg [dreg:$0x0]  }
0x2: {  	s1 =	rddreg [dreg:$0x1];
	s2 =	srdreg.scid  }
0x3: {  	s3 =	simm.s32 $0x0;
	s8 =	stileid.u32;
	s16 =	simm.s32 $0x16800  }
0x4: {  	s17 =	simm.s32 $0x5;
	s18 =	simm.s32 $0x14000;
	s19 =	simm.s32 $0x15400  }
0x5: {  	s20 =	simm.s32 $0x80;
	s28 =	simm.s32 $0x15480;
	s29 =	simm.s32 $0x4  }
0x6: {  	s30 =	simm.s32 $0x14180;
	s31 =	simm.s32 $0x15500;
	s2 =	sand.u32 $0x1, s2  }
0x7: {  	[smem:$0x7FF] =	sst s3;
	s6 =	smul.u32 $0x14000, s8;
	s4 =	sadd.s32 $0x18600, s0  }
0x8: {  	s21 =	smul.u32 $0x50000, s8;
	s14 =	sadd.s32 $0xE600, s0;
	s15 =	sadd.s32 $0x4600, s0  }
0x9: {  	s5 =	smul.u32 $0x140000, s2;
	_ =	strace $0x80000050;
	s7 =	ssub.s32 $0x2, s2  }
0xa: {  	s2 =	sshll.u32 s2, $0x4;
	s22 =	sshrl.u32 s21, $0x2;
	s23 =	sshrl.u32 s7, $0x1  }
0xb: {  	s2 =	sor.u32 s8, s2;
	s21 =	simm.s32 $0x1;
	s5 =	sadd.s32 s6, s5  }
0xc: {  	s6 =	ssub.s32 s7, s23;
	s2 =	smul.u32 $0x500, s2;
	s5 =	sshrl.u32 s5, $0x3  }
0xd: {  	s23 =	simm.s32 $0x1A800;
	s11 =	smax.u32 s6, $0x1;
	s0 =	sadd.s32 s5, s0  }
0xe: {  	s5 =	sadd.s32 s22, s1;
	s12 =	sadd.s32 s14, s2;
	s13 =	sadd.s32 s15, s2  }
0xf: {  	s26 =	sadd.s32 $0x280, s2;
	s22 =	simm.s32 $0x14080;
	s24 =	sadd.s32 $0x4000, s5  }
0x10: {  	s25 =	sadd.s32 $0x8000, s5;
	s8 =	sadd.s32 $0xC000, s5;
	s9 =	sadd.s32 $0x10000, s5  }
0x11: {  	s10 =	sadd.s32 $0x40600, s0;
	s14 =	sadd.s32 s14, s26;
	s15 =	sadd.s32 s15, s26  }
0x12: {  	s26 =	simm.s32 $0x14100;
	s0 =	simm.s32 $0x0;
	[dreg:$0x3] =	wrdreg s24  }
0x13: {  	v0 =	vimm.f32 $0.0e+00;
	[dreg:$0x4] =	wrdreg s25;
	s24 =	simm.s32 $0x2;
	s25 =	simm.s32 $0x3  }
.LBB2_1:
0x14: {  	s2 =	simm.s32 $0x0;
	s6 =	simm.s32 $0x200  }
.LBB2_2:
0x15: {  	p0 =	sne.s32 s6, $0xFE00;
	[tilespmem:s2+$0x16870] =	vst v0  }
0x16: {  	[tilespmem:s2+$0x16800] =	vst v0  }
0x17: {  	[tilespmem:s2+$0x16810] =	vst v0  }
.Ltmp0:
0x18: {  	[tilespmem:s2+$0x16820] =	vst v0;
	(pc) =	sbr.rel @p0 .LBB2_2-.Ltmp0, $4  }
0x19: {  	[tilespmem:s2+$0x16830] =	vst v0  }
0x1a: {  	[tilespmem:s2+$0x16840] =	vst v0  }
0x1b: {  	[tilespmem:s2+$0x16850] =	vst v0  }
0x1c: {  	[tilespmem:s2+$0x16860] =	vst v0;
	s2 =	sshra.s32 s6, $0x2;
	s6 =	sadd.s32 $0x200, s6  }
0x1d: {  	[tilespmem:s2+$0x16870] =	vst v0  }
0x1e: {  	[tilespmem:s2+$0x16800] =	vst v0  }
0x1f: {  	[tilespmem:s2+$0x16810] =	vst v0  }
0x20: {  	[tilespmem:s2+$0x16820] =	vst v0  }
0x21: {  	[tilespmem:s2+$0x16830] =	vst v0  }
0x22: {  	[tilespmem:s2+$0x16840] =	vst v0  }
0x23: {  	[tilespmem:s2+$0x16850] =	vst v0  }
0x24: {  	[tilespmem:s2+$0x16860] =	vst v0  }
0x25: {  	[spmem:s5] =	stream.linear.scatter [tilespmem:s16], [sflag:$0x5], $0x4000, $0x38;
	[tilespmem:$0x1E800] =	vst v63  }
0x26: {  	_ =	swait.ge [sflag:s17], $0x4000  }
0x27: {  	[sflag:s17] =	ssyncset.done $0x0  }
0x28: {  	s6 =	rddreg [dreg:$0x3];
	[sflag:s17] =	ssyncadd.s32 $0xFFFFC000  }
0x29: {  	[spmem:s6] =	stream.linear.scatter [tilespmem:s16], [sflag:$0x5], $0x4000, $0x38;
	[tilespmem:$0x1E800] =	vst v63  }
0x2a: {  	_ =	swait.ge [sflag:s17], $0x4000  }
0x2b: {  	[sflag:s17] =	ssyncset.done $0x0  }
0x2c: {  	s7 =	rddreg [dreg:$0x4];
	[sflag:s17] =	ssyncadd.s32 $0xFFFFC000  }
0x2d: {  	[spmem:s7] =	stream.linear.scatter [tilespmem:s16], [sflag:$0x5], $0x4000, $0x38;
	[tilespmem:$0x1E800] =	vst v63  }
0x2e: {  	_ =	swait.ge [sflag:s17], $0x4000  }
0x2f: {  	[sflag:s17] =	ssyncset.done $0x0  }
0x30: {  	[sflag:s17] =	ssyncadd.s32 $0xFFFFC000  }
0x31: {  	[spmem:s8] =	stream.linear.scatter [tilespmem:s16], [sflag:$0x5], $0x4000, $0x38;
	[tilespmem:$0x1E800] =	vst v63  }
0x32: {  	_ =	swait.ge [sflag:s17], $0x4000  }
0x33: {  	[sflag:s17] =	ssyncset.done $0x0  }
0x34: {  	[sflag:s17] =	ssyncadd.s32 $0xFFFFC000  }
0x35: {  	[spmem:s9] =	stream.linear.scatter [tilespmem:s16], [sflag:$0x5], $0x4000, $0x38;
	[tilespmem:$0x1E800] =	vst v63  }
0x36: {  	_ =	swait.ge [sflag:s17], $0x4000  }
0x37: {  	[sflag:s17] =	ssyncset.done $0x0  }
0x38: {  	[sflag:s17] =	ssyncadd.s32 $0xFFFFC000  }
0x39: {  	[bflag:$0x0] =	sbarrier.arrive $0xFFFF  }
0x3a: {  	[tilespmem:s18], [sflag:$0x5] =	stream.linear.gather [hbm4b:s12+s3], $0x1400, $0x38;
	[tilespmem:$0x1E800] =	vst v63  }
0x3b: {  	_ =	swait.ge [sflag:s17], $0x1400  }
0x3c: {  	[sflag:s17] =	ssyncset.done $0x0  }
0x3d: {  	[sflag:s17] =	ssyncadd.s32 $0xFFFFEC00  }
0x3e: {  	[tilespmem:s19], [sflag:$0x5] =	stream.linear.gather [hbm4b:s13+s3], $0x1400, $0x38;
	[tilespmem:$0x1E800] =	vst v63  }
0x3f: {  	_ =	swait.ge [sflag:s17], $0x1400  }
0x40: {  	[sflag:s17] =	ssyncset.done $0x0  }
0x41: {  	[sflag:s17] =	ssyncadd.s32 $0xFFFFEC00  }
0x42: {  	[tilespmem:s16], [sflag:$0x1] =	stream.indirect.gather [hbm4b:s4+s20], $0x80, s18, s20, $0xb8;
	[tilespmem:$0x1E800] =	vst v63  }
0x43: {  	_ =	swait.ge [sflag:s21], $0x4000  }
0x44: {  	[sflag:s21] =	ssyncset.done $0x0  }
0x45: {  	[sflag:s21] =	ssyncadd.s32 $0xFFFFC000  }
0x46: {  	[tilespmem:s23], [sflag:$0x2] =	stream.indirect.gather [hbm4b:s4+s20], $0x80, s22, s20, $0xb8;
	[tilespmem:$0x1E800] =	vst v63  }
0x47: {  	_ = 	snop  }
0x48: {  	[spmem:s1] =	stream.indirect.scatter.add.f32 [tilespmem:s16], [sflag:$0x3], $0x80, s19, s20, $0xb8;
	[tilespmem:$0x1E800] =	vst v63  }
0x49: {  	_ =	swait.ge [sflag:s24], $0x4000  }
0x4a: {  	[sflag:s24] =	ssyncset.done $0x0  }
0x4b: {  	[sflag:s24] =	ssyncadd.s32 $0xFFFFC000  }
0x4c: {  	_ =	swait.ge [sflag:s25], $0x4000  }
0x4d: {  	[sflag:s25] =	ssyncset.done $0x0  }
0x4e: {  	[sflag:s25] =	ssyncadd.s32 $0xFFFFC000  }
0x4f: {  	[tilespmem:s16], [sflag:$0x1] =	stream.indirect.gather [hbm4b:s4+s20], $0x80, s26, s20, $0xb8;
	[tilespmem:$0x1E800] =	vst v63  }
0x50: {  	_ = 	snop  }
0x51: {  	[spmem:s1] =	stream.indirect.scatter.add.f32 [tilespmem:s23], [sflag:$0x4], $0x80, s28, s20, $0xb8;
	[tilespmem:$0x1E800] =	vst v63  }
0x52: {  	_ =	swait.ge [sflag:s21], $0x4000  }
0x53: {  	[sflag:s21] =	ssyncset.done $0x0  }
0x54: {  	[sflag:s21] =	ssyncadd.s32 $0xFFFFC000  }
0x55: {  	_ =	swait.ge [sflag:s29], $0x4000  }
0x56: {  	[sflag:s29] =	ssyncset.done $0x0  }
0x57: {  	[sflag:s29] =	ssyncadd.s32 $0xFFFFC000  }
0x58: {  	[tilespmem:s23], [sflag:$0x2] =	stream.indirect.gather [hbm4b:s4+s20], $0x80, s30, s20, $0xb8;
	[tilespmem:$0x1E800] =	vst v63  }
0x59: {  	_ = 	snop  }
0x5a: {  	[spmem:s1] =	stream.indirect.scatter.add.f32 [tilespmem:s16], [sflag:$0x3], $0x80, s31, s20, $0xb8;
	[tilespmem:$0x1E800] =	vst v63  }
0x5b: {  	_ =	swait.ge [sflag:s24], $0x4000  }
0x5c: {  	[sflag:s24] =	ssyncset.done $0x0  }
0x5d: {  	[sflag:s24] =	ssyncadd.s32 $0xFFFFC000  }
0x5e: {  	_ =	swait.ge [sflag:s25], $0x4000  }
0x5f: {  	[sflag:s25] =	ssyncset.done $0x0  }
0x60: {  	s6 =	simm.s32 $0x14200;
	[sflag:s25] =	ssyncadd.s32 $0xFFFFC000  }
0x61: {  	[tilespmem:s16], [sflag:$0x1] =	stream.indirect.gather [hbm4b:s4+s20], $0x80, s6, s20, $0xb8;
	[tilespmem:$0x1E800] =	vst v63  }
0x62: {  	s7 =	simm.s32 $0x15580  }
0x63: {  	[spmem:s1] =	stream.indirect.scatter.add.f32 [tilespmem:s23], [sflag:$0x4], $0x80, s7, s20, $0xb8;
	[tilespmem:$0x1E800] =	vst v63  }
0x64: {  	_ =	swait.ge [sflag:s21], $0x4000  }
0x65: {  	[sflag:s21] =	ssyncset.done $0x0  }
0x66: {  	[sflag:s21] =	ssyncadd.s32 $0xFFFFC000  }
0x67: {  	_ =	swait.ge [sflag:s29], $0x4000  }
0x68: {  	[sflag:s29] =	ssyncset.done $0x0  }
0x69: {  	s6 =	simm.s32 $0x14280;
	[sflag:s29] =	ssyncadd.s32 $0xFFFFC000  }
0x6a: {  	[tilespmem:s23], [sflag:$0x2] =	stream.indirect.gather [hbm4b:s4+s20], $0x80, s6, s20, $0xb8;
	[tilespmem:$0x1E800] =	vst v63  }
0x6b: {  	s7 =	simm.s32 $0x15600  }
0x6c: {  	[spmem:s1] =	stream.indirect.scatter.add.f32 [tilespmem:s16], [sflag:$0x3], $0x80, s7, s20, $0xb8;
	[tilespmem:$0x1E800] =	vst v63  }
0x6d: {  	_ =	swait.ge [sflag:s24], $0x4000  }
0x6e: {  	s2 =	simm.s32 $0xFFFFBC00;
	[sflag:s24] =	ssyncset.done $0x0  }
.LBB2_4:
0x6f: {  	[sflag:s24] =	ssyncadd.s32 $0xFFFFC000;
	s6 =	smov.u32 s2;
	s2 =	sadd.s32 $0x400, s2  }
0x70: {  	p0 =	sne.s32 s2, $0x0  }
0x71: {  	_ =	swait.ge [sflag:s25], $0x4000  }
0x72: {  	s6 =	sshra.s32 s6, $0x2;
	[sflag:s25] =	ssyncset.done $0x0  }
0x73: {  	s7 =	sadd.s32 $0x15400, s6;
	[sflag:s25] =	ssyncadd.s32 $0xFFFFC000  }
0x74: {  	[tilespmem:s16], [sflag:$0x1] =	stream.indirect.gather [hbm4b:s4+s20], $0x80, s7, s20, $0xb8;
	[tilespmem:$0x1E800] =	vst v63  }
0x75: {  	s7 =	sadd.s32 $0x16780, s6  }
0x76: {  	[spmem:s1] =	stream.indirect.scatter.add.f32 [tilespmem:s23], [sflag:$0x4], $0x80, s7, s20, $0xb8;
	[tilespmem:$0x1E800] =	vst v63  }
0x77: {  	_ =	swait.ge [sflag:s21], $0x4000  }
0x78: {  	[sflag:s21] =	ssyncset.done $0x0  }
0x79: {  	[sflag:s21] =	ssyncadd.s32 $0xFFFFC000  }
0x7a: {  	_ =	swait.ge [sflag:s29], $0x4000  }
0x7b: {  	[sflag:s29] =	ssyncset.done $0x0  }
0x7c: {  	s7 =	sadd.s32 $0x15480, s6;
	[sflag:s29] =	ssyncadd.s32 $0xFFFFC000  }
0x7d: {  	[tilespmem:s23], [sflag:$0x2] =	stream.indirect.gather [hbm4b:s4+s20], $0x80, s7, s20, $0xb8;
	[tilespmem:$0x1E800] =	vst v63  }
.Ltmp1:
0x7e: {  	_ = 	snop;
	(pc) =	sbr.rel @p0 .LBB2_4-.Ltmp1, $4  }
0x7f: {  	s6 =	sadd.s32 $0x16800, s6  }
0x80: {  	[spmem:s1] =	stream.indirect.scatter.add.f32 [tilespmem:s16], [sflag:$0x3], $0x80, s6, s20, $0xb8;
	[tilespmem:$0x1E800] =	vst v63  }
0x81: {  	_ =	swait.ge [sflag:s24], $0x4000  }
0x82: {  	[sflag:s24] =	ssyncset.done $0x0  }
0x83: {  	s2 =	sshra.s32 s2, $0x2  }
0x84: {  	[sflag:s24] =	ssyncadd.s32 $0xFFFFC000;
	s2 =	sadd.s32 $0x16780, s2  }
0x85: {  	[spmem:s1] =	stream.indirect.scatter.add.f32 [tilespmem:s23], [sflag:$0x4], $0x80, s2, s20, $0xb8;
	[tilespmem:$0x1E800] =	vst v63  }
0x86: {  	_ =	swait.ge [sflag:s25], $0x4000  }
0x87: {  	[sflag:s25] =	ssyncset.done $0x0  }
0x88: {  	[sflag:s25] =	ssyncadd.s32 $0xFFFFC000  }
0x89: {  	_ =	swait.ge [sflag:s29], $0x4000  }
0x8a: {  	[sflag:s29] =	ssyncset.done $0x0  }
0x8b: {  	[sflag:s29] =	ssyncadd.s32 $0xFFFFC000  }
0x8c: {  	[tilespmem:s18], [sflag:$0x5] =	stream.linear.gather [hbm4b:s14+s3], $0x1400, $0x38;
	[tilespmem:$0x1E800] =	vst v63  }
0x8d: {  	_ =	swait.ge [sflag:s17], $0x1400  }
0x8e: {  	[sflag:s17] =	ssyncset.done $0x0  }
0x8f: {  	[sflag:s17] =	ssyncadd.s32 $0xFFFFEC00  }
0x90: {  	[tilespmem:s19], [sflag:$0x5] =	stream.linear.gather [hbm4b:s15+s3], $0x1400, $0x38;
	[tilespmem:$0x1E800] =	vst v63  }
0x91: {  	_ =	swait.ge [sflag:s17], $0x1400  }
0x92: {  	[sflag:s17] =	ssyncset.done $0x0  }
0x93: {  	[sflag:s17] =	ssyncadd.s32 $0xFFFFEC00  }
0x94: {  	[tilespmem:s16], [sflag:$0x1] =	stream.indirect.gather [hbm4b:s4+s20], $0x80, s18, s20, $0xb8;
	[tilespmem:$0x1E800] =	vst v63  }
0x95: {  	_ =	swait.ge [sflag:s21], $0x4000  }
0x96: {  	[sflag:s21] =	ssyncset.done $0x0  }
0x97: {  	[sflag:s21] =	ssyncadd.s32 $0xFFFFC000  }
0x98: {  	[tilespmem:s23], [sflag:$0x2] =	stream.indirect.gather [hbm4b:s4+s20], $0x80, s22, s20, $0xb8;
	[tilespmem:$0x1E800] =	vst v63  }
0x99: {  	_ = 	snop  }
0x9a: {  	[spmem:s1] =	stream.indirect.scatter.add.f32 [tilespmem:s16], [sflag:$0x3], $0x80, s19, s20, $0xb8;
	[tilespmem:$0x1E800] =	vst v63  }
0x9b: {  	_ =	swait.ge [sflag:s24], $0x4000  }
0x9c: {  	[sflag:s24] =	ssyncset.done $0x0  }
0x9d: {  	[sflag:s24] =	ssyncadd.s32 $0xFFFFC000  }
0x9e: {  	_ =	swait.ge [sflag:s25], $0x4000  }
0x9f: {  	[sflag:s25] =	ssyncset.done $0x0  }
0xa0: {  	[sflag:s25] =	ssyncadd.s32 $0xFFFFC000  }
0xa1: {  	[tilespmem:s16], [sflag:$0x1] =	stream.indirect.gather [hbm4b:s4+s20], $0x80, s26, s20, $0xb8;
	[tilespmem:$0x1E800] =	vst v63  }
0xa2: {  	_ = 	snop  }
0xa3: {  	[spmem:s1] =	stream.indirect.scatter.add.f32 [tilespmem:s23], [sflag:$0x4], $0x80, s28, s20, $0xb8;
	[tilespmem:$0x1E800] =	vst v63  }
0xa4: {  	_ =	swait.ge [sflag:s21], $0x4000  }
0xa5: {  	[sflag:s21] =	ssyncset.done $0x0  }
0xa6: {  	[sflag:s21] =	ssyncadd.s32 $0xFFFFC000  }
0xa7: {  	_ =	swait.ge [sflag:s29], $0x4000  }
0xa8: {  	[sflag:s29] =	ssyncset.done $0x0  }
0xa9: {  	[sflag:s29] =	ssyncadd.s32 $0xFFFFC000  }
0xaa: {  	[tilespmem:s23], [sflag:$0x2] =	stream.indirect.gather [hbm4b:s4+s20], $0x80, s30, s20, $0xb8;
	[tilespmem:$0x1E800] =	vst v63  }
0xab: {  	_ = 	snop  }
0xac: {  	[spmem:s1] =	stream.indirect.scatter.add.f32 [tilespmem:s16], [sflag:$0x3], $0x80, s31, s20, $0xb8;
	[tilespmem:$0x1E800] =	vst v63  }
0xad: {  	_ =	swait.ge [sflag:s24], $0x4000  }
0xae: {  	[sflag:s24] =	ssyncset.done $0x0  }
0xaf: {  	[sflag:s24] =	ssyncadd.s32 $0xFFFFC000  }
0xb0: {  	_ =	swait.ge [sflag:s25], $0x4000  }
0xb1: {  	[sflag:s25] =	ssyncset.done $0x0  }
0xb2: {  	s6 =	simm.s32 $0x14200;
	[sflag:s25] =	ssyncadd.s32 $0xFFFFC000  }
0xb3: {  	[tilespmem:s16], [sflag:$0x1] =	stream.indirect.gather [hbm4b:s4+s20], $0x80, s6, s20, $0xb8;
	[tilespmem:$0x1E800] =	vst v63  }
0xb4: {  	s7 =	simm.s32 $0x15580  }
0xb5: {  	[spmem:s1] =	stream.indirect.scatter.add.f32 [tilespmem:s23], [sflag:$0x4], $0x80, s7, s20, $0xb8;
	[tilespmem:$0x1E800] =	vst v63  }
0xb6: {  	_ =	swait.ge [sflag:s21], $0x4000  }
0xb7: {  	[sflag:s21] =	ssyncset.done $0x0  }
0xb8: {  	[sflag:s21] =	ssyncadd.s32 $0xFFFFC000  }
0xb9: {  	_ =	swait.ge [sflag:s29], $0x4000  }
0xba: {  	[sflag:s29] =	ssyncset.done $0x0  }
0xbb: {  	s6 =	simm.s32 $0x14280;
	[sflag:s29] =	ssyncadd.s32 $0xFFFFC000  }
0xbc: {  	[tilespmem:s23], [sflag:$0x2] =	stream.indirect.gather [hbm4b:s4+s20], $0x80, s6, s20, $0xb8;
	[tilespmem:$0x1E800] =	vst v63  }
0xbd: {  	s7 =	simm.s32 $0x15600  }
0xbe: {  	[spmem:s1] =	stream.indirect.scatter.add.f32 [tilespmem:s16], [sflag:$0x3], $0x80, s7, s20, $0xb8;
	[tilespmem:$0x1E800] =	vst v63  }
0xbf: {  	_ =	swait.ge [sflag:s24], $0x4000  }
0xc0: {  	s2 =	simm.s32 $0xFFFFBC00;
	[sflag:s24] =	ssyncset.done $0x0  }
.LBB2_6:
0xc1: {  	[sflag:s24] =	ssyncadd.s32 $0xFFFFC000;
	s6 =	smov.u32 s2;
	s2 =	sadd.s32 $0x400, s2  }
0xc2: {  	p0 =	sne.s32 s2, $0x0  }
0xc3: {  	_ =	swait.ge [sflag:s25], $0x4000  }
0xc4: {  	s6 =	sshra.s32 s6, $0x2;
	[sflag:s25] =	ssyncset.done $0x0  }
0xc5: {  	s7 =	sadd.s32 $0x15400, s6;
	[sflag:s25] =	ssyncadd.s32 $0xFFFFC000  }
0xc6: {  	[tilespmem:s16], [sflag:$0x1] =	stream.indirect.gather [hbm4b:s4+s20], $0x80, s7, s20, $0xb8;
	[tilespmem:$0x1E800] =	vst v63  }
0xc7: {  	s7 =	sadd.s32 $0x16780, s6  }
0xc8: {  	[spmem:s1] =	stream.indirect.scatter.add.f32 [tilespmem:s23], [sflag:$0x4], $0x80, s7, s20, $0xb8;
	[tilespmem:$0x1E800] =	vst v63  }
0xc9: {  	_ =	swait.ge [sflag:s21], $0x4000  }
0xca: {  	[sflag:s21] =	ssyncset.done $0x0  }
0xcb: {  	[sflag:s21] =	ssyncadd.s32 $0xFFFFC000  }
0xcc: {  	_ =	swait.ge [sflag:s29], $0x4000  }
0xcd: {  	[sflag:s29] =	ssyncset.done $0x0  }
0xce: {  	s7 =	sadd.s32 $0x15480, s6;
	[sflag:s29] =	ssyncadd.s32 $0xFFFFC000  }
0xcf: {  	[tilespmem:s23], [sflag:$0x2] =	stream.indirect.gather [hbm4b:s4+s20], $0x80, s7, s20, $0xb8;
	[tilespmem:$0x1E800] =	vst v63  }
.Ltmp2:
0xd0: {  	_ = 	snop;
	(pc) =	sbr.rel @p0 .LBB2_6-.Ltmp2, $4  }
0xd1: {  	s6 =	sadd.s32 $0x16800, s6  }
0xd2: {  	[spmem:s1] =	stream.indirect.scatter.add.f32 [tilespmem:s16], [sflag:$0x3], $0x80, s6, s20, $0xb8;
	[tilespmem:$0x1E800] =	vst v63  }
0xd3: {  	_ =	swait.ge [sflag:s24], $0x4000  }
0xd4: {  	[sflag:s24] =	ssyncset.done $0x0  }
0xd5: {  	s2 =	sshra.s32 s2, $0x2  }
0xd6: {  	[sflag:s24] =	ssyncadd.s32 $0xFFFFC000;
	s2 =	sadd.s32 $0x16780, s2  }
0xd7: {  	[spmem:s1] =	stream.indirect.scatter.add.f32 [tilespmem:s23], [sflag:$0x4], $0x80, s2, s20, $0xb8;
	[tilespmem:$0x1E800] =	vst v63  }
0xd8: {  	_ =	swait.ge [sflag:s25], $0x4000  }
0xd9: {  	[sflag:s25] =	ssyncset.done $0x0  }
0xda: {  	[sflag:s25] =	ssyncadd.s32 $0xFFFFC000  }
0xdb: {  	s7 =	stileid.u32;
	_ =	swait.ge [sflag:s29], $0x4000  }
0xdc: {  	s6 =	sshrl.u32 s5, $0x3;
	s0 =	sadd.s32 $0x1, s0;
	[sflag:s29] =	ssyncset.done $0x0  }
0xdd: {  	p0 =	sne.s32 s0, s11;
	s2 =	sshll.u32 s7, $0x6;
	[sflag:s29] =	ssyncadd.s32 $0xFFFFC000  }
.Ltmp3:
0xde: {  	s2 =	sor.u32 $0x1C05, s2;
	[bflag:$0x0] =	sbarrier.arrive $0xFFFF;
	(pc) =	sbr.rel @p0 .LBB2_1-.Ltmp3, $4  }
0xdf: {  	[hbm:s10], [sflag:s2] =	dma.local [spmem:s6], $0x2800  }
0xe0: {  	_ =	swait.ge [sflag:s17], $0x2800  }
0xe1: {  	[sflag:s17] =	ssyncset.done $0x0  }
0xe2: {  	[sflag:s17] =	ssyncadd.s32 $0xFFFFD800  }
0xe3: {  	_ =	sfence.sel $0x180000  }
0xe4: {  	[bflag:$0x0] =	sbarrier.arrive $0xFFFF  }
0xe5: {  	_ =	strace $0x90000050  }
0xe6: {  	s0 =	stileid.u32;
	[bflag:$0x2] =	sbarrier.arrive $0xFFFF  }
0xe7: {  	p0 =	sne.s32 s0, $0x0;
	s0 =	rddreg [dreg:$0x2]  }
0xe8: {  	s0 =	sadd.s32 @!p0 $0x100000, s0  }
0xe9: {  	[sflag:s0] =	ssyncadd.tile.s32 @!p0 $0x1;
	_ =	shalt  }
.Lfunc_end2:
_tile_overlayer_lowered:
.L_overlay_start_2:
0xea: {  	(tag) =	ssettag $0x2  }
0xeb: {  	s0 =	rddreg [dreg:$0x0];
	s2 =	stileid.u32  }
0xec: {  	s1 =	rddreg [dreg:$0x1];
	p0 =	sne.s32 s2, $0x0  }
0xed: {  	s3 =	rddreg [dreg:$0x2];
	[bflag:$0x3] =	sbarrier.arrive $0xFFFF;
	s2 =	simm.s32 @!p0 $0x1C05  }
0xee: {  	[timem:s3], [sflag:s2] =	dma.local @!p0 [hbm:s0], s1  }
0xef: {  	s0 =	simm.s32 @!p0 $0x5  }
0xf0: {  	_ =	swait.ge @!p0 [sflag:s0], s1  }
0xf1: {  	s1 =	ssub.s32 @!p0 $0x0, s1;
	[sflag:s0] =	ssyncset.done @!p0 $0x0  }
0xf2: {  	[sflag:s0] =	ssyncadd.s32 @!p0 s1  }
0xf3: {  	[bflag:$0x3] =	sbarrier.arrive $0xFFFF  }
0xf4: {  	_ =	shalt  }

// kernel: kernel.28.cloned.1.call-start
scs
__scs_entry_jumppad:
0x0: {  	(pc) =	sbr.rel $0x88, $3  }
0x1: {  	(tag) =	ssettag $0x0;
	lr =	simm.s32 $0x1  }
0x2: {  	[smem:$0x3F98] =	sst lr;
	_ =	strace $0xD0000000  }
0x3: {  	_ = 	snop  }
0x4: {  	_ = 	snop  }
0x5: {  	_ = 	snop  }
0x6: {  	_ = 	snop  }
0x7: {  	_ = 	snop  }
__scs_overlays_trampoline_lowered:
0x8: {  	[smem:$0x3FA7] =	sst s0  }
0x9: {  	[smem:$0x3FA8] =	sst s1  }
0xa: {  	[smem:$0x3FA9] =	sst s2  }
0xb: {  	[smem:$0x3FAA] =	sst s3  }
0xc: {  	[smem:$0x3FAB] =	sst s4  }
0xd: {  	[smem:$0x3FAC] =	sst s5  }
0xe: {  	[smem:$0x3FAD] =	sst s6  }
0xf: {  	[smem:$0x3FAE] =	sst s7  }
0x10: {  	[smem:$0x3FAF] =	sst s8  }
0x11: {  	[smem:$0x3FB0] =	sst s9;
	s0 =	simm.s32 @!p0 $0x0  }
0x12: {  	s1 =	sld [smem:$0x3F96];
	s0 =	simm.s32 @p0 $0x1  }
0x13: {  	[smem:$0x3FB1] =	sst s0;
	s0 =	simm.s32 @!p1 $0x0  }
0x14: {  	s2 =	sld [smem:$0x3F95];
	s0 =	simm.s32 @p1 $0x1  }
0x15: {  	[smem:$0x3FB2] =	sst s0;
	s0 =	simm.s32 @!p2 $0x0  }
0x16: {  	s3 =	sld [smem:$0x3FDB];
	s0 =	simm.s32 @p2 $0x1  }
0x17: {  	s4 =	simm.s32 $0x1BF5;
	[smem:$0x3FB4] =	sst s0  }
0x18: {  	s0 =	sld [smem:$0x3F97];
	_ =	swait.ge [sflag:s4], $0x0  }
0x19: {  	s7 =	sld [smem:$0x3F98]  }
0x1a: {  	s8 =	sadd.s32 $0xFFFFE003, lr  }
0x1b: {  	s9 =	sadd.s32 $0xFFFFFEF7, lr;
	s5 =	simm.s32 $0xFFFFFFFF;
	p2 =	slt.u32 s8, $0xFFFFF086  }
0x1c: {  	p1 =	slt.u32 s9, $0xF7A;
	s5 =	simm.s32 @!p2 $0x0  }
0x1d: {  	s5 =	simm.s32 @p1 $0x1;
	p0 =	seq.s32 s7, s2  }
0x1e: {  	s7 =	smul.u32 @!p0 $0xF7A, s2;
	p2 =	seq.s32 @!p0 s5, $0x0  }
0x1f: {  	s9 =	smul.u32 $0xF7A, s1;
	s8 =	simm.s32 @!p0 $0x1BF5;
	p2 =	por !p2, p0  }
0x20: {  	[sflag:s8] =	ssyncset.s32 @!p0 $0xFFFFF086;
	s6 =	sadd.s32 @!p0 s3, s7;
	s7 =	simm.s32 @!p0 $0x108  }
0x21: {  	s3 =	sadd.s32 s3, s9;
	s6 =	sadd.s32 @!p0 $0x88, s6;
	s7 =	simm.s32 @p2 $0x1082  }
0x22: {  	[simem:s7], [sflag:s8] =	dma.local @!p0 [hbm:s6], $0xF7A  }
0x23: {  	s9 =	sor.u32 $0xD0000000, s2;
	s6 =	simm.s32 $0x108;
	_ =	swait.ge @!p0 [sflag:s8], $0x0  }
0x24: {  	s3 =	sadd.s32 $0x88, s3;
	s6 =	simm.s32 @!p1 $0x1082;
	[sflag:s4] =	ssyncset.s32 $0xFFFFF086  }
0x25: {  	[simem:s6], [sflag:s4] =	dma.local [hbm:s3], $0xF7A  }
0x26: {  	[smem:$0x3F98] =	sst s1;
	(tag) =	ssettag s2;
	_ =	strace s9  }
0x27: {  	s1 =	sld [smem:$0x3FA8]  }
0x28: {  	s2 =	sld [smem:$0x3FA9]  }
0x29: {  	s4 =	sld [smem:$0x3FAB]  }
0x2a: {  	p0 =	seq.s32 s5, $0x0;
	s5 =	sld [smem:$0x3FAC]  }
0x2b: {  	s6 =	sld [smem:$0x3FAD]  }
0x2c: {  	s7 =	sld [smem:$0x3FAE]  }
0x2d: {  	s3 =	simm.s32 $0x108;
	s8 =	sld [smem:$0x3FAF]  }
0x2e: {  	s3 =	simm.s32 @!p0 $0x1082;
	s9 =	sld [smem:$0x3FB0]  }
0x2f: {  	lr =	sadd.s32 s0, s3;
	s0 =	sld [smem:$0x3FA7]  }
0x30: {  	s3 =	sld [smem:$0x3FAA]  }
0x31: {  	[smem:$0x3FB3] =	sst s10  }
0x32: {  	s10 =	sld [smem:$0x3FB1];
	_ =	sdelay $0x3  }
0x33: {  	p0 =	seq.s32 s10, $0x1;
	s10 =	sld [smem:$0x3FB3];
	_ =	sdelay $0x3  }
0x34: {  	[smem:$0x3FB3] =	sst s10  }
0x35: {  	s10 =	sld [smem:$0x3FB2];
	_ =	sdelay $0x3  }
0x36: {  	p1 =	seq.s32 s10, $0x1;
	s10 =	sld [smem:$0x3FB3];
	_ =	sdelay $0x3  }
0x37: {  	[smem:$0x3FB3] =	sst s10  }
0x38: {  	s10 =	sld [smem:$0x3FB4]  }
0x39: {  	_ = 	snop;
	(pc) =	sbr.ind lr, $3  }
0x3a: {  	_ = 	snop  }
0x3b: {  	_ = 	snop  }
0x3c: {  	p2 =	seq.s32 s10, $0x1;
	s10 =	sld [smem:$0x3FB3]  }
0x3d: {  	_ =	shalt  }
0x3e: {  	_ =	shalt  }
0x3f: {  	_ =	shalt  }
0x40: {  	_ =	shalt  }
0x41: {  	_ =	shalt  }
0x42: {  	_ =	shalt  }
0x43: {  	_ =	shalt  }
0x44: {  	_ =	shalt  }
0x45: {  	_ =	shalt  }
0x46: {  	_ =	shalt  }
0x47: {  	_ =	shalt  }
0x48: {  	_ =	shalt  }
0x49: {  	_ =	shalt  }
0x4a: {  	_ =	shalt  }
0x4b: {  	_ =	shalt  }
0x4c: {  	_ =	shalt  }
0x4d: {  	_ =	shalt  }
0x4e: {  	_ =	shalt  }
0x4f: {  	_ =	shalt  }
0x50: {  	_ =	shalt  }
0x51: {  	_ =	shalt  }
0x52: {  	_ =	shalt  }
0x53: {  	_ =	shalt  }
0x54: {  	_ =	shalt  }
0x55: {  	_ =	shalt  }
0x56: {  	_ =	shalt  }
0x57: {  	_ =	shalt  }
0x58: {  	_ =	shalt  }
0x59: {  	_ =	shalt  }
0x5a: {  	_ =	shalt  }
0x5b: {  	_ =	shalt  }
0x5c: {  	_ =	shalt  }
0x5d: {  	_ =	shalt  }
0x5e: {  	_ =	shalt  }
0x5f: {  	_ =	shalt  }
0x60: {  	_ =	shalt  }
0x61: {  	_ =	shalt  }
0x62: {  	_ =	shalt  }
0x63: {  	_ =	shalt  }
0x64: {  	_ =	shalt  }
0x65: {  	_ =	shalt  }
0x66: {  	_ =	shalt  }
0x67: {  	_ =	shalt  }
0x68: {  	_ =	shalt  }
0x69: {  	_ =	shalt  }
0x6a: {  	_ =	shalt  }
0x6b: {  	_ =	shalt  }
0x6c: {  	_ =	shalt  }
0x6d: {  	_ =	shalt  }
0x6e: {  	_ =	shalt  }
0x6f: {  	_ =	shalt  }
0x70: {  	_ =	shalt  }
0x71: {  	_ =	shalt  }
0x72: {  	_ =	shalt  }
0x73: {  	_ =	shalt  }
0x74: {  	_ =	shalt  }
0x75: {  	_ =	shalt  }
0x76: {  	_ =	shalt  }
0x77: {  	_ =	shalt  }
0x78: {  	_ =	shalt  }
0x79: {  	_ =	shalt  }
0x7a: {  	_ =	shalt  }
0x7b: {  	_ =	shalt  }
0x7c: {  	_ =	shalt  }
0x7d: {  	_ =	shalt  }
0x7e: {  	_ =	shalt  }
0x7f: {  	_ =	shalt  }
0x80: {  	_ =	shalt  }
0x81: {  	_ =	shalt  }
0x82: {  	_ =	shalt  }
0x83: {  	_ =	shalt  }
0x84: {  	_ =	shalt  }
0x85: {  	_ =	shalt  }
0x86: {  	_ =	shalt  }
0x87: {  	_ =	shalt  }
.Lfunc_end0:
.L_simem_size_0:
called_computation.4_lowered:
.L_overlay_start_0:
0x88: {  	s2 =	sld [smem:$0x3FD9]  }
0x89: {  	s3 =	sld [smem:$0x3FFE];
	_ =	sdelay $0x1  }
0x8a: {  	s1 =	srdreg.scid  }
0x8b: {  	s0 =	sand.u32 $0x1, s1  }
0x8c: {  	s16 =	sshll.u32 s0, $0xA;
	s2 =	sadd.s32 s3, s2  }
0x8d: {  	s2 =	sadd.s32 s2, s16  }
0x8e: {  	[smem:$0x3FBF] =	sst s2  }
0x8f: {  	_ = 	snop  }
0x90: {  	(tm) =	ssettm $0x1  }
0x91: {  	s17 =	sld [smem:$0x3FFB];
	_ =	sdelay $0x3  }
0x92: {  	_ =	strace s17  }
0x93: {  	s2 =	sld [smem:$0x3FFC];
	_ =	sdelay $0x3  }
0x94: {  	_ =	strace s2  }
0x95: {  	s2 =	sld [smem:$0x3FFD];
	_ =	sdelay $0x3  }
0x96: {  	_ =	strace s2  }
0x97: {  	_ =	strace $0x8FFFFFFF  }
0x98: {  	s18 =	sld [smem:$0x3FDB];
	_ =	sdelay $0x1  }
0x99: {  	s19 =	simm.s32 $_scs_section_size  }
0x9a: {  	s4 =	simm.s32 $_size__tile_overlayer_lowered;
	s5 =	simm.s32 $_tile_overlayer_lowered  }
0x9b: {  	s22 =	simm.s32 $0x1BFF;
	s21 =	sshll.u32 s5, $0x1;
	s2 =	sadd.s32 s19, s18  }
0x9c: {  	s6 =	simm.s32 $0x0;
	s20 =	sshll.u32 s4, $0x1;
	s4 =	sadd.s32 s21, s2  }
0x9d: {  	[timem:s6], [sflag:s22] =	dma.local [hbm:s4], s20  }
0x9e: {  	_ =	swait.ge [sflag:s22], s20  }
0x9f: {  	s3 =	ssub.s32 $0x0, s20;
	[sflag:s22] =	ssyncset.done $0x0  }
0xa0: {  	[sflag:s22] =	ssyncadd.s32 s3;
	_ =	sdelay $0x1  }
0xa1: {  	s23 =	simm.s32 $0x1B8B  }
0xa2: {  	_ =	swait.ge [sflag:s23], $0x1  }
0xa3: {  	[sflag:s23] =	ssyncset.done $0x0  }
0xa4: {  	s25 =	simm.s32 $0x1B8E;
	s24 =	sld [smem:$0x3FFE];
	[sflag:s23] =	ssyncadd.s32 $0xFFFFFFFF  }
0xa5: {  	s26 =	simm.s32 $execute0_lowered;
	[smem:$0x3FD2] =	sst s25  }
0xa6: {  	s4 =	sshll.u32 s26, $0x1;
	_ =	strace $0x80000052;
	[dreg:$0x1] =	wrdreg $0xFFFFFFFF  }
0xa7: {  	s28 =	simm.s32 $_size_execute0_lowered;
	s2 =	sadd.s32 s2, s4;
	[dreg:$0x0] =	wrdreg $0x0  }
0xa8: {  	s4 =	sshll.u32 s28, $0x1;
	[dreg:$0x2] =	wrdreg s2  }
0xa9: {  	[dreg:$0x3] =	wrdreg s4  }
0xaa: {  	[dreg:$0x4] =	wrdreg $0xC0  }
0xab: {  	_ =	task [dreg:s6], $0x5FFFF  }
0xac: {  	[dreg:$0x1] =	wrdreg $0xFFFFFFFF  }
0xad: {  	[dreg:$0x0] =	wrdreg $0x60  }
0xae: {  	[dreg:$0x2] =	wrdreg s24  }
0xaf: {  	[dreg:$0x3] =	wrdreg $0x0  }
0xb0: {  	[dreg:$0x4] =	wrdreg $0x9  }
0xb1: {  	_ =	task.clear_ibuf [dreg:s6], $0x5FFFF;
	_ =	strace $0x90000052  }
0xb2: {  	s29 =	simm.s32 $0x9;
	_ =	strace $0x80000054  }
0xb3: {  	_ =	swait.ge [sflag:s29], $0x1  }
0xb4: {  	[sflag:s29] =	ssyncadd.s32 $0xFFFFFFFF  }
0xb5: {  	_ =	strace $0x90000054  }
0xb6: {  	_ =	sfence  }
0xb7: {  	s30 =	sld [smem:$0x0];
	_ =	sdelay $0x2  }
0xb8: {  	s31 =	sshll.u32 s1, $0xD;
	s1 =	sshrl.u32 s1, $0x2  }
0xb9: {  	s3 =	sand.u32 $0x4000, s31;
	s1 =	sadd.s32 s1, s30  }
0xba: {  	s0 =	sor.u32 s3, s0;
	s1 =	sshll.u32 s1, $0x11  }
0xbb: {  	s0 =	sor.u32 s1, s0  }
0xbc: {  	s0 =	sadd.s32 $0x8F2B, s0  }
0xbd: {  	[sflag:s0] =	ssyncadd.remote.s32 $0x1  }
0xbe: {  	_ =	sfence.sel $0xFFFF  }
0xbf: {  	[dreg:$0x0] =	wrdreg $0xFFFFFFFF;
	(pc) =	sbr.abs _section_cstart, $3  }
0xc0: {  	[dreg:$0x1] =	wrdreg $0xFFFFFFFF  }
0xc1: {  	_ =	task.clear_ibuf [dreg:s6], $0x2FFFF;
	_ =	strace $0x9FFFFFFF  }
0xc2: {  	(tm) =	ssettm $0x7FFFFFFF  }
0xc3: {  	_ =	shalt  }
tec
execute0_lowered:
.L_overlay_start_1:
0x0: {  	(tag) =	ssettag $0x1  }
0x1: {  	s0 =	rddreg [dreg:$0x0]  }
0x2: {  	s1 =	rddreg [dreg:$0x1];
	s2 =	srdreg.scid  }
0x3: {  	s3 =	simm.s32 $0x0;
	s8 =	stileid.u32;
	s16 =	simm.s32 $0x16800  }
0x4: {  	s17 =	simm.s32 $0x5;
	s18 =	simm.s32 $0x14000;
	s19 =	simm.s32 $0x15400  }
0x5: {  	s20 =	simm.s32 $0x80;
	s28 =	simm.s32 $0x15480;
	s29 =	simm.s32 $0x4  }
0x6: {  	s30 =	simm.s32 $0x14180;
	s31 =	simm.s32 $0x15500;
	s2 =	sand.u32 $0x1, s2  }
0x7: {  	[smem:$0x7FF] =	sst s3;
	s6 =	smul.u32 $0x14000, s8;
	s4 =	sadd.s32 $0x18600, s0  }
0x8: {  	s21 =	smul.u32 $0x50000, s8;
	s14 =	sadd.s32 $0xE600, s0;
	s15 =	sadd.s32 $0x4600, s0  }
0x9: {  	s5 =	smul.u32 $0x140000, s2;
	_ =	strace $0x80000053;
	s7 =	ssub.s32 $0x2, s2  }
0xa: {  	s2 =	sshll.u32 s2, $0x4;
	s22 =	sshrl.u32 s21, $0x2;
	s23 =	sshrl.u32 s7, $0x1  }
0xb: {  	s2 =	sor.u32 s8, s2;
	s21 =	simm.s32 $0x1;
	s5 =	sadd.s32 s6, s5  }
0xc: {  	s6 =	ssub.s32 s7, s23;
	s2 =	smul.u32 $0x500, s2;
	s5 =	sshrl.u32 s5, $0x3  }
0xd: {  	s23 =	simm.s32 $0x1A800;
	s11 =	smax.u32 s6, $0x1;
	s0 =	sadd.s32 s5, s0  }
0xe: {  	s5 =	sadd.s32 s22, s1;
	s12 =	sadd.s32 s14, s2;
	s13 =	sadd.s32 s15, s2  }
0xf: {  	s26 =	sadd.s32 $0x280, s2;
	s22 =	simm.s32 $0x14080;
	s24 =	sadd.s32 $0x4000, s5  }
0x10: {  	s25 =	sadd.s32 $0x8000, s5;
	s8 =	sadd.s32 $0xC000, s5;
	s9 =	sadd.s32 $0x10000, s5  }
0x11: {  	s10 =	sadd.s32 $0x40600, s0;
	s14 =	sadd.s32 s14, s26;
	s15 =	sadd.s32 s15, s26  }
0x12: {  	s26 =	simm.s32 $0x14100;
	s0 =	simm.s32 $0x0;
	[dreg:$0x3] =	wrdreg s24  }
0x13: {  	v0 =	vimm.f32 $0.0e+00;
	[dreg:$0x4] =	wrdreg s25;
	s24 =	simm.s32 $0x2;
	s25 =	simm.s32 $0x3  }
.LBB2_1:
0x14: {  	s2 =	simm.s32 $0x0;
	s6 =	simm.s32 $0x200  }
.LBB2_2:
0x15: {  	p0 =	sne.s32 s6, $0xFE00;
	[tilespmem:s2+$0x16870] =	vst v0  }
0x16: {  	[tilespmem:s2+$0x16800] =	vst v0  }
0x17: {  	[tilespmem:s2+$0x16810] =	vst v0  }
.Ltmp0:
0x18: {  	[tilespmem:s2+$0x16820] =	vst v0;
	(pc) =	sbr.rel @p0 .LBB2_2-.Ltmp0, $4  }
0x19: {  	[tilespmem:s2+$0x16830] =	vst v0  }
0x1a: {  	[tilespmem:s2+$0x16840] =	vst v0  }
0x1b: {  	[tilespmem:s2+$0x16850] =	vst v0  }
0x1c: {  	[tilespmem:s2+$0x16860] =	vst v0;
	s2 =	sshra.s32 s6, $0x2;
	s6 =	sadd.s32 $0x200, s6  }
0x1d: {  	[tilespmem:s2+$0x16870] =	vst v0  }
0x1e: {  	[tilespmem:s2+$0x16800] =	vst v0  }
0x1f: {  	[tilespmem:s2+$0x16810] =	vst v0  }
0x20: {  	[tilespmem:s2+$0x16820] =	vst v0  }
0x21: {  	[tilespmem:s2+$0x16830] =	vst v0  }
0x22: {  	[tilespmem:s2+$0x16840] =	vst v0  }
0x23: {  	[tilespmem:s2+$0x16850] =	vst v0  }
0x24: {  	[tilespmem:s2+$0x16860] =	vst v0  }
0x25: {  	[spmem:s5] =	stream.linear.scatter [tilespmem:s16], [sflag:$0x5], $0x4000, $0x38;
	[tilespmem:$0x1E800] =	vst v63  }
0x26: {  	_ =	swait.ge [sflag:s17], $0x4000  }
0x27: {  	[sflag:s17] =	ssyncset.done $0x0  }
0x28: {  	s6 =	rddreg [dreg:$0x3];
	[sflag:s17] =	ssyncadd.s32 $0xFFFFC000  }
0x29: {  	[spmem:s6] =	stream.linear.scatter [tilespmem:s16], [sflag:$0x5], $0x4000, $0x38;
	[tilespmem:$0x1E800] =	vst v63  }
0x2a: {  	_ =	swait.ge [sflag:s17], $0x4000  }
0x2b: {  	[sflag:s17] =	ssyncset.done $0x0  }
0x2c: {  	s7 =	rddreg [dreg:$0x4];
	[sflag:s17] =	ssyncadd.s32 $0xFFFFC000  }
0x2d: {  	[spmem:s7] =	stream.linear.scatter [tilespmem:s16], [sflag:$0x5], $0x4000, $0x38;
	[tilespmem:$0x1E800] =	vst v63  }
0x2e: {  	_ =	swait.ge [sflag:s17], $0x4000  }
0x2f: {  	[sflag:s17] =	ssyncset.done $0x0  }
0x30: {  	[sflag:s17] =	ssyncadd.s32 $0xFFFFC000  }
0x31: {  	[spmem:s8] =	stream.linear.scatter [tilespmem:s16], [sflag:$0x5], $0x4000, $0x38;
	[tilespmem:$0x1E800] =	vst v63  }
0x32: {  	_ =	swait.ge [sflag:s17], $0x4000  }
0x33: {  	[sflag:s17] =	ssyncset.done $0x0  }
0x34: {  	[sflag:s17] =	ssyncadd.s32 $0xFFFFC000  }
0x35: {  	[spmem:s9] =	stream.linear.scatter [tilespmem:s16], [sflag:$0x5], $0x4000, $0x38;
	[tilespmem:$0x1E800] =	vst v63  }
0x36: {  	_ =	swait.ge [sflag:s17], $0x4000  }
0x37: {  	[sflag:s17] =	ssyncset.done $0x0  }
0x38: {  	[sflag:s17] =	ssyncadd.s32 $0xFFFFC000  }
0x39: {  	[bflag:$0x0] =	sbarrier.arrive $0xFFFF  }
0x3a: {  	[tilespmem:s18], [sflag:$0x5] =	stream.linear.gather [hbm4b:s12+s3], $0x1400, $0x38;
	[tilespmem:$0x1E800] =	vst v63  }
0x3b: {  	_ =	swait.ge [sflag:s17], $0x1400  }
0x3c: {  	[sflag:s17] =	ssyncset.done $0x0  }
0x3d: {  	[sflag:s17] =	ssyncadd.s32 $0xFFFFEC00  }
0x3e: {  	[tilespmem:s19], [sflag:$0x5] =	stream.linear.gather [hbm4b:s13+s3], $0x1400, $0x38;
	[tilespmem:$0x1E800] =	vst v63  }
0x3f: {  	_ =	swait.ge [sflag:s17], $0x1400  }
0x40: {  	[sflag:s17] =	ssyncset.done $0x0  }
0x41: {  	[sflag:s17] =	ssyncadd.s32 $0xFFFFEC00  }
0x42: {  	[tilespmem:s16], [sflag:$0x1] =	stream.indirect.gather [hbm4b:s4+s20], $0x80, s18, s20, $0xb8;
	[tilespmem:$0x1E800] =	vst v63  }
0x43: {  	_ =	swait.ge [sflag:s21], $0x4000  }
0x44: {  	[sflag:s21] =	ssyncset.done $0x0  }
0x45: {  	[sflag:s21] =	ssyncadd.s32 $0xFFFFC000  }
0x46: {  	[tilespmem:s23], [sflag:$0x2] =	stream.indirect.gather [hbm4b:s4+s20], $0x80, s22, s20, $0xb8;
	[tilespmem:$0x1E800] =	vst v63  }
0x47: {  	_ = 	snop  }
0x48: {  	[spmem:s1] =	stream.indirect.scatter.add.f32 [tilespmem:s16], [sflag:$0x3], $0x80, s19, s20, $0xb8;
	[tilespmem:$0x1E800] =	vst v63  }
0x49: {  	_ =	swait.ge [sflag:s24], $0x4000  }
0x4a: {  	[sflag:s24] =	ssyncset.done $0x0  }
0x4b: {  	[sflag:s24] =	ssyncadd.s32 $0xFFFFC000  }
0x4c: {  	_ =	swait.ge [sflag:s25], $0x4000  }
0x4d: {  	[sflag:s25] =	ssyncset.done $0x0  }
0x4e: {  	[sflag:s25] =	ssyncadd.s32 $0xFFFFC000  }
0x4f: {  	[tilespmem:s16], [sflag:$0x1] =	stream.indirect.gather [hbm4b:s4+s20], $0x80, s26, s20, $0xb8;
	[tilespmem:$0x1E800] =	vst v63  }
0x50: {  	_ = 	snop  }
0x51: {  	[spmem:s1] =	stream.indirect.scatter.add.f32 [tilespmem:s23], [sflag:$0x4], $0x80, s28, s20, $0xb8;
	[tilespmem:$0x1E800] =	vst v63  }
0x52: {  	_ =	swait.ge [sflag:s21], $0x4000  }
0x53: {  	[sflag:s21] =	ssyncset.done $0x0  }
0x54: {  	[sflag:s21] =	ssyncadd.s32 $0xFFFFC000  }
0x55: {  	_ =	swait.ge [sflag:s29], $0x4000  }
0x56: {  	[sflag:s29] =	ssyncset.done $0x0  }
0x57: {  	[sflag:s29] =	ssyncadd.s32 $0xFFFFC000  }
0x58: {  	[tilespmem:s23], [sflag:$0x2] =	stream.indirect.gather [hbm4b:s4+s20], $0x80, s30, s20, $0xb8;
	[tilespmem:$0x1E800] =	vst v63  }
0x59: {  	_ = 	snop  }
0x5a: {  	[spmem:s1] =	stream.indirect.scatter.add.f32 [tilespmem:s16], [sflag:$0x3], $0x80, s31, s20, $0xb8;
	[tilespmem:$0x1E800] =	vst v63  }
0x5b: {  	_ =	swait.ge [sflag:s24], $0x4000  }
0x5c: {  	[sflag:s24] =	ssyncset.done $0x0  }
0x5d: {  	[sflag:s24] =	ssyncadd.s32 $0xFFFFC000  }
0x5e: {  	_ =	swait.ge [sflag:s25], $0x4000  }
0x5f: {  	[sflag:s25] =	ssyncset.done $0x0  }
0x60: {  	s6 =	simm.s32 $0x14200;
	[sflag:s25] =	ssyncadd.s32 $0xFFFFC000  }
0x61: {  	[tilespmem:s16], [sflag:$0x1] =	stream.indirect.gather [hbm4b:s4+s20], $0x80, s6, s20, $0xb8;
	[tilespmem:$0x1E800] =	vst v63  }
0x62: {  	s7 =	simm.s32 $0x15580  }
0x63: {  	[spmem:s1] =	stream.indirect.scatter.add.f32 [tilespmem:s23], [sflag:$0x4], $0x80, s7, s20, $0xb8;
	[tilespmem:$0x1E800] =	vst v63  }
0x64: {  	_ =	swait.ge [sflag:s21], $0x4000  }
0x65: {  	[sflag:s21] =	ssyncset.done $0x0  }
0x66: {  	[sflag:s21] =	ssyncadd.s32 $0xFFFFC000  }
0x67: {  	_ =	swait.ge [sflag:s29], $0x4000  }
0x68: {  	[sflag:s29] =	ssyncset.done $0x0  }
0x69: {  	s6 =	simm.s32 $0x14280;
	[sflag:s29] =	ssyncadd.s32 $0xFFFFC000  }
0x6a: {  	[tilespmem:s23], [sflag:$0x2] =	stream.indirect.gather [hbm4b:s4+s20], $0x80, s6, s20, $0xb8;
	[tilespmem:$0x1E800] =	vst v63  }
0x6b: {  	s7 =	simm.s32 $0x15600  }
0x6c: {  	[spmem:s1] =	stream.indirect.scatter.add.f32 [tilespmem:s16], [sflag:$0x3], $0x80, s7, s20, $0xb8;
	[tilespmem:$0x1E800] =	vst v63  }
0x6d: {  	_ =	swait.ge [sflag:s24], $0x4000  }
0x6e: {  	s2 =	simm.s32 $0xFFFFBC00;
	[sflag:s24] =	ssyncset.done $0x0  }
.LBB2_4:
0x6f: {  	[sflag:s24] =	ssyncadd.s32 $0xFFFFC000;
	s6 =	smov.u32 s2;
	s2 =	sadd.s32 $0x400, s2  }
0x70: {  	p0 =	sne.s32 s2, $0x0  }
0x71: {  	_ =	swait.ge [sflag:s25], $0x4000  }
0x72: {  	s6 =	sshra.s32 s6, $0x2;
	[sflag:s25] =	ssyncset.done $0x0  }
0x73: {  	s7 =	sadd.s32 $0x15400, s6;
	[sflag:s25] =	ssyncadd.s32 $0xFFFFC000  }
0x74: {  	[tilespmem:s16], [sflag:$0x1] =	stream.indirect.gather [hbm4b:s4+s20], $0x80, s7, s20, $0xb8;
	[tilespmem:$0x1E800] =	vst v63  }
0x75: {  	s7 =	sadd.s32 $0x16780, s6  }
0x76: {  	[spmem:s1] =	stream.indirect.scatter.add.f32 [tilespmem:s23], [sflag:$0x4], $0x80, s7, s20, $0xb8;
	[tilespmem:$0x1E800] =	vst v63  }
0x77: {  	_ =	swait.ge [sflag:s21], $0x4000  }
0x78: {  	[sflag:s21] =	ssyncset.done $0x0  }
0x79: {  	[sflag:s21] =	ssyncadd.s32 $0xFFFFC000  }
0x7a: {  	_ =	swait.ge [sflag:s29], $0x4000  }
0x7b: {  	[sflag:s29] =	ssyncset.done $0x0  }
0x7c: {  	s7 =	sadd.s32 $0x15480, s6;
	[sflag:s29] =	ssyncadd.s32 $0xFFFFC000  }
0x7d: {  	[tilespmem:s23], [sflag:$0x2] =	stream.indirect.gather [hbm4b:s4+s20], $0x80, s7, s20, $0xb8;
	[tilespmem:$0x1E800] =	vst v63  }
.Ltmp1:
0x7e: {  	_ = 	snop;
	(pc) =	sbr.rel @p0 .LBB2_4-.Ltmp1, $4  }
0x7f: {  	s6 =	sadd.s32 $0x16800, s6  }
0x80: {  	[spmem:s1] =	stream.indirect.scatter.add.f32 [tilespmem:s16], [sflag:$0x3], $0x80, s6, s20, $0xb8;
	[tilespmem:$0x1E800] =	vst v63  }
0x81: {  	_ =	swait.ge [sflag:s24], $0x4000  }
0x82: {  	[sflag:s24] =	ssyncset.done $0x0  }
0x83: {  	s2 =	sshra.s32 s2, $0x2  }
0x84: {  	[sflag:s24] =	ssyncadd.s32 $0xFFFFC000;
	s2 =	sadd.s32 $0x16780, s2  }
0x85: {  	[spmem:s1] =	stream.indirect.scatter.add.f32 [tilespmem:s23], [sflag:$0x4], $0x80, s2, s20, $0xb8;
	[tilespmem:$0x1E800] =	vst v63  }
0x86: {  	_ =	swait.ge [sflag:s25], $0x4000  }
0x87: {  	[sflag:s25] =	ssyncset.done $0x0  }
0x88: {  	[sflag:s25] =	ssyncadd.s32 $0xFFFFC000  }
0x89: {  	_ =	swait.ge [sflag:s29], $0x4000  }
0x8a: {  	[sflag:s29] =	ssyncset.done $0x0  }
0x8b: {  	[sflag:s29] =	ssyncadd.s32 $0xFFFFC000  }
0x8c: {  	[tilespmem:s18], [sflag:$0x5] =	stream.linear.gather [hbm4b:s14+s3], $0x1400, $0x38;
	[tilespmem:$0x1E800] =	vst v63  }
0x8d: {  	_ =	swait.ge [sflag:s17], $0x1400  }
0x8e: {  	[sflag:s17] =	ssyncset.done $0x0  }
0x8f: {  	[sflag:s17] =	ssyncadd.s32 $0xFFFFEC00  }
0x90: {  	[tilespmem:s19], [sflag:$0x5] =	stream.linear.gather [hbm4b:s15+s3], $0x1400, $0x38;
	[tilespmem:$0x1E800] =	vst v63  }
0x91: {  	_ =	swait.ge [sflag:s17], $0x1400  }
0x92: {  	[sflag:s17] =	ssyncset.done $0x0  }
0x93: {  	[sflag:s17] =	ssyncadd.s32 $0xFFFFEC00  }
0x94: {  	[tilespmem:s16], [sflag:$0x1] =	stream.indirect.gather [hbm4b:s4+s20], $0x80, s18, s20, $0xb8;
	[tilespmem:$0x1E800] =	vst v63  }
0x95: {  	_ =	swait.ge [sflag:s21], $0x4000  }
0x96: {  	[sflag:s21] =	ssyncset.done $0x0  }
0x97: {  	[sflag:s21] =	ssyncadd.s32 $0xFFFFC000  }
0x98: {  	[tilespmem:s23], [sflag:$0x2] =	stream.indirect.gather [hbm4b:s4+s20], $0x80, s22, s20, $0xb8;
	[tilespmem:$0x1E800] =	vst v63  }
0x99: {  	_ = 	snop  }
0x9a: {  	[spmem:s1] =	stream.indirect.scatter.add.f32 [tilespmem:s16], [sflag:$0x3], $0x80, s19, s20, $0xb8;
	[tilespmem:$0x1E800] =	vst v63  }
0x9b: {  	_ =	swait.ge [sflag:s24], $0x4000  }
0x9c: {  	[sflag:s24] =	ssyncset.done $0x0  }
0x9d: {  	[sflag:s24] =	ssyncadd.s32 $0xFFFFC000  }
0x9e: {  	_ =	swait.ge [sflag:s25], $0x4000  }
0x9f: {  	[sflag:s25] =	ssyncset.done $0x0  }
0xa0: {  	[sflag:s25] =	ssyncadd.s32 $0xFFFFC000  }
0xa1: {  	[tilespmem:s16], [sflag:$0x1] =	stream.indirect.gather [hbm4b:s4+s20], $0x80, s26, s20, $0xb8;
	[tilespmem:$0x1E800] =	vst v63  }
0xa2: {  	_ = 	snop  }
0xa3: {  	[spmem:s1] =	stream.indirect.scatter.add.f32 [tilespmem:s23], [sflag:$0x4], $0x80, s28, s20, $0xb8;
	[tilespmem:$0x1E800] =	vst v63  }
0xa4: {  	_ =	swait.ge [sflag:s21], $0x4000  }
0xa5: {  	[sflag:s21] =	ssyncset.done $0x0  }
0xa6: {  	[sflag:s21] =	ssyncadd.s32 $0xFFFFC000  }
0xa7: {  	_ =	swait.ge [sflag:s29], $0x4000  }
0xa8: {  	[sflag:s29] =	ssyncset.done $0x0  }
0xa9: {  	[sflag:s29] =	ssyncadd.s32 $0xFFFFC000  }
0xaa: {  	[tilespmem:s23], [sflag:$0x2] =	stream.indirect.gather [hbm4b:s4+s20], $0x80, s30, s20, $0xb8;
	[tilespmem:$0x1E800] =	vst v63  }
0xab: {  	_ = 	snop  }
0xac: {  	[spmem:s1] =	stream.indirect.scatter.add.f32 [tilespmem:s16], [sflag:$0x3], $0x80, s31, s20, $0xb8;
	[tilespmem:$0x1E800] =	vst v63  }
0xad: {  	_ =	swait.ge [sflag:s24], $0x4000  }
0xae: {  	[sflag:s24] =	ssyncset.done $0x0  }
0xaf: {  	[sflag:s24] =	ssyncadd.s32 $0xFFFFC000  }
0xb0: {  	_ =	swait.ge [sflag:s25], $0x4000  }
0xb1: {  	[sflag:s25] =	ssyncset.done $0x0  }
0xb2: {  	s6 =	simm.s32 $0x14200;
	[sflag:s25] =	ssyncadd.s32 $0xFFFFC000  }
0xb3: {  	[tilespmem:s16], [sflag:$0x1] =	stream.indirect.gather [hbm4b:s4+s20], $0x80, s6, s20, $0xb8;
	[tilespmem:$0x1E800] =	vst v63  }
0xb4: {  	s7 =	simm.s32 $0x15580  }
0xb5: {  	[spmem:s1] =	stream.indirect.scatter.add.f32 [tilespmem:s23], [sflag:$0x4], $0x80, s7, s20, $0xb8;
	[tilespmem:$0x1E800] =	vst v63  }
0xb6: {  	_ =	swait.ge [sflag:s21], $0x4000  }
0xb7: {  	[sflag:s21] =	ssyncset.done $0x0  }
0xb8: {  	[sflag:s21] =	ssyncadd.s32 $0xFFFFC000  }
0xb9: {  	_ =	swait.ge [sflag:s29], $0x4000  }
0xba: {  	[sflag:s29] =	ssyncset.done $0x0  }
0xbb: {  	s6 =	simm.s32 $0x14280;
	[sflag:s29] =	ssyncadd.s32 $0xFFFFC000  }
0xbc: {  	[tilespmem:s23], [sflag:$0x2] =	stream.indirect.gather [hbm4b:s4+s20], $0x80, s6, s20, $0xb8;
	[tilespmem:$0x1E800] =	vst v63  }
0xbd: {  	s7 =	simm.s32 $0x15600  }
0xbe: {  	[spmem:s1] =	stream.indirect.scatter.add.f32 [tilespmem:s16], [sflag:$0x3], $0x80, s7, s20, $0xb8;
	[tilespmem:$0x1E800] =	vst v63  }
0xbf: {  	_ =	swait.ge [sflag:s24], $0x4000  }
0xc0: {  	s2 =	simm.s32 $0xFFFFBC00;
	[sflag:s24] =	ssyncset.done $0x0  }
.LBB2_6:
0xc1: {  	[sflag:s24] =	ssyncadd.s32 $0xFFFFC000;
	s6 =	smov.u32 s2;
	s2 =	sadd.s32 $0x400, s2  }
0xc2: {  	p0 =	sne.s32 s2, $0x0  }
0xc3: {  	_ =	swait.ge [sflag:s25], $0x4000  }
0xc4: {  	s6 =	sshra.s32 s6, $0x2;
	[sflag:s25] =	ssyncset.done $0x0  }
0xc5: {  	s7 =	sadd.s32 $0x15400, s6;
	[sflag:s25] =	ssyncadd.s32 $0xFFFFC000  }
0xc6: {  	[tilespmem:s16], [sflag:$0x1] =	stream.indirect.gather [hbm4b:s4+s20], $0x80, s7, s20, $0xb8;
	[tilespmem:$0x1E800] =	vst v63  }
0xc7: {  	s7 =	sadd.s32 $0x16780, s6  }
0xc8: {  	[spmem:s1] =	stream.indirect.scatter.add.f32 [tilespmem:s23], [sflag:$0x4], $0x80, s7, s20, $0xb8;
	[tilespmem:$0x1E800] =	vst v63  }
0xc9: {  	_ =	swait.ge [sflag:s21], $0x4000  }
0xca: {  	[sflag:s21] =	ssyncset.done $0x0  }
0xcb: {  	[sflag:s21] =	ssyncadd.s32 $0xFFFFC000  }
0xcc: {  	_ =	swait.ge [sflag:s29], $0x4000  }
0xcd: {  	[sflag:s29] =	ssyncset.done $0x0  }
0xce: {  	s7 =	sadd.s32 $0x15480, s6;
	[sflag:s29] =	ssyncadd.s32 $0xFFFFC000  }
0xcf: {  	[tilespmem:s23], [sflag:$0x2] =	stream.indirect.gather [hbm4b:s4+s20], $0x80, s7, s20, $0xb8;
	[tilespmem:$0x1E800] =	vst v63  }
.Ltmp2:
0xd0: {  	_ = 	snop;
	(pc) =	sbr.rel @p0 .LBB2_6-.Ltmp2, $4  }
0xd1: {  	s6 =	sadd.s32 $0x16800, s6  }
0xd2: {  	[spmem:s1] =	stream.indirect.scatter.add.f32 [tilespmem:s16], [sflag:$0x3], $0x80, s6, s20, $0xb8;
	[tilespmem:$0x1E800] =	vst v63  }
0xd3: {  	_ =	swait.ge [sflag:s24], $0x4000  }
0xd4: {  	[sflag:s24] =	ssyncset.done $0x0  }
0xd5: {  	s2 =	sshra.s32 s2, $0x2  }
0xd6: {  	[sflag:s24] =	ssyncadd.s32 $0xFFFFC000;
	s2 =	sadd.s32 $0x16780, s2  }
0xd7: {  	[spmem:s1] =	stream.indirect.scatter.add.f32 [tilespmem:s23], [sflag:$0x4], $0x80, s2, s20, $0xb8;
	[tilespmem:$0x1E800] =	vst v63  }
0xd8: {  	_ =	swait.ge [sflag:s25], $0x4000  }
0xd9: {  	[sflag:s25] =	ssyncset.done $0x0  }
0xda: {  	[sflag:s25] =	ssyncadd.s32 $0xFFFFC000  }
0xdb: {  	s7 =	stileid.u32;
	_ =	swait.ge [sflag:s29], $0x4000  }
0xdc: {  	s6 =	sshrl.u32 s5, $0x3;
	s0 =	sadd.s32 $0x1, s0;
	[sflag:s29] =	ssyncset.done $0x0  }
0xdd: {  	p0 =	sne.s32 s0, s11;
	s2 =	sshll.u32 s7, $0x6;
	[sflag:s29] =	ssyncadd.s32 $0xFFFFC000  }
.Ltmp3:
0xde: {  	s2 =	sor.u32 $0x1C05, s2;
	[bflag:$0x0] =	sbarrier.arrive $0xFFFF;
	(pc) =	sbr.rel @p0 .LBB2_1-.Ltmp3, $4  }
0xdf: {  	[hbm:s10], [sflag:s2] =	dma.local [spmem:s6], $0x2800  }
0xe0: {  	_ =	swait.ge [sflag:s17], $0x2800  }
0xe1: {  	[sflag:s17] =	ssyncset.done $0x0  }
0xe2: {  	[sflag:s17] =	ssyncadd.s32 $0xFFFFD800  }
0xe3: {  	_ =	sfence.sel $0x180000  }
0xe4: {  	[bflag:$0x0] =	sbarrier.arrive $0xFFFF  }
0xe5: {  	_ =	strace $0x90000053  }
0xe6: {  	s0 =	stileid.u32;
	[bflag:$0x2] =	sbarrier.arrive $0xFFFF  }
0xe7: {  	p0 =	sne.s32 s0, $0x0;
	s0 =	rddreg [dreg:$0x2]  }
0xe8: {  	s0 =	sadd.s32 @!p0 $0x100000, s0  }
0xe9: {  	[sflag:s0] =	ssyncadd.tile.s32 @!p0 $0x1;
	_ =	shalt  }
.Lfunc_end2:
_tile_overlayer_lowered:
.L_overlay_start_2:
0xea: {  	(tag) =	ssettag $0x2  }
0xeb: {  	s0 =	rddreg [dreg:$0x0];
	s2 =	stileid.u32  }
0xec: {  	s1 =	rddreg [dreg:$0x1];
	p0 =	sne.s32 s2, $0x0  }
0xed: {  	s3 =	rddreg [dreg:$0x2];
	[bflag:$0x3] =	sbarrier.arrive $0xFFFF;
	s2 =	simm.s32 @!p0 $0x1C05  }
0xee: {  	[timem:s3], [sflag:s2] =	dma.local @!p0 [hbm:s0], s1  }
0xef: {  	s0 =	simm.s32 @!p0 $0x5  }
0xf0: {  	_ =	swait.ge @!p0 [sflag:s0], s1  }
0xf1: {  	s1 =	ssub.s32 @!p0 $0x0, s1;
	[sflag:s0] =	ssyncset.done @!p0 $0x0  }
0xf2: {  	[sflag:s0] =	ssyncadd.s32 @!p0 s1  }
0xf3: {  	[bflag:$0x3] =	sbarrier.arrive $0xFFFF  }
0xf4: {  	_ =	shalt  }

// kernel: kernel.31.cloned.1.call-start
scs
__scs_entry_jumppad:
0x0: {  	(pc) =	sbr.rel $0x88, $3  }
0x1: {  	(tag) =	ssettag $0x0;
	lr =	simm.s32 $0x1  }
0x2: {  	[smem:$0x3F98] =	sst lr;
	_ =	strace $0xD0000000  }
0x3: {  	_ = 	snop  }
0x4: {  	_ = 	snop  }
0x5: {  	_ = 	snop  }
0x6: {  	_ = 	snop  }
0x7: {  	_ = 	snop  }
__scs_overlays_trampoline_lowered:
0x8: {  	[smem:$0x3FA7] =	sst s0  }
0x9: {  	[smem:$0x3FA8] =	sst s1  }
0xa: {  	[smem:$0x3FA9] =	sst s2  }
0xb: {  	[smem:$0x3FAA] =	sst s3  }
0xc: {  	[smem:$0x3FAB] =	sst s4  }
0xd: {  	[smem:$0x3FAC] =	sst s5  }
0xe: {  	[smem:$0x3FAD] =	sst s6  }
0xf: {  	[smem:$0x3FAE] =	sst s7  }
0x10: {  	[smem:$0x3FAF] =	sst s8  }
0x11: {  	[smem:$0x3FB0] =	sst s9;
	s0 =	simm.s32 @!p0 $0x0  }
0x12: {  	s1 =	sld [smem:$0x3F96];
	s0 =	simm.s32 @p0 $0x1  }
0x13: {  	[smem:$0x3FB1] =	sst s0;
	s0 =	simm.s32 @!p1 $0x0  }
0x14: {  	s2 =	sld [smem:$0x3F95];
	s0 =	simm.s32 @p1 $0x1  }
0x15: {  	[smem:$0x3FB2] =	sst s0;
	s0 =	simm.s32 @!p2 $0x0  }
0x16: {  	s3 =	sld [smem:$0x3FDB];
	s0 =	simm.s32 @p2 $0x1  }
0x17: {  	s4 =	simm.s32 $0x1BF5;
	[smem:$0x3FB4] =	sst s0  }
0x18: {  	s0 =	sld [smem:$0x3F97];
	_ =	swait.ge [sflag:s4], $0x0  }
0x19: {  	s7 =	sld [smem:$0x3F98]  }
0x1a: {  	s8 =	sadd.s32 $0xFFFFE003, lr  }
0x1b: {  	s9 =	sadd.s32 $0xFFFFFEF7, lr;
	s5 =	simm.s32 $0xFFFFFFFF;
	p2 =	slt.u32 s8, $0xFFFFF086  }
0x1c: {  	p1 =	slt.u32 s9, $0xF7A;
	s5 =	simm.s32 @!p2 $0x0  }
0x1d: {  	s5 =	simm.s32 @p1 $0x1;
	p0 =	seq.s32 s7, s2  }
0x1e: {  	s7 =	smul.u32 @!p0 $0xF7A, s2;
	p2 =	seq.s32 @!p0 s5, $0x0  }
0x1f: {  	s9 =	smul.u32 $0xF7A, s1;
	s8 =	simm.s32 @!p0 $0x1BF5;
	p2 =	por !p2, p0  }
0x20: {  	[sflag:s8] =	ssyncset.s32 @!p0 $0xFFFFF086;
	s6 =	sadd.s32 @!p0 s3, s7;
	s7 =	simm.s32 @!p0 $0x108  }
0x21: {  	s3 =	sadd.s32 s3, s9;
	s6 =	sadd.s32 @!p0 $0x88, s6;
	s7 =	simm.s32 @p2 $0x1082  }
0x22: {  	[simem:s7], [sflag:s8] =	dma.local @!p0 [hbm:s6], $0xF7A  }
0x23: {  	s9 =	sor.u32 $0xD0000000, s2;
	s6 =	simm.s32 $0x108;
	_ =	swait.ge @!p0 [sflag:s8], $0x0  }
0x24: {  	s3 =	sadd.s32 $0x88, s3;
	s6 =	simm.s32 @!p1 $0x1082;
	[sflag:s4] =	ssyncset.s32 $0xFFFFF086  }
0x25: {  	[simem:s6], [sflag:s4] =	dma.local [hbm:s3], $0xF7A  }
0x26: {  	[smem:$0x3F98] =	sst s1;
	(tag) =	ssettag s2;
	_ =	strace s9  }
0x27: {  	s1 =	sld [smem:$0x3FA8]  }
0x28: {  	s2 =	sld [smem:$0x3FA9]  }
0x29: {  	s4 =	sld [smem:$0x3FAB]  }
0x2a: {  	p0 =	seq.s32 s5, $0x0;
	s5 =	sld [smem:$0x3FAC]  }
0x2b: {  	s6 =	sld [smem:$0x3FAD]  }
0x2c: {  	s7 =	sld [smem:$0x3FAE]  }
0x2d: {  	s3 =	simm.s32 $0x108;
	s8 =	sld [smem:$0x3FAF]  }
0x2e: {  	s3 =	simm.s32 @!p0 $0x1082;
	s9 =	sld [smem:$0x3FB0]  }
0x2f: {  	lr =	sadd.s32 s0, s3;
	s0 =	sld [smem:$0x3FA7]  }
0x30: {  	s3 =	sld [smem:$0x3FAA]  }
0x31: {  	[smem:$0x3FB3] =	sst s10  }
0x32: {  	s10 =	sld [smem:$0x3FB1];
	_ =	sdelay $0x3  }
0x33: {  	p0 =	seq.s32 s10, $0x1;
	s10 =	sld [smem:$0x3FB3];
	_ =	sdelay $0x3  }
0x34: {  	[smem:$0x3FB3] =	sst s10  }
0x35: {  	s10 =	sld [smem:$0x3FB2];
	_ =	sdelay $0x3  }
0x36: {  	p1 =	seq.s32 s10, $0x1;
	s10 =	sld [smem:$0x3FB3];
	_ =	sdelay $0x3  }
0x37: {  	[smem:$0x3FB3] =	sst s10  }
0x38: {  	s10 =	sld [smem:$0x3FB4]  }
0x39: {  	_ = 	snop;
	(pc) =	sbr.ind lr, $3  }
0x3a: {  	_ = 	snop  }
0x3b: {  	_ = 	snop  }
0x3c: {  	p2 =	seq.s32 s10, $0x1;
	s10 =	sld [smem:$0x3FB3]  }
0x3d: {  	_ =	shalt  }
0x3e: {  	_ =	shalt  }
0x3f: {  	_ =	shalt  }
0x40: {  	_ =	shalt  }
0x41: {  	_ =	shalt  }
0x42: {  	_ =	shalt  }
0x43: {  	_ =	shalt  }
0x44: {  	_ =	shalt  }
0x45: {  	_ =	shalt  }
0x46: {  	_ =	shalt  }
0x47: {  	_ =	shalt  }
0x48: {  	_ =	shalt  }
0x49: {  	_ =	shalt  }
0x4a: {  	_ =	shalt  }
0x4b: {  	_ =	shalt  }
0x4c: {  	_ =	shalt  }
0x4d: {  	_ =	shalt  }
0x4e: {  	_ =	shalt  }
0x4f: {  	_ =	shalt  }
0x50: {  	_ =	shalt  }
0x51: {  	_ =	shalt  }
0x52: {  	_ =	shalt  }
0x53: {  	_ =	shalt  }
0x54: {  	_ =	shalt  }
0x55: {  	_ =	shalt  }
0x56: {  	_ =	shalt  }
0x57: {  	_ =	shalt  }
0x58: {  	_ =	shalt  }
0x59: {  	_ =	shalt  }
0x5a: {  	_ =	shalt  }
0x5b: {  	_ =	shalt  }
0x5c: {  	_ =	shalt  }
0x5d: {  	_ =	shalt  }
0x5e: {  	_ =	shalt  }
0x5f: {  	_ =	shalt  }
0x60: {  	_ =	shalt  }
0x61: {  	_ =	shalt  }
0x62: {  	_ =	shalt  }
0x63: {  	_ =	shalt  }
0x64: {  	_ =	shalt  }
0x65: {  	_ =	shalt  }
0x66: {  	_ =	shalt  }
0x67: {  	_ =	shalt  }
0x68: {  	_ =	shalt  }
0x69: {  	_ =	shalt  }
0x6a: {  	_ =	shalt  }
0x6b: {  	_ =	shalt  }
0x6c: {  	_ =	shalt  }
0x6d: {  	_ =	shalt  }
0x6e: {  	_ =	shalt  }
0x6f: {  	_ =	shalt  }
0x70: {  	_ =	shalt  }
0x71: {  	_ =	shalt  }
0x72: {  	_ =	shalt  }
0x73: {  	_ =	shalt  }
0x74: {  	_ =	shalt  }
0x75: {  	_ =	shalt  }
0x76: {  	_ =	shalt  }
0x77: {  	_ =	shalt  }
0x78: {  	_ =	shalt  }
0x79: {  	_ =	shalt  }
0x7a: {  	_ =	shalt  }
0x7b: {  	_ =	shalt  }
0x7c: {  	_ =	shalt  }
0x7d: {  	_ =	shalt  }
0x7e: {  	_ =	shalt  }
0x7f: {  	_ =	shalt  }
0x80: {  	_ =	shalt  }
0x81: {  	_ =	shalt  }
0x82: {  	_ =	shalt  }
0x83: {  	_ =	shalt  }
0x84: {  	_ =	shalt  }
0x85: {  	_ =	shalt  }
0x86: {  	_ =	shalt  }
0x87: {  	_ =	shalt  }
.Lfunc_end0:
.L_simem_size_0:
called_computation.5_lowered:
.L_overlay_start_0:
0x88: {  	s2 =	sld [smem:$0x3FD9]  }
0x89: {  	s3 =	sld [smem:$0x3FFE];
	_ =	sdelay $0x1  }
0x8a: {  	s1 =	srdreg.scid  }
0x8b: {  	s0 =	sand.u32 $0x1, s1  }
0x8c: {  	s16 =	sshll.u32 s0, $0xA;
	s2 =	sadd.s32 s3, s2  }
0x8d: {  	s2 =	sadd.s32 s2, s16  }
0x8e: {  	[smem:$0x3FBF] =	sst s2  }
0x8f: {  	_ = 	snop  }
0x90: {  	(tm) =	ssettm $0x1  }
0x91: {  	s17 =	sld [smem:$0x3FFB];
	_ =	sdelay $0x3  }
0x92: {  	_ =	strace s17  }
0x93: {  	s2 =	sld [smem:$0x3FFC];
	_ =	sdelay $0x3  }
0x94: {  	_ =	strace s2  }
0x95: {  	s2 =	sld [smem:$0x3FFD];
	_ =	sdelay $0x3  }
0x96: {  	_ =	strace s2  }
0x97: {  	_ =	strace $0x8FFFFFFF  }
0x98: {  	s18 =	sld [smem:$0x3FDB];
	_ =	sdelay $0x1  }
0x99: {  	s19 =	simm.s32 $_scs_section_size  }
0x9a: {  	s4 =	simm.s32 $_size__tile_overlayer_lowered;
	s5 =	simm.s32 $_tile_overlayer_lowered  }
0x9b: {  	s22 =	simm.s32 $0x1BFF;
	s21 =	sshll.u32 s5, $0x1;
	s2 =	sadd.s32 s19, s18  }
0x9c: {  	s6 =	simm.s32 $0x0;
	s20 =	sshll.u32 s4, $0x1;
	s4 =	sadd.s32 s21, s2  }
0x9d: {  	[timem:s6], [sflag:s22] =	dma.local [hbm:s4], s20  }
0x9e: {  	_ =	swait.ge [sflag:s22], s20  }
0x9f: {  	s3 =	ssub.s32 $0x0, s20;
	[sflag:s22] =	ssyncset.done $0x0  }
0xa0: {  	[sflag:s22] =	ssyncadd.s32 s3;
	_ =	sdelay $0x1  }
0xa1: {  	s23 =	simm.s32 $0x1B8B  }
0xa2: {  	_ =	swait.ge [sflag:s23], $0x1  }
0xa3: {  	[sflag:s23] =	ssyncset.done $0x0  }
0xa4: {  	s25 =	simm.s32 $0x1B8E;
	s24 =	sld [smem:$0x3FFE];
	[sflag:s23] =	ssyncadd.s32 $0xFFFFFFFF  }
0xa5: {  	s26 =	simm.s32 $execute0_lowered;
	[smem:$0x3FD2] =	sst s25  }
0xa6: {  	s4 =	sshll.u32 s26, $0x1;
	_ =	strace $0x80000055;
	[dreg:$0x1] =	wrdreg $0xFFFFFFFF  }
0xa7: {  	s28 =	simm.s32 $_size_execute0_lowered;
	s2 =	sadd.s32 s2, s4;
	[dreg:$0x0] =	wrdreg $0x0  }
0xa8: {  	s4 =	sshll.u32 s28, $0x1;
	[dreg:$0x2] =	wrdreg s2  }
0xa9: {  	[dreg:$0x3] =	wrdreg s4  }
0xaa: {  	[dreg:$0x4] =	wrdreg $0xC0  }
0xab: {  	_ =	task [dreg:s6], $0x5FFFF  }
0xac: {  	[dreg:$0x1] =	wrdreg $0xFFFFFFFF  }
0xad: {  	[dreg:$0x0] =	wrdreg $0x60  }
0xae: {  	[dreg:$0x2] =	wrdreg s24  }
0xaf: {  	[dreg:$0x3] =	wrdreg $0x0  }
0xb0: {  	[dreg:$0x4] =	wrdreg $0x9  }
0xb1: {  	_ =	task.clear_ibuf [dreg:s6], $0x5FFFF;
	_ =	strace $0x90000055  }
0xb2: {  	s29 =	simm.s32 $0x9;
	_ =	strace $0x80000057  }
0xb3: {  	_ =	swait.ge [sflag:s29], $0x1  }
0xb4: {  	[sflag:s29] =	ssyncadd.s32 $0xFFFFFFFF  }
0xb5: {  	_ =	strace $0x90000057  }
0xb6: {  	_ =	sfence  }
0xb7: {  	s30 =	sld [smem:$0x0];
	_ =	sdelay $0x2  }
0xb8: {  	s31 =	sshll.u32 s1, $0xD;
	s1 =	sshrl.u32 s1, $0x2  }
0xb9: {  	s3 =	sand.u32 $0x4000, s31;
	s1 =	sadd.s32 s1, s30  }
0xba: {  	s0 =	sor.u32 s3, s0;
	s1 =	sshll.u32 s1, $0x11  }
0xbb: {  	s0 =	sor.u32 s1, s0  }
0xbc: {  	s0 =	sadd.s32 $0x8F2B, s0  }
0xbd: {  	[sflag:s0] =	ssyncadd.remote.s32 $0x1  }
0xbe: {  	_ =	sfence.sel $0xFFFF  }
0xbf: {  	[dreg:$0x0] =	wrdreg $0xFFFFFFFF;
	(pc) =	sbr.abs _section_cstart, $3  }
0xc0: {  	[dreg:$0x1] =	wrdreg $0xFFFFFFFF  }
0xc1: {  	_ =	task.clear_ibuf [dreg:s6], $0x2FFFF;
	_ =	strace $0x9FFFFFFF  }
0xc2: {  	(tm) =	ssettm $0x7FFFFFFF  }
0xc3: {  	_ =	shalt  }
tec
execute0_lowered:
.L_overlay_start_1:
0x0: {  	(tag) =	ssettag $0x1  }
0x1: {  	s0 =	rddreg [dreg:$0x0]  }
0x2: {  	s1 =	rddreg [dreg:$0x1];
	s2 =	srdreg.scid  }
0x3: {  	s3 =	simm.s32 $0x0;
	s8 =	stileid.u32;
	s16 =	simm.s32 $0x16800  }
0x4: {  	s17 =	simm.s32 $0x5;
	s18 =	simm.s32 $0x14000;
	s19 =	simm.s32 $0x15400  }
0x5: {  	s20 =	simm.s32 $0x80;
	s28 =	simm.s32 $0x15480;
	s29 =	simm.s32 $0x4  }
0x6: {  	s30 =	simm.s32 $0x14180;
	s31 =	simm.s32 $0x15500;
	s2 =	sand.u32 $0x1, s2  }
0x7: {  	[smem:$0x7FF] =	sst s3;
	s6 =	smul.u32 $0x14000, s8;
	s4 =	sadd.s32 $0x18600, s0  }
0x8: {  	s21 =	smul.u32 $0x50000, s8;
	s14 =	sadd.s32 $0xE600, s0;
	s15 =	sadd.s32 $0x4600, s0  }
0x9: {  	s5 =	smul.u32 $0x140000, s2;
	_ =	strace $0x80000056;
	s7 =	ssub.s32 $0x2, s2  }
0xa: {  	s2 =	sshll.u32 s2, $0x4;
	s22 =	sshrl.u32 s21, $0x2;
	s23 =	sshrl.u32 s7, $0x1  }
0xb: {  	s2 =	sor.u32 s8, s2;
	s21 =	simm.s32 $0x1;
	s5 =	sadd.s32 s6, s5  }
0xc: {  	s6 =	ssub.s32 s7, s23;
	s2 =	smul.u32 $0x500, s2;
	s5 =	sshrl.u32 s5, $0x3  }
0xd: {  	s23 =	simm.s32 $0x1A800;
	s11 =	smax.u32 s6, $0x1;
	s0 =	sadd.s32 s5, s0  }
0xe: {  	s5 =	sadd.s32 s22, s1;
	s12 =	sadd.s32 s14, s2;
	s13 =	sadd.s32 s15, s2  }
0xf: {  	s26 =	sadd.s32 $0x280, s2;
	s22 =	simm.s32 $0x14080;
	s24 =	sadd.s32 $0x4000, s5  }
0x10: {  	s25 =	sadd.s32 $0x8000, s5;
	s8 =	sadd.s32 $0xC000, s5;
	s9 =	sadd.s32 $0x10000, s5  }
0x11: {  	s10 =	sadd.s32 $0x40600, s0;
	s14 =	sadd.s32 s14, s26;
	s15 =	sadd.s32 s15, s26  }
0x12: {  	s26 =	simm.s32 $0x14100;
	s0 =	simm.s32 $0x0;
	[dreg:$0x3] =	wrdreg s24  }
0x13: {  	v0 =	vimm.f32 $0.0e+00;
	[dreg:$0x4] =	wrdreg s25;
	s24 =	simm.s32 $0x2;
	s25 =	simm.s32 $0x3  }
.LBB2_1:
0x14: {  	s2 =	simm.s32 $0x0;
	s6 =	simm.s32 $0x200  }
.LBB2_2:
0x15: {  	p0 =	sne.s32 s6, $0xFE00;
	[tilespmem:s2+$0x16870] =	vst v0  }
0x16: {  	[tilespmem:s2+$0x16800] =	vst v0  }
0x17: {  	[tilespmem:s2+$0x16810] =	vst v0  }
.Ltmp0:
0x18: {  	[tilespmem:s2+$0x16820] =	vst v0;
	(pc) =	sbr.rel @p0 .LBB2_2-.Ltmp0, $4  }
0x19: {  	[tilespmem:s2+$0x16830] =	vst v0  }
0x1a: {  	[tilespmem:s2+$0x16840] =	vst v0  }
0x1b: {  	[tilespmem:s2+$0x16850] =	vst v0  }
0x1c: {  	[tilespmem:s2+$0x16860] =	vst v0;
	s2 =	sshra.s32 s6, $0x2;
	s6 =	sadd.s32 $0x200, s6  }
0x1d: {  	[tilespmem:s2+$0x16870] =	vst v0  }
0x1e: {  	[tilespmem:s2+$0x16800] =	vst v0  }
0x1f: {  	[tilespmem:s2+$0x16810] =	vst v0  }
0x20: {  	[tilespmem:s2+$0x16820] =	vst v0  }
0x21: {  	[tilespmem:s2+$0x16830] =	vst v0  }
0x22: {  	[tilespmem:s2+$0x16840] =	vst v0  }
0x23: {  	[tilespmem:s2+$0x16850] =	vst v0  }
0x24: {  	[tilespmem:s2+$0x16860] =	vst v0  }
0x25: {  	[spmem:s5] =	stream.linear.scatter [tilespmem:s16], [sflag:$0x5], $0x4000, $0x38;
	[tilespmem:$0x1E800] =	vst v63  }
0x26: {  	_ =	swait.ge [sflag:s17], $0x4000  }
0x27: {  	[sflag:s17] =	ssyncset.done $0x0  }
0x28: {  	s6 =	rddreg [dreg:$0x3];
	[sflag:s17] =	ssyncadd.s32 $0xFFFFC000  }
0x29: {  	[spmem:s6] =	stream.linear.scatter [tilespmem:s16], [sflag:$0x5], $0x4000, $0x38;
	[tilespmem:$0x1E800] =	vst v63  }
0x2a: {  	_ =	swait.ge [sflag:s17], $0x4000  }
0x2b: {  	[sflag:s17] =	ssyncset.done $0x0  }
0x2c: {  	s7 =	rddreg [dreg:$0x4];
	[sflag:s17] =	ssyncadd.s32 $0xFFFFC000  }
0x2d: {  	[spmem:s7] =	stream.linear.scatter [tilespmem:s16], [sflag:$0x5], $0x4000, $0x38;
	[tilespmem:$0x1E800] =	vst v63  }
0x2e: {  	_ =	swait.ge [sflag:s17], $0x4000  }
0x2f: {  	[sflag:s17] =	ssyncset.done $0x0  }
0x30: {  	[sflag:s17] =	ssyncadd.s32 $0xFFFFC000  }
0x31: {  	[spmem:s8] =	stream.linear.scatter [tilespmem:s16], [sflag:$0x5], $0x4000, $0x38;
	[tilespmem:$0x1E800] =	vst v63  }
0x32: {  	_ =	swait.ge [sflag:s17], $0x4000  }
0x33: {  	[sflag:s17] =	ssyncset.done $0x0  }
0x34: {  	[sflag:s17] =	ssyncadd.s32 $0xFFFFC000  }
0x35: {  	[spmem:s9] =	stream.linear.scatter [tilespmem:s16], [sflag:$0x5], $0x4000, $0x38;
	[tilespmem:$0x1E800] =	vst v63  }
0x36: {  	_ =	swait.ge [sflag:s17], $0x4000  }
0x37: {  	[sflag:s17] =	ssyncset.done $0x0  }
0x38: {  	[sflag:s17] =	ssyncadd.s32 $0xFFFFC000  }
0x39: {  	[bflag:$0x0] =	sbarrier.arrive $0xFFFF  }
0x3a: {  	[tilespmem:s18], [sflag:$0x5] =	stream.linear.gather [hbm4b:s12+s3], $0x1400, $0x38;
	[tilespmem:$0x1E800] =	vst v63  }
0x3b: {  	_ =	swait.ge [sflag:s17], $0x1400  }
0x3c: {  	[sflag:s17] =	ssyncset.done $0x0  }
0x3d: {  	[sflag:s17] =	ssyncadd.s32 $0xFFFFEC00  }
0x3e: {  	[tilespmem:s19], [sflag:$0x5] =	stream.linear.gather [hbm4b:s13+s3], $0x1400, $0x38;
	[tilespmem:$0x1E800] =	vst v63  }
0x3f: {  	_ =	swait.ge [sflag:s17], $0x1400  }
0x40: {  	[sflag:s17] =	ssyncset.done $0x0  }
0x41: {  	[sflag:s17] =	ssyncadd.s32 $0xFFFFEC00  }
0x42: {  	[tilespmem:s16], [sflag:$0x1] =	stream.indirect.gather [hbm4b:s4+s20], $0x80, s18, s20, $0xb8;
	[tilespmem:$0x1E800] =	vst v63  }
0x43: {  	_ =	swait.ge [sflag:s21], $0x4000  }
0x44: {  	[sflag:s21] =	ssyncset.done $0x0  }
0x45: {  	[sflag:s21] =	ssyncadd.s32 $0xFFFFC000  }
0x46: {  	[tilespmem:s23], [sflag:$0x2] =	stream.indirect.gather [hbm4b:s4+s20], $0x80, s22, s20, $0xb8;
	[tilespmem:$0x1E800] =	vst v63  }
0x47: {  	_ = 	snop  }
0x48: {  	[spmem:s1] =	stream.indirect.scatter.add.f32 [tilespmem:s16], [sflag:$0x3], $0x80, s19, s20, $0xb8;
	[tilespmem:$0x1E800] =	vst v63  }
0x49: {  	_ =	swait.ge [sflag:s24], $0x4000  }
0x4a: {  	[sflag:s24] =	ssyncset.done $0x0  }
0x4b: {  	[sflag:s24] =	ssyncadd.s32 $0xFFFFC000  }
0x4c: {  	_ =	swait.ge [sflag:s25], $0x4000  }
0x4d: {  	[sflag:s25] =	ssyncset.done $0x0  }
0x4e: {  	[sflag:s25] =	ssyncadd.s32 $0xFFFFC000  }
0x4f: {  	[tilespmem:s16], [sflag:$0x1] =	stream.indirect.gather [hbm4b:s4+s20], $0x80, s26, s20, $0xb8;
	[tilespmem:$0x1E800] =	vst v63  }
0x50: {  	_ = 	snop  }
0x51: {  	[spmem:s1] =	stream.indirect.scatter.add.f32 [tilespmem:s23], [sflag:$0x4], $0x80, s28, s20, $0xb8;
	[tilespmem:$0x1E800] =	vst v63  }
0x52: {  	_ =	swait.ge [sflag:s21], $0x4000  }
0x53: {  	[sflag:s21] =	ssyncset.done $0x0  }
0x54: {  	[sflag:s21] =	ssyncadd.s32 $0xFFFFC000  }
0x55: {  	_ =	swait.ge [sflag:s29], $0x4000  }
0x56: {  	[sflag:s29] =	ssyncset.done $0x0  }
0x57: {  	[sflag:s29] =	ssyncadd.s32 $0xFFFFC000  }
0x58: {  	[tilespmem:s23], [sflag:$0x2] =	stream.indirect.gather [hbm4b:s4+s20], $0x80, s30, s20, $0xb8;
	[tilespmem:$0x1E800] =	vst v63  }
0x59: {  	_ = 	snop  }
0x5a: {  	[spmem:s1] =	stream.indirect.scatter.add.f32 [tilespmem:s16], [sflag:$0x3], $0x80, s31, s20, $0xb8;
	[tilespmem:$0x1E800] =	vst v63  }
0x5b: {  	_ =	swait.ge [sflag:s24], $0x4000  }
0x5c: {  	[sflag:s24] =	ssyncset.done $0x0  }
0x5d: {  	[sflag:s24] =	ssyncadd.s32 $0xFFFFC000  }
0x5e: {  	_ =	swait.ge [sflag:s25], $0x4000  }
0x5f: {  	[sflag:s25] =	ssyncset.done $0x0  }
0x60: {  	s6 =	simm.s32 $0x14200;
	[sflag:s25] =	ssyncadd.s32 $0xFFFFC000  }
0x61: {  	[tilespmem:s16], [sflag:$0x1] =	stream.indirect.gather [hbm4b:s4+s20], $0x80, s6, s20, $0xb8;
	[tilespmem:$0x1E800] =	vst v63  }
0x62: {  	s7 =	simm.s32 $0x15580  }
0x63: {  	[spmem:s1] =	stream.indirect.scatter.add.f32 [tilespmem:s23], [sflag:$0x4], $0x80, s7, s20, $0xb8;
	[tilespmem:$0x1E800] =	vst v63  }
0x64: {  	_ =	swait.ge [sflag:s21], $0x4000  }
0x65: {  	[sflag:s21] =	ssyncset.done $0x0  }
0x66: {  	[sflag:s21] =	ssyncadd.s32 $0xFFFFC000  }
0x67: {  	_ =	swait.ge [sflag:s29], $0x4000  }
0x68: {  	[sflag:s29] =	ssyncset.done $0x0  }
0x69: {  	s6 =	simm.s32 $0x14280;
	[sflag:s29] =	ssyncadd.s32 $0xFFFFC000  }
0x6a: {  	[tilespmem:s23], [sflag:$0x2] =	stream.indirect.gather [hbm4b:s4+s20], $0x80, s6, s20, $0xb8;
	[tilespmem:$0x1E800] =	vst v63  }
0x6b: {  	s7 =	simm.s32 $0x15600  }
0x6c: {  	[spmem:s1] =	stream.indirect.scatter.add.f32 [tilespmem:s16], [sflag:$0x3], $0x80, s7, s20, $0xb8;
	[tilespmem:$0x1E800] =	vst v63  }
0x6d: {  	_ =	swait.ge [sflag:s24], $0x4000  }
0x6e: {  	s2 =	simm.s32 $0xFFFFBC00;
	[sflag:s24] =	ssyncset.done $0x0  }
.LBB2_4:
0x6f: {  	[sflag:s24] =	ssyncadd.s32 $0xFFFFC000;
	s6 =	smov.u32 s2;
	s2 =	sadd.s32 $0x400, s2  }
0x70: {  	p0 =	sne.s32 s2, $0x0  }
0x71: {  	_ =	swait.ge [sflag:s25], $0x4000  }
0x72: {  	s6 =	sshra.s32 s6, $0x2;
	[sflag:s25] =	ssyncset.done $0x0  }
0x73: {  	s7 =	sadd.s32 $0x15400, s6;
	[sflag:s25] =	ssyncadd.s32 $0xFFFFC000  }
0x74: {  	[tilespmem:s16], [sflag:$0x1] =	stream.indirect.gather [hbm4b:s4+s20], $0x80, s7, s20, $0xb8;
	[tilespmem:$0x1E800] =	vst v63  }
0x75: {  	s7 =	sadd.s32 $0x16780, s6  }
0x76: {  	[spmem:s1] =	stream.indirect.scatter.add.f32 [tilespmem:s23], [sflag:$0x4], $0x80, s7, s20, $0xb8;
	[tilespmem:$0x1E800] =	vst v63  }
0x77: {  	_ =	swait.ge [sflag:s21], $0x4000  }
0x78: {  	[sflag:s21] =	ssyncset.done $0x0  }
0x79: {  	[sflag:s21] =	ssyncadd.s32 $0xFFFFC000  }
0x7a: {  	_ =	swait.ge [sflag:s29], $0x4000  }
0x7b: {  	[sflag:s29] =	ssyncset.done $0x0  }
0x7c: {  	s7 =	sadd.s32 $0x15480, s6;
	[sflag:s29] =	ssyncadd.s32 $0xFFFFC000  }
0x7d: {  	[tilespmem:s23], [sflag:$0x2] =	stream.indirect.gather [hbm4b:s4+s20], $0x80, s7, s20, $0xb8;
	[tilespmem:$0x1E800] =	vst v63  }
.Ltmp1:
0x7e: {  	_ = 	snop;
	(pc) =	sbr.rel @p0 .LBB2_4-.Ltmp1, $4  }
0x7f: {  	s6 =	sadd.s32 $0x16800, s6  }
0x80: {  	[spmem:s1] =	stream.indirect.scatter.add.f32 [tilespmem:s16], [sflag:$0x3], $0x80, s6, s20, $0xb8;
	[tilespmem:$0x1E800] =	vst v63  }
0x81: {  	_ =	swait.ge [sflag:s24], $0x4000  }
0x82: {  	[sflag:s24] =	ssyncset.done $0x0  }
0x83: {  	s2 =	sshra.s32 s2, $0x2  }
0x84: {  	[sflag:s24] =	ssyncadd.s32 $0xFFFFC000;
	s2 =	sadd.s32 $0x16780, s2  }
0x85: {  	[spmem:s1] =	stream.indirect.scatter.add.f32 [tilespmem:s23], [sflag:$0x4], $0x80, s2, s20, $0xb8;
	[tilespmem:$0x1E800] =	vst v63  }
0x86: {  	_ =	swait.ge [sflag:s25], $0x4000  }
0x87: {  	[sflag:s25] =	ssyncset.done $0x0  }
0x88: {  	[sflag:s25] =	ssyncadd.s32 $0xFFFFC000  }
0x89: {  	_ =	swait.ge [sflag:s29], $0x4000  }
0x8a: {  	[sflag:s29] =	ssyncset.done $0x0  }
0x8b: {  	[sflag:s29] =	ssyncadd.s32 $0xFFFFC000  }
0x8c: {  	[tilespmem:s18], [sflag:$0x5] =	stream.linear.gather [hbm4b:s14+s3], $0x1400, $0x38;
	[tilespmem:$0x1E800] =	vst v63  }
0x8d: {  	_ =	swait.ge [sflag:s17], $0x1400  }
0x8e: {  	[sflag:s17] =	ssyncset.done $0x0  }
0x8f: {  	[sflag:s17] =	ssyncadd.s32 $0xFFFFEC00  }
0x90: {  	[tilespmem:s19], [sflag:$0x5] =	stream.linear.gather [hbm4b:s15+s3], $0x1400, $0x38;
	[tilespmem:$0x1E800] =	vst v63  }
0x91: {  	_ =	swait.ge [sflag:s17], $0x1400  }
0x92: {  	[sflag:s17] =	ssyncset.done $0x0  }
0x93: {  	[sflag:s17] =	ssyncadd.s32 $0xFFFFEC00  }
0x94: {  	[tilespmem:s16], [sflag:$0x1] =	stream.indirect.gather [hbm4b:s4+s20], $0x80, s18, s20, $0xb8;
	[tilespmem:$0x1E800] =	vst v63  }
0x95: {  	_ =	swait.ge [sflag:s21], $0x4000  }
0x96: {  	[sflag:s21] =	ssyncset.done $0x0  }
0x97: {  	[sflag:s21] =	ssyncadd.s32 $0xFFFFC000  }
0x98: {  	[tilespmem:s23], [sflag:$0x2] =	stream.indirect.gather [hbm4b:s4+s20], $0x80, s22, s20, $0xb8;
	[tilespmem:$0x1E800] =	vst v63  }
0x99: {  	_ = 	snop  }
0x9a: {  	[spmem:s1] =	stream.indirect.scatter.add.f32 [tilespmem:s16], [sflag:$0x3], $0x80, s19, s20, $0xb8;
	[tilespmem:$0x1E800] =	vst v63  }
0x9b: {  	_ =	swait.ge [sflag:s24], $0x4000  }
0x9c: {  	[sflag:s24] =	ssyncset.done $0x0  }
0x9d: {  	[sflag:s24] =	ssyncadd.s32 $0xFFFFC000  }
0x9e: {  	_ =	swait.ge [sflag:s25], $0x4000  }
0x9f: {  	[sflag:s25] =	ssyncset.done $0x0  }
0xa0: {  	[sflag:s25] =	ssyncadd.s32 $0xFFFFC000  }
0xa1: {  	[tilespmem:s16], [sflag:$0x1] =	stream.indirect.gather [hbm4b:s4+s20], $0x80, s26, s20, $0xb8;
	[tilespmem:$0x1E800] =	vst v63  }
0xa2: {  	_ = 	snop  }
0xa3: {  	[spmem:s1] =	stream.indirect.scatter.add.f32 [tilespmem:s23], [sflag:$0x4], $0x80, s28, s20, $0xb8;
	[tilespmem:$0x1E800] =	vst v63  }
0xa4: {  	_ =	swait.ge [sflag:s21], $0x4000  }
0xa5: {  	[sflag:s21] =	ssyncset.done $0x0  }
0xa6: {  	[sflag:s21] =	ssyncadd.s32 $0xFFFFC000  }
0xa7: {  	_ =	swait.ge [sflag:s29], $0x4000  }
0xa8: {  	[sflag:s29] =	ssyncset.done $0x0  }
0xa9: {  	[sflag:s29] =	ssyncadd.s32 $0xFFFFC000  }
0xaa: {  	[tilespmem:s23], [sflag:$0x2] =	stream.indirect.gather [hbm4b:s4+s20], $0x80, s30, s20, $0xb8;
	[tilespmem:$0x1E800] =	vst v63  }
0xab: {  	_ = 	snop  }
0xac: {  	[spmem:s1] =	stream.indirect.scatter.add.f32 [tilespmem:s16], [sflag:$0x3], $0x80, s31, s20, $0xb8;
	[tilespmem:$0x1E800] =	vst v63  }
0xad: {  	_ =	swait.ge [sflag:s24], $0x4000  }
0xae: {  	[sflag:s24] =	ssyncset.done $0x0  }
0xaf: {  	[sflag:s24] =	ssyncadd.s32 $0xFFFFC000  }
0xb0: {  	_ =	swait.ge [sflag:s25], $0x4000  }
0xb1: {  	[sflag:s25] =	ssyncset.done $0x0  }
0xb2: {  	s6 =	simm.s32 $0x14200;
	[sflag:s25] =	ssyncadd.s32 $0xFFFFC000  }
0xb3: {  	[tilespmem:s16], [sflag:$0x1] =	stream.indirect.gather [hbm4b:s4+s20], $0x80, s6, s20, $0xb8;
	[tilespmem:$0x1E800] =	vst v63  }
0xb4: {  	s7 =	simm.s32 $0x15580  }
0xb5: {  	[spmem:s1] =	stream.indirect.scatter.add.f32 [tilespmem:s23], [sflag:$0x4], $0x80, s7, s20, $0xb8;
	[tilespmem:$0x1E800] =	vst v63  }
0xb6: {  	_ =	swait.ge [sflag:s21], $0x4000  }
0xb7: {  	[sflag:s21] =	ssyncset.done $0x0  }
0xb8: {  	[sflag:s21] =	ssyncadd.s32 $0xFFFFC000  }
0xb9: {  	_ =	swait.ge [sflag:s29], $0x4000  }
0xba: {  	[sflag:s29] =	ssyncset.done $0x0  }
0xbb: {  	s6 =	simm.s32 $0x14280;
	[sflag:s29] =	ssyncadd.s32 $0xFFFFC000  }
0xbc: {  	[tilespmem:s23], [sflag:$0x2] =	stream.indirect.gather [hbm4b:s4+s20], $0x80, s6, s20, $0xb8;
	[tilespmem:$0x1E800] =	vst v63  }
0xbd: {  	s7 =	simm.s32 $0x15600  }
0xbe: {  	[spmem:s1] =	stream.indirect.scatter.add.f32 [tilespmem:s16], [sflag:$0x3], $0x80, s7, s20, $0xb8;
	[tilespmem:$0x1E800] =	vst v63  }
0xbf: {  	_ =	swait.ge [sflag:s24], $0x4000  }
0xc0: {  	s2 =	simm.s32 $0xFFFFBC00;
	[sflag:s24] =	ssyncset.done $0x0  }
.LBB2_6:
0xc1: {  	[sflag:s24] =	ssyncadd.s32 $0xFFFFC000;
	s6 =	smov.u32 s2;
	s2 =	sadd.s32 $0x400, s2  }
0xc2: {  	p0 =	sne.s32 s2, $0x0  }
0xc3: {  	_ =	swait.ge [sflag:s25], $0x4000  }
0xc4: {  	s6 =	sshra.s32 s6, $0x2;
	[sflag:s25] =	ssyncset.done $0x0  }
0xc5: {  	s7 =	sadd.s32 $0x15400, s6;
	[sflag:s25] =	ssyncadd.s32 $0xFFFFC000  }
0xc6: {  	[tilespmem:s16], [sflag:$0x1] =	stream.indirect.gather [hbm4b:s4+s20], $0x80, s7, s20, $0xb8;
	[tilespmem:$0x1E800] =	vst v63  }
0xc7: {  	s7 =	sadd.s32 $0x16780, s6  }
0xc8: {  	[spmem:s1] =	stream.indirect.scatter.add.f32 [tilespmem:s23], [sflag:$0x4], $0x80, s7, s20, $0xb8;
	[tilespmem:$0x1E800] =	vst v63  }
0xc9: {  	_ =	swait.ge [sflag:s21], $0x4000  }
0xca: {  	[sflag:s21] =	ssyncset.done $0x0  }
0xcb: {  	[sflag:s21] =	ssyncadd.s32 $0xFFFFC000  }
0xcc: {  	_ =	swait.ge [sflag:s29], $0x4000  }
0xcd: {  	[sflag:s29] =	ssyncset.done $0x0  }
0xce: {  	s7 =	sadd.s32 $0x15480, s6;
	[sflag:s29] =	ssyncadd.s32 $0xFFFFC000  }
0xcf: {  	[tilespmem:s23], [sflag:$0x2] =	stream.indirect.gather [hbm4b:s4+s20], $0x80, s7, s20, $0xb8;
	[tilespmem:$0x1E800] =	vst v63  }
.Ltmp2:
0xd0: {  	_ = 	snop;
	(pc) =	sbr.rel @p0 .LBB2_6-.Ltmp2, $4  }
0xd1: {  	s6 =	sadd.s32 $0x16800, s6  }
0xd2: {  	[spmem:s1] =	stream.indirect.scatter.add.f32 [tilespmem:s16], [sflag:$0x3], $0x80, s6, s20, $0xb8;
	[tilespmem:$0x1E800] =	vst v63  }
0xd3: {  	_ =	swait.ge [sflag:s24], $0x4000  }
0xd4: {  	[sflag:s24] =	ssyncset.done $0x0  }
0xd5: {  	s2 =	sshra.s32 s2, $0x2  }
0xd6: {  	[sflag:s24] =	ssyncadd.s32 $0xFFFFC000;
	s2 =	sadd.s32 $0x16780, s2  }
0xd7: {  	[spmem:s1] =	stream.indirect.scatter.add.f32 [tilespmem:s23], [sflag:$0x4], $0x80, s2, s20, $0xb8;
	[tilespmem:$0x1E800] =	vst v63  }
0xd8: {  	_ =	swait.ge [sflag:s25], $0x4000  }
0xd9: {  	[sflag:s25] =	ssyncset.done $0x0  }
0xda: {  	[sflag:s25] =	ssyncadd.s32 $0xFFFFC000  }
0xdb: {  	s7 =	stileid.u32;
	_ =	swait.ge [sflag:s29], $0x4000  }
0xdc: {  	s6 =	sshrl.u32 s5, $0x3;
	s0 =	sadd.s32 $0x1, s0;
	[sflag:s29] =	ssyncset.done $0x0  }
0xdd: {  	p0 =	sne.s32 s0, s11;
	s2 =	sshll.u32 s7, $0x6;
	[sflag:s29] =	ssyncadd.s32 $0xFFFFC000  }
.Ltmp3:
0xde: {  	s2 =	sor.u32 $0x1C05, s2;
	[bflag:$0x0] =	sbarrier.arrive $0xFFFF;
	(pc) =	sbr.rel @p0 .LBB2_1-.Ltmp3, $4  }
0xdf: {  	[hbm:s10], [sflag:s2] =	dma.local [spmem:s6], $0x2800  }
0xe0: {  	_ =	swait.ge [sflag:s17], $0x2800  }
0xe1: {  	[sflag:s17] =	ssyncset.done $0x0  }
0xe2: {  	[sflag:s17] =	ssyncadd.s32 $0xFFFFD800  }
0xe3: {  	_ =	sfence.sel $0x180000  }
0xe4: {  	[bflag:$0x0] =	sbarrier.arrive $0xFFFF  }
0xe5: {  	_ =	strace $0x90000056  }
0xe6: {  	s0 =	stileid.u32;
	[bflag:$0x2] =	sbarrier.arrive $0xFFFF  }
0xe7: {  	p0 =	sne.s32 s0, $0x0;
	s0 =	rddreg [dreg:$0x2]  }
0xe8: {  	s0 =	sadd.s32 @!p0 $0x100000, s0  }
0xe9: {  	[sflag:s0] =	ssyncadd.tile.s32 @!p0 $0x1;
	_ =	shalt  }
.Lfunc_end2:
_tile_overlayer_lowered:
.L_overlay_start_2:
0xea: {  	(tag) =	ssettag $0x2  }
0xeb: {  	s0 =	rddreg [dreg:$0x0];
	s2 =	stileid.u32  }
0xec: {  	s1 =	rddreg [dreg:$0x1];
	p0 =	sne.s32 s2, $0x0  }
0xed: {  	s3 =	rddreg [dreg:$0x2];
	[bflag:$0x3] =	sbarrier.arrive $0xFFFF;
	s2 =	simm.s32 @!p0 $0x1C05  }
0xee: {  	[timem:s3], [sflag:s2] =	dma.local @!p0 [hbm:s0], s1  }
0xef: {  	s0 =	simm.s32 @!p0 $0x5  }
0xf0: {  	_ =	swait.ge @!p0 [sflag:s0], s1  }
0xf1: {  	s1 =	ssub.s32 @!p0 $0x0, s1;
	[sflag:s0] =	ssyncset.done @!p0 $0x0  }
0xf2: {  	[sflag:s0] =	ssyncadd.s32 @!p0 s1  }
0xf3: {  	[bflag:$0x3] =	sbarrier.arrive $0xFFFF  }
0xf4: {  	_ =	shalt  }

// kernel: kernel.34.cloned.1.call-start
scs
__scs_entry_jumppad:
0x0: {  	(pc) =	sbr.rel $0x88, $3  }
0x1: {  	(tag) =	ssettag $0x0;
	lr =	simm.s32 $0x1  }
0x2: {  	[smem:$0x3F98] =	sst lr;
	_ =	strace $0xD0000000  }
0x3: {  	_ = 	snop  }
0x4: {  	_ = 	snop  }
0x5: {  	_ = 	snop  }
0x6: {  	_ = 	snop  }
0x7: {  	_ = 	snop  }
__scs_overlays_trampoline_lowered:
0x8: {  	[smem:$0x3FA7] =	sst s0  }
0x9: {  	[smem:$0x3FA8] =	sst s1  }
0xa: {  	[smem:$0x3FA9] =	sst s2  }
0xb: {  	[smem:$0x3FAA] =	sst s3  }
0xc: {  	[smem:$0x3FAB] =	sst s4  }
0xd: {  	[smem:$0x3FAC] =	sst s5  }
0xe: {  	[smem:$0x3FAD] =	sst s6  }
0xf: {  	[smem:$0x3FAE] =	sst s7  }
0x10: {  	[smem:$0x3FAF] =	sst s8  }
0x11: {  	[smem:$0x3FB0] =	sst s9;
	s0 =	simm.s32 @!p0 $0x0  }
0x12: {  	s1 =	sld [smem:$0x3F96];
	s0 =	simm.s32 @p0 $0x1  }
0x13: {  	[smem:$0x3FB1] =	sst s0;
	s0 =	simm.s32 @!p1 $0x0  }
0x14: {  	s2 =	sld [smem:$0x3F95];
	s0 =	simm.s32 @p1 $0x1  }
0x15: {  	[smem:$0x3FB2] =	sst s0;
	s0 =	simm.s32 @!p2 $0x0  }
0x16: {  	s3 =	sld [smem:$0x3FDB];
	s0 =	simm.s32 @p2 $0x1  }
0x17: {  	s4 =	simm.s32 $0x1BF5;
	[smem:$0x3FB4] =	sst s0  }
0x18: {  	s0 =	sld [smem:$0x3F97];
	_ =	swait.ge [sflag:s4], $0x0  }
0x19: {  	s7 =	sld [smem:$0x3F98]  }
0x1a: {  	s8 =	sadd.s32 $0xFFFFE003, lr  }
0x1b: {  	s9 =	sadd.s32 $0xFFFFFEF7, lr;
	s5 =	simm.s32 $0xFFFFFFFF;
	p2 =	slt.u32 s8, $0xFFFFF086  }
0x1c: {  	p1 =	slt.u32 s9, $0xF7A;
	s5 =	simm.s32 @!p2 $0x0  }
0x1d: {  	s5 =	simm.s32 @p1 $0x1;
	p0 =	seq.s32 s7, s2  }
0x1e: {  	s7 =	smul.u32 @!p0 $0xF7A, s2;
	p2 =	seq.s32 @!p0 s5, $0x0  }
0x1f: {  	s9 =	smul.u32 $0xF7A, s1;
	s8 =	simm.s32 @!p0 $0x1BF5;
	p2 =	por !p2, p0  }
0x20: {  	[sflag:s8] =	ssyncset.s32 @!p0 $0xFFFFF086;
	s6 =	sadd.s32 @!p0 s3, s7;
	s7 =	simm.s32 @!p0 $0x108  }
0x21: {  	s3 =	sadd.s32 s3, s9;
	s6 =	sadd.s32 @!p0 $0x88, s6;
	s7 =	simm.s32 @p2 $0x1082  }
0x22: {  	[simem:s7], [sflag:s8] =	dma.local @!p0 [hbm:s6], $0xF7A  }
0x23: {  	s9 =	sor.u32 $0xD0000000, s2;
	s6 =	simm.s32 $0x108;
	_ =	swait.ge @!p0 [sflag:s8], $0x0  }
0x24: {  	s3 =	sadd.s32 $0x88, s3;
	s6 =	simm.s32 @!p1 $0x1082;
	[sflag:s4] =	ssyncset.s32 $0xFFFFF086  }
0x25: {  	[simem:s6], [sflag:s4] =	dma.local [hbm:s3], $0xF7A  }
0x26: {  	[smem:$0x3F98] =	sst s1;
	(tag) =	ssettag s2;
	_ =	strace s9  }
0x27: {  	s1 =	sld [smem:$0x3FA8]  }
0x28: {  	s2 =	sld [smem:$0x3FA9]  }
0x29: {  	s4 =	sld [smem:$0x3FAB]  }
0x2a: {  	p0 =	seq.s32 s5, $0x0;
	s5 =	sld [smem:$0x3FAC]  }
0x2b: {  	s6 =	sld [smem:$0x3FAD]  }
0x2c: {  	s7 =	sld [smem:$0x3FAE]  }
0x2d: {  	s3 =	simm.s32 $0x108;
	s8 =	sld [smem:$0x3FAF]  }
0x2e: {  	s3 =	simm.s32 @!p0 $0x1082;
	s9 =	sld [smem:$0x3FB0]  }
0x2f: {  	lr =	sadd.s32 s0, s3;
	s0 =	sld [smem:$0x3FA7]  }
0x30: {  	s3 =	sld [smem:$0x3FAA]  }
0x31: {  	[smem:$0x3FB3] =	sst s10  }
0x32: {  	s10 =	sld [smem:$0x3FB1];
	_ =	sdelay $0x3  }
0x33: {  	p0 =	seq.s32 s10, $0x1;
	s10 =	sld [smem:$0x3FB3];
	_ =	sdelay $0x3  }
0x34: {  	[smem:$0x3FB3] =	sst s10  }
0x35: {  	s10 =	sld [smem:$0x3FB2];
	_ =	sdelay $0x3  }
0x36: {  	p1 =	seq.s32 s10, $0x1;
	s10 =	sld [smem:$0x3FB3];
	_ =	sdelay $0x3  }
0x37: {  	[smem:$0x3FB3] =	sst s10  }
0x38: {  	s10 =	sld [smem:$0x3FB4]  }
0x39: {  	_ = 	snop;
	(pc) =	sbr.ind lr, $3  }
0x3a: {  	_ = 	snop  }
0x3b: {  	_ = 	snop  }
0x3c: {  	p2 =	seq.s32 s10, $0x1;
	s10 =	sld [smem:$0x3FB3]  }
0x3d: {  	_ =	shalt  }
0x3e: {  	_ =	shalt  }
0x3f: {  	_ =	shalt  }
0x40: {  	_ =	shalt  }
0x41: {  	_ =	shalt  }
0x42: {  	_ =	shalt  }
0x43: {  	_ =	shalt  }
0x44: {  	_ =	shalt  }
0x45: {  	_ =	shalt  }
0x46: {  	_ =	shalt  }
0x47: {  	_ =	shalt  }
0x48: {  	_ =	shalt  }
0x49: {  	_ =	shalt  }
0x4a: {  	_ =	shalt  }
0x4b: {  	_ =	shalt  }
0x4c: {  	_ =	shalt  }
0x4d: {  	_ =	shalt  }
0x4e: {  	_ =	shalt  }
0x4f: {  	_ =	shalt  }
0x50: {  	_ =	shalt  }
0x51: {  	_ =	shalt  }
0x52: {  	_ =	shalt  }
0x53: {  	_ =	shalt  }
0x54: {  	_ =	shalt  }
0x55: {  	_ =	shalt  }
0x56: {  	_ =	shalt  }
0x57: {  	_ =	shalt  }
0x58: {  	_ =	shalt  }
0x59: {  	_ =	shalt  }
0x5a: {  	_ =	shalt  }
0x5b: {  	_ =	shalt  }
0x5c: {  	_ =	shalt  }
0x5d: {  	_ =	shalt  }
0x5e: {  	_ =	shalt  }
0x5f: {  	_ =	shalt  }
0x60: {  	_ =	shalt  }
0x61: {  	_ =	shalt  }
0x62: {  	_ =	shalt  }
0x63: {  	_ =	shalt  }
0x64: {  	_ =	shalt  }
0x65: {  	_ =	shalt  }
0x66: {  	_ =	shalt  }
0x67: {  	_ =	shalt  }
0x68: {  	_ =	shalt  }
0x69: {  	_ =	shalt  }
0x6a: {  	_ =	shalt  }
0x6b: {  	_ =	shalt  }
0x6c: {  	_ =	shalt  }
0x6d: {  	_ =	shalt  }
0x6e: {  	_ =	shalt  }
0x6f: {  	_ =	shalt  }
0x70: {  	_ =	shalt  }
0x71: {  	_ =	shalt  }
0x72: {  	_ =	shalt  }
0x73: {  	_ =	shalt  }
0x74: {  	_ =	shalt  }
0x75: {  	_ =	shalt  }
0x76: {  	_ =	shalt  }
0x77: {  	_ =	shalt  }
0x78: {  	_ =	shalt  }
0x79: {  	_ =	shalt  }
0x7a: {  	_ =	shalt  }
0x7b: {  	_ =	shalt  }
0x7c: {  	_ =	shalt  }
0x7d: {  	_ =	shalt  }
0x7e: {  	_ =	shalt  }
0x7f: {  	_ =	shalt  }
0x80: {  	_ =	shalt  }
0x81: {  	_ =	shalt  }
0x82: {  	_ =	shalt  }
0x83: {  	_ =	shalt  }
0x84: {  	_ =	shalt  }
0x85: {  	_ =	shalt  }
0x86: {  	_ =	shalt  }
0x87: {  	_ =	shalt  }
.Lfunc_end0:
.L_simem_size_0:
called_computation.6_lowered:
.L_overlay_start_0:
0x88: {  	s2 =	sld [smem:$0x3FD9]  }
0x89: {  	s3 =	sld [smem:$0x3FFE];
	_ =	sdelay $0x1  }
0x8a: {  	s1 =	srdreg.scid  }
0x8b: {  	s0 =	sand.u32 $0x1, s1  }
0x8c: {  	s16 =	sshll.u32 s0, $0xA;
	s2 =	sadd.s32 s3, s2  }
0x8d: {  	s2 =	sadd.s32 s2, s16  }
0x8e: {  	[smem:$0x3FBF] =	sst s2  }
0x8f: {  	_ = 	snop  }
0x90: {  	(tm) =	ssettm $0x1  }
0x91: {  	s17 =	sld [smem:$0x3FFB];
	_ =	sdelay $0x3  }
0x92: {  	_ =	strace s17  }
0x93: {  	s2 =	sld [smem:$0x3FFC];
	_ =	sdelay $0x3  }
0x94: {  	_ =	strace s2  }
0x95: {  	s2 =	sld [smem:$0x3FFD];
	_ =	sdelay $0x3  }
0x96: {  	_ =	strace s2  }
0x97: {  	_ =	strace $0x8FFFFFFF  }
0x98: {  	s18 =	sld [smem:$0x3FDB];
	_ =	sdelay $0x1  }
0x99: {  	s19 =	simm.s32 $_scs_section_size  }
0x9a: {  	s4 =	simm.s32 $_size__tile_overlayer_lowered;
	s5 =	simm.s32 $_tile_overlayer_lowered  }
0x9b: {  	s22 =	simm.s32 $0x1BFF;
	s21 =	sshll.u32 s5, $0x1;
	s2 =	sadd.s32 s19, s18  }
0x9c: {  	s6 =	simm.s32 $0x0;
	s20 =	sshll.u32 s4, $0x1;
	s4 =	sadd.s32 s21, s2  }
0x9d: {  	[timem:s6], [sflag:s22] =	dma.local [hbm:s4], s20  }
0x9e: {  	_ =	swait.ge [sflag:s22], s20  }
0x9f: {  	s3 =	ssub.s32 $0x0, s20;
	[sflag:s22] =	ssyncset.done $0x0  }
0xa0: {  	[sflag:s22] =	ssyncadd.s32 s3;
	_ =	sdelay $0x1  }
0xa1: {  	s23 =	simm.s32 $0x1B8B  }
0xa2: {  	_ =	swait.ge [sflag:s23], $0x1  }
0xa3: {  	[sflag:s23] =	ssyncset.done $0x0  }
0xa4: {  	s25 =	simm.s32 $0x1B8E;
	s24 =	sld [smem:$0x3FFE];
	[sflag:s23] =	ssyncadd.s32 $0xFFFFFFFF  }
0xa5: {  	s26 =	simm.s32 $execute0_lowered;
	[smem:$0x3FD2] =	sst s25  }
0xa6: {  	s4 =	sshll.u32 s26, $0x1;
	_ =	strace $0x80000058;
	[dreg:$0x1] =	wrdreg $0xFFFFFFFF  }
0xa7: {  	s28 =	simm.s32 $_size_execute0_lowered;
	s2 =	sadd.s32 s2, s4;
	[dreg:$0x0] =	wrdreg $0x0  }
0xa8: {  	s4 =	sshll.u32 s28, $0x1;
	[dreg:$0x2] =	wrdreg s2  }
0xa9: {  	[dreg:$0x3] =	wrdreg s4  }
0xaa: {  	[dreg:$0x4] =	wrdreg $0xC0  }
0xab: {  	_ =	task [dreg:s6], $0x5FFFF  }
0xac: {  	[dreg:$0x1] =	wrdreg $0xFFFFFFFF  }
0xad: {  	[dreg:$0x0] =	wrdreg $0x60  }
0xae: {  	[dreg:$0x2] =	wrdreg s24  }
0xaf: {  	[dreg:$0x3] =	wrdreg $0x0  }
0xb0: {  	[dreg:$0x4] =	wrdreg $0x9  }
0xb1: {  	_ =	task.clear_ibuf [dreg:s6], $0x5FFFF;
	_ =	strace $0x90000058  }
0xb2: {  	s29 =	simm.s32 $0x9;
	_ =	strace $0x8000005A  }
0xb3: {  	_ =	swait.ge [sflag:s29], $0x1  }
0xb4: {  	[sflag:s29] =	ssyncadd.s32 $0xFFFFFFFF  }
0xb5: {  	_ =	strace $0x9000005A  }
0xb6: {  	_ =	sfence  }
0xb7: {  	s30 =	sld [smem:$0x0];
	_ =	sdelay $0x2  }
0xb8: {  	s31 =	sshll.u32 s1, $0xD;
	s1 =	sshrl.u32 s1, $0x2  }
0xb9: {  	s3 =	sand.u32 $0x4000, s31;
	s1 =	sadd.s32 s1, s30  }
0xba: {  	s0 =	sor.u32 s3, s0;
	s1 =	sshll.u32 s1, $0x11  }
0xbb: {  	s0 =	sor.u32 s1, s0  }
0xbc: {  	s0 =	sadd.s32 $0x8F2B, s0  }
0xbd: {  	[sflag:s0] =	ssyncadd.remote.s32 $0x1  }
0xbe: {  	_ =	sfence.sel $0xFFFF  }
0xbf: {  	[dreg:$0x0] =	wrdreg $0xFFFFFFFF;
	(pc) =	sbr.abs _section_cstart, $3  }
0xc0: {  	[dreg:$0x1] =	wrdreg $0xFFFFFFFF  }
0xc1: {  	_ =	task.clear_ibuf [dreg:s6], $0x2FFFF;
	_ =	strace $0x9FFFFFFF  }
0xc2: {  	(tm) =	ssettm $0x7FFFFFFF  }
0xc3: {  	_ =	shalt  }
tec
execute0_lowered:
.L_overlay_start_1:
0x0: {  	(tag) =	ssettag $0x1  }
0x1: {  	s0 =	rddreg [dreg:$0x0]  }
0x2: {  	s1 =	rddreg [dreg:$0x1];
	s2 =	srdreg.scid  }
0x3: {  	s3 =	simm.s32 $0x0;
	s8 =	stileid.u32;
	s16 =	simm.s32 $0x16800  }
0x4: {  	s17 =	simm.s32 $0x5;
	s18 =	simm.s32 $0x14000;
	s19 =	simm.s32 $0x15400  }
0x5: {  	s20 =	simm.s32 $0x80;
	s28 =	simm.s32 $0x15480;
	s29 =	simm.s32 $0x4  }
0x6: {  	s30 =	simm.s32 $0x14180;
	s31 =	simm.s32 $0x15500;
	s2 =	sand.u32 $0x1, s2  }
0x7: {  	[smem:$0x7FF] =	sst s3;
	s6 =	smul.u32 $0x14000, s8;
	s4 =	sadd.s32 $0x18600, s0  }
0x8: {  	s21 =	smul.u32 $0x50000, s8;
	s14 =	sadd.s32 $0xE600, s0;
	s15 =	sadd.s32 $0x4600, s0  }
0x9: {  	s5 =	smul.u32 $0x140000, s2;
	_ =	strace $0x80000059;
	s7 =	ssub.s32 $0x2, s2  }
0xa: {  	s2 =	sshll.u32 s2, $0x4;
	s22 =	sshrl.u32 s21, $0x2;
	s23 =	sshrl.u32 s7, $0x1  }
0xb: {  	s2 =	sor.u32 s8, s2;
	s21 =	simm.s32 $0x1;
	s5 =	sadd.s32 s6, s5  }
0xc: {  	s6 =	ssub.s32 s7, s23;
	s2 =	smul.u32 $0x500, s2;
	s5 =	sshrl.u32 s5, $0x3  }
0xd: {  	s23 =	simm.s32 $0x1A800;
	s11 =	smax.u32 s6, $0x1;
	s0 =	sadd.s32 s5, s0  }
0xe: {  	s5 =	sadd.s32 s22, s1;
	s12 =	sadd.s32 s14, s2;
	s13 =	sadd.s32 s15, s2  }
0xf: {  	s26 =	sadd.s32 $0x280, s2;
	s22 =	simm.s32 $0x14080;
	s24 =	sadd.s32 $0x4000, s5  }
0x10: {  	s25 =	sadd.s32 $0x8000, s5;
	s8 =	sadd.s32 $0xC000, s5;
	s9 =	sadd.s32 $0x10000, s5  }
0x11: {  	s10 =	sadd.s32 $0x40600, s0;
	s14 =	sadd.s32 s14, s26;
	s15 =	sadd.s32 s15, s26  }
0x12: {  	s26 =	simm.s32 $0x14100;
	s0 =	simm.s32 $0x0;
	[dreg:$0x3] =	wrdreg s24  }
0x13: {  	v0 =	vimm.f32 $0.0e+00;
	[dreg:$0x4] =	wrdreg s25;
	s24 =	simm.s32 $0x2;
	s25 =	simm.s32 $0x3  }
.LBB2_1:
0x14: {  	s2 =	simm.s32 $0x0;
	s6 =	simm.s32 $0x200  }
.LBB2_2:
0x15: {  	p0 =	sne.s32 s6, $0xFE00;
	[tilespmem:s2+$0x16870] =	vst v0  }
0x16: {  	[tilespmem:s2+$0x16800] =	vst v0  }
0x17: {  	[tilespmem:s2+$0x16810] =	vst v0  }
.Ltmp0:
0x18: {  	[tilespmem:s2+$0x16820] =	vst v0;
	(pc) =	sbr.rel @p0 .LBB2_2-.Ltmp0, $4  }
0x19: {  	[tilespmem:s2+$0x16830] =	vst v0  }
0x1a: {  	[tilespmem:s2+$0x16840] =	vst v0  }
0x1b: {  	[tilespmem:s2+$0x16850] =	vst v0  }
0x1c: {  	[tilespmem:s2+$0x16860] =	vst v0;
	s2 =	sshra.s32 s6, $0x2;
	s6 =	sadd.s32 $0x200, s6  }
0x1d: {  	[tilespmem:s2+$0x16870] =	vst v0  }
0x1e: {  	[tilespmem:s2+$0x16800] =	vst v0  }
0x1f: {  	[tilespmem:s2+$0x16810] =	vst v0  }
0x20: {  	[tilespmem:s2+$0x16820] =	vst v0  }
0x21: {  	[tilespmem:s2+$0x16830] =	vst v0  }
0x22: {  	[tilespmem:s2+$0x16840] =	vst v0  }
0x23: {  	[tilespmem:s2+$0x16850] =	vst v0  }
0x24: {  	[tilespmem:s2+$0x16860] =	vst v0  }
0x25: {  	[spmem:s5] =	stream.linear.scatter [tilespmem:s16], [sflag:$0x5], $0x4000, $0x38;
	[tilespmem:$0x1E800] =	vst v63  }
0x26: {  	_ =	swait.ge [sflag:s17], $0x4000  }
0x27: {  	[sflag:s17] =	ssyncset.done $0x0  }
0x28: {  	s6 =	rddreg [dreg:$0x3];
	[sflag:s17] =	ssyncadd.s32 $0xFFFFC000  }
0x29: {  	[spmem:s6] =	stream.linear.scatter [tilespmem:s16], [sflag:$0x5], $0x4000, $0x38;
	[tilespmem:$0x1E800] =	vst v63  }
0x2a: {  	_ =	swait.ge [sflag:s17], $0x4000  }
0x2b: {  	[sflag:s17] =	ssyncset.done $0x0  }
0x2c: {  	s7 =	rddreg [dreg:$0x4];
	[sflag:s17] =	ssyncadd.s32 $0xFFFFC000  }
0x2d: {  	[spmem:s7] =	stream.linear.scatter [tilespmem:s16], [sflag:$0x5], $0x4000, $0x38;
	[tilespmem:$0x1E800] =	vst v63  }
0x2e: {  	_ =	swait.ge [sflag:s17], $0x4000  }
0x2f: {  	[sflag:s17] =	ssyncset.done $0x0  }
0x30: {  	[sflag:s17] =	ssyncadd.s32 $0xFFFFC000  }
0x31: {  	[spmem:s8] =	stream.linear.scatter [tilespmem:s16], [sflag:$0x5], $0x4000, $0x38;
	[tilespmem:$0x1E800] =	vst v63  }
0x32: {  	_ =	swait.ge [sflag:s17], $0x4000  }
0x33: {  	[sflag:s17] =	ssyncset.done $0x0  }
0x34: {  	[sflag:s17] =	ssyncadd.s32 $0xFFFFC000  }
0x35: {  	[spmem:s9] =	stream.linear.scatter [tilespmem:s16], [sflag:$0x5], $0x4000, $0x38;
	[tilespmem:$0x1E800] =	vst v63  }
0x36: {  	_ =	swait.ge [sflag:s17], $0x4000  }
0x37: {  	[sflag:s17] =	ssyncset.done $0x0  }
0x38: {  	[sflag:s17] =	ssyncadd.s32 $0xFFFFC000  }
0x39: {  	[bflag:$0x0] =	sbarrier.arrive $0xFFFF  }
0x3a: {  	[tilespmem:s18], [sflag:$0x5] =	stream.linear.gather [hbm4b:s12+s3], $0x1400, $0x38;
	[tilespmem:$0x1E800] =	vst v63  }
0x3b: {  	_ =	swait.ge [sflag:s17], $0x1400  }
0x3c: {  	[sflag:s17] =	ssyncset.done $0x0  }
0x3d: {  	[sflag:s17] =	ssyncadd.s32 $0xFFFFEC00  }
0x3e: {  	[tilespmem:s19], [sflag:$0x5] =	stream.linear.gather [hbm4b:s13+s3], $0x1400, $0x38;
	[tilespmem:$0x1E800] =	vst v63  }
0x3f: {  	_ =	swait.ge [sflag:s17], $0x1400  }
0x40: {  	[sflag:s17] =	ssyncset.done $0x0  }
0x41: {  	[sflag:s17] =	ssyncadd.s32 $0xFFFFEC00  }
0x42: {  	[tilespmem:s16], [sflag:$0x1] =	stream.indirect.gather [hbm4b:s4+s20], $0x80, s18, s20, $0xb8;
	[tilespmem:$0x1E800] =	vst v63  }
0x43: {  	_ =	swait.ge [sflag:s21], $0x4000  }
0x44: {  	[sflag:s21] =	ssyncset.done $0x0  }
0x45: {  	[sflag:s21] =	ssyncadd.s32 $0xFFFFC000  }
0x46: {  	[tilespmem:s23], [sflag:$0x2] =	stream.indirect.gather [hbm4b:s4+s20], $0x80, s22, s20, $0xb8;
	[tilespmem:$0x1E800] =	vst v63  }
0x47: {  	_ = 	snop  }
0x48: {  	[spmem:s1] =	stream.indirect.scatter.add.f32 [tilespmem:s16], [sflag:$0x3], $0x80, s19, s20, $0xb8;
	[tilespmem:$0x1E800] =	vst v63  }
0x49: {  	_ =	swait.ge [sflag:s24], $0x4000  }
0x4a: {  	[sflag:s24] =	ssyncset.done $0x0  }
0x4b: {  	[sflag:s24] =	ssyncadd.s32 $0xFFFFC000  }
0x4c: {  	_ =	swait.ge [sflag:s25], $0x4000  }
0x4d: {  	[sflag:s25] =	ssyncset.done $0x0  }
0x4e: {  	[sflag:s25] =	ssyncadd.s32 $0xFFFFC000  }
0x4f: {  	[tilespmem:s16], [sflag:$0x1] =	stream.indirect.gather [hbm4b:s4+s20], $0x80, s26, s20, $0xb8;
	[tilespmem:$0x1E800] =	vst v63  }
0x50: {  	_ = 	snop  }
0x51: {  	[spmem:s1] =	stream.indirect.scatter.add.f32 [tilespmem:s23], [sflag:$0x4], $0x80, s28, s20, $0xb8;
	[tilespmem:$0x1E800] =	vst v63  }
0x52: {  	_ =	swait.ge [sflag:s21], $0x4000  }
0x53: {  	[sflag:s21] =	ssyncset.done $0x0  }
0x54: {  	[sflag:s21] =	ssyncadd.s32 $0xFFFFC000  }
0x55: {  	_ =	swait.ge [sflag:s29], $0x4000  }
0x56: {  	[sflag:s29] =	ssyncset.done $0x0  }
0x57: {  	[sflag:s29] =	ssyncadd.s32 $0xFFFFC000  }
0x58: {  	[tilespmem:s23], [sflag:$0x2] =	stream.indirect.gather [hbm4b:s4+s20], $0x80, s30, s20, $0xb8;
	[tilespmem:$0x1E800] =	vst v63  }
0x59: {  	_ = 	snop  }
0x5a: {  	[spmem:s1] =	stream.indirect.scatter.add.f32 [tilespmem:s16], [sflag:$0x3], $0x80, s31, s20, $0xb8;
	[tilespmem:$0x1E800] =	vst v63  }
0x5b: {  	_ =	swait.ge [sflag:s24], $0x4000  }
0x5c: {  	[sflag:s24] =	ssyncset.done $0x0  }
0x5d: {  	[sflag:s24] =	ssyncadd.s32 $0xFFFFC000  }
0x5e: {  	_ =	swait.ge [sflag:s25], $0x4000  }
0x5f: {  	[sflag:s25] =	ssyncset.done $0x0  }
0x60: {  	s6 =	simm.s32 $0x14200;
	[sflag:s25] =	ssyncadd.s32 $0xFFFFC000  }
0x61: {  	[tilespmem:s16], [sflag:$0x1] =	stream.indirect.gather [hbm4b:s4+s20], $0x80, s6, s20, $0xb8;
	[tilespmem:$0x1E800] =	vst v63  }
0x62: {  	s7 =	simm.s32 $0x15580  }
0x63: {  	[spmem:s1] =	stream.indirect.scatter.add.f32 [tilespmem:s23], [sflag:$0x4], $0x80, s7, s20, $0xb8;
	[tilespmem:$0x1E800] =	vst v63  }
0x64: {  	_ =	swait.ge [sflag:s21], $0x4000  }
0x65: {  	[sflag:s21] =	ssyncset.done $0x0  }
0x66: {  	[sflag:s21] =	ssyncadd.s32 $0xFFFFC000  }
0x67: {  	_ =	swait.ge [sflag:s29], $0x4000  }
0x68: {  	[sflag:s29] =	ssyncset.done $0x0  }
0x69: {  	s6 =	simm.s32 $0x14280;
	[sflag:s29] =	ssyncadd.s32 $0xFFFFC000  }
0x6a: {  	[tilespmem:s23], [sflag:$0x2] =	stream.indirect.gather [hbm4b:s4+s20], $0x80, s6, s20, $0xb8;
	[tilespmem:$0x1E800] =	vst v63  }
0x6b: {  	s7 =	simm.s32 $0x15600  }
0x6c: {  	[spmem:s1] =	stream.indirect.scatter.add.f32 [tilespmem:s16], [sflag:$0x3], $0x80, s7, s20, $0xb8;
	[tilespmem:$0x1E800] =	vst v63  }
0x6d: {  	_ =	swait.ge [sflag:s24], $0x4000  }
0x6e: {  	s2 =	simm.s32 $0xFFFFBC00;
	[sflag:s24] =	ssyncset.done $0x0  }
.LBB2_4:
0x6f: {  	[sflag:s24] =	ssyncadd.s32 $0xFFFFC000;
	s6 =	smov.u32 s2;
	s2 =	sadd.s32 $0x400, s2  }
0x70: {  	p0 =	sne.s32 s2, $0x0  }
0x71: {  	_ =	swait.ge [sflag:s25], $0x4000  }
0x72: {  	s6 =	sshra.s32 s6, $0x2;
	[sflag:s25] =	ssyncset.done $0x0  }
0x73: {  	s7 =	sadd.s32 $0x15400, s6;
	[sflag:s25] =	ssyncadd.s32 $0xFFFFC000  }
0x74: {  	[tilespmem:s16], [sflag:$0x1] =	stream.indirect.gather [hbm4b:s4+s20], $0x80, s7, s20, $0xb8;
	[tilespmem:$0x1E800] =	vst v63  }
0x75: {  	s7 =	sadd.s32 $0x16780, s6  }
0x76: {  	[spmem:s1] =	stream.indirect.scatter.add.f32 [tilespmem:s23], [sflag:$0x4], $0x80, s7, s20, $0xb8;
	[tilespmem:$0x1E800] =	vst v63  }
0x77: {  	_ =	swait.ge [sflag:s21], $0x4000  }
0x78: {  	[sflag:s21] =	ssyncset.done $0x0  }
0x79: {  	[sflag:s21] =	ssyncadd.s32 $0xFFFFC000  }
0x7a: {  	_ =	swait.ge [sflag:s29], $0x4000  }
0x7b: {  	[sflag:s29] =	ssyncset.done $0x0  }
0x7c: {  	s7 =	sadd.s32 $0x15480, s6;
	[sflag:s29] =	ssyncadd.s32 $0xFFFFC000  }
0x7d: {  	[tilespmem:s23], [sflag:$0x2] =	stream.indirect.gather [hbm4b:s4+s20], $0x80, s7, s20, $0xb8;
	[tilespmem:$0x1E800] =	vst v63  }
.Ltmp1:
0x7e: {  	_ = 	snop;
	(pc) =	sbr.rel @p0 .LBB2_4-.Ltmp1, $4  }
0x7f: {  	s6 =	sadd.s32 $0x16800, s6  }
0x80: {  	[spmem:s1] =	stream.indirect.scatter.add.f32 [tilespmem:s16], [sflag:$0x3], $0x80, s6, s20, $0xb8;
	[tilespmem:$0x1E800] =	vst v63  }
0x81: {  	_ =	swait.ge [sflag:s24], $0x4000  }
0x82: {  	[sflag:s24] =	ssyncset.done $0x0  }
0x83: {  	s2 =	sshra.s32 s2, $0x2  }
0x84: {  	[sflag:s24] =	ssyncadd.s32 $0xFFFFC000;
	s2 =	sadd.s32 $0x16780, s2  }
0x85: {  	[spmem:s1] =	stream.indirect.scatter.add.f32 [tilespmem:s23], [sflag:$0x4], $0x80, s2, s20, $0xb8;
	[tilespmem:$0x1E800] =	vst v63  }
0x86: {  	_ =	swait.ge [sflag:s25], $0x4000  }
0x87: {  	[sflag:s25] =	ssyncset.done $0x0  }
0x88: {  	[sflag:s25] =	ssyncadd.s32 $0xFFFFC000  }
0x89: {  	_ =	swait.ge [sflag:s29], $0x4000  }
0x8a: {  	[sflag:s29] =	ssyncset.done $0x0  }
0x8b: {  	[sflag:s29] =	ssyncadd.s32 $0xFFFFC000  }
0x8c: {  	[tilespmem:s18], [sflag:$0x5] =	stream.linear.gather [hbm4b:s14+s3], $0x1400, $0x38;
	[tilespmem:$0x1E800] =	vst v63  }
0x8d: {  	_ =	swait.ge [sflag:s17], $0x1400  }
0x8e: {  	[sflag:s17] =	ssyncset.done $0x0  }
0x8f: {  	[sflag:s17] =	ssyncadd.s32 $0xFFFFEC00  }
0x90: {  	[tilespmem:s19], [sflag:$0x5] =	stream.linear.gather [hbm4b:s15+s3], $0x1400, $0x38;
	[tilespmem:$0x1E800] =	vst v63  }
0x91: {  	_ =	swait.ge [sflag:s17], $0x1400  }
0x92: {  	[sflag:s17] =	ssyncset.done $0x0  }
0x93: {  	[sflag:s17] =	ssyncadd.s32 $0xFFFFEC00  }
0x94: {  	[tilespmem:s16], [sflag:$0x1] =	stream.indirect.gather [hbm4b:s4+s20], $0x80, s18, s20, $0xb8;
	[tilespmem:$0x1E800] =	vst v63  }
0x95: {  	_ =	swait.ge [sflag:s21], $0x4000  }
0x96: {  	[sflag:s21] =	ssyncset.done $0x0  }
0x97: {  	[sflag:s21] =	ssyncadd.s32 $0xFFFFC000  }
0x98: {  	[tilespmem:s23], [sflag:$0x2] =	stream.indirect.gather [hbm4b:s4+s20], $0x80, s22, s20, $0xb8;
	[tilespmem:$0x1E800] =	vst v63  }
0x99: {  	_ = 	snop  }
0x9a: {  	[spmem:s1] =	stream.indirect.scatter.add.f32 [tilespmem:s16], [sflag:$0x3], $0x80, s19, s20, $0xb8;
	[tilespmem:$0x1E800] =	vst v63  }
0x9b: {  	_ =	swait.ge [sflag:s24], $0x4000  }
0x9c: {  	[sflag:s24] =	ssyncset.done $0x0  }
0x9d: {  	[sflag:s24] =	ssyncadd.s32 $0xFFFFC000  }
0x9e: {  	_ =	swait.ge [sflag:s25], $0x4000  }
0x9f: {  	[sflag:s25] =	ssyncset.done $0x0  }
0xa0: {  	[sflag:s25] =	ssyncadd.s32 $0xFFFFC000  }
0xa1: {  	[tilespmem:s16], [sflag:$0x1] =	stream.indirect.gather [hbm4b:s4+s20], $0x80, s26, s20, $0xb8;
	[tilespmem:$0x1E800] =	vst v63  }
0xa2: {  	_ = 	snop  }
0xa3: {  	[spmem:s1] =	stream.indirect.scatter.add.f32 [tilespmem:s23], [sflag:$0x4], $0x80, s28, s20, $0xb8;
	[tilespmem:$0x1E800] =	vst v63  }
0xa4: {  	_ =	swait.ge [sflag:s21], $0x4000  }
0xa5: {  	[sflag:s21] =	ssyncset.done $0x0  }
0xa6: {  	[sflag:s21] =	ssyncadd.s32 $0xFFFFC000  }
0xa7: {  	_ =	swait.ge [sflag:s29], $0x4000  }
0xa8: {  	[sflag:s29] =	ssyncset.done $0x0  }
0xa9: {  	[sflag:s29] =	ssyncadd.s32 $0xFFFFC000  }
0xaa: {  	[tilespmem:s23], [sflag:$0x2] =	stream.indirect.gather [hbm4b:s4+s20], $0x80, s30, s20, $0xb8;
	[tilespmem:$0x1E800] =	vst v63  }
0xab: {  	_ = 	snop  }
0xac: {  	[spmem:s1] =	stream.indirect.scatter.add.f32 [tilespmem:s16], [sflag:$0x3], $0x80, s31, s20, $0xb8;
	[tilespmem:$0x1E800] =	vst v63  }
0xad: {  	_ =	swait.ge [sflag:s24], $0x4000  }
0xae: {  	[sflag:s24] =	ssyncset.done $0x0  }
0xaf: {  	[sflag:s24] =	ssyncadd.s32 $0xFFFFC000  }
0xb0: {  	_ =	swait.ge [sflag:s25], $0x4000  }
0xb1: {  	[sflag:s25] =	ssyncset.done $0x0  }
0xb2: {  	s6 =	simm.s32 $0x14200;
	[sflag:s25] =	ssyncadd.s32 $0xFFFFC000  }
0xb3: {  	[tilespmem:s16], [sflag:$0x1] =	stream.indirect.gather [hbm4b:s4+s20], $0x80, s6, s20, $0xb8;
	[tilespmem:$0x1E800] =	vst v63  }
0xb4: {  	s7 =	simm.s32 $0x15580  }
0xb5: {  	[spmem:s1] =	stream.indirect.scatter.add.f32 [tilespmem:s23], [sflag:$0x4], $0x80, s7, s20, $0xb8;
	[tilespmem:$0x1E800] =	vst v63  }
0xb6: {  	_ =	swait.ge [sflag:s21], $0x4000  }
0xb7: {  	[sflag:s21] =	ssyncset.done $0x0  }
0xb8: {  	[sflag:s21] =	ssyncadd.s32 $0xFFFFC000  }
0xb9: {  	_ =	swait.ge [sflag:s29], $0x4000  }
0xba: {  	[sflag:s29] =	ssyncset.done $0x0  }
0xbb: {  	s6 =	simm.s32 $0x14280;
	[sflag:s29] =	ssyncadd.s32 $0xFFFFC000  }
0xbc: {  	[tilespmem:s23], [sflag:$0x2] =	stream.indirect.gather [hbm4b:s4+s20], $0x80, s6, s20, $0xb8;
	[tilespmem:$0x1E800] =	vst v63  }
0xbd: {  	s7 =	simm.s32 $0x15600  }
0xbe: {  	[spmem:s1] =	stream.indirect.scatter.add.f32 [tilespmem:s16], [sflag:$0x3], $0x80, s7, s20, $0xb8;
	[tilespmem:$0x1E800] =	vst v63  }
0xbf: {  	_ =	swait.ge [sflag:s24], $0x4000  }
0xc0: {  	s2 =	simm.s32 $0xFFFFBC00;
	[sflag:s24] =	ssyncset.done $0x0  }
.LBB2_6:
0xc1: {  	[sflag:s24] =	ssyncadd.s32 $0xFFFFC000;
	s6 =	smov.u32 s2;
	s2 =	sadd.s32 $0x400, s2  }
0xc2: {  	p0 =	sne.s32 s2, $0x0  }
0xc3: {  	_ =	swait.ge [sflag:s25], $0x4000  }
0xc4: {  	s6 =	sshra.s32 s6, $0x2;
	[sflag:s25] =	ssyncset.done $0x0  }
0xc5: {  	s7 =	sadd.s32 $0x15400, s6;
	[sflag:s25] =	ssyncadd.s32 $0xFFFFC000  }
0xc6: {  	[tilespmem:s16], [sflag:$0x1] =	stream.indirect.gather [hbm4b:s4+s20], $0x80, s7, s20, $0xb8;
	[tilespmem:$0x1E800] =	vst v63  }
0xc7: {  	s7 =	sadd.s32 $0x16780, s6  }
0xc8: {  	[spmem:s1] =	stream.indirect.scatter.add.f32 [tilespmem:s23], [sflag:$0x4], $0x80, s7, s20, $0xb8;
	[tilespmem:$0x1E800] =	vst v63  }
0xc9: {  	_ =	swait.ge [sflag:s21], $0x4000  }
0xca: {  	[sflag:s21] =	ssyncset.done $0x0  }
0xcb: {  	[sflag:s21] =	ssyncadd.s32 $0xFFFFC000  }
0xcc: {  	_ =	swait.ge [sflag:s29], $0x4000  }
0xcd: {  	[sflag:s29] =	ssyncset.done $0x0  }
0xce: {  	s7 =	sadd.s32 $0x15480, s6;
	[sflag:s29] =	ssyncadd.s32 $0xFFFFC000  }
0xcf: {  	[tilespmem:s23], [sflag:$0x2] =	stream.indirect.gather [hbm4b:s4+s20], $0x80, s7, s20, $0xb8;
	[tilespmem:$0x1E800] =	vst v63  }
.Ltmp2:
0xd0: {  	_ = 	snop;
	(pc) =	sbr.rel @p0 .LBB2_6-.Ltmp2, $4  }
0xd1: {  	s6 =	sadd.s32 $0x16800, s6  }
0xd2: {  	[spmem:s1] =	stream.indirect.scatter.add.f32 [tilespmem:s16], [sflag:$0x3], $0x80, s6, s20, $0xb8;
	[tilespmem:$0x1E800] =	vst v63  }
0xd3: {  	_ =	swait.ge [sflag:s24], $0x4000  }
0xd4: {  	[sflag:s24] =	ssyncset.done $0x0  }
0xd5: {  	s2 =	sshra.s32 s2, $0x2  }
0xd6: {  	[sflag:s24] =	ssyncadd.s32 $0xFFFFC000;
	s2 =	sadd.s32 $0x16780, s2  }
0xd7: {  	[spmem:s1] =	stream.indirect.scatter.add.f32 [tilespmem:s23], [sflag:$0x4], $0x80, s2, s20, $0xb8;
	[tilespmem:$0x1E800] =	vst v63  }
0xd8: {  	_ =	swait.ge [sflag:s25], $0x4000  }
0xd9: {  	[sflag:s25] =	ssyncset.done $0x0  }
0xda: {  	[sflag:s25] =	ssyncadd.s32 $0xFFFFC000  }
0xdb: {  	s7 =	stileid.u32;
	_ =	swait.ge [sflag:s29], $0x4000  }
0xdc: {  	s6 =	sshrl.u32 s5, $0x3;
	s0 =	sadd.s32 $0x1, s0;
	[sflag:s29] =	ssyncset.done $0x0  }
0xdd: {  	p0 =	sne.s32 s0, s11;
	s2 =	sshll.u32 s7, $0x6;
	[sflag:s29] =	ssyncadd.s32 $0xFFFFC000  }
.Ltmp3:
0xde: {  	s2 =	sor.u32 $0x1C05, s2;
	[bflag:$0x0] =	sbarrier.arrive $0xFFFF;
	(pc) =	sbr.rel @p0 .LBB2_1-.Ltmp3, $4  }
0xdf: {  	[hbm:s10], [sflag:s2] =	dma.local [spmem:s6], $0x2800  }
0xe0: {  	_ =	swait.ge [sflag:s17], $0x2800  }
0xe1: {  	[sflag:s17] =	ssyncset.done $0x0  }
0xe2: {  	[sflag:s17] =	ssyncadd.s32 $0xFFFFD800  }
0xe3: {  	_ =	sfence.sel $0x180000  }
0xe4: {  	[bflag:$0x0] =	sbarrier.arrive $0xFFFF  }
0xe5: {  	_ =	strace $0x90000059  }
0xe6: {  	s0 =	stileid.u32;
	[bflag:$0x2] =	sbarrier.arrive $0xFFFF  }
0xe7: {  	p0 =	sne.s32 s0, $0x0;
	s0 =	rddreg [dreg:$0x2]  }
0xe8: {  	s0 =	sadd.s32 @!p0 $0x100000, s0  }
0xe9: {  	[sflag:s0] =	ssyncadd.tile.s32 @!p0 $0x1;
	_ =	shalt  }
.Lfunc_end2:
_tile_overlayer_lowered:
.L_overlay_start_2:
0xea: {  	(tag) =	ssettag $0x2  }
0xeb: {  	s0 =	rddreg [dreg:$0x0];
	s2 =	stileid.u32  }
0xec: {  	s1 =	rddreg [dreg:$0x1];
	p0 =	sne.s32 s2, $0x0  }
0xed: {  	s3 =	rddreg [dreg:$0x2];
	[bflag:$0x3] =	sbarrier.arrive $0xFFFF;
	s2 =	simm.s32 @!p0 $0x1C05  }
0xee: {  	[timem:s3], [sflag:s2] =	dma.local @!p0 [hbm:s0], s1  }
0xef: {  	s0 =	simm.s32 @!p0 $0x5  }
0xf0: {  	_ =	swait.ge @!p0 [sflag:s0], s1  }
0xf1: {  	s1 =	ssub.s32 @!p0 $0x0, s1;
	[sflag:s0] =	ssyncset.done @!p0 $0x0  }
0xf2: {  	[sflag:s0] =	ssyncadd.s32 @!p0 s1  }
0xf3: {  	[bflag:$0x3] =	sbarrier.arrive $0xFFFF  }
0xf4: {  	_ =	shalt  }

</sc_bundles>
